<compile_context>
chip_gen: v7x
topology: tpu7x:2x2x1
jax: 0.10.2.dev20260603
libtpu: 0.0.44.dev20260713+nightly
codegen_flags: <defaults>
</compile_context>

<pallas_src>
import functools

import jax
import jax.numpy as jnp
from jax import lax
from jax.experimental import pallas as pl
from jax.experimental.pallas import tpu as pltpu
from jax.experimental.pallas import tpu_sc as plsc

N = 10000
E = 320000
D = 128
H = 2 * D

NC = 2
NS = 16
L = 16
NW = NC * NS
EPW = E // NW
K = 80
NCHUNK = EPW // K
RW = 80
NRCHUNK = N // RW
RT = -(-NRCHUNK // NS)
NBUF = 4


def _sc_body(src_hbm, dst_hbm, ea_hbm, nr_hbm, out_hbm,
             sidxs, didxs, msgs, acc, sema, semg, semsc):
    c = lax.axis_index("c")
    s = lax.axis_index("s")
    wid = s * NC + c
    zero = jnp.zeros((L,), jnp.float32)
    buf = msgs[0]

    def zrow(r, _):
        for j in range(D // L):
            buf[r, pl.ds(j * L, L)] = zero
        return ()
    lax.fori_loop(0, RW, zrow, ())
    for t in range(RT):
        cid = s + NS * t

        @pl.when(cid < NRCHUNK)
        def _():
            pltpu.async_copy(buf, acc.at[pl.ds(cid * RW, RW), :], sema.at[0])
    for t in range(RT):
        cid = s + NS * t

        @pl.when(cid < NRCHUNK)
        def _():
            pltpu.make_async_copy(buf, acc.at[pl.ds(0, RW), :],
                                  sema.at[0]).wait()
    plsc.subcore_barrier()

    base = wid * NCHUNK * K

    def t0(ci, slot, drain):
        if drain:
            pltpu.make_async_copy(msgs[slot], acc.at[didxs[slot]],
                                  semsc.at[slot]).wait()
        pltpu.async_copy(ea_hbm.at[pl.ds(base + ci * K, K), :], msgs[slot],
                         sema.at[slot])
        pltpu.async_copy(src_hbm.at[wid, ci], sidxs[slot], sema.at[slot])
        pltpu.async_copy(dst_hbm.at[wid, ci], didxs[slot], sema.at[slot])

    def t1(slot):
        pltpu.make_async_copy(ea_hbm.at[pl.ds(base, K), :], msgs[slot],
                              sema.at[slot]).wait()
        pltpu.make_async_copy(src_hbm.at[wid, 0], sidxs[slot],
                              sema.at[slot]).wait()
        pltpu.make_async_copy(dst_hbm.at[wid, 0], didxs[slot],
                              sema.at[slot]).wait()
        pltpu.async_copy(nr_hbm.at[sidxs[slot]], msgs[slot], semg.at[slot],
                         add=True)

    def t2(slot):
        pltpu.make_async_copy(nr_hbm.at[sidxs[slot]], msgs[slot],
                              semg.at[slot]).wait()
        m = msgs[slot]

        def rrow(r, _):
            for j in range(D // L):
                v = m[r, pl.ds(j * L, L)]
                m[r, pl.ds(j * L, L)] = jnp.maximum(v, 0.0)
            return ()
        lax.fori_loop(0, K, rrow, ())
        pltpu.async_copy(m, acc.at[didxs[slot]], semsc.at[slot], add=True)

    t0(0, 0, False)
    t0(1, 1, False)
    t1(0)

    def step(ci, k, drain):
        @pl.when(ci + 2 < NCHUNK)
        def _():
            t0(ci + 2, (k + 2) % NBUF, drain)

        @pl.when(ci + 1 < NCHUNK)
        def _():
            t1((k + 1) % NBUF)
        t2(k)

    def body(i, _):
        for k in range(NBUF):
            ci = i * NBUF + k
            step(ci, k, True)
        return ()

    for k in range(min(NBUF, NCHUNK)):
        step(k, k, k >= 2)
    lax.fori_loop(1, NCHUNK // NBUF, body, ())
    for k in range(NCHUNK % NBUF):
        ci = (NCHUNK // NBUF) * NBUF + k
        step(ci, k, True)
    for k in range(min(NBUF, NCHUNK)):
        pltpu.make_async_copy(msgs[k], acc.at[didxs[k]], semsc.at[k]).wait()
    plsc.subcore_barrier()

    for t in range(RT):
        cid = s + NS * t

        @pl.when(cid < NRCHUNK)
        def _():
            pltpu.async_copy(acc.at[pl.ds(cid * RW, RW), :],
                             out_hbm.at[c, pl.ds(cid * RW, RW), :],
                             sema.at[1])
    for t in range(RT):
        cid = s + NS * t

        @pl.when(cid < NRCHUNK)
        def _():
            pltpu.make_async_copy(acc.at[pl.ds(0, RW), :],
                                  out_hbm.at[c, pl.ds(0, RW), :],
                                  sema.at[1]).wait()


def _sc_entry(src_hbm, dst_hbm, ea_hbm, nr_hbm, out_hbm,
              si0, si1, si2, si3, di0, di1, di2, di3,
              m0, m1, m2, m3, acc, sema, semg, semsc):
    _sc_body(src_hbm, dst_hbm, ea_hbm, nr_hbm, out_hbm,
             [si0, si1, si2, si3], [di0, di1, di2, di3],
             [m0, m1, m2, m3], acc, sema, semg, semsc)


@functools.cache
def _sc_segment():
    return pl.kernel(
        _sc_entry,
        out_type=jax.ShapeDtypeStruct((NC, N, D), jnp.float32),
        mesh=plsc.VectorSubcoreMesh(core_axis_name="c", subcore_axis_name="s",
                                    num_cores=NC, num_subcores=NS),
        scratch_types=(
            [pltpu.VMEM((K,), jnp.int32)] * NBUF
            + [pltpu.VMEM((K,), jnp.int32)] * NBUF
            + [pltpu.VMEM((K, D), jnp.float32)] * NBUF
            + [
                pltpu.VMEM_SHARED((N, D), jnp.float32),
                pltpu.SemaphoreType.DMA((NBUF,)),
                pltpu.SemaphoreType.DMA((NBUF,)),
                pltpu.SemaphoreType.DMA((NBUF,)),
            ]
        ),
    )


def _mlp_body(parts_ref, nr_ref, w1_ref, g1_ref, b1_ref, w2_ref, g2_ref,
              b2_ref, eps_ref, out_ref):
    h = parts_ref[0] + parts_ref[1] + (1.0 + eps_ref[0]) * nr_ref[...]
    y = jnp.dot(h, w1_ref[...], preferred_element_type=jnp.float32)
    mu = jnp.mean(y, axis=0, keepdims=True)
    var = jnp.mean((y - mu) ** 2, axis=0, keepdims=True)
    y = jnp.maximum((y - mu) * lax.rsqrt(var + 1e-5) * g1_ref[...]
                    + b1_ref[...], 0.0)
    z = jnp.dot(y, w2_ref[...], preferred_element_type=jnp.float32)
    mu2 = jnp.mean(z, axis=0, keepdims=True)
    var2 = jnp.mean((z - mu2) ** 2, axis=0, keepdims=True)
    out_ref[...] = jnp.maximum((z - mu2) * lax.rsqrt(var2 + 1e-5) * g2_ref[...]
                               + b2_ref[...], 0.0)


_mlp = pl.pallas_call(
    _mlp_body,
    out_shape=jax.ShapeDtypeStruct((N, D), jnp.float32),
    in_specs=[pl.BlockSpec(memory_space=pltpu.VMEM)] * 8
    + [pl.BlockSpec(memory_space=pltpu.SMEM)],
)


def kernel(node_rep, edge_index, edge_attr, W1, g1, b1, W2, g2, b2, epsilon):
    src = edge_index[0].reshape(NW, NCHUNK, K)
    dst = edge_index[1].reshape(NW, NCHUNK, K)
    parts = _sc_segment()(src, dst, edge_attr, node_rep)
    return _mlp(parts, node_rep, W1, g1.reshape(1, H), b1.reshape(1, H),
                W2, g2.reshape(1, D), b2.reshape(1, D), epsilon)

# --- scband reference (transcript-rebuilt; emitter-appended) ---
"""Pipeline reference for scband-node-node-50869592655496 (READ-ONLY COPY).

The authoritative reference and input builder live on the scoring server;
editing this copy changes nothing except your own understanding.
"""

import jax, jax.numpy as jnp
import numpy as np

N = 10000
E = 320000
D = 128
H = 2 * D  # _inner_mlp_mult = 2


def _batchnorm(x, gamma, beta, eps=1e-5):
    # BatchNorm1d in training mode: per-feature batch statistics (biased var)
    mu = jnp.mean(x, axis=0)
    var = jnp.var(x, axis=0)
    return (x - mu) / jnp.sqrt(var + eps) * gamma + beta


def setup_inputs(seed: int = 0) -> dict:
    key = jax.random.key(seed)
    ks = jax.random.split(key, 8)
    node_rep = jax.random.normal(ks[0], (N, D), dtype=jnp.float32)
    edge_index = jax.random.randint(ks[1], (2, E), 0, N, dtype=jnp.int32)
    edge_attr = jax.random.normal(ks[2], (E, D), dtype=jnp.float32)
    # node_mlp params: Linear(D->H, no bias), BN(H), ReLU, Linear(H->D, no bias), BN(D), ReLU
    W1 = jax.random.normal(ks[3], (D, H), dtype=jnp.float32) * (1.0 / np.sqrt(D))
    g1 = jnp.ones((H,), dtype=jnp.float32)
    b1 = jnp.zeros((H,), dtype=jnp.float32)
    W2 = jax.random.normal(ks[4], (H, D), dtype=jnp.float32) * (1.0 / np.sqrt(H))
    g2 = jnp.ones((D,), dtype=jnp.float32)
    b2 = jnp.zeros((D,), dtype=jnp.float32)
    epsilon = jnp.zeros((1,), dtype=jnp.float32)
    return {"node_rep": node_rep, "edge_index": edge_index, "edge_attr": edge_attr,
            "W1": W1, "g1": g1, "b1": b1, "W2": W2, "g2": g2, "b2": b2,
            "epsilon": epsilon}


def reference(node_rep, edge_index, edge_attr, W1, g1, b1, W2, g2, b2, epsilon):
    src = edge_index[0]
    dst = edge_index[1]
    # node -> edge gather, add edge features, relu (GINE message)
    node2edge = jnp.take(node_rep, src, axis=0) + edge_attr
    node2edge = jax.nn.relu(node2edge)
    # edge -> node scatter-add (gather back to trivial/node subgraph)
    node_new = jax.ops.segment_sum(node2edge, dst, num_segments=N)
    # GIN-style update with learnable epsilon, then node MLP
    h = node_new + (1.0 + epsilon) * node_rep
    h = jax.nn.relu(_batchnorm(h @ W1, g1, b1))
    h = jax.nn.relu(_batchnorm(h @ W2, g2, b2))
    return h

if __name__ == "__main__":
    import jax
    _d = setup_inputs()
    print(jax.jit(kernel)(*tuple(_d.values())))

</pallas_src>

<mosaic_0001>
#map = affine_map<(d0, d1) -> (0, 0, 0)>
#map1 = affine_map<(d0, d1) -> (0, 0)>
module attributes {stable_mosaic.version = 14 : i64} {
  func.func @_sc_entry(%arg0: i32, %arg1: i32, %arg2: memref<32x125x80xi32, #tpu.memory_space<hbm>>, %arg3: memref<32x125x80xi32, #tpu.memory_space<hbm>>, %arg4: memref<320000x128xf32, #tpu.memory_space<hbm>>, %arg5: memref<10000x128xf32, #tpu.memory_space<hbm>>, %arg6: memref<2x10000x128xf32, #tpu.memory_space<hbm>>, %arg7: memref<80xi32, #tpu.memory_space<vmem>>, %arg8: memref<80xi32, #tpu.memory_space<vmem>>, %arg9: memref<80xi32, #tpu.memory_space<vmem>>, %arg10: memref<80xi32, #tpu.memory_space<vmem>>, %arg11: memref<80xi32, #tpu.memory_space<vmem>>, %arg12: memref<80xi32, #tpu.memory_space<vmem>>, %arg13: memref<80xi32, #tpu.memory_space<vmem>>, %arg14: memref<80xi32, #tpu.memory_space<vmem>>, %arg15: memref<80x128xf32, #tpu.memory_space<vmem>>, %arg16: memref<80x128xf32, #tpu.memory_space<vmem>>, %arg17: memref<80x128xf32, #tpu.memory_space<vmem>>, %arg18: memref<80x128xf32, #tpu.memory_space<vmem>>, %arg19: memref<10000x128xf32, #tpu.memory_space<vmem_shared>>, %arg20: memref<4x!tpu.dma_semaphore, #tpu.memory_space<semaphore_mem>>, %arg21: memref<4x!tpu.dma_semaphore, #tpu.memory_space<semaphore_mem>>, %arg22: memref<4x!tpu.dma_semaphore, #tpu.memory_space<semaphore_mem>>) attributes {dimension_semantics = [#tpu.dimension_semantics<core_parallel>, #tpu.dimension_semantics<subcore_parallel>], iteration_bounds = array<i64: 2, 16>, scalar_prefetch = 0 : i64, scratch_operands = 16 : i64, tpu.core_type = #tpu.core_type<sc_vector_subcore>, window_params = [{transform_indices = #map}, {transform_indices = #map}, {transform_indices = #map1}, {transform_indices = #map1}, {transform_indices = #map}]} {
    %mul3A = arith.constant 2 : i32
    %mul3A_0 = arith.muli %arg1, %mul3A : i32
    %add3A = arith.addi %mul3A_0, %arg0 : i32
    %broadcast_in_dim3A = arith.constant 0.000000e+00 : f32
    %broadcast_in_dim3A_1 = vector.broadcast %broadcast_in_dim3A : f32 to vector<16xf32>
    %scan3A = arith.constant 0 : i32
    %scan3A_2 = arith.constant 80 : i32
    %scan3A_3 = arith.addi %scan3A, %scan3A_2 : i32
    %scan3A_4 = arith.constant 1 : i32
    scf.for %scan3A_695 = %scan3A to %scan3A_3 step %scan3A_4  : i32 {
      %swap3A = arith.index_cast %scan3A_695 : i32 to index
      %swap3A_696 = arith.constant 0 : index
      %swap3A_697 = tpu.vector_load %arg15[%swap3A, %swap3A_696] {strides = array<i32>} : memref<80x128xf32, #tpu.memory_space<vmem>>, vector<1x16xf32>,
      %swap3A_698 = vector.shape_cast %swap3A_697 : vector<1x16xf32> to vector<16xf32>
      %swap3A_699 = vector.shape_cast %broadcast_in_dim3A_1 : vector<16xf32> to vector<1x16xf32>
      tpu.vector_store %arg15[%swap3A, %swap3A_696], %swap3A_699 {strides = array<i32>} : memref<80x128xf32, #tpu.memory_space<vmem>>, vector<1x16xf32>,
      %swap3A_700 = arith.index_cast %scan3A_695 : i32 to index
      %swap3A_701 = arith.constant 16 : index
      %swap3A_702 = tpu.vector_load %arg15[%swap3A_700, %swap3A_701] {strides = array<i32>} : memref<80x128xf32, #tpu.memory_space<vmem>>, vector<1x16xf32>,
      %swap3A_703 = vector.shape_cast %swap3A_702 : vector<1x16xf32> to vector<16xf32>
      %swap3A_704 = vector.shape_cast %broadcast_in_dim3A_1 : vector<16xf32> to vector<1x16xf32>
      tpu.vector_store %arg15[%swap3A_700, %swap3A_701], %swap3A_704 {strides = array<i32>} : memref<80x128xf32, #tpu.memory_space<vmem>>, vector<1x16xf32>,
      %swap3A_705 = arith.index_cast %scan3A_695 : i32 to index
      %swap3A_706 = arith.constant 32 : index
      %swap3A_707 = tpu.vector_load %arg15[%swap3A_705, %swap3A_706] {strides = array<i32>} : memref<80x128xf32, #tpu.memory_space<vmem>>, vector<1x16xf32>,
      %swap3A_708 = vector.shape_cast %swap3A_707 : vector<1x16xf32> to vector<16xf32>
      %swap3A_709 = vector.shape_cast %broadcast_in_dim3A_1 : vector<16xf32> to vector<1x16xf32>
      tpu.vector_store %arg15[%swap3A_705, %swap3A_706], %swap3A_709 {strides = array<i32>} : memref<80x128xf32, #tpu.memory_space<vmem>>, vector<1x16xf32>,
      %swap3A_710 = arith.index_cast %scan3A_695 : i32 to index
      %swap3A_711 = arith.constant 48 : index
      %swap3A_712 = tpu.vector_load %arg15[%swap3A_710, %swap3A_711] {strides = array<i32>} : memref<80x128xf32, #tpu.memory_space<vmem>>, vector<1x16xf32>,
      %swap3A_713 = vector.shape_cast %swap3A_712 : vector<1x16xf32> to vector<16xf32>
      %swap3A_714 = vector.shape_cast %broadcast_in_dim3A_1 : vector<16xf32> to vector<1x16xf32>
      tpu.vector_store %arg15[%swap3A_710, %swap3A_711], %swap3A_714 {strides = array<i32>} : memref<80x128xf32, #tpu.memory_space<vmem>>, vector<1x16xf32>,
      %swap3A_715 = arith.index_cast %scan3A_695 : i32 to index
      %swap3A_716 = arith.constant 64 : index
      %swap3A_717 = tpu.vector_load %arg15[%swap3A_715, %swap3A_716] {strides = array<i32>} : memref<80x128xf32, #tpu.memory_space<vmem>>, vector<1x16xf32>,
      %swap3A_718 = vector.shape_cast %swap3A_717 : vector<1x16xf32> to vector<16xf32>
      %swap3A_719 = vector.shape_cast %broadcast_in_dim3A_1 : vector<16xf32> to vector<1x16xf32>
      tpu.vector_store %arg15[%swap3A_715, %swap3A_716], %swap3A_719 {strides = array<i32>} : memref<80x128xf32, #tpu.memory_space<vmem>>, vector<1x16xf32>,
      %swap3A_720 = arith.index_cast %scan3A_695 : i32 to index
      %swap3A_721 = arith.constant 80 : index
      %swap3A_722 = tpu.vector_load %arg15[%swap3A_720, %swap3A_721] {strides = array<i32>} : memref<80x128xf32, #tpu.memory_space<vmem>>, vector<1x16xf32>,
      %swap3A_723 = vector.shape_cast %swap3A_722 : vector<1x16xf32> to vector<16xf32>
      %swap3A_724 = vector.shape_cast %broadcast_in_dim3A_1 : vector<16xf32> to vector<1x16xf32>
      tpu.vector_store %arg15[%swap3A_720, %swap3A_721], %swap3A_724 {strides = array<i32>} : memref<80x128xf32, #tpu.memory_space<vmem>>, vector<1x16xf32>,
      %swap3A_725 = arith.index_cast %scan3A_695 : i32 to index
      %swap3A_726 = arith.constant 96 : index
      %swap3A_727 = tpu.vector_load %arg15[%swap3A_725, %swap3A_726] {strides = array<i32>} : memref<80x128xf32, #tpu.memory_space<vmem>>, vector<1x16xf32>,
      %swap3A_728 = vector.shape_cast %swap3A_727 : vector<1x16xf32> to vector<16xf32>
      %swap3A_729 = vector.shape_cast %broadcast_in_dim3A_1 : vector<16xf32> to vector<1x16xf32>
      tpu.vector_store %arg15[%swap3A_725, %swap3A_726], %swap3A_729 {strides = array<i32>} : memref<80x128xf32, #tpu.memory_space<vmem>>, vector<1x16xf32>,
      %swap3A_730 = arith.index_cast %scan3A_695 : i32 to index
      %swap3A_731 = arith.constant 112 : index
      %swap3A_732 = tpu.vector_load %arg15[%swap3A_730, %swap3A_731] {strides = array<i32>} : memref<80x128xf32, #tpu.memory_space<vmem>>, vector<1x16xf32>,
      %swap3A_733 = vector.shape_cast %swap3A_732 : vector<1x16xf32> to vector<16xf32>
      %swap3A_734 = vector.shape_cast %broadcast_in_dim3A_1 : vector<16xf32> to vector<1x16xf32>
      tpu.vector_store %arg15[%swap3A_730, %swap3A_731], %swap3A_734 {strides = array<i32>} : memref<80x128xf32, #tpu.memory_space<vmem>>, vector<1x16xf32>,
    }
    %scan3A_5 = arith.constant 80 : i32
    %add3A_6 = arith.constant 0 : i32
    %add3A_7 = arith.addi %arg1, %add3A_6 : i32
    %lt3A = arith.constant 125 : i32
    %lt3A_8 = arith.cmpi slt, %add3A_7, %lt3A : i32
    %convert_element_type3A = arith.extui %lt3A_8 : i1 to i32
    %cond3A = arith.constant 0 : i32
    %cond3A_9 = arith.cmpi ne, %convert_element_type3A, %cond3A : i32
    scf.if %cond3A_9 {
      %mul3A_695 = arith.constant 80 : i32
      %mul3A_696 = arith.muli %add3A_7, %mul3A_695 : i32
      %dma_start3A_697 = arith.constant 0 : i32
      %dma_start3A_698 = arith.constant 0 : i32
      %dma_start3A_699 = tpu.memref_slice %arg19[%mul3A_696, %dma_start3A_698] : memref<10000x128xf32, #tpu.memory_space<vmem_shared>> -> memref<80x128xf32, #tpu.memory_space<vmem_shared>>
      %dma_start3A_700 = tpu.memref_slice %arg20[%dma_start3A_697] : memref<4x!tpu.dma_semaphore, #tpu.memory_space<semaphore_mem>> -> memref<1x!tpu.dma_semaphore, #tpu.memory_space<semaphore_mem>>
      %dma_start3A_701 = tpu.memref_squeeze %dma_start3A_700 : memref<1x!tpu.dma_semaphore, #tpu.memory_space<semaphore_mem>> -> memref<!tpu.dma_semaphore, #tpu.memory_space<semaphore_mem>>
      %dma_start3A_702 = arith.constant 0 : i32
      %dma_start3A_703 = tpu.memref_slice %arg19[%mul3A_696, %dma_start3A_702] : memref<10000x128xf32, #tpu.memory_space<vmem_shared>> -> memref<80x128xf32, #tpu.memory_space<vmem_shared>>
      tpu.enqueue_dma source(%arg15 : memref<80x128xf32, #tpu.memory_space<vmem>>) target(%dma_start3A_703 : memref<80x128xf32, #tpu.memory_space<vmem_shared>>) target_semaphore(%dma_start3A_701 : memref<!tpu.dma_semaphore, #tpu.memory_space<semaphore_mem>>)
    } else {
    }
    %add3A_10 = arith.constant 16 : i32
    %add3A_11 = arith.addi %arg1, %add3A_10 : i32
    %lt3A_12 = arith.constant 125 : i32
    %lt3A_13 = arith.cmpi slt, %add3A_11, %lt3A_12 : i32
    %convert_element_type3A_14 = arith.extui %lt3A_13 : i1 to i32
    %cond3A_15 = arith.constant 0 : i32
    %cond3A_16 = arith.cmpi ne, %convert_element_type3A_14, %cond3A_15 : i32
    scf.if %cond3A_16 {
      %mul3A_695 = arith.constant 80 : i32
      %mul3A_696 = arith.muli %add3A_11, %mul3A_695 : i32
      %dma_start3A_697 = arith.constant 0 : i32
      %dma_start3A_698 = arith.constant 0 : i32
      %dma_start3A_699 = tpu.memref_slice %arg19[%mul3A_696, %dma_start3A_698] : memref<10000x128xf32, #tpu.memory_space<vmem_shared>> -> memref<80x128xf32, #tpu.memory_space<vmem_shared>>
      %dma_start3A_700 = tpu.memref_slice %arg20[%dma_start3A_697] : memref<4x!tpu.dma_semaphore, #tpu.memory_space<semaphore_mem>> -> memref<1x!tpu.dma_semaphore, #tpu.memory_space<semaphore_mem>>
      %dma_start3A_701 = tpu.memref_squeeze %dma_start3A_700 : memref<1x!tpu.dma_semaphore, #tpu.memory_space<semaphore_mem>> -> memref<!tpu.dma_semaphore, #tpu.memory_space<semaphore_mem>>
      %dma_start3A_702 = arith.constant 0 : i32
      %dma_start3A_703 = tpu.memref_slice %arg19[%mul3A_696, %dma_start3A_702] : memref<10000x128xf32, #tpu.memory_space<vmem_shared>> -> memref<80x128xf32, #tpu.memory_space<vmem_shared>>
      tpu.enqueue_dma source(%arg15 : memref<80x128xf32, #tpu.memory_space<vmem>>) target(%dma_start3A_703 : memref<80x128xf32, #tpu.memory_space<vmem_shared>>) target_semaphore(%dma_start3A_701 : memref<!tpu.dma_semaphore, #tpu.memory_space<semaphore_mem>>)
    } else {
    }
    %add3A_17 = arith.constant 32 : i32
    %add3A_18 = arith.addi %arg1, %add3A_17 : i32
    %lt3A_19 = arith.constant 125 : i32
    %lt3A_20 = arith.cmpi slt, %add3A_18, %lt3A_19 : i32
    %convert_element_type3A_21 = arith.extui %lt3A_20 : i1 to i32
    %cond3A_22 = arith.constant 0 : i32
    %cond3A_23 = arith.cmpi ne, %convert_element_type3A_21, %cond3A_22 : i32
    scf.if %cond3A_23 {
      %mul3A_695 = arith.constant 80 : i32
      %mul3A_696 = arith.muli %add3A_18, %mul3A_695 : i32
      %dma_start3A_697 = arith.constant 0 : i32
      %dma_start3A_698 = arith.constant 0 : i32
      %dma_start3A_699 = tpu.memref_slice %arg19[%mul3A_696, %dma_start3A_698] : memref<10000x128xf32, #tpu.memory_space<vmem_shared>> -> memref<80x128xf32, #tpu.memory_space<vmem_shared>>
      %dma_start3A_700 = tpu.memref_slice %arg20[%dma_start3A_697] : memref<4x!tpu.dma_semaphore, #tpu.memory_space<semaphore_mem>> -> memref<1x!tpu.dma_semaphore, #tpu.memory_space<semaphore_mem>>
      %dma_start3A_701 = tpu.memref_squeeze %dma_start3A_700 : memref<1x!tpu.dma_semaphore, #tpu.memory_space<semaphore_mem>> -> memref<!tpu.dma_semaphore, #tpu.memory_space<semaphore_mem>>
      %dma_start3A_702 = arith.constant 0 : i32
      %dma_start3A_703 = tpu.memref_slice %arg19[%mul3A_696, %dma_start3A_702] : memref<10000x128xf32, #tpu.memory_space<vmem_shared>> -> memref<80x128xf32, #tpu.memory_space<vmem_shared>>
      tpu.enqueue_dma source(%arg15 : memref<80x128xf32, #tpu.memory_space<vmem>>) target(%dma_start3A_703 : memref<80x128xf32, #tpu.memory_space<vmem_shared>>) target_semaphore(%dma_start3A_701 : memref<!tpu.dma_semaphore, #tpu.memory_space<semaphore_mem>>)
    } else {
    }
    %add3A_24 = arith.constant 48 : i32
    %add3A_25 = arith.addi %arg1, %add3A_24 : i32
    %lt3A_26 = arith.constant 125 : i32
    %lt3A_27 = arith.cmpi slt, %add3A_25, %lt3A_26 : i32
    %convert_element_type3A_28 = arith.extui %lt3A_27 : i1 to i32
    %cond3A_29 = arith.constant 0 : i32
    %cond3A_30 = arith.cmpi ne, %convert_element_type3A_28, %cond3A_29 : i32
    scf.if %cond3A_30 {
      %mul3A_695 = arith.constant 80 : i32
      %mul3A_696 = arith.muli %add3A_25, %mul3A_695 : i32
      %dma_start3A_697 = arith.constant 0 : i32
      %dma_start3A_698 = arith.constant 0 : i32
      %dma_start3A_699 = tpu.memref_slice %arg19[%mul3A_696, %dma_start3A_698] : memref<10000x128xf32, #tpu.memory_space<vmem_shared>> -> memref<80x128xf32, #tpu.memory_space<vmem_shared>>
      %dma_start3A_700 = tpu.memref_slice %arg20[%dma_start3A_697] : memref<4x!tpu.dma_semaphore, #tpu.memory_space<semaphore_mem>> -> memref<1x!tpu.dma_semaphore, #tpu.memory_space<semaphore_mem>>
      %dma_start3A_701 = tpu.memref_squeeze %dma_start3A_700 : memref<1x!tpu.dma_semaphore, #tpu.memory_space<semaphore_mem>> -> memref<!tpu.dma_semaphore, #tpu.memory_space<semaphore_mem>>
      %dma_start3A_702 = arith.constant 0 : i32
      %dma_start3A_703 = tpu.memref_slice %arg19[%mul3A_696, %dma_start3A_702] : memref<10000x128xf32, #tpu.memory_space<vmem_shared>> -> memref<80x128xf32, #tpu.memory_space<vmem_shared>>
      tpu.enqueue_dma source(%arg15 : memref<80x128xf32, #tpu.memory_space<vmem>>) target(%dma_start3A_703 : memref<80x128xf32, #tpu.memory_space<vmem_shared>>) target_semaphore(%dma_start3A_701 : memref<!tpu.dma_semaphore, #tpu.memory_space<semaphore_mem>>)
    } else {
    }
    %add3A_31 = arith.constant 64 : i32
    %add3A_32 = arith.addi %arg1, %add3A_31 : i32
    %lt3A_33 = arith.constant 125 : i32
    %lt3A_34 = arith.cmpi slt, %add3A_32, %lt3A_33 : i32
    %convert_element_type3A_35 = arith.extui %lt3A_34 : i1 to i32
    %cond3A_36 = arith.constant 0 : i32
    %cond3A_37 = arith.cmpi ne, %convert_element_type3A_35, %cond3A_36 : i32
    scf.if %cond3A_37 {
      %mul3A_695 = arith.constant 80 : i32
      %mul3A_696 = arith.muli %add3A_32, %mul3A_695 : i32
      %dma_start3A_697 = arith.constant 0 : i32
      %dma_start3A_698 = arith.constant 0 : i32
      %dma_start3A_699 = tpu.memref_slice %arg19[%mul3A_696, %dma_start3A_698] : memref<10000x128xf32, #tpu.memory_space<vmem_shared>> -> memref<80x128xf32, #tpu.memory_space<vmem_shared>>
      %dma_start3A_700 = tpu.memref_slice %arg20[%dma_start3A_697] : memref<4x!tpu.dma_semaphore, #tpu.memory_space<semaphore_mem>> -> memref<1x!tpu.dma_semaphore, #tpu.memory_space<semaphore_mem>>
      %dma_start3A_701 = tpu.memref_squeeze %dma_start3A_700 : memref<1x!tpu.dma_semaphore, #tpu.memory_space<semaphore_mem>> -> memref<!tpu.dma_semaphore, #tpu.memory_space<semaphore_mem>>
      %dma_start3A_702 = arith.constant 0 : i32
      %dma_start3A_703 = tpu.memref_slice %arg19[%mul3A_696, %dma_start3A_702] : memref<10000x128xf32, #tpu.memory_space<vmem_shared>> -> memref<80x128xf32, #tpu.memory_space<vmem_shared>>
      tpu.enqueue_dma source(%arg15 : memref<80x128xf32, #tpu.memory_space<vmem>>) target(%dma_start3A_703 : memref<80x128xf32, #tpu.memory_space<vmem_shared>>) target_semaphore(%dma_start3A_701 : memref<!tpu.dma_semaphore, #tpu.memory_space<semaphore_mem>>)
    } else {
    }
    %add3A_38 = arith.constant 80 : i32
    %add3A_39 = arith.addi %arg1, %add3A_38 : i32
    %lt3A_40 = arith.constant 125 : i32
    %lt3A_41 = arith.cmpi slt, %add3A_39, %lt3A_40 : i32
    %convert_element_type3A_42 = arith.extui %lt3A_41 : i1 to i32
    %cond3A_43 = arith.constant 0 : i32
    %cond3A_44 = arith.cmpi ne, %convert_element_type3A_42, %cond3A_43 : i32
    scf.if %cond3A_44 {
      %mul3A_695 = arith.constant 80 : i32
      %mul3A_696 = arith.muli %add3A_39, %mul3A_695 : i32
      %dma_start3A_697 = arith.constant 0 : i32
      %dma_start3A_698 = arith.constant 0 : i32
      %dma_start3A_699 = tpu.memref_slice %arg19[%mul3A_696, %dma_start3A_698] : memref<10000x128xf32, #tpu.memory_space<vmem_shared>> -> memref<80x128xf32, #tpu.memory_space<vmem_shared>>
      %dma_start3A_700 = tpu.memref_slice %arg20[%dma_start3A_697] : memref<4x!tpu.dma_semaphore, #tpu.memory_space<semaphore_mem>> -> memref<1x!tpu.dma_semaphore, #tpu.memory_space<semaphore_mem>>
      %dma_start3A_701 = tpu.memref_squeeze %dma_start3A_700 : memref<1x!tpu.dma_semaphore, #tpu.memory_space<semaphore_mem>> -> memref<!tpu.dma_semaphore, #tpu.memory_space<semaphore_mem>>
      %dma_start3A_702 = arith.constant 0 : i32
      %dma_start3A_703 = tpu.memref_slice %arg19[%mul3A_696, %dma_start3A_702] : memref<10000x128xf32, #tpu.memory_space<vmem_shared>> -> memref<80x128xf32, #tpu.memory_space<vmem_shared>>
      tpu.enqueue_dma source(%arg15 : memref<80x128xf32, #tpu.memory_space<vmem>>) target(%dma_start3A_703 : memref<80x128xf32, #tpu.memory_space<vmem_shared>>) target_semaphore(%dma_start3A_701 : memref<!tpu.dma_semaphore, #tpu.memory_space<semaphore_mem>>)
    } else {
    }
    %add3A_45 = arith.constant 96 : i32
    %add3A_46 = arith.addi %arg1, %add3A_45 : i32
    %lt3A_47 = arith.constant 125 : i32
    %lt3A_48 = arith.cmpi slt, %add3A_46, %lt3A_47 : i32
    %convert_element_type3A_49 = arith.extui %lt3A_48 : i1 to i32
    %cond3A_50 = arith.constant 0 : i32
    %cond3A_51 = arith.cmpi ne, %convert_element_type3A_49, %cond3A_50 : i32
    scf.if %cond3A_51 {
      %mul3A_695 = arith.constant 80 : i32
      %mul3A_696 = arith.muli %add3A_46, %mul3A_695 : i32
      %dma_start3A_697 = arith.constant 0 : i32
      %dma_start3A_698 = arith.constant 0 : i32
      %dma_start3A_699 = tpu.memref_slice %arg19[%mul3A_696, %dma_start3A_698] : memref<10000x128xf32, #tpu.memory_space<vmem_shared>> -> memref<80x128xf32, #tpu.memory_space<vmem_shared>>
      %dma_start3A_700 = tpu.memref_slice %arg20[%dma_start3A_697] : memref<4x!tpu.dma_semaphore, #tpu.memory_space<semaphore_mem>> -> memref<1x!tpu.dma_semaphore, #tpu.memory_space<semaphore_mem>>
      %dma_start3A_701 = tpu.memref_squeeze %dma_start3A_700 : memref<1x!tpu.dma_semaphore, #tpu.memory_space<semaphore_mem>> -> memref<!tpu.dma_semaphore, #tpu.memory_space<semaphore_mem>>
      %dma_start3A_702 = arith.constant 0 : i32
      %dma_start3A_703 = tpu.memref_slice %arg19[%mul3A_696, %dma_start3A_702] : memref<10000x128xf32, #tpu.memory_space<vmem_shared>> -> memref<80x128xf32, #tpu.memory_space<vmem_shared>>
      tpu.enqueue_dma source(%arg15 : memref<80x128xf32, #tpu.memory_space<vmem>>) target(%dma_start3A_703 : memref<80x128xf32, #tpu.memory_space<vmem_shared>>) target_semaphore(%dma_start3A_701 : memref<!tpu.dma_semaphore, #tpu.memory_space<semaphore_mem>>)
    } else {
    }
    %add3A_52 = arith.constant 112 : i32
    %add3A_53 = arith.addi %arg1, %add3A_52 : i32
    %lt3A_54 = arith.constant 125 : i32
    %lt3A_55 = arith.cmpi slt, %add3A_53, %lt3A_54 : i32
    %convert_element_type3A_56 = arith.extui %lt3A_55 : i1 to i32
    %cond3A_57 = arith.constant 0 : i32
    %cond3A_58 = arith.cmpi ne, %convert_element_type3A_56, %cond3A_57 : i32
    scf.if %cond3A_58 {
      %mul3A_695 = arith.constant 80 : i32
      %mul3A_696 = arith.muli %add3A_53, %mul3A_695 : i32
      %dma_start3A_697 = arith.constant 0 : i32
      %dma_start3A_698 = arith.constant 0 : i32
      %dma_start3A_699 = tpu.memref_slice %arg19[%mul3A_696, %dma_start3A_698] : memref<10000x128xf32, #tpu.memory_space<vmem_shared>> -> memref<80x128xf32, #tpu.memory_space<vmem_shared>>
      %dma_start3A_700 = tpu.memref_slice %arg20[%dma_start3A_697] : memref<4x!tpu.dma_semaphore, #tpu.memory_space<semaphore_mem>> -> memref<1x!tpu.dma_semaphore, #tpu.memory_space<semaphore_mem>>
      %dma_start3A_701 = tpu.memref_squeeze %dma_start3A_700 : memref<1x!tpu.dma_semaphore, #tpu.memory_space<semaphore_mem>> -> memref<!tpu.dma_semaphore, #tpu.memory_space<semaphore_mem>>
      %dma_start3A_702 = arith.constant 0 : i32
      %dma_start3A_703 = tpu.memref_slice %arg19[%mul3A_696, %dma_start3A_702] : memref<10000x128xf32, #tpu.memory_space<vmem_shared>> -> memref<80x128xf32, #tpu.memory_space<vmem_shared>>
      tpu.enqueue_dma source(%arg15 : memref<80x128xf32, #tpu.memory_space<vmem>>) target(%dma_start3A_703 : memref<80x128xf32, #tpu.memory_space<vmem_shared>>) target_semaphore(%dma_start3A_701 : memref<!tpu.dma_semaphore, #tpu.memory_space<semaphore_mem>>)
    } else {
    }
    %add3A_59 = arith.constant 0 : i32
    %add3A_60 = arith.addi %arg1, %add3A_59 : i32
    %lt3A_61 = arith.constant 125 : i32
    %lt3A_62 = arith.cmpi slt, %add3A_60, %lt3A_61 : i32
    %convert_element_type3A_63 = arith.extui %lt3A_62 : i1 to i32
    %cond3A_64 = arith.constant 0 : i32
    %cond3A_65 = arith.cmpi ne, %convert_element_type3A_63, %cond3A_64 : i32
    scf.if %cond3A_65 {
      %dma_wait3A_695 = arith.constant 0 : i32
      %dma_wait3A_696 = arith.constant 0 : i32
      %dma_wait3A_697 = arith.constant 0 : i32
      %dma_wait3A_698 = tpu.memref_slice %arg19[%dma_wait3A_696, %dma_wait3A_697] : memref<10000x128xf32, #tpu.memory_space<vmem_shared>> -> memref<80x128xf32, #tpu.memory_space<vmem_shared>>
      %dma_wait3A_699 = tpu.memref_slice %arg20[%dma_wait3A_695] : memref<4x!tpu.dma_semaphore, #tpu.memory_space<semaphore_mem>> -> memref<1x!tpu.dma_semaphore, #tpu.memory_space<semaphore_mem>>
      %dma_wait3A_700 = tpu.memref_squeeze %dma_wait3A_699 : memref<1x!tpu.dma_semaphore, #tpu.memory_space<semaphore_mem>> -> memref<!tpu.dma_semaphore, #tpu.memory_space<semaphore_mem>>
      %dma_wait3A_701 = arith.constant 0 : i32
      %dma_wait3A_702 = arith.constant 0 : i32
      %dma_wait3A_703 = tpu.memref_slice %arg19[%dma_wait3A_701, %dma_wait3A_702] : memref<10000x128xf32, #tpu.memory_space<vmem_shared>> -> memref<80x128xf32, #tpu.memory_space<vmem_shared>>
      tpu.wait_dma2 semaphore(%dma_wait3A_700 : memref<!tpu.dma_semaphore, #tpu.memory_space<semaphore_mem>>) src(%arg15 : memref<80x128xf32, #tpu.memory_space<vmem>>) dst(%dma_wait3A_703 : memref<80x128xf32, #tpu.memory_space<vmem_shared>>)
    } else {
    }
    %add3A_66 = arith.constant 16 : i32
    %add3A_67 = arith.addi %arg1, %add3A_66 : i32
    %lt3A_68 = arith.constant 125 : i32
    %lt3A_69 = arith.cmpi slt, %add3A_67, %lt3A_68 : i32
    %convert_element_type3A_70 = arith.extui %lt3A_69 : i1 to i32
    %cond3A_71 = arith.constant 0 : i32
    %cond3A_72 = arith.cmpi ne, %convert_element_type3A_70, %cond3A_71 : i32
    scf.if %cond3A_72 {
      %dma_wait3A_695 = arith.constant 0 : i32
      %dma_wait3A_696 = arith.constant 0 : i32
      %dma_wait3A_697 = arith.constant 0 : i32
      %dma_wait3A_698 = tpu.memref_slice %arg19[%dma_wait3A_696, %dma_wait3A_697] : memref<10000x128xf32, #tpu.memory_space<vmem_shared>> -> memref<80x128xf32, #tpu.memory_space<vmem_shared>>
      %dma_wait3A_699 = tpu.memref_slice %arg20[%dma_wait3A_695] : memref<4x!tpu.dma_semaphore, #tpu.memory_space<semaphore_mem>> -> memref<1x!tpu.dma_semaphore, #tpu.memory_space<semaphore_mem>>
      %dma_wait3A_700 = tpu.memref_squeeze %dma_wait3A_699 : memref<1x!tpu.dma_semaphore, #tpu.memory_space<semaphore_mem>> -> memref<!tpu.dma_semaphore, #tpu.memory_space<semaphore_mem>>
      %dma_wait3A_701 = arith.constant 0 : i32
      %dma_wait3A_702 = arith.constant 0 : i32
      %dma_wait3A_703 = tpu.memref_slice %arg19[%dma_wait3A_701, %dma_wait3A_702] : memref<10000x128xf32, #tpu.memory_space<vmem_shared>> -> memref<80x128xf32, #tpu.memory_space<vmem_shared>>
      tpu.wait_dma2 semaphore(%dma_wait3A_700 : memref<!tpu.dma_semaphore, #tpu.memory_space<semaphore_mem>>) src(%arg15 : memref<80x128xf32, #tpu.memory_space<vmem>>) dst(%dma_wait3A_703 : memref<80x128xf32, #tpu.memory_space<vmem_shared>>)
    } else {
    }
    %add3A_73 = arith.constant 32 : i32
    %add3A_74 = arith.addi %arg1, %add3A_73 : i32
    %lt3A_75 = arith.constant 125 : i32
    %lt3A_76 = arith.cmpi slt, %add3A_74, %lt3A_75 : i32
    %convert_element_type3A_77 = arith.extui %lt3A_76 : i1 to i32
    %cond3A_78 = arith.constant 0 : i32
    %cond3A_79 = arith.cmpi ne, %convert_element_type3A_77, %cond3A_78 : i32
    scf.if %cond3A_79 {
      %dma_wait3A_695 = arith.constant 0 : i32
      %dma_wait3A_696 = arith.constant 0 : i32
      %dma_wait3A_697 = arith.constant 0 : i32
      %dma_wait3A_698 = tpu.memref_slice %arg19[%dma_wait3A_696, %dma_wait3A_697] : memref<10000x128xf32, #tpu.memory_space<vmem_shared>> -> memref<80x128xf32, #tpu.memory_space<vmem_shared>>
      %dma_wait3A_699 = tpu.memref_slice %arg20[%dma_wait3A_695] : memref<4x!tpu.dma_semaphore, #tpu.memory_space<semaphore_mem>> -> memref<1x!tpu.dma_semaphore, #tpu.memory_space<semaphore_mem>>
      %dma_wait3A_700 = tpu.memref_squeeze %dma_wait3A_699 : memref<1x!tpu.dma_semaphore, #tpu.memory_space<semaphore_mem>> -> memref<!tpu.dma_semaphore, #tpu.memory_space<semaphore_mem>>
      %dma_wait3A_701 = arith.constant 0 : i32
      %dma_wait3A_702 = arith.constant 0 : i32
      %dma_wait3A_703 = tpu.memref_slice %arg19[%dma_wait3A_701, %dma_wait3A_702] : memref<10000x128xf32, #tpu.memory_space<vmem_shared>> -> memref<80x128xf32, #tpu.memory_space<vmem_shared>>
      tpu.wait_dma2 semaphore(%dma_wait3A_700 : memref<!tpu.dma_semaphore, #tpu.memory_space<semaphore_mem>>) src(%arg15 : memref<80x128xf32, #tpu.memory_space<vmem>>) dst(%dma_wait3A_703 : memref<80x128xf32, #tpu.memory_space<vmem_shared>>)
    } else {
    }
    %add3A_80 = arith.constant 48 : i32
    %add3A_81 = arith.addi %arg1, %add3A_80 : i32
    %lt3A_82 = arith.constant 125 : i32
    %lt3A_83 = arith.cmpi slt, %add3A_81, %lt3A_82 : i32
    %convert_element_type3A_84 = arith.extui %lt3A_83 : i1 to i32
    %cond3A_85 = arith.constant 0 : i32
    %cond3A_86 = arith.cmpi ne, %convert_element_type3A_84, %cond3A_85 : i32
    scf.if %cond3A_86 {
      %dma_wait3A_695 = arith.constant 0 : i32
      %dma_wait3A_696 = arith.constant 0 : i32
      %dma_wait3A_697 = arith.constant 0 : i32
      %dma_wait3A_698 = tpu.memref_slice %arg19[%dma_wait3A_696, %dma_wait3A_697] : memref<10000x128xf32, #tpu.memory_space<vmem_shared>> -> memref<80x128xf32, #tpu.memory_space<vmem_shared>>
      %dma_wait3A_699 = tpu.memref_slice %arg20[%dma_wait3A_695] : memref<4x!tpu.dma_semaphore, #tpu.memory_space<semaphore_mem>> -> memref<1x!tpu.dma_semaphore, #tpu.memory_space<semaphore_mem>>
      %dma_wait3A_700 = tpu.memref_squeeze %dma_wait3A_699 : memref<1x!tpu.dma_semaphore, #tpu.memory_space<semaphore_mem>> -> memref<!tpu.dma_semaphore, #tpu.memory_space<semaphore_mem>>
      %dma_wait3A_701 = arith.constant 0 : i32
      %dma_wait3A_702 = arith.constant 0 : i32
      %dma_wait3A_703 = tpu.memref_slice %arg19[%dma_wait3A_701, %dma_wait3A_702] : memref<10000x128xf32, #tpu.memory_space<vmem_shared>> -> memref<80x128xf32, #tpu.memory_space<vmem_shared>>
      tpu.wait_dma2 semaphore(%dma_wait3A_700 : memref<!tpu.dma_semaphore, #tpu.memory_space<semaphore_mem>>) src(%arg15 : memref<80x128xf32, #tpu.memory_space<vmem>>) dst(%dma_wait3A_703 : memref<80x128xf32, #tpu.memory_space<vmem_shared>>)
    } else {
    }
    %add3A_87 = arith.constant 64 : i32
    %add3A_88 = arith.addi %arg1, %add3A_87 : i32
    %lt3A_89 = arith.constant 125 : i32
    %lt3A_90 = arith.cmpi slt, %add3A_88, %lt3A_89 : i32
    %convert_element_type3A_91 = arith.extui %lt3A_90 : i1 to i32
    %cond3A_92 = arith.constant 0 : i32
    %cond3A_93 = arith.cmpi ne, %convert_element_type3A_91, %cond3A_92 : i32
    scf.if %cond3A_93 {
      %dma_wait3A_695 = arith.constant 0 : i32
      %dma_wait3A_696 = arith.constant 0 : i32
      %dma_wait3A_697 = arith.constant 0 : i32
      %dma_wait3A_698 = tpu.memref_slice %arg19[%dma_wait3A_696, %dma_wait3A_697] : memref<10000x128xf32, #tpu.memory_space<vmem_shared>> -> memref<80x128xf32, #tpu.memory_space<vmem_shared>>
      %dma_wait3A_699 = tpu.memref_slice %arg20[%dma_wait3A_695] : memref<4x!tpu.dma_semaphore, #tpu.memory_space<semaphore_mem>> -> memref<1x!tpu.dma_semaphore, #tpu.memory_space<semaphore_mem>>
      %dma_wait3A_700 = tpu.memref_squeeze %dma_wait3A_699 : memref<1x!tpu.dma_semaphore, #tpu.memory_space<semaphore_mem>> -> memref<!tpu.dma_semaphore, #tpu.memory_space<semaphore_mem>>
      %dma_wait3A_701 = arith.constant 0 : i32
      %dma_wait3A_702 = arith.constant 0 : i32
      %dma_wait3A_703 = tpu.memref_slice %arg19[%dma_wait3A_701, %dma_wait3A_702] : memref<10000x128xf32, #tpu.memory_space<vmem_shared>> -> memref<80x128xf32, #tpu.memory_space<vmem_shared>>
      tpu.wait_dma2 semaphore(%dma_wait3A_700 : memref<!tpu.dma_semaphore, #tpu.memory_space<semaphore_mem>>) src(%arg15 : memref<80x128xf32, #tpu.memory_space<vmem>>) dst(%dma_wait3A_703 : memref<80x128xf32, #tpu.memory_space<vmem_shared>>)
    } else {
    }
    %add3A_94 = arith.constant 80 : i32
    %add3A_95 = arith.addi %arg1, %add3A_94 : i32
    %lt3A_96 = arith.constant 125 : i32
    %lt3A_97 = arith.cmpi slt, %add3A_95, %lt3A_96 : i32
    %convert_element_type3A_98 = arith.extui %lt3A_97 : i1 to i32
    %cond3A_99 = arith.constant 0 : i32
    %cond3A_100 = arith.cmpi ne, %convert_element_type3A_98, %cond3A_99 : i32
    scf.if %cond3A_100 {
      %dma_wait3A_695 = arith.constant 0 : i32
      %dma_wait3A_696 = arith.constant 0 : i32
      %dma_wait3A_697 = arith.constant 0 : i32
      %dma_wait3A_698 = tpu.memref_slice %arg19[%dma_wait3A_696, %dma_wait3A_697] : memref<10000x128xf32, #tpu.memory_space<vmem_shared>> -> memref<80x128xf32, #tpu.memory_space<vmem_shared>>
      %dma_wait3A_699 = tpu.memref_slice %arg20[%dma_wait3A_695] : memref<4x!tpu.dma_semaphore, #tpu.memory_space<semaphore_mem>> -> memref<1x!tpu.dma_semaphore, #tpu.memory_space<semaphore_mem>>
      %dma_wait3A_700 = tpu.memref_squeeze %dma_wait3A_699 : memref<1x!tpu.dma_semaphore, #tpu.memory_space<semaphore_mem>> -> memref<!tpu.dma_semaphore, #tpu.memory_space<semaphore_mem>>
      %dma_wait3A_701 = arith.constant 0 : i32
      %dma_wait3A_702 = arith.constant 0 : i32
      %dma_wait3A_703 = tpu.memref_slice %arg19[%dma_wait3A_701, %dma_wait3A_702] : memref<10000x128xf32, #tpu.memory_space<vmem_shared>> -> memref<80x128xf32, #tpu.memory_space<vmem_shared>>
      tpu.wait_dma2 semaphore(%dma_wait3A_700 : memref<!tpu.dma_semaphore, #tpu.memory_space<semaphore_mem>>) src(%arg15 : memref<80x128xf32, #tpu.memory_space<vmem>>) dst(%dma_wait3A_703 : memref<80x128xf32, #tpu.memory_space<vmem_shared>>)
    } else {
    }
    %add3A_101 = arith.constant 96 : i32
    %add3A_102 = arith.addi %arg1, %add3A_101 : i32
    %lt3A_103 = arith.constant 125 : i32
    %lt3A_104 = arith.cmpi slt, %add3A_102, %lt3A_103 : i32
    %convert_element_type3A_105 = arith.extui %lt3A_104 : i1 to i32
    %cond3A_106 = arith.constant 0 : i32
    %cond3A_107 = arith.cmpi ne, %convert_element_type3A_105, %cond3A_106 : i32
    scf.if %cond3A_107 {
      %dma_wait3A_695 = arith.constant 0 : i32
      %dma_wait3A_696 = arith.constant 0 : i32
      %dma_wait3A_697 = arith.constant 0 : i32
      %dma_wait3A_698 = tpu.memref_slice %arg19[%dma_wait3A_696, %dma_wait3A_697] : memref<10000x128xf32, #tpu.memory_space<vmem_shared>> -> memref<80x128xf32, #tpu.memory_space<vmem_shared>>
      %dma_wait3A_699 = tpu.memref_slice %arg20[%dma_wait3A_695] : memref<4x!tpu.dma_semaphore, #tpu.memory_space<semaphore_mem>> -> memref<1x!tpu.dma_semaphore, #tpu.memory_space<semaphore_mem>>
      %dma_wait3A_700 = tpu.memref_squeeze %dma_wait3A_699 : memref<1x!tpu.dma_semaphore, #tpu.memory_space<semaphore_mem>> -> memref<!tpu.dma_semaphore, #tpu.memory_space<semaphore_mem>>
      %dma_wait3A_701 = arith.constant 0 : i32
      %dma_wait3A_702 = arith.constant 0 : i32
      %dma_wait3A_703 = tpu.memref_slice %arg19[%dma_wait3A_701, %dma_wait3A_702] : memref<10000x128xf32, #tpu.memory_space<vmem_shared>> -> memref<80x128xf32, #tpu.memory_space<vmem_shared>>
      tpu.wait_dma2 semaphore(%dma_wait3A_700 : memref<!tpu.dma_semaphore, #tpu.memory_space<semaphore_mem>>) src(%arg15 : memref<80x128xf32, #tpu.memory_space<vmem>>) dst(%dma_wait3A_703 : memref<80x128xf32, #tpu.memory_space<vmem_shared>>)
    } else {
    }
    %add3A_108 = arith.constant 112 : i32
    %add3A_109 = arith.addi %arg1, %add3A_108 : i32
    %lt3A_110 = arith.constant 125 : i32
    %lt3A_111 = arith.cmpi slt, %add3A_109, %lt3A_110 : i32
    %convert_element_type3A_112 = arith.extui %lt3A_111 : i1 to i32
    %cond3A_113 = arith.constant 0 : i32
    %cond3A_114 = arith.cmpi ne, %convert_element_type3A_112, %cond3A_113 : i32
    scf.if %cond3A_114 {
      %dma_wait3A_695 = arith.constant 0 : i32
      %dma_wait3A_696 = arith.constant 0 : i32
      %dma_wait3A_697 = arith.constant 0 : i32
      %dma_wait3A_698 = tpu.memref_slice %arg19[%dma_wait3A_696, %dma_wait3A_697] : memref<10000x128xf32, #tpu.memory_space<vmem_shared>> -> memref<80x128xf32, #tpu.memory_space<vmem_shared>>
      %dma_wait3A_699 = tpu.memref_slice %arg20[%dma_wait3A_695] : memref<4x!tpu.dma_semaphore, #tpu.memory_space<semaphore_mem>> -> memref<1x!tpu.dma_semaphore, #tpu.memory_space<semaphore_mem>>
      %dma_wait3A_700 = tpu.memref_squeeze %dma_wait3A_699 : memref<1x!tpu.dma_semaphore, #tpu.memory_space<semaphore_mem>> -> memref<!tpu.dma_semaphore, #tpu.memory_space<semaphore_mem>>
      %dma_wait3A_701 = arith.constant 0 : i32
      %dma_wait3A_702 = arith.constant 0 : i32
      %dma_wait3A_703 = tpu.memref_slice %arg19[%dma_wait3A_701, %dma_wait3A_702] : memref<10000x128xf32, #tpu.memory_space<vmem_shared>> -> memref<80x128xf32, #tpu.memory_space<vmem_shared>>
      tpu.wait_dma2 semaphore(%dma_wait3A_700 : memref<!tpu.dma_semaphore, #tpu.memory_space<semaphore_mem>>) src(%arg15 : memref<80x128xf32, #tpu.memory_space<vmem>>) dst(%dma_wait3A_703 : memref<80x128xf32, #tpu.memory_space<vmem_shared>>)
    } else {
    }
    %barrier3A = arith.constant 0 : index
    tpu.barrier barrier_id(%barrier3A)
    %mul3A_115 = arith.constant 125 : i32
    %mul3A_116 = arith.muli %add3A, %mul3A_115 : i32
    %mul3A_117 = arith.constant 80 : i32
    %mul3A_118 = arith.muli %mul3A_116, %mul3A_117 : i32
    %add3A_119 = arith.constant 0 : i32
    %add3A_120 = arith.addi %mul3A_118, %add3A_119 : i32
    %dma_start3A = arith.constant 0 : i32
    %dma_start3A_121 = arith.constant 0 : i32
    %dma_start3A_122 = tpu.memref_slice %arg4[%add3A_120, %dma_start3A_121] : memref<320000x128xf32, #tpu.memory_space<hbm>> -> memref<80x128xf32, #tpu.memory_space<hbm>>
    %dma_start3A_123 = tpu.memref_slice %arg20[%dma_start3A] : memref<4x!tpu.dma_semaphore, #tpu.memory_space<semaphore_mem>> -> memref<1x!tpu.dma_semaphore, #tpu.memory_space<semaphore_mem>>
    %dma_start3A_124 = tpu.memref_squeeze %dma_start3A_123 : memref<1x!tpu.dma_semaphore, #tpu.memory_space<semaphore_mem>> -> memref<!tpu.dma_semaphore, #tpu.memory_space<semaphore_mem>>
    %dma_start3A_125 = arith.constant 0 : i32
    %dma_start3A_126 = tpu.memref_slice %arg4[%add3A_120, %dma_start3A_125] : memref<320000x128xf32, #tpu.memory_space<hbm>> -> memref<80x128xf32, #tpu.memory_space<hbm>>
    tpu.enqueue_dma source(%dma_start3A_126 : memref<80x128xf32, #tpu.memory_space<hbm>>) target(%arg15 : memref<80x128xf32, #tpu.memory_space<vmem>>) target_semaphore(%dma_start3A_124 : memref<!tpu.dma_semaphore, #tpu.memory_space<semaphore_mem>>)
    %dma_start3A_127 = arith.constant 0 : i32
    %dma_start3A_128 = arith.constant 0 : i32
    %dma_start3A_129 = arith.constant 0 : i32
    %dma_start3A_130 = tpu.memref_slice %arg2[%add3A, %dma_start3A_127, %dma_start3A_129] : memref<32x125x80xi32, #tpu.memory_space<hbm>> -> memref<1x1x80xi32, #tpu.memory_space<hbm>>
    %dma_start3A_131 = tpu.memref_squeeze %dma_start3A_130 : memref<1x1x80xi32, #tpu.memory_space<hbm>> -> memref<80xi32, #tpu.memory_space<hbm>>
    %dma_start3A_132 = tpu.memref_slice %arg20[%dma_start3A_128] : memref<4x!tpu.dma_semaphore, #tpu.memory_space<semaphore_mem>> -> memref<1x!tpu.dma_semaphore, #tpu.memory_space<semaphore_mem>>
    %dma_start3A_133 = tpu.memref_squeeze %dma_start3A_132 : memref<1x!tpu.dma_semaphore, #tpu.memory_space<semaphore_mem>> -> memref<!tpu.dma_semaphore, #tpu.memory_space<semaphore_mem>>
    %dma_start3A_134 = arith.constant 0 : i32
    %dma_start3A_135 = tpu.memref_slice %arg2[%add3A, %dma_start3A_127, %dma_start3A_134] : memref<32x125x80xi32, #tpu.memory_space<hbm>> -> memref<1x1x80xi32, #tpu.memory_space<hbm>>
    %dma_start3A_136 = tpu.memref_squeeze %dma_start3A_135 : memref<1x1x80xi32, #tpu.memory_space<hbm>> -> memref<80xi32, #tpu.memory_space<hbm>>
    tpu.enqueue_dma source(%dma_start3A_136 : memref<80xi32, #tpu.memory_space<hbm>>) target(%arg7 : memref<80xi32, #tpu.memory_space<vmem>>) target_semaphore(%dma_start3A_133 : memref<!tpu.dma_semaphore, #tpu.memory_space<semaphore_mem>>)
    %dma_start3A_137 = arith.constant 0 : i32
    %dma_start3A_138 = arith.constant 0 : i32
    %dma_start3A_139 = arith.constant 0 : i32
    %dma_start3A_140 = tpu.memref_slice %arg3[%add3A, %dma_start3A_137, %dma_start3A_139] : memref<32x125x80xi32, #tpu.memory_space<hbm>> -> memref<1x1x80xi32, #tpu.memory_space<hbm>>
    %dma_start3A_141 = tpu.memref_squeeze %dma_start3A_140 : memref<1x1x80xi32, #tpu.memory_space<hbm>> -> memref<80xi32, #tpu.memory_space<hbm>>
    %dma_start3A_142 = tpu.memref_slice %arg20[%dma_start3A_138] : memref<4x!tpu.dma_semaphore, #tpu.memory_space<semaphore_mem>> -> memref<1x!tpu.dma_semaphore, #tpu.memory_space<semaphore_mem>>
    %dma_start3A_143 = tpu.memref_squeeze %dma_start3A_142 : memref<1x!tpu.dma_semaphore, #tpu.memory_space<semaphore_mem>> -> memref<!tpu.dma_semaphore, #tpu.memory_space<semaphore_mem>>
    %dma_start3A_144 = arith.constant 0 : i32
    %dma_start3A_145 = tpu.memref_slice %arg3[%add3A, %dma_start3A_137, %dma_start3A_144] : memref<32x125x80xi32, #tpu.memory_space<hbm>> -> memref<1x1x80xi32, #tpu.memory_space<hbm>>
    %dma_start3A_146 = tpu.memref_squeeze %dma_start3A_145 : memref<1x1x80xi32, #tpu.memory_space<hbm>> -> memref<80xi32, #tpu.memory_space<hbm>>
    tpu.enqueue_dma source(%dma_start3A_146 : memref<80xi32, #tpu.memory_space<hbm>>) target(%arg11 : memref<80xi32, #tpu.memory_space<vmem>>) target_semaphore(%dma_start3A_143 : memref<!tpu.dma_semaphore, #tpu.memory_space<semaphore_mem>>)
    %add3A_147 = arith.constant 80 : i32
    %add3A_148 = arith.addi %mul3A_118, %add3A_147 : i32
    %dma_start3A_149 = arith.constant 1 : i32
    %dma_start3A_150 = arith.constant 0 : i32
    %dma_start3A_151 = tpu.memref_slice %arg4[%add3A_148, %dma_start3A_150] : memref<320000x128xf32, #tpu.memory_space<hbm>> -> memref<80x128xf32, #tpu.memory_space<hbm>>
    %dma_start3A_152 = tpu.memref_slice %arg20[%dma_start3A_149] : memref<4x!tpu.dma_semaphore, #tpu.memory_space<semaphore_mem>> -> memref<1x!tpu.dma_semaphore, #tpu.memory_space<semaphore_mem>>
    %dma_start3A_153 = tpu.memref_squeeze %dma_start3A_152 : memref<1x!tpu.dma_semaphore, #tpu.memory_space<semaphore_mem>> -> memref<!tpu.dma_semaphore, #tpu.memory_space<semaphore_mem>>
    %dma_start3A_154 = arith.constant 0 : i32
    %dma_start3A_155 = tpu.memref_slice %arg4[%add3A_148, %dma_start3A_154] : memref<320000x128xf32, #tpu.memory_space<hbm>> -> memref<80x128xf32, #tpu.memory_space<hbm>>
    tpu.enqueue_dma source(%dma_start3A_155 : memref<80x128xf32, #tpu.memory_space<hbm>>) target(%arg16 : memref<80x128xf32, #tpu.memory_space<vmem>>) target_semaphore(%dma_start3A_153 : memref<!tpu.dma_semaphore, #tpu.memory_space<semaphore_mem>>)
    %dma_start3A_156 = arith.constant 1 : i32
    %dma_start3A_157 = arith.constant 1 : i32
    %dma_start3A_158 = arith.constant 0 : i32
    %dma_start3A_159 = tpu.memref_slice %arg2[%add3A, %dma_start3A_156, %dma_start3A_158] : memref<32x125x80xi32, #tpu.memory_space<hbm>> -> memref<1x1x80xi32, #tpu.memory_space<hbm>>
    %dma_start3A_160 = tpu.memref_squeeze %dma_start3A_159 : memref<1x1x80xi32, #tpu.memory_space<hbm>> -> memref<80xi32, #tpu.memory_space<hbm>>
    %dma_start3A_161 = tpu.memref_slice %arg20[%dma_start3A_157] : memref<4x!tpu.dma_semaphore, #tpu.memory_space<semaphore_mem>> -> memref<1x!tpu.dma_semaphore, #tpu.memory_space<semaphore_mem>>
    %dma_start3A_162 = tpu.memref_squeeze %dma_start3A_161 : memref<1x!tpu.dma_semaphore, #tpu.memory_space<semaphore_mem>> -> memref<!tpu.dma_semaphore, #tpu.memory_space<semaphore_mem>>
    %dma_start3A_163 = arith.constant 0 : i32
    %dma_start3A_164 = tpu.memref_slice %arg2[%add3A, %dma_start3A_156, %dma_start3A_163] : memref<32x125x80xi32, #tpu.memory_space<hbm>> -> memref<1x1x80xi32, #tpu.memory_space<hbm>>
    %dma_start3A_165 = tpu.memref_squeeze %dma_start3A_164 : memref<1x1x80xi32, #tpu.memory_space<hbm>> -> memref<80xi32, #tpu.memory_space<hbm>>
    tpu.enqueue_dma source(%dma_start3A_165 : memref<80xi32, #tpu.memory_space<hbm>>) target(%arg8 : memref<80xi32, #tpu.memory_space<vmem>>) target_semaphore(%dma_start3A_162 : memref<!tpu.dma_semaphore, #tpu.memory_space<semaphore_mem>>)
    %dma_start3A_166 = arith.constant 1 : i32
    %dma_start3A_167 = arith.constant 1 : i32
    %dma_start3A_168 = arith.constant 0 : i32
    %dma_start3A_169 = tpu.memref_slice %arg3[%add3A, %dma_start3A_166, %dma_start3A_168] : memref<32x125x80xi32, #tpu.memory_space<hbm>> -> memref<1x1x80xi32, #tpu.memory_space<hbm>>
    %dma_start3A_170 = tpu.memref_squeeze %dma_start3A_169 : memref<1x1x80xi32, #tpu.memory_space<hbm>> -> memref<80xi32, #tpu.memory_space<hbm>>
    %dma_start3A_171 = tpu.memref_slice %arg20[%dma_start3A_167] : memref<4x!tpu.dma_semaphore, #tpu.memory_space<semaphore_mem>> -> memref<1x!tpu.dma_semaphore, #tpu.memory_space<semaphore_mem>>
    %dma_start3A_172 = tpu.memref_squeeze %dma_start3A_171 : memref<1x!tpu.dma_semaphore, #tpu.memory_space<semaphore_mem>> -> memref<!tpu.dma_semaphore, #tpu.memory_space<semaphore_mem>>
    %dma_start3A_173 = arith.constant 0 : i32
    %dma_start3A_174 = tpu.memref_slice %arg3[%add3A, %dma_start3A_166, %dma_start3A_173] : memref<32x125x80xi32, #tpu.memory_space<hbm>> -> memref<1x1x80xi32, #tpu.memory_space<hbm>>
    %dma_start3A_175 = tpu.memref_squeeze %dma_start3A_174 : memref<1x1x80xi32, #tpu.memory_space<hbm>> -> memref<80xi32, #tpu.memory_space<hbm>>
    tpu.enqueue_dma source(%dma_start3A_175 : memref<80xi32, #tpu.memory_space<hbm>>) target(%arg12 : memref<80xi32, #tpu.memory_space<vmem>>) target_semaphore(%dma_start3A_172 : memref<!tpu.dma_semaphore, #tpu.memory_space<semaphore_mem>>)
    %dma_wait3A = arith.constant 0 : i32
    %dma_wait3A_176 = arith.constant 0 : i32
    %dma_wait3A_177 = tpu.memref_slice %arg4[%mul3A_118, %dma_wait3A_176] : memref<320000x128xf32, #tpu.memory_space<hbm>> -> memref<80x128xf32, #tpu.memory_space<hbm>>
    %dma_wait3A_178 = tpu.memref_slice %arg20[%dma_wait3A] : memref<4x!tpu.dma_semaphore, #tpu.memory_space<semaphore_mem>> -> memref<1x!tpu.dma_semaphore, #tpu.memory_space<semaphore_mem>>
    %dma_wait3A_179 = tpu.memref_squeeze %dma_wait3A_178 : memref<1x!tpu.dma_semaphore, #tpu.memory_space<semaphore_mem>> -> memref<!tpu.dma_semaphore, #tpu.memory_space<semaphore_mem>>
    %dma_wait3A_180 = arith.constant 0 : i32
    %dma_wait3A_181 = tpu.memref_slice %arg4[%mul3A_118, %dma_wait3A_180] : memref<320000x128xf32, #tpu.memory_space<hbm>> -> memref<80x128xf32, #tpu.memory_space<hbm>>
    tpu.wait_dma2 semaphore(%dma_wait3A_179 : memref<!tpu.dma_semaphore, #tpu.memory_space<semaphore_mem>>) src(%dma_wait3A_181 : memref<80x128xf32, #tpu.memory_space<hbm>>) dst(%arg15 : memref<80x128xf32, #tpu.memory_space<vmem>>)
    %dma_wait3A_182 = arith.constant 0 : i32
    %dma_wait3A_183 = arith.constant 0 : i32
    %dma_wait3A_184 = arith.constant 0 : i32
    %dma_wait3A_185 = tpu.memref_slice %arg2[%add3A, %dma_wait3A_182, %dma_wait3A_184] : memref<32x125x80xi32, #tpu.memory_space<hbm>> -> memref<1x1x80xi32, #tpu.memory_space<hbm>>
    %dma_wait3A_186 = tpu.memref_squeeze %dma_wait3A_185 : memref<1x1x80xi32, #tpu.memory_space<hbm>> -> memref<80xi32, #tpu.memory_space<hbm>>
    %dma_wait3A_187 = tpu.memref_slice %arg20[%dma_wait3A_183] : memref<4x!tpu.dma_semaphore, #tpu.memory_space<semaphore_mem>> -> memref<1x!tpu.dma_semaphore, #tpu.memory_space<semaphore_mem>>
    %dma_wait3A_188 = tpu.memref_squeeze %dma_wait3A_187 : memref<1x!tpu.dma_semaphore, #tpu.memory_space<semaphore_mem>> -> memref<!tpu.dma_semaphore, #tpu.memory_space<semaphore_mem>>
    %dma_wait3A_189 = arith.constant 0 : i32
    %dma_wait3A_190 = tpu.memref_slice %arg2[%add3A, %dma_wait3A_182, %dma_wait3A_189] : memref<32x125x80xi32, #tpu.memory_space<hbm>> -> memref<1x1x80xi32, #tpu.memory_space<hbm>>
    %dma_wait3A_191 = tpu.memref_squeeze %dma_wait3A_190 : memref<1x1x80xi32, #tpu.memory_space<hbm>> -> memref<80xi32, #tpu.memory_space<hbm>>
    tpu.wait_dma2 semaphore(%dma_wait3A_188 : memref<!tpu.dma_semaphore, #tpu.memory_space<semaphore_mem>>) src(%dma_wait3A_191 : memref<80xi32, #tpu.memory_space<hbm>>) dst(%arg7 : memref<80xi32, #tpu.memory_space<vmem>>)
    %dma_wait3A_192 = arith.constant 0 : i32
    %dma_wait3A_193 = arith.constant 0 : i32
    %dma_wait3A_194 = arith.constant 0 : i32
    %dma_wait3A_195 = tpu.memref_slice %arg3[%add3A, %dma_wait3A_192, %dma_wait3A_194] : memref<32x125x80xi32, #tpu.memory_space<hbm>> -> memref<1x1x80xi32, #tpu.memory_space<hbm>>
    %dma_wait3A_196 = tpu.memref_squeeze %dma_wait3A_195 : memref<1x1x80xi32, #tpu.memory_space<hbm>> -> memref<80xi32, #tpu.memory_space<hbm>>
    %dma_wait3A_197 = tpu.memref_slice %arg20[%dma_wait3A_193] : memref<4x!tpu.dma_semaphore, #tpu.memory_space<semaphore_mem>> -> memref<1x!tpu.dma_semaphore, #tpu.memory_space<semaphore_mem>>
    %dma_wait3A_198 = tpu.memref_squeeze %dma_wait3A_197 : memref<1x!tpu.dma_semaphore, #tpu.memory_space<semaphore_mem>> -> memref<!tpu.dma_semaphore, #tpu.memory_space<semaphore_mem>>
    %dma_wait3A_199 = arith.constant 0 : i32
    %dma_wait3A_200 = tpu.memref_slice %arg3[%add3A, %dma_wait3A_192, %dma_wait3A_199] : memref<32x125x80xi32, #tpu.memory_space<hbm>> -> memref<1x1x80xi32, #tpu.memory_space<hbm>>
    %dma_wait3A_201 = tpu.memref_squeeze %dma_wait3A_200 : memref<1x1x80xi32, #tpu.memory_space<hbm>> -> memref<80xi32, #tpu.memory_space<hbm>>
    tpu.wait_dma2 semaphore(%dma_wait3A_198 : memref<!tpu.dma_semaphore, #tpu.memory_space<semaphore_mem>>) src(%dma_wait3A_201 : memref<80xi32, #tpu.memory_space<hbm>>) dst(%arg11 : memref<80xi32, #tpu.memory_space<vmem>>)
    %dma_start3A_202 = arith.constant 0 : i32
    %dma_start3A_203 = arith.constant 0 : i32
    %dma_start3A_204 = arith.constant 0 : i32
    %dma_start3A_205 = tpu.memref_slice %arg5[%dma_start3A_203, %dma_start3A_204] : memref<10000x128xf32, #tpu.memory_space<hbm>> -> memref<10000x128xf32, #tpu.memory_space<hbm>>
    %dma_start3A_206 = tpu.memref_slice %arg21[%dma_start3A_202] : memref<4x!tpu.dma_semaphore, #tpu.memory_space<semaphore_mem>> -> memref<1x!tpu.dma_semaphore, #tpu.memory_space<semaphore_mem>>
    %dma_start3A_207 = tpu.memref_squeeze %dma_start3A_206 : memref<1x!tpu.dma_semaphore, #tpu.memory_space<semaphore_mem>> -> memref<!tpu.dma_semaphore, #tpu.memory_space<semaphore_mem>>
    tpu.enqueue_indirect_dma source(%dma_start3A_205 : memref<10000x128xf32, #tpu.memory_space<hbm>>) target(%arg15 : memref<80x128xf32, #tpu.memory_space<vmem>>) offsets(%arg7 : memref<80xi32, #tpu.memory_space<vmem>>) semaphore(%dma_start3A_207 : memref<!tpu.dma_semaphore, #tpu.memory_space<semaphore_mem>>) {add = true}
    %add3A_208 = arith.constant 160 : i32
    %add3A_209 = arith.addi %mul3A_118, %add3A_208 : i32
    %dma_start3A_210 = arith.constant 2 : i32
    %dma_start3A_211 = arith.constant 0 : i32
    %dma_start3A_212 = tpu.memref_slice %arg4[%add3A_209, %dma_start3A_211] : memref<320000x128xf32, #tpu.memory_space<hbm>> -> memref<80x128xf32, #tpu.memory_space<hbm>>
    %dma_start3A_213 = tpu.memref_slice %arg20[%dma_start3A_210] : memref<4x!tpu.dma_semaphore, #tpu.memory_space<semaphore_mem>> -> memref<1x!tpu.dma_semaphore, #tpu.memory_space<semaphore_mem>>
    %dma_start3A_214 = tpu.memref_squeeze %dma_start3A_213 : memref<1x!tpu.dma_semaphore, #tpu.memory_space<semaphore_mem>> -> memref<!tpu.dma_semaphore, #tpu.memory_space<semaphore_mem>>
    %dma_start3A_215 = arith.constant 0 : i32
    %dma_start3A_216 = tpu.memref_slice %arg4[%add3A_209, %dma_start3A_215] : memref<320000x128xf32, #tpu.memory_space<hbm>> -> memref<80x128xf32, #tpu.memory_space<hbm>>
    tpu.enqueue_dma source(%dma_start3A_216 : memref<80x128xf32, #tpu.memory_space<hbm>>) target(%arg17 : memref<80x128xf32, #tpu.memory_space<vmem>>) target_semaphore(%dma_start3A_214 : memref<!tpu.dma_semaphore, #tpu.memory_space<semaphore_mem>>)
    %dma_start3A_217 = arith.constant 2 : i32
    %dma_start3A_218 = arith.constant 2 : i32
    %dma_start3A_219 = arith.constant 0 : i32
    %dma_start3A_220 = tpu.memref_slice %arg2[%add3A, %dma_start3A_217, %dma_start3A_219] : memref<32x125x80xi32, #tpu.memory_space<hbm>> -> memref<1x1x80xi32, #tpu.memory_space<hbm>>
    %dma_start3A_221 = tpu.memref_squeeze %dma_start3A_220 : memref<1x1x80xi32, #tpu.memory_space<hbm>> -> memref<80xi32, #tpu.memory_space<hbm>>
    %dma_start3A_222 = tpu.memref_slice %arg20[%dma_start3A_218] : memref<4x!tpu.dma_semaphore, #tpu.memory_space<semaphore_mem>> -> memref<1x!tpu.dma_semaphore, #tpu.memory_space<semaphore_mem>>
    %dma_start3A_223 = tpu.memref_squeeze %dma_start3A_222 : memref<1x!tpu.dma_semaphore, #tpu.memory_space<semaphore_mem>> -> memref<!tpu.dma_semaphore, #tpu.memory_space<semaphore_mem>>
    %dma_start3A_224 = arith.constant 0 : i32
    %dma_start3A_225 = tpu.memref_slice %arg2[%add3A, %dma_start3A_217, %dma_start3A_224] : memref<32x125x80xi32, #tpu.memory_space<hbm>> -> memref<1x1x80xi32, #tpu.memory_space<hbm>>
    %dma_start3A_226 = tpu.memref_squeeze %dma_start3A_225 : memref<1x1x80xi32, #tpu.memory_space<hbm>> -> memref<80xi32, #tpu.memory_space<hbm>>
    tpu.enqueue_dma source(%dma_start3A_226 : memref<80xi32, #tpu.memory_space<hbm>>) target(%arg9 : memref<80xi32, #tpu.memory_space<vmem>>) target_semaphore(%dma_start3A_223 : memref<!tpu.dma_semaphore, #tpu.memory_space<semaphore_mem>>)
    %dma_start3A_227 = arith.constant 2 : i32
    %dma_start3A_228 = arith.constant 2 : i32
    %dma_start3A_229 = arith.constant 0 : i32
    %dma_start3A_230 = tpu.memref_slice %arg3[%add3A, %dma_start3A_227, %dma_start3A_229] : memref<32x125x80xi32, #tpu.memory_space<hbm>> -> memref<1x1x80xi32, #tpu.memory_space<hbm>>
    %dma_start3A_231 = tpu.memref_squeeze %dma_start3A_230 : memref<1x1x80xi32, #tpu.memory_space<hbm>> -> memref<80xi32, #tpu.memory_space<hbm>>
    %dma_start3A_232 = tpu.memref_slice %arg20[%dma_start3A_228] : memref<4x!tpu.dma_semaphore, #tpu.memory_space<semaphore_mem>> -> memref<1x!tpu.dma_semaphore, #tpu.memory_space<semaphore_mem>>
    %dma_start3A_233 = tpu.memref_squeeze %dma_start3A_232 : memref<1x!tpu.dma_semaphore, #tpu.memory_space<semaphore_mem>> -> memref<!tpu.dma_semaphore, #tpu.memory_space<semaphore_mem>>
    %dma_start3A_234 = arith.constant 0 : i32
    %dma_start3A_235 = tpu.memref_slice %arg3[%add3A, %dma_start3A_227, %dma_start3A_234] : memref<32x125x80xi32, #tpu.memory_space<hbm>> -> memref<1x1x80xi32, #tpu.memory_space<hbm>>
    %dma_start3A_236 = tpu.memref_squeeze %dma_start3A_235 : memref<1x1x80xi32, #tpu.memory_space<hbm>> -> memref<80xi32, #tpu.memory_space<hbm>>
    tpu.enqueue_dma source(%dma_start3A_236 : memref<80xi32, #tpu.memory_space<hbm>>) target(%arg13 : memref<80xi32, #tpu.memory_space<vmem>>) target_semaphore(%dma_start3A_233 : memref<!tpu.dma_semaphore, #tpu.memory_space<semaphore_mem>>)
    %dma_wait3A_237 = arith.constant 1 : i32
    %dma_wait3A_238 = arith.constant 0 : i32
    %dma_wait3A_239 = tpu.memref_slice %arg4[%mul3A_118, %dma_wait3A_238] : memref<320000x128xf32, #tpu.memory_space<hbm>> -> memref<80x128xf32, #tpu.memory_space<hbm>>
    %dma_wait3A_240 = tpu.memref_slice %arg20[%dma_wait3A_237] : memref<4x!tpu.dma_semaphore, #tpu.memory_space<semaphore_mem>> -> memref<1x!tpu.dma_semaphore, #tpu.memory_space<semaphore_mem>>
    %dma_wait3A_241 = tpu.memref_squeeze %dma_wait3A_240 : memref<1x!tpu.dma_semaphore, #tpu.memory_space<semaphore_mem>> -> memref<!tpu.dma_semaphore, #tpu.memory_space<semaphore_mem>>
    %dma_wait3A_242 = arith.constant 0 : i32
    %dma_wait3A_243 = tpu.memref_slice %arg4[%mul3A_118, %dma_wait3A_242] : memref<320000x128xf32, #tpu.memory_space<hbm>> -> memref<80x128xf32, #tpu.memory_space<hbm>>
    tpu.wait_dma2 semaphore(%dma_wait3A_241 : memref<!tpu.dma_semaphore, #tpu.memory_space<semaphore_mem>>) src(%dma_wait3A_243 : memref<80x128xf32, #tpu.memory_space<hbm>>) dst(%arg16 : memref<80x128xf32, #tpu.memory_space<vmem>>)
    %dma_wait3A_244 = arith.constant 0 : i32
    %dma_wait3A_245 = arith.constant 1 : i32
    %dma_wait3A_246 = arith.constant 0 : i32
    %dma_wait3A_247 = tpu.memref_slice %arg2[%add3A, %dma_wait3A_244, %dma_wait3A_246] : memref<32x125x80xi32, #tpu.memory_space<hbm>> -> memref<1x1x80xi32, #tpu.memory_space<hbm>>
    %dma_wait3A_248 = tpu.memref_squeeze %dma_wait3A_247 : memref<1x1x80xi32, #tpu.memory_space<hbm>> -> memref<80xi32, #tpu.memory_space<hbm>>
    %dma_wait3A_249 = tpu.memref_slice %arg20[%dma_wait3A_245] : memref<4x!tpu.dma_semaphore, #tpu.memory_space<semaphore_mem>> -> memref<1x!tpu.dma_semaphore, #tpu.memory_space<semaphore_mem>>
    %dma_wait3A_250 = tpu.memref_squeeze %dma_wait3A_249 : memref<1x!tpu.dma_semaphore, #tpu.memory_space<semaphore_mem>> -> memref<!tpu.dma_semaphore, #tpu.memory_space<semaphore_mem>>
    %dma_wait3A_251 = arith.constant 0 : i32
    %dma_wait3A_252 = tpu.memref_slice %arg2[%add3A, %dma_wait3A_244, %dma_wait3A_251] : memref<32x125x80xi32, #tpu.memory_space<hbm>> -> memref<1x1x80xi32, #tpu.memory_space<hbm>>
    %dma_wait3A_253 = tpu.memref_squeeze %dma_wait3A_252 : memref<1x1x80xi32, #tpu.memory_space<hbm>> -> memref<80xi32, #tpu.memory_space<hbm>>
    tpu.wait_dma2 semaphore(%dma_wait3A_250 : memref<!tpu.dma_semaphore, #tpu.memory_space<semaphore_mem>>) src(%dma_wait3A_253 : memref<80xi32, #tpu.memory_space<hbm>>) dst(%arg8 : memref<80xi32, #tpu.memory_space<vmem>>)
    %dma_wait3A_254 = arith.constant 0 : i32
    %dma_wait3A_255 = arith.constant 1 : i32
    %dma_wait3A_256 = arith.constant 0 : i32
    %dma_wait3A_257 = tpu.memref_slice %arg3[%add3A, %dma_wait3A_254, %dma_wait3A_256] : memref<32x125x80xi32, #tpu.memory_space<hbm>> -> memref<1x1x80xi32, #tpu.memory_space<hbm>>
    %dma_wait3A_258 = tpu.memref_squeeze %dma_wait3A_257 : memref<1x1x80xi32, #tpu.memory_space<hbm>> -> memref<80xi32, #tpu.memory_space<hbm>>
    %dma_wait3A_259 = tpu.memref_slice %arg20[%dma_wait3A_255] : memref<4x!tpu.dma_semaphore, #tpu.memory_space<semaphore_mem>> -> memref<1x!tpu.dma_semaphore, #tpu.memory_space<semaphore_mem>>
    %dma_wait3A_260 = tpu.memref_squeeze %dma_wait3A_259 : memref<1x!tpu.dma_semaphore, #tpu.memory_space<semaphore_mem>> -> memref<!tpu.dma_semaphore, #tpu.memory_space<semaphore_mem>>
    %dma_wait3A_261 = arith.constant 0 : i32
    %dma_wait3A_262 = tpu.memref_slice %arg3[%add3A, %dma_wait3A_254, %dma_wait3A_261] : memref<32x125x80xi32, #tpu.memory_space<hbm>> -> memref<1x1x80xi32, #tpu.memory_space<hbm>>
    %dma_wait3A_263 = tpu.memref_squeeze %dma_wait3A_262 : memref<1x1x80xi32, #tpu.memory_space<hbm>> -> memref<80xi32, #tpu.memory_space<hbm>>
    tpu.wait_dma2 semaphore(%dma_wait3A_260 : memref<!tpu.dma_semaphore, #tpu.memory_space<semaphore_mem>>) src(%dma_wait3A_263 : memref<80xi32, #tpu.memory_space<hbm>>) dst(%arg12 : memref<80xi32, #tpu.memory_space<vmem>>)
    %dma_start3A_264 = arith.constant 1 : i32
    %dma_start3A_265 = arith.constant 0 : i32
    %dma_start3A_266 = arith.constant 0 : i32
    %dma_start3A_267 = tpu.memref_slice %arg5[%dma_start3A_265, %dma_start3A_266] : memref<10000x128xf32, #tpu.memory_space<hbm>> -> memref<10000x128xf32, #tpu.memory_space<hbm>>
    %dma_start3A_268 = tpu.memref_slice %arg21[%dma_start3A_264] : memref<4x!tpu.dma_semaphore, #tpu.memory_space<semaphore_mem>> -> memref<1x!tpu.dma_semaphore, #tpu.memory_space<semaphore_mem>>
    %dma_start3A_269 = tpu.memref_squeeze %dma_start3A_268 : memref<1x!tpu.dma_semaphore, #tpu.memory_space<semaphore_mem>> -> memref<!tpu.dma_semaphore, #tpu.memory_space<semaphore_mem>>
    tpu.enqueue_indirect_dma source(%dma_start3A_267 : memref<10000x128xf32, #tpu.memory_space<hbm>>) target(%arg16 : memref<80x128xf32, #tpu.memory_space<vmem>>) offsets(%arg8 : memref<80xi32, #tpu.memory_space<vmem>>) semaphore(%dma_start3A_269 : memref<!tpu.dma_semaphore, #tpu.memory_space<semaphore_mem>>) {add = true}
    %dma_wait3A_270 = arith.constant 0 : i32
    %dma_wait3A_271 = arith.constant 0 : i32
    %dma_wait3A_272 = arith.constant 0 : i32
    %dma_wait3A_273 = tpu.memref_slice %arg5[%dma_wait3A_271, %dma_wait3A_272] : memref<10000x128xf32, #tpu.memory_space<hbm>> -> memref<10000x128xf32, #tpu.memory_space<hbm>>
    %dma_wait3A_274 = tpu.memref_slice %arg21[%dma_wait3A_270] : memref<4x!tpu.dma_semaphore, #tpu.memory_space<semaphore_mem>> -> memref<1x!tpu.dma_semaphore, #tpu.memory_space<semaphore_mem>>
    %dma_wait3A_275 = tpu.memref_squeeze %dma_wait3A_274 : memref<1x!tpu.dma_semaphore, #tpu.memory_space<semaphore_mem>> -> memref<!tpu.dma_semaphore, #tpu.memory_space<semaphore_mem>>
    tpu.wait_indirect_dma semaphore(%dma_wait3A_275 : memref<!tpu.dma_semaphore, #tpu.memory_space<semaphore_mem>>) src(%dma_wait3A_273 : memref<10000x128xf32, #tpu.memory_space<hbm>>) dst(%arg15 : memref<80x128xf32, #tpu.memory_space<vmem>>)
    %scan3A_276 = arith.constant 0 : i32
    %scan3A_277 = arith.constant 80 : i32
    %scan3A_278 = arith.addi %scan3A_276, %scan3A_277 : i32
    %scan3A_279 = arith.constant 1 : i32
    scf.for %scan3A_695 = %scan3A_276 to %scan3A_278 step %scan3A_279  : i32 {
      %get3A = arith.index_cast %scan3A_695 : i32 to index
      %get3A_696 = arith.constant 0 : index
      %get3A_697 = tpu.vector_load %arg15[%get3A, %get3A_696] {strides = array<i32>} : memref<80x128xf32, #tpu.memory_space<vmem>>, vector<1x16xf32>,
      %get3A_698 = vector.shape_cast %get3A_697 : vector<1x16xf32> to vector<16xf32>
      %max3A = arith.constant 0.000000e+00 : f32
      %max3A_699 = vector.broadcast %max3A : f32 to vector<16xf32>
      %max3A_700 = arith.maximumf %get3A_698, %max3A_699 : vector<16xf32>
      %swap3A = arith.index_cast %scan3A_695 : i32 to index
      %swap3A_701 = arith.constant 0 : index
      %swap3A_702 = tpu.vector_load %arg15[%swap3A, %swap3A_701] {strides = array<i32>} : memref<80x128xf32, #tpu.memory_space<vmem>>, vector<1x16xf32>,
      %swap3A_703 = vector.shape_cast %swap3A_702 : vector<1x16xf32> to vector<16xf32>
      %swap3A_704 = vector.shape_cast %max3A_700 : vector<16xf32> to vector<1x16xf32>
      tpu.vector_store %arg15[%swap3A, %swap3A_701], %swap3A_704 {strides = array<i32>} : memref<80x128xf32, #tpu.memory_space<vmem>>, vector<1x16xf32>,
      %get3A_705 = arith.index_cast %scan3A_695 : i32 to index
      %get3A_706 = arith.constant 16 : index
      %get3A_707 = tpu.vector_load %arg15[%get3A_705, %get3A_706] {strides = array<i32>} : memref<80x128xf32, #tpu.memory_space<vmem>>, vector<1x16xf32>,
      %get3A_708 = vector.shape_cast %get3A_707 : vector<1x16xf32> to vector<16xf32>
      %max3A_709 = arith.constant 0.000000e+00 : f32
      %max3A_710 = vector.broadcast %max3A_709 : f32 to vector<16xf32>
      %max3A_711 = arith.maximumf %get3A_708, %max3A_710 : vector<16xf32>
      %swap3A_712 = arith.index_cast %scan3A_695 : i32 to index
      %swap3A_713 = arith.constant 16 : index
      %swap3A_714 = tpu.vector_load %arg15[%swap3A_712, %swap3A_713] {strides = array<i32>} : memref<80x128xf32, #tpu.memory_space<vmem>>, vector<1x16xf32>,
      %swap3A_715 = vector.shape_cast %swap3A_714 : vector<1x16xf32> to vector<16xf32>
      %swap3A_716 = vector.shape_cast %max3A_711 : vector<16xf32> to vector<1x16xf32>
      tpu.vector_store %arg15[%swap3A_712, %swap3A_713], %swap3A_716 {strides = array<i32>} : memref<80x128xf32, #tpu.memory_space<vmem>>, vector<1x16xf32>,
      %get3A_717 = arith.index_cast %scan3A_695 : i32 to index
      %get3A_718 = arith.constant 32 : index
      %get3A_719 = tpu.vector_load %arg15[%get3A_717, %get3A_718] {strides = array<i32>} : memref<80x128xf32, #tpu.memory_space<vmem>>, vector<1x16xf32>,
      %get3A_720 = vector.shape_cast %get3A_719 : vector<1x16xf32> to vector<16xf32>
      %max3A_721 = arith.constant 0.000000e+00 : f32
      %max3A_722 = vector.broadcast %max3A_721 : f32 to vector<16xf32>
      %max3A_723 = arith.maximumf %get3A_720, %max3A_722 : vector<16xf32>
      %swap3A_724 = arith.index_cast %scan3A_695 : i32 to index
      %swap3A_725 = arith.constant 32 : index
      %swap3A_726 = tpu.vector_load %arg15[%swap3A_724, %swap3A_725] {strides = array<i32>} : memref<80x128xf32, #tpu.memory_space<vmem>>, vector<1x16xf32>,
      %swap3A_727 = vector.shape_cast %swap3A_726 : vector<1x16xf32> to vector<16xf32>
      %swap3A_728 = vector.shape_cast %max3A_723 : vector<16xf32> to vector<1x16xf32>
      tpu.vector_store %arg15[%swap3A_724, %swap3A_725], %swap3A_728 {strides = array<i32>} : memref<80x128xf32, #tpu.memory_space<vmem>>, vector<1x16xf32>,
      %get3A_729 = arith.index_cast %scan3A_695 : i32 to index
      %get3A_730 = arith.constant 48 : index
      %get3A_731 = tpu.vector_load %arg15[%get3A_729, %get3A_730] {strides = array<i32>} : memref<80x128xf32, #tpu.memory_space<vmem>>, vector<1x16xf32>,
      %get3A_732 = vector.shape_cast %get3A_731 : vector<1x16xf32> to vector<16xf32>
      %max3A_733 = arith.constant 0.000000e+00 : f32
      %max3A_734 = vector.broadcast %max3A_733 : f32 to vector<16xf32>
      %max3A_735 = arith.maximumf %get3A_732, %max3A_734 : vector<16xf32>
      %swap3A_736 = arith.index_cast %scan3A_695 : i32 to index
      %swap3A_737 = arith.constant 48 : index
      %swap3A_738 = tpu.vector_load %arg15[%swap3A_736, %swap3A_737] {strides = array<i32>} : memref<80x128xf32, #tpu.memory_space<vmem>>, vector<1x16xf32>,
      %swap3A_739 = vector.shape_cast %swap3A_738 : vector<1x16xf32> to vector<16xf32>
      %swap3A_740 = vector.shape_cast %max3A_735 : vector<16xf32> to vector<1x16xf32>
      tpu.vector_store %arg15[%swap3A_736, %swap3A_737], %swap3A_740 {strides = array<i32>} : memref<80x128xf32, #tpu.memory_space<vmem>>, vector<1x16xf32>,
      %get3A_741 = arith.index_cast %scan3A_695 : i32 to index
      %get3A_742 = arith.constant 64 : index
      %get3A_743 = tpu.vector_load %arg15[%get3A_741, %get3A_742] {strides = array<i32>} : memref<80x128xf32, #tpu.memory_space<vmem>>, vector<1x16xf32>,
      %get3A_744 = vector.shape_cast %get3A_743 : vector<1x16xf32> to vector<16xf32>
      %max3A_745 = arith.constant 0.000000e+00 : f32
      %max3A_746 = vector.broadcast %max3A_745 : f32 to vector<16xf32>
      %max3A_747 = arith.maximumf %get3A_744, %max3A_746 : vector<16xf32>
      %swap3A_748 = arith.index_cast %scan3A_695 : i32 to index
      %swap3A_749 = arith.constant 64 : index
      %swap3A_750 = tpu.vector_load %arg15[%swap3A_748, %swap3A_749] {strides = array<i32>} : memref<80x128xf32, #tpu.memory_space<vmem>>, vector<1x16xf32>,
      %swap3A_751 = vector.shape_cast %swap3A_750 : vector<1x16xf32> to vector<16xf32>
      %swap3A_752 = vector.shape_cast %max3A_747 : vector<16xf32> to vector<1x16xf32>
      tpu.vector_store %arg15[%swap3A_748, %swap3A_749], %swap3A_752 {strides = array<i32>} : memref<80x128xf32, #tpu.memory_space<vmem>>, vector<1x16xf32>,
      %get3A_753 = arith.index_cast %scan3A_695 : i32 to index
      %get3A_754 = arith.constant 80 : index
      %get3A_755 = tpu.vector_load %arg15[%get3A_753, %get3A_754] {strides = array<i32>} : memref<80x128xf32, #tpu.memory_space<vmem>>, vector<1x16xf32>,
      %get3A_756 = vector.shape_cast %get3A_755 : vector<1x16xf32> to vector<16xf32>
      %max3A_757 = arith.constant 0.000000e+00 : f32
      %max3A_758 = vector.broadcast %max3A_757 : f32 to vector<16xf32>
      %max3A_759 = arith.maximumf %get3A_756, %max3A_758 : vector<16xf32>
      %swap3A_760 = arith.index_cast %scan3A_695 : i32 to index
      %swap3A_761 = arith.constant 80 : index
      %swap3A_762 = tpu.vector_load %arg15[%swap3A_760, %swap3A_761] {strides = array<i32>} : memref<80x128xf32, #tpu.memory_space<vmem>>, vector<1x16xf32>,
      %swap3A_763 = vector.shape_cast %swap3A_762 : vector<1x16xf32> to vector<16xf32>
      %swap3A_764 = vector.shape_cast %max3A_759 : vector<16xf32> to vector<1x16xf32>
      tpu.vector_store %arg15[%swap3A_760, %swap3A_761], %swap3A_764 {strides = array<i32>} : memref<80x128xf32, #tpu.memory_space<vmem>>, vector<1x16xf32>,
      %get3A_765 = arith.index_cast %scan3A_695 : i32 to index
      %get3A_766 = arith.constant 96 : index
      %get3A_767 = tpu.vector_load %arg15[%get3A_765, %get3A_766] {strides = array<i32>} : memref<80x128xf32, #tpu.memory_space<vmem>>, vector<1x16xf32>,
      %get3A_768 = vector.shape_cast %get3A_767 : vector<1x16xf32> to vector<16xf32>
      %max3A_769 = arith.constant 0.000000e+00 : f32
      %max3A_770 = vector.broadcast %max3A_769 : f32 to vector<16xf32>
      %max3A_771 = arith.maximumf %get3A_768, %max3A_770 : vector<16xf32>
      %swap3A_772 = arith.index_cast %scan3A_695 : i32 to index
      %swap3A_773 = arith.constant 96 : index
      %swap3A_774 = tpu.vector_load %arg15[%swap3A_772, %swap3A_773] {strides = array<i32>} : memref<80x128xf32, #tpu.memory_space<vmem>>, vector<1x16xf32>,
      %swap3A_775 = vector.shape_cast %swap3A_774 : vector<1x16xf32> to vector<16xf32>
      %swap3A_776 = vector.shape_cast %max3A_771 : vector<16xf32> to vector<1x16xf32>
      tpu.vector_store %arg15[%swap3A_772, %swap3A_773], %swap3A_776 {strides = array<i32>} : memref<80x128xf32, #tpu.memory_space<vmem>>, vector<1x16xf32>,
      %get3A_777 = arith.index_cast %scan3A_695 : i32 to index
      %get3A_778 = arith.constant 112 : index
      %get3A_779 = tpu.vector_load %arg15[%get3A_777, %get3A_778] {strides = array<i32>} : memref<80x128xf32, #tpu.memory_space<vmem>>, vector<1x16xf32>,
      %get3A_780 = vector.shape_cast %get3A_779 : vector<1x16xf32> to vector<16xf32>
      %max3A_781 = arith.constant 0.000000e+00 : f32
      %max3A_782 = vector.broadcast %max3A_781 : f32 to vector<16xf32>
      %max3A_783 = arith.maximumf %get3A_780, %max3A_782 : vector<16xf32>
      %swap3A_784 = arith.index_cast %scan3A_695 : i32 to index
      %swap3A_785 = arith.constant 112 : index
      %swap3A_786 = tpu.vector_load %arg15[%swap3A_784, %swap3A_785] {strides = array<i32>} : memref<80x128xf32, #tpu.memory_space<vmem>>, vector<1x16xf32>,
      %swap3A_787 = vector.shape_cast %swap3A_786 : vector<1x16xf32> to vector<16xf32>
      %swap3A_788 = vector.shape_cast %max3A_783 : vector<16xf32> to vector<1x16xf32>
      tpu.vector_store %arg15[%swap3A_784, %swap3A_785], %swap3A_788 {strides = array<i32>} : memref<80x128xf32, #tpu.memory_space<vmem>>, vector<1x16xf32>,
    }
    %scan3A_280 = arith.constant 80 : i32
    %dma_start3A_281 = arith.constant 0 : i32
    %dma_start3A_282 = arith.constant 0 : i32
    %dma_start3A_283 = arith.constant 0 : i32
    %dma_start3A_284 = tpu.memref_slice %arg19[%dma_start3A_282, %dma_start3A_283] : memref<10000x128xf32, #tpu.memory_space<vmem_shared>> -> memref<10000x128xf32, #tpu.memory_space<vmem_shared>>
    %dma_start3A_285 = tpu.memref_slice %arg22[%dma_start3A_281] : memref<4x!tpu.dma_semaphore, #tpu.memory_space<semaphore_mem>> -> memref<1x!tpu.dma_semaphore, #tpu.memory_space<semaphore_mem>>
    %dma_start3A_286 = tpu.memref_squeeze %dma_start3A_285 : memref<1x!tpu.dma_semaphore, #tpu.memory_space<semaphore_mem>> -> memref<!tpu.dma_semaphore, #tpu.memory_space<semaphore_mem>>
    tpu.enqueue_indirect_dma source(%arg15 : memref<80x128xf32, #tpu.memory_space<vmem>>) target(%dma_start3A_284 : memref<10000x128xf32, #tpu.memory_space<vmem_shared>>) offsets(%arg11 : memref<80xi32, #tpu.memory_space<vmem>>) semaphore(%dma_start3A_286 : memref<!tpu.dma_semaphore, #tpu.memory_space<semaphore_mem>>) {add = true}
    %add3A_287 = arith.constant 240 : i32
    %add3A_288 = arith.addi %mul3A_118, %add3A_287 : i32
    %dma_start3A_289 = arith.constant 3 : i32
    %dma_start3A_290 = arith.constant 0 : i32
    %dma_start3A_291 = tpu.memref_slice %arg4[%add3A_288, %dma_start3A_290] : memref<320000x128xf32, #tpu.memory_space<hbm>> -> memref<80x128xf32, #tpu.memory_space<hbm>>
    %dma_start3A_292 = tpu.memref_slice %arg20[%dma_start3A_289] : memref<4x!tpu.dma_semaphore, #tpu.memory_space<semaphore_mem>> -> memref<1x!tpu.dma_semaphore, #tpu.memory_space<semaphore_mem>>
    %dma_start3A_293 = tpu.memref_squeeze %dma_start3A_292 : memref<1x!tpu.dma_semaphore, #tpu.memory_space<semaphore_mem>> -> memref<!tpu.dma_semaphore, #tpu.memory_space<semaphore_mem>>
    %dma_start3A_294 = arith.constant 0 : i32
    %dma_start3A_295 = tpu.memref_slice %arg4[%add3A_288, %dma_start3A_294] : memref<320000x128xf32, #tpu.memory_space<hbm>> -> memref<80x128xf32, #tpu.memory_space<hbm>>
    tpu.enqueue_dma source(%dma_start3A_295 : memref<80x128xf32, #tpu.memory_space<hbm>>) target(%arg18 : memref<80x128xf32, #tpu.memory_space<vmem>>) target_semaphore(%dma_start3A_293 : memref<!tpu.dma_semaphore, #tpu.memory_space<semaphore_mem>>)
    %dma_start3A_296 = arith.constant 3 : i32
    %dma_start3A_297 = arith.constant 3 : i32
    %dma_start3A_298 = arith.constant 0 : i32
    %dma_start3A_299 = tpu.memref_slice %arg2[%add3A, %dma_start3A_296, %dma_start3A_298] : memref<32x125x80xi32, #tpu.memory_space<hbm>> -> memref<1x1x80xi32, #tpu.memory_space<hbm>>
    %dma_start3A_300 = tpu.memref_squeeze %dma_start3A_299 : memref<1x1x80xi32, #tpu.memory_space<hbm>> -> memref<80xi32, #tpu.memory_space<hbm>>
    %dma_start3A_301 = tpu.memref_slice %arg20[%dma_start3A_297] : memref<4x!tpu.dma_semaphore, #tpu.memory_space<semaphore_mem>> -> memref<1x!tpu.dma_semaphore, #tpu.memory_space<semaphore_mem>>
    %dma_start3A_302 = tpu.memref_squeeze %dma_start3A_301 : memref<1x!tpu.dma_semaphore, #tpu.memory_space<semaphore_mem>> -> memref<!tpu.dma_semaphore, #tpu.memory_space<semaphore_mem>>
    %dma_start3A_303 = arith.constant 0 : i32
    %dma_start3A_304 = tpu.memref_slice %arg2[%add3A, %dma_start3A_296, %dma_start3A_303] : memref<32x125x80xi32, #tpu.memory_space<hbm>> -> memref<1x1x80xi32, #tpu.memory_space<hbm>>
    %dma_start3A_305 = tpu.memref_squeeze %dma_start3A_304 : memref<1x1x80xi32, #tpu.memory_space<hbm>> -> memref<80xi32, #tpu.memory_space<hbm>>
    tpu.enqueue_dma source(%dma_start3A_305 : memref<80xi32, #tpu.memory_space<hbm>>) target(%arg10 : memref<80xi32, #tpu.memory_space<vmem>>) target_semaphore(%dma_start3A_302 : memref<!tpu.dma_semaphore, #tpu.memory_space<semaphore_mem>>)
    %dma_start3A_306 = arith.constant 3 : i32
    %dma_start3A_307 = arith.constant 3 : i32
    %dma_start3A_308 = arith.constant 0 : i32
    %dma_start3A_309 = tpu.memref_slice %arg3[%add3A, %dma_start3A_306, %dma_start3A_308] : memref<32x125x80xi32, #tpu.memory_space<hbm>> -> memref<1x1x80xi32, #tpu.memory_space<hbm>>
    %dma_start3A_310 = tpu.memref_squeeze %dma_start3A_309 : memref<1x1x80xi32, #tpu.memory_space<hbm>> -> memref<80xi32, #tpu.memory_space<hbm>>
    %dma_start3A_311 = tpu.memref_slice %arg20[%dma_start3A_307] : memref<4x!tpu.dma_semaphore, #tpu.memory_space<semaphore_mem>> -> memref<1x!tpu.dma_semaphore, #tpu.memory_space<semaphore_mem>>
    %dma_start3A_312 = tpu.memref_squeeze %dma_start3A_311 : memref<1x!tpu.dma_semaphore, #tpu.memory_space<semaphore_mem>> -> memref<!tpu.dma_semaphore, #tpu.memory_space<semaphore_mem>>
    %dma_start3A_313 = arith.constant 0 : i32
    %dma_start3A_314 = tpu.memref_slice %arg3[%add3A, %dma_start3A_306, %dma_start3A_313] : memref<32x125x80xi32, #tpu.memory_space<hbm>> -> memref<1x1x80xi32, #tpu.memory_space<hbm>>
    %dma_start3A_315 = tpu.memref_squeeze %dma_start3A_314 : memref<1x1x80xi32, #tpu.memory_space<hbm>> -> memref<80xi32, #tpu.memory_space<hbm>>
    tpu.enqueue_dma source(%dma_start3A_315 : memref<80xi32, #tpu.memory_space<hbm>>) target(%arg14 : memref<80xi32, #tpu.memory_space<vmem>>) target_semaphore(%dma_start3A_312 : memref<!tpu.dma_semaphore, #tpu.memory_space<semaphore_mem>>)
    %dma_wait3A_316 = arith.constant 2 : i32
    %dma_wait3A_317 = arith.constant 0 : i32
    %dma_wait3A_318 = tpu.memref_slice %arg4[%mul3A_118, %dma_wait3A_317] : memref<320000x128xf32, #tpu.memory_space<hbm>> -> memref<80x128xf32, #tpu.memory_space<hbm>>
    %dma_wait3A_319 = tpu.memref_slice %arg20[%dma_wait3A_316] : memref<4x!tpu.dma_semaphore, #tpu.memory_space<semaphore_mem>> -> memref<1x!tpu.dma_semaphore, #tpu.memory_space<semaphore_mem>>
    %dma_wait3A_320 = tpu.memref_squeeze %dma_wait3A_319 : memref<1x!tpu.dma_semaphore, #tpu.memory_space<semaphore_mem>> -> memref<!tpu.dma_semaphore, #tpu.memory_space<semaphore_mem>>
    %dma_wait3A_321 = arith.constant 0 : i32
    %dma_wait3A_322 = tpu.memref_slice %arg4[%mul3A_118, %dma_wait3A_321] : memref<320000x128xf32, #tpu.memory_space<hbm>> -> memref<80x128xf32, #tpu.memory_space<hbm>>
    tpu.wait_dma2 semaphore(%dma_wait3A_320 : memref<!tpu.dma_semaphore, #tpu.memory_space<semaphore_mem>>) src(%dma_wait3A_322 : memref<80x128xf32, #tpu.memory_space<hbm>>) dst(%arg17 : memref<80x128xf32, #tpu.memory_space<vmem>>)
    %dma_wait3A_323 = arith.constant 0 : i32
    %dma_wait3A_324 = arith.constant 2 : i32
    %dma_wait3A_325 = arith.constant 0 : i32
    %dma_wait3A_326 = tpu.memref_slice %arg2[%add3A, %dma_wait3A_323, %dma_wait3A_325] : memref<32x125x80xi32, #tpu.memory_space<hbm>> -> memref<1x1x80xi32, #tpu.memory_space<hbm>>
    %dma_wait3A_327 = tpu.memref_squeeze %dma_wait3A_326 : memref<1x1x80xi32, #tpu.memory_space<hbm>> -> memref<80xi32, #tpu.memory_space<hbm>>
    %dma_wait3A_328 = tpu.memref_slice %arg20[%dma_wait3A_324] : memref<4x!tpu.dma_semaphore, #tpu.memory_space<semaphore_mem>> -> memref<1x!tpu.dma_semaphore, #tpu.memory_space<semaphore_mem>>
    %dma_wait3A_329 = tpu.memref_squeeze %dma_wait3A_328 : memref<1x!tpu.dma_semaphore, #tpu.memory_space<semaphore_mem>> -> memref<!tpu.dma_semaphore, #tpu.memory_space<semaphore_mem>>
    %dma_wait3A_330 = arith.constant 0 : i32
    %dma_wait3A_331 = tpu.memref_slice %arg2[%add3A, %dma_wait3A_323, %dma_wait3A_330] : memref<32x125x80xi32, #tpu.memory_space<hbm>> -> memref<1x1x80xi32, #tpu.memory_space<hbm>>
    %dma_wait3A_332 = tpu.memref_squeeze %dma_wait3A_331 : memref<1x1x80xi32, #tpu.memory_space<hbm>> -> memref<80xi32, #tpu.memory_space<hbm>>
    tpu.wait_dma2 semaphore(%dma_wait3A_329 : memref<!tpu.dma_semaphore, #tpu.memory_space<semaphore_mem>>) src(%dma_wait3A_332 : memref<80xi32, #tpu.memory_space<hbm>>) dst(%arg9 : memref<80xi32, #tpu.memory_space<vmem>>)
    %dma_wait3A_333 = arith.constant 0 : i32
    %dma_wait3A_334 = arith.constant 2 : i32
    %dma_wait3A_335 = arith.constant 0 : i32
    %dma_wait3A_336 = tpu.memref_slice %arg3[%add3A, %dma_wait3A_333, %dma_wait3A_335] : memref<32x125x80xi32, #tpu.memory_space<hbm>> -> memref<1x1x80xi32, #tpu.memory_space<hbm>>
    %dma_wait3A_337 = tpu.memref_squeeze %dma_wait3A_336 : memref<1x1x80xi32, #tpu.memory_space<hbm>> -> memref<80xi32, #tpu.memory_space<hbm>>
    %dma_wait3A_338 = tpu.memref_slice %arg20[%dma_wait3A_334] : memref<4x!tpu.dma_semaphore, #tpu.memory_space<semaphore_mem>> -> memref<1x!tpu.dma_semaphore, #tpu.memory_space<semaphore_mem>>
    %dma_wait3A_339 = tpu.memref_squeeze %dma_wait3A_338 : memref<1x!tpu.dma_semaphore, #tpu.memory_space<semaphore_mem>> -> memref<!tpu.dma_semaphore, #tpu.memory_space<semaphore_mem>>
    %dma_wait3A_340 = arith.constant 0 : i32
    %dma_wait3A_341 = tpu.memref_slice %arg3[%add3A, %dma_wait3A_333, %dma_wait3A_340] : memref<32x125x80xi32, #tpu.memory_space<hbm>> -> memref<1x1x80xi32, #tpu.memory_space<hbm>>
    %dma_wait3A_342 = tpu.memref_squeeze %dma_wait3A_341 : memref<1x1x80xi32, #tpu.memory_space<hbm>> -> memref<80xi32, #tpu.memory_space<hbm>>
    tpu.wait_dma2 semaphore(%dma_wait3A_339 : memref<!tpu.dma_semaphore, #tpu.memory_space<semaphore_mem>>) src(%dma_wait3A_342 : memref<80xi32, #tpu.memory_space<hbm>>) dst(%arg13 : memref<80xi32, #tpu.memory_space<vmem>>)
    %dma_start3A_343 = arith.constant 2 : i32
    %dma_start3A_344 = arith.constant 0 : i32
    %dma_start3A_345 = arith.constant 0 : i32
    %dma_start3A_346 = tpu.memref_slice %arg5[%dma_start3A_344, %dma_start3A_345] : memref<10000x128xf32, #tpu.memory_space<hbm>> -> memref<10000x128xf32, #tpu.memory_space<hbm>>
    %dma_start3A_347 = tpu.memref_slice %arg21[%dma_start3A_343] : memref<4x!tpu.dma_semaphore, #tpu.memory_space<semaphore_mem>> -> memref<1x!tpu.dma_semaphore, #tpu.memory_space<semaphore_mem>>
    %dma_start3A_348 = tpu.memref_squeeze %dma_start3A_347 : memref<1x!tpu.dma_semaphore, #tpu.memory_space<semaphore_mem>> -> memref<!tpu.dma_semaphore, #tpu.memory_space<semaphore_mem>>
    tpu.enqueue_indirect_dma source(%dma_start3A_346 : memref<10000x128xf32, #tpu.memory_space<hbm>>) target(%arg17 : memref<80x128xf32, #tpu.memory_space<vmem>>) offsets(%arg9 : memref<80xi32, #tpu.memory_space<vmem>>) semaphore(%dma_start3A_348 : memref<!tpu.dma_semaphore, #tpu.memory_space<semaphore_mem>>) {add = true}
    %dma_wait3A_349 = arith.constant 1 : i32
    %dma_wait3A_350 = arith.constant 0 : i32
    %dma_wait3A_351 = arith.constant 0 : i32
    %dma_wait3A_352 = tpu.memref_slice %arg5[%dma_wait3A_350, %dma_wait3A_351] : memref<10000x128xf32, #tpu.memory_space<hbm>> -> memref<10000x128xf32, #tpu.memory_space<hbm>>
    %dma_wait3A_353 = tpu.memref_slice %arg21[%dma_wait3A_349] : memref<4x!tpu.dma_semaphore, #tpu.memory_space<semaphore_mem>> -> memref<1x!tpu.dma_semaphore, #tpu.memory_space<semaphore_mem>>
    %dma_wait3A_354 = tpu.memref_squeeze %dma_wait3A_353 : memref<1x!tpu.dma_semaphore, #tpu.memory_space<semaphore_mem>> -> memref<!tpu.dma_semaphore, #tpu.memory_space<semaphore_mem>>
    tpu.wait_indirect_dma semaphore(%dma_wait3A_354 : memref<!tpu.dma_semaphore, #tpu.memory_space<semaphore_mem>>) src(%dma_wait3A_352 : memref<10000x128xf32, #tpu.memory_space<hbm>>) dst(%arg16 : memref<80x128xf32, #tpu.memory_space<vmem>>)
    %scan3A_355 = arith.constant 0 : i32
    %scan3A_356 = arith.constant 80 : i32
    %scan3A_357 = arith.addi %scan3A_355, %scan3A_356 : i32
    %scan3A_358 = arith.constant 1 : i32
    scf.for %scan3A_695 = %scan3A_355 to %scan3A_357 step %scan3A_358  : i32 {
      %get3A = arith.index_cast %scan3A_695 : i32 to index
      %get3A_696 = arith.constant 0 : index
      %get3A_697 = tpu.vector_load %arg16[%get3A, %get3A_696] {strides = array<i32>} : memref<80x128xf32, #tpu.memory_space<vmem>>, vector<1x16xf32>,
      %get3A_698 = vector.shape_cast %get3A_697 : vector<1x16xf32> to vector<16xf32>
      %max3A = arith.constant 0.000000e+00 : f32
      %max3A_699 = vector.broadcast %max3A : f32 to vector<16xf32>
      %max3A_700 = arith.maximumf %get3A_698, %max3A_699 : vector<16xf32>
      %swap3A = arith.index_cast %scan3A_695 : i32 to index
      %swap3A_701 = arith.constant 0 : index
      %swap3A_702 = tpu.vector_load %arg16[%swap3A, %swap3A_701] {strides = array<i32>} : memref<80x128xf32, #tpu.memory_space<vmem>>, vector<1x16xf32>,
      %swap3A_703 = vector.shape_cast %swap3A_702 : vector<1x16xf32> to vector<16xf32>
      %swap3A_704 = vector.shape_cast %max3A_700 : vector<16xf32> to vector<1x16xf32>
      tpu.vector_store %arg16[%swap3A, %swap3A_701], %swap3A_704 {strides = array<i32>} : memref<80x128xf32, #tpu.memory_space<vmem>>, vector<1x16xf32>,
      %get3A_705 = arith.index_cast %scan3A_695 : i32 to index
      %get3A_706 = arith.constant 16 : index
      %get3A_707 = tpu.vector_load %arg16[%get3A_705, %get3A_706] {strides = array<i32>} : memref<80x128xf32, #tpu.memory_space<vmem>>, vector<1x16xf32>,
      %get3A_708 = vector.shape_cast %get3A_707 : vector<1x16xf32> to vector<16xf32>
      %max3A_709 = arith.constant 0.000000e+00 : f32
      %max3A_710 = vector.broadcast %max3A_709 : f32 to vector<16xf32>
      %max3A_711 = arith.maximumf %get3A_708, %max3A_710 : vector<16xf32>
      %swap3A_712 = arith.index_cast %scan3A_695 : i32 to index
      %swap3A_713 = arith.constant 16 : index
      %swap3A_714 = tpu.vector_load %arg16[%swap3A_712, %swap3A_713] {strides = array<i32>} : memref<80x128xf32, #tpu.memory_space<vmem>>, vector<1x16xf32>,
      %swap3A_715 = vector.shape_cast %swap3A_714 : vector<1x16xf32> to vector<16xf32>
      %swap3A_716 = vector.shape_cast %max3A_711 : vector<16xf32> to vector<1x16xf32>
      tpu.vector_store %arg16[%swap3A_712, %swap3A_713], %swap3A_716 {strides = array<i32>} : memref<80x128xf32, #tpu.memory_space<vmem>>, vector<1x16xf32>,
      %get3A_717 = arith.index_cast %scan3A_695 : i32 to index
      %get3A_718 = arith.constant 32 : index
      %get3A_719 = tpu.vector_load %arg16[%get3A_717, %get3A_718] {strides = array<i32>} : memref<80x128xf32, #tpu.memory_space<vmem>>, vector<1x16xf32>,
      %get3A_720 = vector.shape_cast %get3A_719 : vector<1x16xf32> to vector<16xf32>
      %max3A_721 = arith.constant 0.000000e+00 : f32
      %max3A_722 = vector.broadcast %max3A_721 : f32 to vector<16xf32>
      %max3A_723 = arith.maximumf %get3A_720, %max3A_722 : vector<16xf32>
      %swap3A_724 = arith.index_cast %scan3A_695 : i32 to index
      %swap3A_725 = arith.constant 32 : index
      %swap3A_726 = tpu.vector_load %arg16[%swap3A_724, %swap3A_725] {strides = array<i32>} : memref<80x128xf32, #tpu.memory_space<vmem>>, vector<1x16xf32>,
      %swap3A_727 = vector.shape_cast %swap3A_726 : vector<1x16xf32> to vector<16xf32>
      %swap3A_728 = vector.shape_cast %max3A_723 : vector<16xf32> to vector<1x16xf32>
      tpu.vector_store %arg16[%swap3A_724, %swap3A_725], %swap3A_728 {strides = array<i32>} : memref<80x128xf32, #tpu.memory_space<vmem>>, vector<1x16xf32>,
      %get3A_729 = arith.index_cast %scan3A_695 : i32 to index
      %get3A_730 = arith.constant 48 : index
      %get3A_731 = tpu.vector_load %arg16[%get3A_729, %get3A_730] {strides = array<i32>} : memref<80x128xf32, #tpu.memory_space<vmem>>, vector<1x16xf32>,
      %get3A_732 = vector.shape_cast %get3A_731 : vector<1x16xf32> to vector<16xf32>
      %max3A_733 = arith.constant 0.000000e+00 : f32
      %max3A_734 = vector.broadcast %max3A_733 : f32 to vector<16xf32>
      %max3A_735 = arith.maximumf %get3A_732, %max3A_734 : vector<16xf32>
      %swap3A_736 = arith.index_cast %scan3A_695 : i32 to index
      %swap3A_737 = arith.constant 48 : index
      %swap3A_738 = tpu.vector_load %arg16[%swap3A_736, %swap3A_737] {strides = array<i32>} : memref<80x128xf32, #tpu.memory_space<vmem>>, vector<1x16xf32>,
      %swap3A_739 = vector.shape_cast %swap3A_738 : vector<1x16xf32> to vector<16xf32>
      %swap3A_740 = vector.shape_cast %max3A_735 : vector<16xf32> to vector<1x16xf32>
      tpu.vector_store %arg16[%swap3A_736, %swap3A_737], %swap3A_740 {strides = array<i32>} : memref<80x128xf32, #tpu.memory_space<vmem>>, vector<1x16xf32>,
      %get3A_741 = arith.index_cast %scan3A_695 : i32 to index
      %get3A_742 = arith.constant 64 : index
      %get3A_743 = tpu.vector_load %arg16[%get3A_741, %get3A_742] {strides = array<i32>} : memref<80x128xf32, #tpu.memory_space<vmem>>, vector<1x16xf32>,
      %get3A_744 = vector.shape_cast %get3A_743 : vector<1x16xf32> to vector<16xf32>
      %max3A_745 = arith.constant 0.000000e+00 : f32
      %max3A_746 = vector.broadcast %max3A_745 : f32 to vector<16xf32>
      %max3A_747 = arith.maximumf %get3A_744, %max3A_746 : vector<16xf32>
      %swap3A_748 = arith.index_cast %scan3A_695 : i32 to index
      %swap3A_749 = arith.constant 64 : index
      %swap3A_750 = tpu.vector_load %arg16[%swap3A_748, %swap3A_749] {strides = array<i32>} : memref<80x128xf32, #tpu.memory_space<vmem>>, vector<1x16xf32>,
      %swap3A_751 = vector.shape_cast %swap3A_750 : vector<1x16xf32> to vector<16xf32>
      %swap3A_752 = vector.shape_cast %max3A_747 : vector<16xf32> to vector<1x16xf32>
      tpu.vector_store %arg16[%swap3A_748, %swap3A_749], %swap3A_752 {strides = array<i32>} : memref<80x128xf32, #tpu.memory_space<vmem>>, vector<1x16xf32>,
      %get3A_753 = arith.index_cast %scan3A_695 : i32 to index
      %get3A_754 = arith.constant 80 : index
      %get3A_755 = tpu.vector_load %arg16[%get3A_753, %get3A_754] {strides = array<i32>} : memref<80x128xf32, #tpu.memory_space<vmem>>, vector<1x16xf32>,
      %get3A_756 = vector.shape_cast %get3A_755 : vector<1x16xf32> to vector<16xf32>
      %max3A_757 = arith.constant 0.000000e+00 : f32
      %max3A_758 = vector.broadcast %max3A_757 : f32 to vector<16xf32>
      %max3A_759 = arith.maximumf %get3A_756, %max3A_758 : vector<16xf32>
      %swap3A_760 = arith.index_cast %scan3A_695 : i32 to index
      %swap3A_761 = arith.constant 80 : index
      %swap3A_762 = tpu.vector_load %arg16[%swap3A_760, %swap3A_761] {strides = array<i32>} : memref<80x128xf32, #tpu.memory_space<vmem>>, vector<1x16xf32>,
      %swap3A_763 = vector.shape_cast %swap3A_762 : vector<1x16xf32> to vector<16xf32>
      %swap3A_764 = vector.shape_cast %max3A_759 : vector<16xf32> to vector<1x16xf32>
      tpu.vector_store %arg16[%swap3A_760, %swap3A_761], %swap3A_764 {strides = array<i32>} : memref<80x128xf32, #tpu.memory_space<vmem>>, vector<1x16xf32>,
      %get3A_765 = arith.index_cast %scan3A_695 : i32 to index
      %get3A_766 = arith.constant 96 : index
      %get3A_767 = tpu.vector_load %arg16[%get3A_765, %get3A_766] {strides = array<i32>} : memref<80x128xf32, #tpu.memory_space<vmem>>, vector<1x16xf32>,
      %get3A_768 = vector.shape_cast %get3A_767 : vector<1x16xf32> to vector<16xf32>
      %max3A_769 = arith.constant 0.000000e+00 : f32
      %max3A_770 = vector.broadcast %max3A_769 : f32 to vector<16xf32>
      %max3A_771 = arith.maximumf %get3A_768, %max3A_770 : vector<16xf32>
      %swap3A_772 = arith.index_cast %scan3A_695 : i32 to index
      %swap3A_773 = arith.constant 96 : index
      %swap3A_774 = tpu.vector_load %arg16[%swap3A_772, %swap3A_773] {strides = array<i32>} : memref<80x128xf32, #tpu.memory_space<vmem>>, vector<1x16xf32>,
      %swap3A_775 = vector.shape_cast %swap3A_774 : vector<1x16xf32> to vector<16xf32>
      %swap3A_776 = vector.shape_cast %max3A_771 : vector<16xf32> to vector<1x16xf32>
      tpu.vector_store %arg16[%swap3A_772, %swap3A_773], %swap3A_776 {strides = array<i32>} : memref<80x128xf32, #tpu.memory_space<vmem>>, vector<1x16xf32>,
      %get3A_777 = arith.index_cast %scan3A_695 : i32 to index
      %get3A_778 = arith.constant 112 : index
      %get3A_779 = tpu.vector_load %arg16[%get3A_777, %get3A_778] {strides = array<i32>} : memref<80x128xf32, #tpu.memory_space<vmem>>, vector<1x16xf32>,
      %get3A_780 = vector.shape_cast %get3A_779 : vector<1x16xf32> to vector<16xf32>
      %max3A_781 = arith.constant 0.000000e+00 : f32
      %max3A_782 = vector.broadcast %max3A_781 : f32 to vector<16xf32>
      %max3A_783 = arith.maximumf %get3A_780, %max3A_782 : vector<16xf32>
      %swap3A_784 = arith.index_cast %scan3A_695 : i32 to index
      %swap3A_785 = arith.constant 112 : index
      %swap3A_786 = tpu.vector_load %arg16[%swap3A_784, %swap3A_785] {strides = array<i32>} : memref<80x128xf32, #tpu.memory_space<vmem>>, vector<1x16xf32>,
      %swap3A_787 = vector.shape_cast %swap3A_786 : vector<1x16xf32> to vector<16xf32>
      %swap3A_788 = vector.shape_cast %max3A_783 : vector<16xf32> to vector<1x16xf32>
      tpu.vector_store %arg16[%swap3A_784, %swap3A_785], %swap3A_788 {strides = array<i32>} : memref<80x128xf32, #tpu.memory_space<vmem>>, vector<1x16xf32>,
    }
    %scan3A_359 = arith.constant 80 : i32
    %dma_start3A_360 = arith.constant 1 : i32
    %dma_start3A_361 = arith.constant 0 : i32
    %dma_start3A_362 = arith.constant 0 : i32
    %dma_start3A_363 = tpu.memref_slice %arg19[%dma_start3A_361, %dma_start3A_362] : memref<10000x128xf32, #tpu.memory_space<vmem_shared>> -> memref<10000x128xf32, #tpu.memory_space<vmem_shared>>
    %dma_start3A_364 = tpu.memref_slice %arg22[%dma_start3A_360] : memref<4x!tpu.dma_semaphore, #tpu.memory_space<semaphore_mem>> -> memref<1x!tpu.dma_semaphore, #tpu.memory_space<semaphore_mem>>
    %dma_start3A_365 = tpu.memref_squeeze %dma_start3A_364 : memref<1x!tpu.dma_semaphore, #tpu.memory_space<semaphore_mem>> -> memref<!tpu.dma_semaphore, #tpu.memory_space<semaphore_mem>>
    tpu.enqueue_indirect_dma source(%arg16 : memref<80x128xf32, #tpu.memory_space<vmem>>) target(%dma_start3A_363 : memref<10000x128xf32, #tpu.memory_space<vmem_shared>>) offsets(%arg12 : memref<80xi32, #tpu.memory_space<vmem>>) semaphore(%dma_start3A_365 : memref<!tpu.dma_semaphore, #tpu.memory_space<semaphore_mem>>) {add = true}
    %dma_wait3A_366 = arith.constant 0 : i32
    %dma_wait3A_367 = arith.constant 0 : i32
    %dma_wait3A_368 = arith.constant 0 : i32
    %dma_wait3A_369 = tpu.memref_slice %arg19[%dma_wait3A_367, %dma_wait3A_368] : memref<10000x128xf32, #tpu.memory_space<vmem_shared>> -> memref<10000x128xf32, #tpu.memory_space<vmem_shared>>
    %dma_wait3A_370 = tpu.memref_slice %arg22[%dma_wait3A_366] : memref<4x!tpu.dma_semaphore, #tpu.memory_space<semaphore_mem>> -> memref<1x!tpu.dma_semaphore, #tpu.memory_space<semaphore_mem>>
    %dma_wait3A_371 = tpu.memref_squeeze %dma_wait3A_370 : memref<1x!tpu.dma_semaphore, #tpu.memory_space<semaphore_mem>> -> memref<!tpu.dma_semaphore, #tpu.memory_space<semaphore_mem>>
    tpu.wait_indirect_dma semaphore(%dma_wait3A_371 : memref<!tpu.dma_semaphore, #tpu.memory_space<semaphore_mem>>) src(%arg15 : memref<80x128xf32, #tpu.memory_space<vmem>>) dst(%dma_wait3A_369 : memref<10000x128xf32, #tpu.memory_space<vmem_shared>>)
    %add3A_372 = arith.constant 320 : i32
    %add3A_373 = arith.addi %mul3A_118, %add3A_372 : i32
    %dma_start3A_374 = arith.constant 0 : i32
    %dma_start3A_375 = arith.constant 0 : i32
    %dma_start3A_376 = tpu.memref_slice %arg4[%add3A_373, %dma_start3A_375] : memref<320000x128xf32, #tpu.memory_space<hbm>> -> memref<80x128xf32, #tpu.memory_space<hbm>>
    %dma_start3A_377 = tpu.memref_slice %arg20[%dma_start3A_374] : memref<4x!tpu.dma_semaphore, #tpu.memory_space<semaphore_mem>> -> memref<1x!tpu.dma_semaphore, #tpu.memory_space<semaphore_mem>>
    %dma_start3A_378 = tpu.memref_squeeze %dma_start3A_377 : memref<1x!tpu.dma_semaphore, #tpu.memory_space<semaphore_mem>> -> memref<!tpu.dma_semaphore, #tpu.memory_space<semaphore_mem>>
    %dma_start3A_379 = arith.constant 0 : i32
    %dma_start3A_380 = tpu.memref_slice %arg4[%add3A_373, %dma_start3A_379] : memref<320000x128xf32, #tpu.memory_space<hbm>> -> memref<80x128xf32, #tpu.memory_space<hbm>>
    tpu.enqueue_dma source(%dma_start3A_380 : memref<80x128xf32, #tpu.memory_space<hbm>>) target(%arg15 : memref<80x128xf32, #tpu.memory_space<vmem>>) target_semaphore(%dma_start3A_378 : memref<!tpu.dma_semaphore, #tpu.memory_space<semaphore_mem>>)
    %dma_start3A_381 = arith.constant 4 : i32
    %dma_start3A_382 = arith.constant 0 : i32
    %dma_start3A_383 = arith.constant 0 : i32
    %dma_start3A_384 = tpu.memref_slice %arg2[%add3A, %dma_start3A_381, %dma_start3A_383] : memref<32x125x80xi32, #tpu.memory_space<hbm>> -> memref<1x1x80xi32, #tpu.memory_space<hbm>>
    %dma_start3A_385 = tpu.memref_squeeze %dma_start3A_384 : memref<1x1x80xi32, #tpu.memory_space<hbm>> -> memref<80xi32, #tpu.memory_space<hbm>>
    %dma_start3A_386 = tpu.memref_slice %arg20[%dma_start3A_382] : memref<4x!tpu.dma_semaphore, #tpu.memory_space<semaphore_mem>> -> memref<1x!tpu.dma_semaphore, #tpu.memory_space<semaphore_mem>>
    %dma_start3A_387 = tpu.memref_squeeze %dma_start3A_386 : memref<1x!tpu.dma_semaphore, #tpu.memory_space<semaphore_mem>> -> memref<!tpu.dma_semaphore, #tpu.memory_space<semaphore_mem>>
    %dma_start3A_388 = arith.constant 0 : i32
    %dma_start3A_389 = tpu.memref_slice %arg2[%add3A, %dma_start3A_381, %dma_start3A_388] : memref<32x125x80xi32, #tpu.memory_space<hbm>> -> memref<1x1x80xi32, #tpu.memory_space<hbm>>
    %dma_start3A_390 = tpu.memref_squeeze %dma_start3A_389 : memref<1x1x80xi32, #tpu.memory_space<hbm>> -> memref<80xi32, #tpu.memory_space<hbm>>
    tpu.enqueue_dma source(%dma_start3A_390 : memref<80xi32, #tpu.memory_space<hbm>>) target(%arg7 : memref<80xi32, #tpu.memory_space<vmem>>) target_semaphore(%dma_start3A_387 : memref<!tpu.dma_semaphore, #tpu.memory_space<semaphore_mem>>)
    %dma_start3A_391 = arith.constant 4 : i32
    %dma_start3A_392 = arith.constant 0 : i32
    %dma_start3A_393 = arith.constant 0 : i32
    %dma_start3A_394 = tpu.memref_slice %arg3[%add3A, %dma_start3A_391, %dma_start3A_393] : memref<32x125x80xi32, #tpu.memory_space<hbm>> -> memref<1x1x80xi32, #tpu.memory_space<hbm>>
    %dma_start3A_395 = tpu.memref_squeeze %dma_start3A_394 : memref<1x1x80xi32, #tpu.memory_space<hbm>> -> memref<80xi32, #tpu.memory_space<hbm>>
    %dma_start3A_396 = tpu.memref_slice %arg20[%dma_start3A_392] : memref<4x!tpu.dma_semaphore, #tpu.memory_space<semaphore_mem>> -> memref<1x!tpu.dma_semaphore, #tpu.memory_space<semaphore_mem>>
    %dma_start3A_397 = tpu.memref_squeeze %dma_start3A_396 : memref<1x!tpu.dma_semaphore, #tpu.memory_space<semaphore_mem>> -> memref<!tpu.dma_semaphore, #tpu.memory_space<semaphore_mem>>
    %dma_start3A_398 = arith.constant 0 : i32
    %dma_start3A_399 = tpu.memref_slice %arg3[%add3A, %dma_start3A_391, %dma_start3A_398] : memref<32x125x80xi32, #tpu.memory_space<hbm>> -> memref<1x1x80xi32, #tpu.memory_space<hbm>>
    %dma_start3A_400 = tpu.memref_squeeze %dma_start3A_399 : memref<1x1x80xi32, #tpu.memory_space<hbm>> -> memref<80xi32, #tpu.memory_space<hbm>>
    tpu.enqueue_dma source(%dma_start3A_400 : memref<80xi32, #tpu.memory_space<hbm>>) target(%arg11 : memref<80xi32, #tpu.memory_space<vmem>>) target_semaphore(%dma_start3A_397 : memref<!tpu.dma_semaphore, #tpu.memory_space<semaphore_mem>>)
    %dma_wait3A_401 = arith.constant 3 : i32
    %dma_wait3A_402 = arith.constant 0 : i32
    %dma_wait3A_403 = tpu.memref_slice %arg4[%mul3A_118, %dma_wait3A_402] : memref<320000x128xf32, #tpu.memory_space<hbm>> -> memref<80x128xf32, #tpu.memory_space<hbm>>
    %dma_wait3A_404 = tpu.memref_slice %arg20[%dma_wait3A_401] : memref<4x!tpu.dma_semaphore, #tpu.memory_space<semaphore_mem>> -> memref<1x!tpu.dma_semaphore, #tpu.memory_space<semaphore_mem>>
    %dma_wait3A_405 = tpu.memref_squeeze %dma_wait3A_404 : memref<1x!tpu.dma_semaphore, #tpu.memory_space<semaphore_mem>> -> memref<!tpu.dma_semaphore, #tpu.memory_space<semaphore_mem>>
    %dma_wait3A_406 = arith.constant 0 : i32
    %dma_wait3A_407 = tpu.memref_slice %arg4[%mul3A_118, %dma_wait3A_406] : memref<320000x128xf32, #tpu.memory_space<hbm>> -> memref<80x128xf32, #tpu.memory_space<hbm>>
    tpu.wait_dma2 semaphore(%dma_wait3A_405 : memref<!tpu.dma_semaphore, #tpu.memory_space<semaphore_mem>>) src(%dma_wait3A_407 : memref<80x128xf32, #tpu.memory_space<hbm>>) dst(%arg18 : memref<80x128xf32, #tpu.memory_space<vmem>>)
    %dma_wait3A_408 = arith.constant 0 : i32
    %dma_wait3A_409 = arith.constant 3 : i32
    %dma_wait3A_410 = arith.constant 0 : i32
    %dma_wait3A_411 = tpu.memref_slice %arg2[%add3A, %dma_wait3A_408, %dma_wait3A_410] : memref<32x125x80xi32, #tpu.memory_space<hbm>> -> memref<1x1x80xi32, #tpu.memory_space<hbm>>
    %dma_wait3A_412 = tpu.memref_squeeze %dma_wait3A_411 : memref<1x1x80xi32, #tpu.memory_space<hbm>> -> memref<80xi32, #tpu.memory_space<hbm>>
    %dma_wait3A_413 = tpu.memref_slice %arg20[%dma_wait3A_409] : memref<4x!tpu.dma_semaphore, #tpu.memory_space<semaphore_mem>> -> memref<1x!tpu.dma_semaphore, #tpu.memory_space<semaphore_mem>>
    %dma_wait3A_414 = tpu.memref_squeeze %dma_wait3A_413 : memref<1x!tpu.dma_semaphore, #tpu.memory_space<semaphore_mem>> -> memref<!tpu.dma_semaphore, #tpu.memory_space<semaphore_mem>>
    %dma_wait3A_415 = arith.constant 0 : i32
    %dma_wait3A_416 = tpu.memref_slice %arg2[%add3A, %dma_wait3A_408, %dma_wait3A_415] : memref<32x125x80xi32, #tpu.memory_space<hbm>> -> memref<1x1x80xi32, #tpu.memory_space<hbm>>
    %dma_wait3A_417 = tpu.memref_squeeze %dma_wait3A_416 : memref<1x1x80xi32, #tpu.memory_space<hbm>> -> memref<80xi32, #tpu.memory_space<hbm>>
    tpu.wait_dma2 semaphore(%dma_wait3A_414 : memref<!tpu.dma_semaphore, #tpu.memory_space<semaphore_mem>>) src(%dma_wait3A_417 : memref<80xi32, #tpu.memory_space<hbm>>) dst(%arg10 : memref<80xi32, #tpu.memory_space<vmem>>)
    %dma_wait3A_418 = arith.constant 0 : i32
    %dma_wait3A_419 = arith.constant 3 : i32
    %dma_wait3A_420 = arith.constant 0 : i32
    %dma_wait3A_421 = tpu.memref_slice %arg3[%add3A, %dma_wait3A_418, %dma_wait3A_420] : memref<32x125x80xi32, #tpu.memory_space<hbm>> -> memref<1x1x80xi32, #tpu.memory_space<hbm>>
    %dma_wait3A_422 = tpu.memref_squeeze %dma_wait3A_421 : memref<1x1x80xi32, #tpu.memory_space<hbm>> -> memref<80xi32, #tpu.memory_space<hbm>>
    %dma_wait3A_423 = tpu.memref_slice %arg20[%dma_wait3A_419] : memref<4x!tpu.dma_semaphore, #tpu.memory_space<semaphore_mem>> -> memref<1x!tpu.dma_semaphore, #tpu.memory_space<semaphore_mem>>
    %dma_wait3A_424 = tpu.memref_squeeze %dma_wait3A_423 : memref<1x!tpu.dma_semaphore, #tpu.memory_space<semaphore_mem>> -> memref<!tpu.dma_semaphore, #tpu.memory_space<semaphore_mem>>
    %dma_wait3A_425 = arith.constant 0 : i32
    %dma_wait3A_426 = tpu.memref_slice %arg3[%add3A, %dma_wait3A_418, %dma_wait3A_425] : memref<32x125x80xi32, #tpu.memory_space<hbm>> -> memref<1x1x80xi32, #tpu.memory_space<hbm>>
    %dma_wait3A_427 = tpu.memref_squeeze %dma_wait3A_426 : memref<1x1x80xi32, #tpu.memory_space<hbm>> -> memref<80xi32, #tpu.memory_space<hbm>>
    tpu.wait_dma2 semaphore(%dma_wait3A_424 : memref<!tpu.dma_semaphore, #tpu.memory_space<semaphore_mem>>) src(%dma_wait3A_427 : memref<80xi32, #tpu.memory_space<hbm>>) dst(%arg14 : memref<80xi32, #tpu.memory_space<vmem>>)
    %dma_start3A_428 = arith.constant 3 : i32
    %dma_start3A_429 = arith.constant 0 : i32
    %dma_start3A_430 = arith.constant 0 : i32
    %dma_start3A_431 = tpu.memref_slice %arg5[%dma_start3A_429, %dma_start3A_430] : memref<10000x128xf32, #tpu.memory_space<hbm>> -> memref<10000x128xf32, #tpu.memory_space<hbm>>
    %dma_start3A_432 = tpu.memref_slice %arg21[%dma_start3A_428] : memref<4x!tpu.dma_semaphore, #tpu.memory_space<semaphore_mem>> -> memref<1x!tpu.dma_semaphore, #tpu.memory_space<semaphore_mem>>
    %dma_start3A_433 = tpu.memref_squeeze %dma_start3A_432 : memref<1x!tpu.dma_semaphore, #tpu.memory_space<semaphore_mem>> -> memref<!tpu.dma_semaphore, #tpu.memory_space<semaphore_mem>>
    tpu.enqueue_indirect_dma source(%dma_start3A_431 : memref<10000x128xf32, #tpu.memory_space<hbm>>) target(%arg18 : memref<80x128xf32, #tpu.memory_space<vmem>>) offsets(%arg10 : memref<80xi32, #tpu.memory_space<vmem>>) semaphore(%dma_start3A_433 : memref<!tpu.dma_semaphore, #tpu.memory_space<semaphore_mem>>) {add = true}
    %dma_wait3A_434 = arith.constant 2 : i32
    %dma_wait3A_435 = arith.constant 0 : i32
    %dma_wait3A_436 = arith.constant 0 : i32
    %dma_wait3A_437 = tpu.memref_slice %arg5[%dma_wait3A_435, %dma_wait3A_436] : memref<10000x128xf32, #tpu.memory_space<hbm>> -> memref<10000x128xf32, #tpu.memory_space<hbm>>
    %dma_wait3A_438 = tpu.memref_slice %arg21[%dma_wait3A_434] : memref<4x!tpu.dma_semaphore, #tpu.memory_space<semaphore_mem>> -> memref<1x!tpu.dma_semaphore, #tpu.memory_space<semaphore_mem>>
    %dma_wait3A_439 = tpu.memref_squeeze %dma_wait3A_438 : memref<1x!tpu.dma_semaphore, #tpu.memory_space<semaphore_mem>> -> memref<!tpu.dma_semaphore, #tpu.memory_space<semaphore_mem>>
    tpu.wait_indirect_dma semaphore(%dma_wait3A_439 : memref<!tpu.dma_semaphore, #tpu.memory_space<semaphore_mem>>) src(%dma_wait3A_437 : memref<10000x128xf32, #tpu.memory_space<hbm>>) dst(%arg17 : memref<80x128xf32, #tpu.memory_space<vmem>>)
    %scan3A_440 = arith.constant 0 : i32
    %scan3A_441 = arith.constant 80 : i32
    %scan3A_442 = arith.addi %scan3A_440, %scan3A_441 : i32
    %scan3A_443 = arith.constant 1 : i32
    scf.for %scan3A_695 = %scan3A_440 to %scan3A_442 step %scan3A_443  : i32 {
      %get3A = arith.index_cast %scan3A_695 : i32 to index
      %get3A_696 = arith.constant 0 : index
      %get3A_697 = tpu.vector_load %arg17[%get3A, %get3A_696] {strides = array<i32>} : memref<80x128xf32, #tpu.memory_space<vmem>>, vector<1x16xf32>,
      %get3A_698 = vector.shape_cast %get3A_697 : vector<1x16xf32> to vector<16xf32>
      %max3A = arith.constant 0.000000e+00 : f32
      %max3A_699 = vector.broadcast %max3A : f32 to vector<16xf32>
      %max3A_700 = arith.maximumf %get3A_698, %max3A_699 : vector<16xf32>
      %swap3A = arith.index_cast %scan3A_695 : i32 to index
      %swap3A_701 = arith.constant 0 : index
      %swap3A_702 = tpu.vector_load %arg17[%swap3A, %swap3A_701] {strides = array<i32>} : memref<80x128xf32, #tpu.memory_space<vmem>>, vector<1x16xf32>,
      %swap3A_703 = vector.shape_cast %swap3A_702 : vector<1x16xf32> to vector<16xf32>
      %swap3A_704 = vector.shape_cast %max3A_700 : vector<16xf32> to vector<1x16xf32>
      tpu.vector_store %arg17[%swap3A, %swap3A_701], %swap3A_704 {strides = array<i32>} : memref<80x128xf32, #tpu.memory_space<vmem>>, vector<1x16xf32>,
      %get3A_705 = arith.index_cast %scan3A_695 : i32 to index
      %get3A_706 = arith.constant 16 : index
      %get3A_707 = tpu.vector_load %arg17[%get3A_705, %get3A_706] {strides = array<i32>} : memref<80x128xf32, #tpu.memory_space<vmem>>, vector<1x16xf32>,
      %get3A_708 = vector.shape_cast %get3A_707 : vector<1x16xf32> to vector<16xf32>
      %max3A_709 = arith.constant 0.000000e+00 : f32
      %max3A_710 = vector.broadcast %max3A_709 : f32 to vector<16xf32>
      %max3A_711 = arith.maximumf %get3A_708, %max3A_710 : vector<16xf32>
      %swap3A_712 = arith.index_cast %scan3A_695 : i32 to index
      %swap3A_713 = arith.constant 16 : index
      %swap3A_714 = tpu.vector_load %arg17[%swap3A_712, %swap3A_713] {strides = array<i32>} : memref<80x128xf32, #tpu.memory_space<vmem>>, vector<1x16xf32>,
      %swap3A_715 = vector.shape_cast %swap3A_714 : vector<1x16xf32> to vector<16xf32>
      %swap3A_716 = vector.shape_cast %max3A_711 : vector<16xf32> to vector<1x16xf32>
      tpu.vector_store %arg17[%swap3A_712, %swap3A_713], %swap3A_716 {strides = array<i32>} : memref<80x128xf32, #tpu.memory_space<vmem>>, vector<1x16xf32>,
      %get3A_717 = arith.index_cast %scan3A_695 : i32 to index
      %get3A_718 = arith.constant 32 : index
      %get3A_719 = tpu.vector_load %arg17[%get3A_717, %get3A_718] {strides = array<i32>} : memref<80x128xf32, #tpu.memory_space<vmem>>, vector<1x16xf32>,
      %get3A_720 = vector.shape_cast %get3A_719 : vector<1x16xf32> to vector<16xf32>
      %max3A_721 = arith.constant 0.000000e+00 : f32
      %max3A_722 = vector.broadcast %max3A_721 : f32 to vector<16xf32>
      %max3A_723 = arith.maximumf %get3A_720, %max3A_722 : vector<16xf32>
      %swap3A_724 = arith.index_cast %scan3A_695 : i32 to index
      %swap3A_725 = arith.constant 32 : index
      %swap3A_726 = tpu.vector_load %arg17[%swap3A_724, %swap3A_725] {strides = array<i32>} : memref<80x128xf32, #tpu.memory_space<vmem>>, vector<1x16xf32>,
      %swap3A_727 = vector.shape_cast %swap3A_726 : vector<1x16xf32> to vector<16xf32>
      %swap3A_728 = vector.shape_cast %max3A_723 : vector<16xf32> to vector<1x16xf32>
      tpu.vector_store %arg17[%swap3A_724, %swap3A_725], %swap3A_728 {strides = array<i32>} : memref<80x128xf32, #tpu.memory_space<vmem>>, vector<1x16xf32>,
      %get3A_729 = arith.index_cast %scan3A_695 : i32 to index
      %get3A_730 = arith.constant 48 : index
      %get3A_731 = tpu.vector_load %arg17[%get3A_729, %get3A_730] {strides = array<i32>} : memref<80x128xf32, #tpu.memory_space<vmem>>, vector<1x16xf32>,
      %get3A_732 = vector.shape_cast %get3A_731 : vector<1x16xf32> to vector<16xf32>
      %max3A_733 = arith.constant 0.000000e+00 : f32
      %max3A_734 = vector.broadcast %max3A_733 : f32 to vector<16xf32>
      %max3A_735 = arith.maximumf %get3A_732, %max3A_734 : vector<16xf32>
      %swap3A_736 = arith.index_cast %scan3A_695 : i32 to index
      %swap3A_737 = arith.constant 48 : index
      %swap3A_738 = tpu.vector_load %arg17[%swap3A_736, %swap3A_737] {strides = array<i32>} : memref<80x128xf32, #tpu.memory_space<vmem>>, vector<1x16xf32>,
      %swap3A_739 = vector.shape_cast %swap3A_738 : vector<1x16xf32> to vector<16xf32>
      %swap3A_740 = vector.shape_cast %max3A_735 : vector<16xf32> to vector<1x16xf32>
      tpu.vector_store %arg17[%swap3A_736, %swap3A_737], %swap3A_740 {strides = array<i32>} : memref<80x128xf32, #tpu.memory_space<vmem>>, vector<1x16xf32>,
      %get3A_741 = arith.index_cast %scan3A_695 : i32 to index
      %get3A_742 = arith.constant 64 : index
      %get3A_743 = tpu.vector_load %arg17[%get3A_741, %get3A_742] {strides = array<i32>} : memref<80x128xf32, #tpu.memory_space<vmem>>, vector<1x16xf32>,
      %get3A_744 = vector.shape_cast %get3A_743 : vector<1x16xf32> to vector<16xf32>
      %max3A_745 = arith.constant 0.000000e+00 : f32
      %max3A_746 = vector.broadcast %max3A_745 : f32 to vector<16xf32>
      %max3A_747 = arith.maximumf %get3A_744, %max3A_746 : vector<16xf32>
      %swap3A_748 = arith.index_cast %scan3A_695 : i32 to index
      %swap3A_749 = arith.constant 64 : index
      %swap3A_750 = tpu.vector_load %arg17[%swap3A_748, %swap3A_749] {strides = array<i32>} : memref<80x128xf32, #tpu.memory_space<vmem>>, vector<1x16xf32>,
      %swap3A_751 = vector.shape_cast %swap3A_750 : vector<1x16xf32> to vector<16xf32>
      %swap3A_752 = vector.shape_cast %max3A_747 : vector<16xf32> to vector<1x16xf32>
      tpu.vector_store %arg17[%swap3A_748, %swap3A_749], %swap3A_752 {strides = array<i32>} : memref<80x128xf32, #tpu.memory_space<vmem>>, vector<1x16xf32>,
      %get3A_753 = arith.index_cast %scan3A_695 : i32 to index
      %get3A_754 = arith.constant 80 : index
      %get3A_755 = tpu.vector_load %arg17[%get3A_753, %get3A_754] {strides = array<i32>} : memref<80x128xf32, #tpu.memory_space<vmem>>, vector<1x16xf32>,
      %get3A_756 = vector.shape_cast %get3A_755 : vector<1x16xf32> to vector<16xf32>
      %max3A_757 = arith.constant 0.000000e+00 : f32
      %max3A_758 = vector.broadcast %max3A_757 : f32 to vector<16xf32>
      %max3A_759 = arith.maximumf %get3A_756, %max3A_758 : vector<16xf32>
      %swap3A_760 = arith.index_cast %scan3A_695 : i32 to index
      %swap3A_761 = arith.constant 80 : index
      %swap3A_762 = tpu.vector_load %arg17[%swap3A_760, %swap3A_761] {strides = array<i32>} : memref<80x128xf32, #tpu.memory_space<vmem>>, vector<1x16xf32>,
      %swap3A_763 = vector.shape_cast %swap3A_762 : vector<1x16xf32> to vector<16xf32>
      %swap3A_764 = vector.shape_cast %max3A_759 : vector<16xf32> to vector<1x16xf32>
      tpu.vector_store %arg17[%swap3A_760, %swap3A_761], %swap3A_764 {strides = array<i32>} : memref<80x128xf32, #tpu.memory_space<vmem>>, vector<1x16xf32>,
      %get3A_765 = arith.index_cast %scan3A_695 : i32 to index
      %get3A_766 = arith.constant 96 : index
      %get3A_767 = tpu.vector_load %arg17[%get3A_765, %get3A_766] {strides = array<i32>} : memref<80x128xf32, #tpu.memory_space<vmem>>, vector<1x16xf32>,
      %get3A_768 = vector.shape_cast %get3A_767 : vector<1x16xf32> to vector<16xf32>
      %max3A_769 = arith.constant 0.000000e+00 : f32
      %max3A_770 = vector.broadcast %max3A_769 : f32 to vector<16xf32>
      %max3A_771 = arith.maximumf %get3A_768, %max3A_770 : vector<16xf32>
      %swap3A_772 = arith.index_cast %scan3A_695 : i32 to index
      %swap3A_773 = arith.constant 96 : index
      %swap3A_774 = tpu.vector_load %arg17[%swap3A_772, %swap3A_773] {strides = array<i32>} : memref<80x128xf32, #tpu.memory_space<vmem>>, vector<1x16xf32>,
      %swap3A_775 = vector.shape_cast %swap3A_774 : vector<1x16xf32> to vector<16xf32>
      %swap3A_776 = vector.shape_cast %max3A_771 : vector<16xf32> to vector<1x16xf32>
      tpu.vector_store %arg17[%swap3A_772, %swap3A_773], %swap3A_776 {strides = array<i32>} : memref<80x128xf32, #tpu.memory_space<vmem>>, vector<1x16xf32>,
      %get3A_777 = arith.index_cast %scan3A_695 : i32 to index
      %get3A_778 = arith.constant 112 : index
      %get3A_779 = tpu.vector_load %arg17[%get3A_777, %get3A_778] {strides = array<i32>} : memref<80x128xf32, #tpu.memory_space<vmem>>, vector<1x16xf32>,
      %get3A_780 = vector.shape_cast %get3A_779 : vector<1x16xf32> to vector<16xf32>
      %max3A_781 = arith.constant 0.000000e+00 : f32
      %max3A_782 = vector.broadcast %max3A_781 : f32 to vector<16xf32>
      %max3A_783 = arith.maximumf %get3A_780, %max3A_782 : vector<16xf32>
      %swap3A_784 = arith.index_cast %scan3A_695 : i32 to index
      %swap3A_785 = arith.constant 112 : index
      %swap3A_786 = tpu.vector_load %arg17[%swap3A_784, %swap3A_785] {strides = array<i32>} : memref<80x128xf32, #tpu.memory_space<vmem>>, vector<1x16xf32>,
      %swap3A_787 = vector.shape_cast %swap3A_786 : vector<1x16xf32> to vector<16xf32>
      %swap3A_788 = vector.shape_cast %max3A_783 : vector<16xf32> to vector<1x16xf32>
      tpu.vector_store %arg17[%swap3A_784, %swap3A_785], %swap3A_788 {strides = array<i32>} : memref<80x128xf32, #tpu.memory_space<vmem>>, vector<1x16xf32>,
    }
    %scan3A_444 = arith.constant 80 : i32
    %dma_start3A_445 = arith.constant 2 : i32
    %dma_start3A_446 = arith.constant 0 : i32
    %dma_start3A_447 = arith.constant 0 : i32
    %dma_start3A_448 = tpu.memref_slice %arg19[%dma_start3A_446, %dma_start3A_447] : memref<10000x128xf32, #tpu.memory_space<vmem_shared>> -> memref<10000x128xf32, #tpu.memory_space<vmem_shared>>
    %dma_start3A_449 = tpu.memref_slice %arg22[%dma_start3A_445] : memref<4x!tpu.dma_semaphore, #tpu.memory_space<semaphore_mem>> -> memref<1x!tpu.dma_semaphore, #tpu.memory_space<semaphore_mem>>
    %dma_start3A_450 = tpu.memref_squeeze %dma_start3A_449 : memref<1x!tpu.dma_semaphore, #tpu.memory_space<semaphore_mem>> -> memref<!tpu.dma_semaphore, #tpu.memory_space<semaphore_mem>>
    tpu.enqueue_indirect_dma source(%arg17 : memref<80x128xf32, #tpu.memory_space<vmem>>) target(%dma_start3A_448 : memref<10000x128xf32, #tpu.memory_space<vmem_shared>>) offsets(%arg13 : memref<80xi32, #tpu.memory_space<vmem>>) semaphore(%dma_start3A_450 : memref<!tpu.dma_semaphore, #tpu.memory_space<semaphore_mem>>) {add = true}
    %dma_wait3A_451 = arith.constant 1 : i32
    %dma_wait3A_452 = arith.constant 0 : i32
    %dma_wait3A_453 = arith.constant 0 : i32
    %dma_wait3A_454 = tpu.memref_slice %arg19[%dma_wait3A_452, %dma_wait3A_453] : memref<10000x128xf32, #tpu.memory_space<vmem_shared>> -> memref<10000x128xf32, #tpu.memory_space<vmem_shared>>
    %dma_wait3A_455 = tpu.memref_slice %arg22[%dma_wait3A_451] : memref<4x!tpu.dma_semaphore, #tpu.memory_space<semaphore_mem>> -> memref<1x!tpu.dma_semaphore, #tpu.memory_space<semaphore_mem>>
    %dma_wait3A_456 = tpu.memref_squeeze %dma_wait3A_455 : memref<1x!tpu.dma_semaphore, #tpu.memory_space<semaphore_mem>> -> memref<!tpu.dma_semaphore, #tpu.memory_space<semaphore_mem>>
    tpu.wait_indirect_dma semaphore(%dma_wait3A_456 : memref<!tpu.dma_semaphore, #tpu.memory_space<semaphore_mem>>) src(%arg16 : memref<80x128xf32, #tpu.memory_space<vmem>>) dst(%dma_wait3A_454 : memref<10000x128xf32, #tpu.memory_space<vmem_shared>>)
    %add3A_457 = arith.constant 400 : i32
    %add3A_458 = arith.addi %mul3A_118, %add3A_457 : i32
    %dma_start3A_459 = arith.constant 1 : i32
    %dma_start3A_460 = arith.constant 0 : i32
    %dma_start3A_461 = tpu.memref_slice %arg4[%add3A_458, %dma_start3A_460] : memref<320000x128xf32, #tpu.memory_space<hbm>> -> memref<80x128xf32, #tpu.memory_space<hbm>>
    %dma_start3A_462 = tpu.memref_slice %arg20[%dma_start3A_459] : memref<4x!tpu.dma_semaphore, #tpu.memory_space<semaphore_mem>> -> memref<1x!tpu.dma_semaphore, #tpu.memory_space<semaphore_mem>>
    %dma_start3A_463 = tpu.memref_squeeze %dma_start3A_462 : memref<1x!tpu.dma_semaphore, #tpu.memory_space<semaphore_mem>> -> memref<!tpu.dma_semaphore, #tpu.memory_space<semaphore_mem>>
    %dma_start3A_464 = arith.constant 0 : i32
    %dma_start3A_465 = tpu.memref_slice %arg4[%add3A_458, %dma_start3A_464] : memref<320000x128xf32, #tpu.memory_space<hbm>> -> memref<80x128xf32, #tpu.memory_space<hbm>>
    tpu.enqueue_dma source(%dma_start3A_465 : memref<80x128xf32, #tpu.memory_space<hbm>>) target(%arg16 : memref<80x128xf32, #tpu.memory_space<vmem>>) target_semaphore(%dma_start3A_463 : memref<!tpu.dma_semaphore, #tpu.memory_space<semaphore_mem>>)
    %dma_start3A_466 = arith.constant 5 : i32
    %dma_start3A_467 = arith.constant 1 : i32
    %dma_start3A_468 = arith.constant 0 : i32
    %dma_start3A_469 = tpu.memref_slice %arg2[%add3A, %dma_start3A_466, %dma_start3A_468] : memref<32x125x80xi32, #tpu.memory_space<hbm>> -> memref<1x1x80xi32, #tpu.memory_space<hbm>>
    %dma_start3A_470 = tpu.memref_squeeze %dma_start3A_469 : memref<1x1x80xi32, #tpu.memory_space<hbm>> -> memref<80xi32, #tpu.memory_space<hbm>>
    %dma_start3A_471 = tpu.memref_slice %arg20[%dma_start3A_467] : memref<4x!tpu.dma_semaphore, #tpu.memory_space<semaphore_mem>> -> memref<1x!tpu.dma_semaphore, #tpu.memory_space<semaphore_mem>>
    %dma_start3A_472 = tpu.memref_squeeze %dma_start3A_471 : memref<1x!tpu.dma_semaphore, #tpu.memory_space<semaphore_mem>> -> memref<!tpu.dma_semaphore, #tpu.memory_space<semaphore_mem>>
    %dma_start3A_473 = arith.constant 0 : i32
    %dma_start3A_474 = tpu.memref_slice %arg2[%add3A, %dma_start3A_466, %dma_start3A_473] : memref<32x125x80xi32, #tpu.memory_space<hbm>> -> memref<1x1x80xi32, #tpu.memory_space<hbm>>
    %dma_start3A_475 = tpu.memref_squeeze %dma_start3A_474 : memref<1x1x80xi32, #tpu.memory_space<hbm>> -> memref<80xi32, #tpu.memory_space<hbm>>
    tpu.enqueue_dma source(%dma_start3A_475 : memref<80xi32, #tpu.memory_space<hbm>>) target(%arg8 : memref<80xi32, #tpu.memory_space<vmem>>) target_semaphore(%dma_start3A_472 : memref<!tpu.dma_semaphore, #tpu.memory_space<semaphore_mem>>)
    %dma_start3A_476 = arith.constant 5 : i32
    %dma_start3A_477 = arith.constant 1 : i32
    %dma_start3A_478 = arith.constant 0 : i32
    %dma_start3A_479 = tpu.memref_slice %arg3[%add3A, %dma_start3A_476, %dma_start3A_478] : memref<32x125x80xi32, #tpu.memory_space<hbm>> -> memref<1x1x80xi32, #tpu.memory_space<hbm>>
    %dma_start3A_480 = tpu.memref_squeeze %dma_start3A_479 : memref<1x1x80xi32, #tpu.memory_space<hbm>> -> memref<80xi32, #tpu.memory_space<hbm>>
    %dma_start3A_481 = tpu.memref_slice %arg20[%dma_start3A_477] : memref<4x!tpu.dma_semaphore, #tpu.memory_space<semaphore_mem>> -> memref<1x!tpu.dma_semaphore, #tpu.memory_space<semaphore_mem>>
    %dma_start3A_482 = tpu.memref_squeeze %dma_start3A_481 : memref<1x!tpu.dma_semaphore, #tpu.memory_space<semaphore_mem>> -> memref<!tpu.dma_semaphore, #tpu.memory_space<semaphore_mem>>
    %dma_start3A_483 = arith.constant 0 : i32
    %dma_start3A_484 = tpu.memref_slice %arg3[%add3A, %dma_start3A_476, %dma_start3A_483] : memref<32x125x80xi32, #tpu.memory_space<hbm>> -> memref<1x1x80xi32, #tpu.memory_space<hbm>>
    %dma_start3A_485 = tpu.memref_squeeze %dma_start3A_484 : memref<1x1x80xi32, #tpu.memory_space<hbm>> -> memref<80xi32, #tpu.memory_space<hbm>>
    tpu.enqueue_dma source(%dma_start3A_485 : memref<80xi32, #tpu.memory_space<hbm>>) target(%arg12 : memref<80xi32, #tpu.memory_space<vmem>>) target_semaphore(%dma_start3A_482 : memref<!tpu.dma_semaphore, #tpu.memory_space<semaphore_mem>>)
    %dma_wait3A_486 = arith.constant 0 : i32
    %dma_wait3A_487 = arith.constant 0 : i32
    %dma_wait3A_488 = tpu.memref_slice %arg4[%mul3A_118, %dma_wait3A_487] : memref<320000x128xf32, #tpu.memory_space<hbm>> -> memref<80x128xf32, #tpu.memory_space<hbm>>
    %dma_wait3A_489 = tpu.memref_slice %arg20[%dma_wait3A_486] : memref<4x!tpu.dma_semaphore, #tpu.memory_space<semaphore_mem>> -> memref<1x!tpu.dma_semaphore, #tpu.memory_space<semaphore_mem>>
    %dma_wait3A_490 = tpu.memref_squeeze %dma_wait3A_489 : memref<1x!tpu.dma_semaphore, #tpu.memory_space<semaphore_mem>> -> memref<!tpu.dma_semaphore, #tpu.memory_space<semaphore_mem>>
    %dma_wait3A_491 = arith.constant 0 : i32
    %dma_wait3A_492 = tpu.memref_slice %arg4[%mul3A_118, %dma_wait3A_491] : memref<320000x128xf32, #tpu.memory_space<hbm>> -> memref<80x128xf32, #tpu.memory_space<hbm>>
    tpu.wait_dma2 semaphore(%dma_wait3A_490 : memref<!tpu.dma_semaphore, #tpu.memory_space<semaphore_mem>>) src(%dma_wait3A_492 : memref<80x128xf32, #tpu.memory_space<hbm>>) dst(%arg15 : memref<80x128xf32, #tpu.memory_space<vmem>>)
    %dma_wait3A_493 = arith.constant 0 : i32
    %dma_wait3A_494 = arith.constant 0 : i32
    %dma_wait3A_495 = arith.constant 0 : i32
    %dma_wait3A_496 = tpu.memref_slice %arg2[%add3A, %dma_wait3A_493, %dma_wait3A_495] : memref<32x125x80xi32, #tpu.memory_space<hbm>> -> memref<1x1x80xi32, #tpu.memory_space<hbm>>
    %dma_wait3A_497 = tpu.memref_squeeze %dma_wait3A_496 : memref<1x1x80xi32, #tpu.memory_space<hbm>> -> memref<80xi32, #tpu.memory_space<hbm>>
    %dma_wait3A_498 = tpu.memref_slice %arg20[%dma_wait3A_494] : memref<4x!tpu.dma_semaphore, #tpu.memory_space<semaphore_mem>> -> memref<1x!tpu.dma_semaphore, #tpu.memory_space<semaphore_mem>>
    %dma_wait3A_499 = tpu.memref_squeeze %dma_wait3A_498 : memref<1x!tpu.dma_semaphore, #tpu.memory_space<semaphore_mem>> -> memref<!tpu.dma_semaphore, #tpu.memory_space<semaphore_mem>>
    %dma_wait3A_500 = arith.constant 0 : i32
    %dma_wait3A_501 = tpu.memref_slice %arg2[%add3A, %dma_wait3A_493, %dma_wait3A_500] : memref<32x125x80xi32, #tpu.memory_space<hbm>> -> memref<1x1x80xi32, #tpu.memory_space<hbm>>
    %dma_wait3A_502 = tpu.memref_squeeze %dma_wait3A_501 : memref<1x1x80xi32, #tpu.memory_space<hbm>> -> memref<80xi32, #tpu.memory_space<hbm>>
    tpu.wait_dma2 semaphore(%dma_wait3A_499 : memref<!tpu.dma_semaphore, #tpu.memory_space<semaphore_mem>>) src(%dma_wait3A_502 : memref<80xi32, #tpu.memory_space<hbm>>) dst(%arg7 : memref<80xi32, #tpu.memory_space<vmem>>)
    %dma_wait3A_503 = arith.constant 0 : i32
    %dma_wait3A_504 = arith.constant 0 : i32
    %dma_wait3A_505 = arith.constant 0 : i32
    %dma_wait3A_506 = tpu.memref_slice %arg3[%add3A, %dma_wait3A_503, %dma_wait3A_505] : memref<32x125x80xi32, #tpu.memory_space<hbm>> -> memref<1x1x80xi32, #tpu.memory_space<hbm>>
    %dma_wait3A_507 = tpu.memref_squeeze %dma_wait3A_506 : memref<1x1x80xi32, #tpu.memory_space<hbm>> -> memref<80xi32, #tpu.memory_space<hbm>>
    %dma_wait3A_508 = tpu.memref_slice %arg20[%dma_wait3A_504] : memref<4x!tpu.dma_semaphore, #tpu.memory_space<semaphore_mem>> -> memref<1x!tpu.dma_semaphore, #tpu.memory_space<semaphore_mem>>
    %dma_wait3A_509 = tpu.memref_squeeze %dma_wait3A_508 : memref<1x!tpu.dma_semaphore, #tpu.memory_space<semaphore_mem>> -> memref<!tpu.dma_semaphore, #tpu.memory_space<semaphore_mem>>
    %dma_wait3A_510 = arith.constant 0 : i32
    %dma_wait3A_511 = tpu.memref_slice %arg3[%add3A, %dma_wait3A_503, %dma_wait3A_510] : memref<32x125x80xi32, #tpu.memory_space<hbm>> -> memref<1x1x80xi32, #tpu.memory_space<hbm>>
    %dma_wait3A_512 = tpu.memref_squeeze %dma_wait3A_511 : memref<1x1x80xi32, #tpu.memory_space<hbm>> -> memref<80xi32, #tpu.memory_space<hbm>>
    tpu.wait_dma2 semaphore(%dma_wait3A_509 : memref<!tpu.dma_semaphore, #tpu.memory_space<semaphore_mem>>) src(%dma_wait3A_512 : memref<80xi32, #tpu.memory_space<hbm>>) dst(%arg11 : memref<80xi32, #tpu.memory_space<vmem>>)
    %dma_start3A_513 = arith.constant 0 : i32
    %dma_start3A_514 = arith.constant 0 : i32
    %dma_start3A_515 = arith.constant 0 : i32
    %dma_start3A_516 = tpu.memref_slice %arg5[%dma_start3A_514, %dma_start3A_515] : memref<10000x128xf32, #tpu.memory_space<hbm>> -> memref<10000x128xf32, #tpu.memory_space<hbm>>
    %dma_start3A_517 = tpu.memref_slice %arg21[%dma_start3A_513] : memref<4x!tpu.dma_semaphore, #tpu.memory_space<semaphore_mem>> -> memref<1x!tpu.dma_semaphore, #tpu.memory_space<semaphore_mem>>
    %dma_start3A_518 = tpu.memref_squeeze %dma_start3A_517 : memref<1x!tpu.dma_semaphore, #tpu.memory_space<semaphore_mem>> -> memref<!tpu.dma_semaphore, #tpu.memory_space<semaphore_mem>>
    tpu.enqueue_indirect_dma source(%dma_start3A_516 : memref<10000x128xf32, #tpu.memory_space<hbm>>) target(%arg15 : memref<80x128xf32, #tpu.memory_space<vmem>>) offsets(%arg7 : memref<80xi32, #tpu.memory_space<vmem>>) semaphore(%dma_start3A_518 : memref<!tpu.dma_semaphore, #tpu.memory_space<semaphore_mem>>) {add = true}
    %dma_wait3A_519 = arith.constant 3 : i32
    %dma_wait3A_520 = arith.constant 0 : i32
    %dma_wait3A_521 = arith.constant 0 : i32
    %dma_wait3A_522 = tpu.memref_slice %arg5[%dma_wait3A_520, %dma_wait3A_521] : memref<10000x128xf32, #tpu.memory_space<hbm>> -> memref<10000x128xf32, #tpu.memory_space<hbm>>
    %dma_wait3A_523 = tpu.memref_slice %arg21[%dma_wait3A_519] : memref<4x!tpu.dma_semaphore, #tpu.memory_space<semaphore_mem>> -> memref<1x!tpu.dma_semaphore, #tpu.memory_space<semaphore_mem>>
    %dma_wait3A_524 = tpu.memref_squeeze %dma_wait3A_523 : memref<1x!tpu.dma_semaphore, #tpu.memory_space<semaphore_mem>> -> memref<!tpu.dma_semaphore, #tpu.memory_space<semaphore_mem>>
    tpu.wait_indirect_dma semaphore(%dma_wait3A_524 : memref<!tpu.dma_semaphore, #tpu.memory_space<semaphore_mem>>) src(%dma_wait3A_522 : memref<10000x128xf32, #tpu.memory_space<hbm>>) dst(%arg18 : memref<80x128xf32, #tpu.memory_space<vmem>>)
    %scan3A_525 = arith.constant 0 : i32
    %scan3A_526 = arith.constant 80 : i32
    %scan3A_527 = arith.addi %scan3A_525, %scan3A_526 : i32
    %scan3A_528 = arith.constant 1 : i32
    scf.for %scan3A_695 = %scan3A_525 to %scan3A_527 step %scan3A_528  : i32 {
      %get3A = arith.index_cast %scan3A_695 : i32 to index
      %get3A_696 = arith.constant 0 : index
      %get3A_697 = tpu.vector_load %arg18[%get3A, %get3A_696] {strides = array<i32>} : memref<80x128xf32, #tpu.memory_space<vmem>>, vector<1x16xf32>,
      %get3A_698 = vector.shape_cast %get3A_697 : vector<1x16xf32> to vector<16xf32>
      %max3A = arith.constant 0.000000e+00 : f32
      %max3A_699 = vector.broadcast %max3A : f32 to vector<16xf32>
      %max3A_700 = arith.maximumf %get3A_698, %max3A_699 : vector<16xf32>
      %swap3A = arith.index_cast %scan3A_695 : i32 to index
      %swap3A_701 = arith.constant 0 : index
      %swap3A_702 = tpu.vector_load %arg18[%swap3A, %swap3A_701] {strides = array<i32>} : memref<80x128xf32, #tpu.memory_space<vmem>>, vector<1x16xf32>,
      %swap3A_703 = vector.shape_cast %swap3A_702 : vector<1x16xf32> to vector<16xf32>
      %swap3A_704 = vector.shape_cast %max3A_700 : vector<16xf32> to vector<1x16xf32>
      tpu.vector_store %arg18[%swap3A, %swap3A_701], %swap3A_704 {strides = array<i32>} : memref<80x128xf32, #tpu.memory_space<vmem>>, vector<1x16xf32>,
      %get3A_705 = arith.index_cast %scan3A_695 : i32 to index
      %get3A_706 = arith.constant 16 : index
      %get3A_707 = tpu.vector_load %arg18[%get3A_705, %get3A_706] {strides = array<i32>} : memref<80x128xf32, #tpu.memory_space<vmem>>, vector<1x16xf32>,
      %get3A_708 = vector.shape_cast %get3A_707 : vector<1x16xf32> to vector<16xf32>
      %max3A_709 = arith.constant 0.000000e+00 : f32
      %max3A_710 = vector.broadcast %max3A_709 : f32 to vector<16xf32>
      %max3A_711 = arith.maximumf %get3A_708, %max3A_710 : vector<16xf32>
      %swap3A_712 = arith.index_cast %scan3A_695 : i32 to index
      %swap3A_713 = arith.constant 16 : index
      %swap3A_714 = tpu.vector_load %arg18[%swap3A_712, %swap3A_713] {strides = array<i32>} : memref<80x128xf32, #tpu.memory_space<vmem>>, vector<1x16xf32>,
      %swap3A_715 = vector.shape_cast %swap3A_714 : vector<1x16xf32> to vector<16xf32>
      %swap3A_716 = vector.shape_cast %max3A_711 : vector<16xf32> to vector<1x16xf32>
      tpu.vector_store %arg18[%swap3A_712, %swap3A_713], %swap3A_716 {strides = array<i32>} : memref<80x128xf32, #tpu.memory_space<vmem>>, vector<1x16xf32>,
      %get3A_717 = arith.index_cast %scan3A_695 : i32 to index
      %get3A_718 = arith.constant 32 : index
      %get3A_719 = tpu.vector_load %arg18[%get3A_717, %get3A_718] {strides = array<i32>} : memref<80x128xf32, #tpu.memory_space<vmem>>, vector<1x16xf32>,
      %get3A_720 = vector.shape_cast %get3A_719 : vector<1x16xf32> to vector<16xf32>
      %max3A_721 = arith.constant 0.000000e+00 : f32
      %max3A_722 = vector.broadcast %max3A_721 : f32 to vector<16xf32>
      %max3A_723 = arith.maximumf %get3A_720, %max3A_722 : vector<16xf32>
      %swap3A_724 = arith.index_cast %scan3A_695 : i32 to index
      %swap3A_725 = arith.constant 32 : index
      %swap3A_726 = tpu.vector_load %arg18[%swap3A_724, %swap3A_725] {strides = array<i32>} : memref<80x128xf32, #tpu.memory_space<vmem>>, vector<1x16xf32>,
      %swap3A_727 = vector.shape_cast %swap3A_726 : vector<1x16xf32> to vector<16xf32>
      %swap3A_728 = vector.shape_cast %max3A_723 : vector<16xf32> to vector<1x16xf32>
      tpu.vector_store %arg18[%swap3A_724, %swap3A_725], %swap3A_728 {strides = array<i32>} : memref<80x128xf32, #tpu.memory_space<vmem>>, vector<1x16xf32>,
      %get3A_729 = arith.index_cast %scan3A_695 : i32 to index
      %get3A_730 = arith.constant 48 : index
      %get3A_731 = tpu.vector_load %arg18[%get3A_729, %get3A_730] {strides = array<i32>} : memref<80x128xf32, #tpu.memory_space<vmem>>, vector<1x16xf32>,
      %get3A_732 = vector.shape_cast %get3A_731 : vector<1x16xf32> to vector<16xf32>
      %max3A_733 = arith.constant 0.000000e+00 : f32
      %max3A_734 = vector.broadcast %max3A_733 : f32 to vector<16xf32>
      %max3A_735 = arith.maximumf %get3A_732, %max3A_734 : vector<16xf32>
      %swap3A_736 = arith.index_cast %scan3A_695 : i32 to index
      %swap3A_737 = arith.constant 48 : index
      %swap3A_738 = tpu.vector_load %arg18[%swap3A_736, %swap3A_737] {strides = array<i32>} : memref<80x128xf32, #tpu.memory_space<vmem>>, vector<1x16xf32>,
      %swap3A_739 = vector.shape_cast %swap3A_738 : vector<1x16xf32> to vector<16xf32>
      %swap3A_740 = vector.shape_cast %max3A_735 : vector<16xf32> to vector<1x16xf32>
      tpu.vector_store %arg18[%swap3A_736, %swap3A_737], %swap3A_740 {strides = array<i32>} : memref<80x128xf32, #tpu.memory_space<vmem>>, vector<1x16xf32>,
      %get3A_741 = arith.index_cast %scan3A_695 : i32 to index
      %get3A_742 = arith.constant 64 : index
      %get3A_743 = tpu.vector_load %arg18[%get3A_741, %get3A_742] {strides = array<i32>} : memref<80x128xf32, #tpu.memory_space<vmem>>, vector<1x16xf32>,
      %get3A_744 = vector.shape_cast %get3A_743 : vector<1x16xf32> to vector<16xf32>
      %max3A_745 = arith.constant 0.000000e+00 : f32
      %max3A_746 = vector.broadcast %max3A_745 : f32 to vector<16xf32>
      %max3A_747 = arith.maximumf %get3A_744, %max3A_746 : vector<16xf32>
      %swap3A_748 = arith.index_cast %scan3A_695 : i32 to index
      %swap3A_749 = arith.constant 64 : index
      %swap3A_750 = tpu.vector_load %arg18[%swap3A_748, %swap3A_749] {strides = array<i32>} : memref<80x128xf32, #tpu.memory_space<vmem>>, vector<1x16xf32>,
      %swap3A_751 = vector.shape_cast %swap3A_750 : vector<1x16xf32> to vector<16xf32>
      %swap3A_752 = vector.shape_cast %max3A_747 : vector<16xf32> to vector<1x16xf32>
      tpu.vector_store %arg18[%swap3A_748, %swap3A_749], %swap3A_752 {strides = array<i32>} : memref<80x128xf32, #tpu.memory_space<vmem>>, vector<1x16xf32>,
      %get3A_753 = arith.index_cast %scan3A_695 : i32 to index
      %get3A_754 = arith.constant 80 : index
      %get3A_755 = tpu.vector_load %arg18[%get3A_753, %get3A_754] {strides = array<i32>} : memref<80x128xf32, #tpu.memory_space<vmem>>, vector<1x16xf32>,
      %get3A_756 = vector.shape_cast %get3A_755 : vector<1x16xf32> to vector<16xf32>
      %max3A_757 = arith.constant 0.000000e+00 : f32
      %max3A_758 = vector.broadcast %max3A_757 : f32 to vector<16xf32>
      %max3A_759 = arith.maximumf %get3A_756, %max3A_758 : vector<16xf32>
      %swap3A_760 = arith.index_cast %scan3A_695 : i32 to index
      %swap3A_761 = arith.constant 80 : index
      %swap3A_762 = tpu.vector_load %arg18[%swap3A_760, %swap3A_761] {strides = array<i32>} : memref<80x128xf32, #tpu.memory_space<vmem>>, vector<1x16xf32>,
      %swap3A_763 = vector.shape_cast %swap3A_762 : vector<1x16xf32> to vector<16xf32>
      %swap3A_764 = vector.shape_cast %max3A_759 : vector<16xf32> to vector<1x16xf32>
      tpu.vector_store %arg18[%swap3A_760, %swap3A_761], %swap3A_764 {strides = array<i32>} : memref<80x128xf32, #tpu.memory_space<vmem>>, vector<1x16xf32>,
      %get3A_765 = arith.index_cast %scan3A_695 : i32 to index
      %get3A_766 = arith.constant 96 : index
      %get3A_767 = tpu.vector_load %arg18[%get3A_765, %get3A_766] {strides = array<i32>} : memref<80x128xf32, #tpu.memory_space<vmem>>, vector<1x16xf32>,
      %get3A_768 = vector.shape_cast %get3A_767 : vector<1x16xf32> to vector<16xf32>
      %max3A_769 = arith.constant 0.000000e+00 : f32
      %max3A_770 = vector.broadcast %max3A_769 : f32 to vector<16xf32>
      %max3A_771 = arith.maximumf %get3A_768, %max3A_770 : vector<16xf32>
      %swap3A_772 = arith.index_cast %scan3A_695 : i32 to index
      %swap3A_773 = arith.constant 96 : index
      %swap3A_774 = tpu.vector_load %arg18[%swap3A_772, %swap3A_773] {strides = array<i32>} : memref<80x128xf32, #tpu.memory_space<vmem>>, vector<1x16xf32>,
      %swap3A_775 = vector.shape_cast %swap3A_774 : vector<1x16xf32> to vector<16xf32>
      %swap3A_776 = vector.shape_cast %max3A_771 : vector<16xf32> to vector<1x16xf32>
      tpu.vector_store %arg18[%swap3A_772, %swap3A_773], %swap3A_776 {strides = array<i32>} : memref<80x128xf32, #tpu.memory_space<vmem>>, vector<1x16xf32>,
      %get3A_777 = arith.index_cast %scan3A_695 : i32 to index
      %get3A_778 = arith.constant 112 : index
      %get3A_779 = tpu.vector_load %arg18[%get3A_777, %get3A_778] {strides = array<i32>} : memref<80x128xf32, #tpu.memory_space<vmem>>, vector<1x16xf32>,
      %get3A_780 = vector.shape_cast %get3A_779 : vector<1x16xf32> to vector<16xf32>
      %max3A_781 = arith.constant 0.000000e+00 : f32
      %max3A_782 = vector.broadcast %max3A_781 : f32 to vector<16xf32>
      %max3A_783 = arith.maximumf %get3A_780, %max3A_782 : vector<16xf32>
      %swap3A_784 = arith.index_cast %scan3A_695 : i32 to index
      %swap3A_785 = arith.constant 112 : index
      %swap3A_786 = tpu.vector_load %arg18[%swap3A_784, %swap3A_785] {strides = array<i32>} : memref<80x128xf32, #tpu.memory_space<vmem>>, vector<1x16xf32>,
      %swap3A_787 = vector.shape_cast %swap3A_786 : vector<1x16xf32> to vector<16xf32>
      %swap3A_788 = vector.shape_cast %max3A_783 : vector<16xf32> to vector<1x16xf32>
      tpu.vector_store %arg18[%swap3A_784, %swap3A_785], %swap3A_788 {strides = array<i32>} : memref<80x128xf32, #tpu.memory_space<vmem>>, vector<1x16xf32>,
    }
    %scan3A_529 = arith.constant 80 : i32
    %dma_start3A_530 = arith.constant 3 : i32
    %dma_start3A_531 = arith.constant 0 : i32
    %dma_start3A_532 = arith.constant 0 : i32
    %dma_start3A_533 = tpu.memref_slice %arg19[%dma_start3A_531, %dma_start3A_532] : memref<10000x128xf32, #tpu.memory_space<vmem_shared>> -> memref<10000x128xf32, #tpu.memory_space<vmem_shared>>
    %dma_start3A_534 = tpu.memref_slice %arg22[%dma_start3A_530] : memref<4x!tpu.dma_semaphore, #tpu.memory_space<semaphore_mem>> -> memref<1x!tpu.dma_semaphore, #tpu.memory_space<semaphore_mem>>
    %dma_start3A_535 = tpu.memref_squeeze %dma_start3A_534 : memref<1x!tpu.dma_semaphore, #tpu.memory_space<semaphore_mem>> -> memref<!tpu.dma_semaphore, #tpu.memory_space<semaphore_mem>>
    tpu.enqueue_indirect_dma source(%arg18 : memref<80x128xf32, #tpu.memory_space<vmem>>) target(%dma_start3A_533 : memref<10000x128xf32, #tpu.memory_space<vmem_shared>>) offsets(%arg14 : memref<80xi32, #tpu.memory_space<vmem>>) semaphore(%dma_start3A_535 : memref<!tpu.dma_semaphore, #tpu.memory_space<semaphore_mem>>) {add = true}
    %scan3A_536 = arith.constant 1 : i32
    %scan3A_537 = arith.constant 30 : i32
    %scan3A_538 = arith.addi %scan3A_536, %scan3A_537 : i32
    %scan3A_539 = arith.constant 1 : i32
    scf.for %scan3A_695 = %scan3A_536 to %scan3A_538 step %scan3A_539  : i32 {
      %mul3A_696 = arith.constant 4 : i32
      %mul3A_697 = arith.muli %scan3A_695, %mul3A_696 : i32
      %add3A_698 = arith.constant 0 : i32
      %add3A_699 = arith.addi %mul3A_697, %add3A_698 : i32
      %add3A_700 = arith.constant 2 : i32
      %add3A_701 = arith.addi %add3A_699, %add3A_700 : i32
      %lt3A_702 = arith.constant 125 : i32
      %lt3A_703 = arith.cmpi slt, %add3A_701, %lt3A_702 : i32
      %convert_element_type3A_704 = arith.extui %lt3A_703 : i1 to i32
      %cond3A_705 = arith.constant 0 : i32
      %cond3A_706 = arith.cmpi ne, %convert_element_type3A_704, %cond3A_705 : i32
      scf.if %cond3A_706 {
        %add3A_836 = arith.constant 2 : i32
        %add3A_837 = arith.addi %add3A_699, %add3A_836 : i32
        %dma_wait3A_838 = arith.constant 2 : i32
        %dma_wait3A_839 = arith.constant 0 : i32
        %dma_wait3A_840 = arith.constant 0 : i32
        %dma_wait3A_841 = tpu.memref_slice %arg19[%dma_wait3A_839, %dma_wait3A_840] : memref<10000x128xf32, #tpu.memory_space<vmem_shared>> -> memref<10000x128xf32, #tpu.memory_space<vmem_shared>>
        %dma_wait3A_842 = tpu.memref_slice %arg22[%dma_wait3A_838] : memref<4x!tpu.dma_semaphore, #tpu.memory_space<semaphore_mem>> -> memref<1x!tpu.dma_semaphore, #tpu.memory_space<semaphore_mem>>
        %dma_wait3A_843 = tpu.memref_squeeze %dma_wait3A_842 : memref<1x!tpu.dma_semaphore, #tpu.memory_space<semaphore_mem>> -> memref<!tpu.dma_semaphore, #tpu.memory_space<semaphore_mem>>
        tpu.wait_indirect_dma semaphore(%dma_wait3A_843 : memref<!tpu.dma_semaphore, #tpu.memory_space<semaphore_mem>>) src(%arg17 : memref<80x128xf32, #tpu.memory_space<vmem>>) dst(%dma_wait3A_841 : memref<10000x128xf32, #tpu.memory_space<vmem_shared>>)
        %mul3A_844 = arith.constant 80 : i32
        %mul3A_845 = arith.muli %add3A_837, %mul3A_844 : i32
        %add3A_846 = arith.addi %mul3A_118, %mul3A_845 : i32
        %dma_start3A_847 = arith.constant 2 : i32
        %dma_start3A_848 = arith.constant 0 : i32
        %dma_start3A_849 = tpu.memref_slice %arg4[%add3A_846, %dma_start3A_848] : memref<320000x128xf32, #tpu.memory_space<hbm>> -> memref<80x128xf32, #tpu.memory_space<hbm>>
        %dma_start3A_850 = tpu.memref_slice %arg20[%dma_start3A_847] : memref<4x!tpu.dma_semaphore, #tpu.memory_space<semaphore_mem>> -> memref<1x!tpu.dma_semaphore, #tpu.memory_space<semaphore_mem>>
        %dma_start3A_851 = tpu.memref_squeeze %dma_start3A_850 : memref<1x!tpu.dma_semaphore, #tpu.memory_space<semaphore_mem>> -> memref<!tpu.dma_semaphore, #tpu.memory_space<semaphore_mem>>
        %dma_start3A_852 = arith.constant 0 : i32
        %dma_start3A_853 = tpu.memref_slice %arg4[%add3A_846, %dma_start3A_852] : memref<320000x128xf32, #tpu.memory_space<hbm>> -> memref<80x128xf32, #tpu.memory_space<hbm>>
        tpu.enqueue_dma source(%dma_start3A_853 : memref<80x128xf32, #tpu.memory_space<hbm>>) target(%arg17 : memref<80x128xf32, #tpu.memory_space<vmem>>) target_semaphore(%dma_start3A_851 : memref<!tpu.dma_semaphore, #tpu.memory_space<semaphore_mem>>)
        %dma_start3A_854 = arith.constant 2 : i32
        %dma_start3A_855 = arith.constant 0 : i32
        %dma_start3A_856 = tpu.memref_slice %arg2[%add3A, %add3A_837, %dma_start3A_855] : memref<32x125x80xi32, #tpu.memory_space<hbm>> -> memref<1x1x80xi32, #tpu.memory_space<hbm>>
        %dma_start3A_857 = tpu.memref_squeeze %dma_start3A_856 : memref<1x1x80xi32, #tpu.memory_space<hbm>> -> memref<80xi32, #tpu.memory_space<hbm>>
        %dma_start3A_858 = tpu.memref_slice %arg20[%dma_start3A_854] : memref<4x!tpu.dma_semaphore, #tpu.memory_space<semaphore_mem>> -> memref<1x!tpu.dma_semaphore, #tpu.memory_space<semaphore_mem>>
        %dma_start3A_859 = tpu.memref_squeeze %dma_start3A_858 : memref<1x!tpu.dma_semaphore, #tpu.memory_space<semaphore_mem>> -> memref<!tpu.dma_semaphore, #tpu.memory_space<semaphore_mem>>
        %dma_start3A_860 = arith.constant 0 : i32
        %dma_start3A_861 = tpu.memref_slice %arg2[%add3A, %add3A_837, %dma_start3A_860] : memref<32x125x80xi32, #tpu.memory_space<hbm>> -> memref<1x1x80xi32, #tpu.memory_space<hbm>>
        %dma_start3A_862 = tpu.memref_squeeze %dma_start3A_861 : memref<1x1x80xi32, #tpu.memory_space<hbm>> -> memref<80xi32, #tpu.memory_space<hbm>>
        tpu.enqueue_dma source(%dma_start3A_862 : memref<80xi32, #tpu.memory_space<hbm>>) target(%arg9 : memref<80xi32, #tpu.memory_space<vmem>>) target_semaphore(%dma_start3A_859 : memref<!tpu.dma_semaphore, #tpu.memory_space<semaphore_mem>>)
        %dma_start3A_863 = arith.constant 2 : i32
        %dma_start3A_864 = arith.constant 0 : i32
        %dma_start3A_865 = tpu.memref_slice %arg3[%add3A, %add3A_837, %dma_start3A_864] : memref<32x125x80xi32, #tpu.memory_space<hbm>> -> memref<1x1x80xi32, #tpu.memory_space<hbm>>
        %dma_start3A_866 = tpu.memref_squeeze %dma_start3A_865 : memref<1x1x80xi32, #tpu.memory_space<hbm>> -> memref<80xi32, #tpu.memory_space<hbm>>
        %dma_start3A_867 = tpu.memref_slice %arg20[%dma_start3A_863] : memref<4x!tpu.dma_semaphore, #tpu.memory_space<semaphore_mem>> -> memref<1x!tpu.dma_semaphore, #tpu.memory_space<semaphore_mem>>
        %dma_start3A_868 = tpu.memref_squeeze %dma_start3A_867 : memref<1x!tpu.dma_semaphore, #tpu.memory_space<semaphore_mem>> -> memref<!tpu.dma_semaphore, #tpu.memory_space<semaphore_mem>>
        %dma_start3A_869 = arith.constant 0 : i32
        %dma_start3A_870 = tpu.memref_slice %arg3[%add3A, %add3A_837, %dma_start3A_869] : memref<32x125x80xi32, #tpu.memory_space<hbm>> -> memref<1x1x80xi32, #tpu.memory_space<hbm>>
        %dma_start3A_871 = tpu.memref_squeeze %dma_start3A_870 : memref<1x1x80xi32, #tpu.memory_space<hbm>> -> memref<80xi32, #tpu.memory_space<hbm>>
        tpu.enqueue_dma source(%dma_start3A_871 : memref<80xi32, #tpu.memory_space<hbm>>) target(%arg13 : memref<80xi32, #tpu.memory_space<vmem>>) target_semaphore(%dma_start3A_868 : memref<!tpu.dma_semaphore, #tpu.memory_space<semaphore_mem>>)
      } else {
      }
      %add3A_707 = arith.constant 1 : i32
      %add3A_708 = arith.addi %add3A_699, %add3A_707 : i32
      %lt3A_709 = arith.constant 125 : i32
      %lt3A_710 = arith.cmpi slt, %add3A_708, %lt3A_709 : i32
      %convert_element_type3A_711 = arith.extui %lt3A_710 : i1 to i32
      %cond3A_712 = arith.constant 0 : i32
      %cond3A_713 = arith.cmpi ne, %convert_element_type3A_711, %cond3A_712 : i32
      scf.if %cond3A_713 {
        %dma_wait3A_836 = arith.constant 1 : i32
        %dma_wait3A_837 = arith.constant 0 : i32
        %dma_wait3A_838 = tpu.memref_slice %arg4[%mul3A_118, %dma_wait3A_837] : memref<320000x128xf32, #tpu.memory_space<hbm>> -> memref<80x128xf32, #tpu.memory_space<hbm>>
        %dma_wait3A_839 = tpu.memref_slice %arg20[%dma_wait3A_836] : memref<4x!tpu.dma_semaphore, #tpu.memory_space<semaphore_mem>> -> memref<1x!tpu.dma_semaphore, #tpu.memory_space<semaphore_mem>>
        %dma_wait3A_840 = tpu.memref_squeeze %dma_wait3A_839 : memref<1x!tpu.dma_semaphore, #tpu.memory_space<semaphore_mem>> -> memref<!tpu.dma_semaphore, #tpu.memory_space<semaphore_mem>>
        %dma_wait3A_841 = arith.constant 0 : i32
        %dma_wait3A_842 = tpu.memref_slice %arg4[%mul3A_118, %dma_wait3A_841] : memref<320000x128xf32, #tpu.memory_space<hbm>> -> memref<80x128xf32, #tpu.memory_space<hbm>>
        tpu.wait_dma2 semaphore(%dma_wait3A_840 : memref<!tpu.dma_semaphore, #tpu.memory_space<semaphore_mem>>) src(%dma_wait3A_842 : memref<80x128xf32, #tpu.memory_space<hbm>>) dst(%arg16 : memref<80x128xf32, #tpu.memory_space<vmem>>)
        %dma_wait3A_843 = arith.constant 0 : i32
        %dma_wait3A_844 = arith.constant 1 : i32
        %dma_wait3A_845 = arith.constant 0 : i32
        %dma_wait3A_846 = tpu.memref_slice %arg2[%add3A, %dma_wait3A_843, %dma_wait3A_845] : memref<32x125x80xi32, #tpu.memory_space<hbm>> -> memref<1x1x80xi32, #tpu.memory_space<hbm>>
        %dma_wait3A_847 = tpu.memref_squeeze %dma_wait3A_846 : memref<1x1x80xi32, #tpu.memory_space<hbm>> -> memref<80xi32, #tpu.memory_space<hbm>>
        %dma_wait3A_848 = tpu.memref_slice %arg20[%dma_wait3A_844] : memref<4x!tpu.dma_semaphore, #tpu.memory_space<semaphore_mem>> -> memref<1x!tpu.dma_semaphore, #tpu.memory_space<semaphore_mem>>
        %dma_wait3A_849 = tpu.memref_squeeze %dma_wait3A_848 : memref<1x!tpu.dma_semaphore, #tpu.memory_space<semaphore_mem>> -> memref<!tpu.dma_semaphore, #tpu.memory_space<semaphore_mem>>
        %dma_wait3A_850 = arith.constant 0 : i32
        %dma_wait3A_851 = tpu.memref_slice %arg2[%add3A, %dma_wait3A_843, %dma_wait3A_850] : memref<32x125x80xi32, #tpu.memory_space<hbm>> -> memref<1x1x80xi32, #tpu.memory_space<hbm>>
        %dma_wait3A_852 = tpu.memref_squeeze %dma_wait3A_851 : memref<1x1x80xi32, #tpu.memory_space<hbm>> -> memref<80xi32, #tpu.memory_space<hbm>>
        tpu.wait_dma2 semaphore(%dma_wait3A_849 : memref<!tpu.dma_semaphore, #tpu.memory_space<semaphore_mem>>) src(%dma_wait3A_852 : memref<80xi32, #tpu.memory_space<hbm>>) dst(%arg8 : memref<80xi32, #tpu.memory_space<vmem>>)
        %dma_wait3A_853 = arith.constant 0 : i32
        %dma_wait3A_854 = arith.constant 1 : i32
        %dma_wait3A_855 = arith.constant 0 : i32
        %dma_wait3A_856 = tpu.memref_slice %arg3[%add3A, %dma_wait3A_853, %dma_wait3A_855] : memref<32x125x80xi32, #tpu.memory_space<hbm>> -> memref<1x1x80xi32, #tpu.memory_space<hbm>>
        %dma_wait3A_857 = tpu.memref_squeeze %dma_wait3A_856 : memref<1x1x80xi32, #tpu.memory_space<hbm>> -> memref<80xi32, #tpu.memory_space<hbm>>
        %dma_wait3A_858 = tpu.memref_slice %arg20[%dma_wait3A_854] : memref<4x!tpu.dma_semaphore, #tpu.memory_space<semaphore_mem>> -> memref<1x!tpu.dma_semaphore, #tpu.memory_space<semaphore_mem>>
        %dma_wait3A_859 = tpu.memref_squeeze %dma_wait3A_858 : memref<1x!tpu.dma_semaphore, #tpu.memory_space<semaphore_mem>> -> memref<!tpu.dma_semaphore, #tpu.memory_space<semaphore_mem>>
        %dma_wait3A_860 = arith.constant 0 : i32
        %dma_wait3A_861 = tpu.memref_slice %arg3[%add3A, %dma_wait3A_853, %dma_wait3A_860] : memref<32x125x80xi32, #tpu.memory_space<hbm>> -> memref<1x1x80xi32, #tpu.memory_space<hbm>>
        %dma_wait3A_862 = tpu.memref_squeeze %dma_wait3A_861 : memref<1x1x80xi32, #tpu.memory_space<hbm>> -> memref<80xi32, #tpu.memory_space<hbm>>
        tpu.wait_dma2 semaphore(%dma_wait3A_859 : memref<!tpu.dma_semaphore, #tpu.memory_space<semaphore_mem>>) src(%dma_wait3A_862 : memref<80xi32, #tpu.memory_space<hbm>>) dst(%arg12 : memref<80xi32, #tpu.memory_space<vmem>>)
        %dma_start3A_863 = arith.constant 1 : i32
        %dma_start3A_864 = arith.constant 0 : i32
        %dma_start3A_865 = arith.constant 0 : i32
        %dma_start3A_866 = tpu.memref_slice %arg5[%dma_start3A_864, %dma_start3A_865] : memref<10000x128xf32, #tpu.memory_space<hbm>> -> memref<10000x128xf32, #tpu.memory_space<hbm>>
        %dma_start3A_867 = tpu.memref_slice %arg21[%dma_start3A_863] : memref<4x!tpu.dma_semaphore, #tpu.memory_space<semaphore_mem>> -> memref<1x!tpu.dma_semaphore, #tpu.memory_space<semaphore_mem>>
        %dma_start3A_868 = tpu.memref_squeeze %dma_start3A_867 : memref<1x!tpu.dma_semaphore, #tpu.memory_space<semaphore_mem>> -> memref<!tpu.dma_semaphore, #tpu.memory_space<semaphore_mem>>
        tpu.enqueue_indirect_dma source(%dma_start3A_866 : memref<10000x128xf32, #tpu.memory_space<hbm>>) target(%arg16 : memref<80x128xf32, #tpu.memory_space<vmem>>) offsets(%arg8 : memref<80xi32, #tpu.memory_space<vmem>>) semaphore(%dma_start3A_868 : memref<!tpu.dma_semaphore, #tpu.memory_space<semaphore_mem>>) {add = true}
      } else {
      }
      %dma_wait3A_714 = arith.constant 0 : i32
      %dma_wait3A_715 = arith.constant 0 : i32
      %dma_wait3A_716 = arith.constant 0 : i32
      %dma_wait3A_717 = tpu.memref_slice %arg5[%dma_wait3A_715, %dma_wait3A_716] : memref<10000x128xf32, #tpu.memory_space<hbm>> -> memref<10000x128xf32, #tpu.memory_space<hbm>>
      %dma_wait3A_718 = tpu.memref_slice %arg21[%dma_wait3A_714] : memref<4x!tpu.dma_semaphore, #tpu.memory_space<semaphore_mem>> -> memref<1x!tpu.dma_semaphore, #tpu.memory_space<semaphore_mem>>
      %dma_wait3A_719 = tpu.memref_squeeze %dma_wait3A_718 : memref<1x!tpu.dma_semaphore, #tpu.memory_space<semaphore_mem>> -> memref<!tpu.dma_semaphore, #tpu.memory_space<semaphore_mem>>
      tpu.wait_indirect_dma semaphore(%dma_wait3A_719 : memref<!tpu.dma_semaphore, #tpu.memory_space<semaphore_mem>>) src(%dma_wait3A_717 : memref<10000x128xf32, #tpu.memory_space<hbm>>) dst(%arg15 : memref<80x128xf32, #tpu.memory_space<vmem>>)
      %scan3A_720 = arith.constant 0 : i32
      %scan3A_721 = arith.constant 80 : i32
      %scan3A_722 = arith.addi %scan3A_720, %scan3A_721 : i32
      %scan3A_723 = arith.constant 1 : i32
      scf.for %scan3A_836 = %scan3A_720 to %scan3A_722 step %scan3A_723  : i32 {
        %get3A = arith.index_cast %scan3A_836 : i32 to index
        %get3A_837 = arith.constant 0 : index
        %get3A_838 = tpu.vector_load %arg15[%get3A, %get3A_837] {strides = array<i32>} : memref<80x128xf32, #tpu.memory_space<vmem>>, vector<1x16xf32>,
        %get3A_839 = vector.shape_cast %get3A_838 : vector<1x16xf32> to vector<16xf32>
        %max3A = arith.constant 0.000000e+00 : f32
        %max3A_840 = vector.broadcast %max3A : f32 to vector<16xf32>
        %max3A_841 = arith.maximumf %get3A_839, %max3A_840 : vector<16xf32>
        %swap3A = arith.index_cast %scan3A_836 : i32 to index
        %swap3A_842 = arith.constant 0 : index
        %swap3A_843 = tpu.vector_load %arg15[%swap3A, %swap3A_842] {strides = array<i32>} : memref<80x128xf32, #tpu.memory_space<vmem>>, vector<1x16xf32>,
        %swap3A_844 = vector.shape_cast %swap3A_843 : vector<1x16xf32> to vector<16xf32>
        %swap3A_845 = vector.shape_cast %max3A_841 : vector<16xf32> to vector<1x16xf32>
        tpu.vector_store %arg15[%swap3A, %swap3A_842], %swap3A_845 {strides = array<i32>} : memref<80x128xf32, #tpu.memory_space<vmem>>, vector<1x16xf32>,
        %get3A_846 = arith.index_cast %scan3A_836 : i32 to index
        %get3A_847 = arith.constant 16 : index
        %get3A_848 = tpu.vector_load %arg15[%get3A_846, %get3A_847] {strides = array<i32>} : memref<80x128xf32, #tpu.memory_space<vmem>>, vector<1x16xf32>,
        %get3A_849 = vector.shape_cast %get3A_848 : vector<1x16xf32> to vector<16xf32>
        %max3A_850 = arith.constant 0.000000e+00 : f32
        %max3A_851 = vector.broadcast %max3A_850 : f32 to vector<16xf32>
        %max3A_852 = arith.maximumf %get3A_849, %max3A_851 : vector<16xf32>
        %swap3A_853 = arith.index_cast %scan3A_836 : i32 to index
        %swap3A_854 = arith.constant 16 : index
        %swap3A_855 = tpu.vector_load %arg15[%swap3A_853, %swap3A_854] {strides = array<i32>} : memref<80x128xf32, #tpu.memory_space<vmem>>, vector<1x16xf32>,
        %swap3A_856 = vector.shape_cast %swap3A_855 : vector<1x16xf32> to vector<16xf32>
        %swap3A_857 = vector.shape_cast %max3A_852 : vector<16xf32> to vector<1x16xf32>
        tpu.vector_store %arg15[%swap3A_853, %swap3A_854], %swap3A_857 {strides = array<i32>} : memref<80x128xf32, #tpu.memory_space<vmem>>, vector<1x16xf32>,
        %get3A_858 = arith.index_cast %scan3A_836 : i32 to index
        %get3A_859 = arith.constant 32 : index
        %get3A_860 = tpu.vector_load %arg15[%get3A_858, %get3A_859] {strides = array<i32>} : memref<80x128xf32, #tpu.memory_space<vmem>>, vector<1x16xf32>,
        %get3A_861 = vector.shape_cast %get3A_860 : vector<1x16xf32> to vector<16xf32>
        %max3A_862 = arith.constant 0.000000e+00 : f32
        %max3A_863 = vector.broadcast %max3A_862 : f32 to vector<16xf32>
        %max3A_864 = arith.maximumf %get3A_861, %max3A_863 : vector<16xf32>
        %swap3A_865 = arith.index_cast %scan3A_836 : i32 to index
        %swap3A_866 = arith.constant 32 : index
        %swap3A_867 = tpu.vector_load %arg15[%swap3A_865, %swap3A_866] {strides = array<i32>} : memref<80x128xf32, #tpu.memory_space<vmem>>, vector<1x16xf32>,
        %swap3A_868 = vector.shape_cast %swap3A_867 : vector<1x16xf32> to vector<16xf32>
        %swap3A_869 = vector.shape_cast %max3A_864 : vector<16xf32> to vector<1x16xf32>
        tpu.vector_store %arg15[%swap3A_865, %swap3A_866], %swap3A_869 {strides = array<i32>} : memref<80x128xf32, #tpu.memory_space<vmem>>, vector<1x16xf32>,
        %get3A_870 = arith.index_cast %scan3A_836 : i32 to index
        %get3A_871 = arith.constant 48 : index
        %get3A_872 = tpu.vector_load %arg15[%get3A_870, %get3A_871] {strides = array<i32>} : memref<80x128xf32, #tpu.memory_space<vmem>>, vector<1x16xf32>,
        %get3A_873 = vector.shape_cast %get3A_872 : vector<1x16xf32> to vector<16xf32>
        %max3A_874 = arith.constant 0.000000e+00 : f32
        %max3A_875 = vector.broadcast %max3A_874 : f32 to vector<16xf32>
        %max3A_876 = arith.maximumf %get3A_873, %max3A_875 : vector<16xf32>
        %swap3A_877 = arith.index_cast %scan3A_836 : i32 to index
        %swap3A_878 = arith.constant 48 : index
        %swap3A_879 = tpu.vector_load %arg15[%swap3A_877, %swap3A_878] {strides = array<i32>} : memref<80x128xf32, #tpu.memory_space<vmem>>, vector<1x16xf32>,
        %swap3A_880 = vector.shape_cast %swap3A_879 : vector<1x16xf32> to vector<16xf32>
        %swap3A_881 = vector.shape_cast %max3A_876 : vector<16xf32> to vector<1x16xf32>
        tpu.vector_store %arg15[%swap3A_877, %swap3A_878], %swap3A_881 {strides = array<i32>} : memref<80x128xf32, #tpu.memory_space<vmem>>, vector<1x16xf32>,
        %get3A_882 = arith.index_cast %scan3A_836 : i32 to index
        %get3A_883 = arith.constant 64 : index
        %get3A_884 = tpu.vector_load %arg15[%get3A_882, %get3A_883] {strides = array<i32>} : memref<80x128xf32, #tpu.memory_space<vmem>>, vector<1x16xf32>,
        %get3A_885 = vector.shape_cast %get3A_884 : vector<1x16xf32> to vector<16xf32>
        %max3A_886 = arith.constant 0.000000e+00 : f32
        %max3A_887 = vector.broadcast %max3A_886 : f32 to vector<16xf32>
        %max3A_888 = arith.maximumf %get3A_885, %max3A_887 : vector<16xf32>
        %swap3A_889 = arith.index_cast %scan3A_836 : i32 to index
        %swap3A_890 = arith.constant 64 : index
        %swap3A_891 = tpu.vector_load %arg15[%swap3A_889, %swap3A_890] {strides = array<i32>} : memref<80x128xf32, #tpu.memory_space<vmem>>, vector<1x16xf32>,
        %swap3A_892 = vector.shape_cast %swap3A_891 : vector<1x16xf32> to vector<16xf32>
        %swap3A_893 = vector.shape_cast %max3A_888 : vector<16xf32> to vector<1x16xf32>
        tpu.vector_store %arg15[%swap3A_889, %swap3A_890], %swap3A_893 {strides = array<i32>} : memref<80x128xf32, #tpu.memory_space<vmem>>, vector<1x16xf32>,
        %get3A_894 = arith.index_cast %scan3A_836 : i32 to index
        %get3A_895 = arith.constant 80 : index
        %get3A_896 = tpu.vector_load %arg15[%get3A_894, %get3A_895] {strides = array<i32>} : memref<80x128xf32, #tpu.memory_space<vmem>>, vector<1x16xf32>,
        %get3A_897 = vector.shape_cast %get3A_896 : vector<1x16xf32> to vector<16xf32>
        %max3A_898 = arith.constant 0.000000e+00 : f32
        %max3A_899 = vector.broadcast %max3A_898 : f32 to vector<16xf32>
        %max3A_900 = arith.maximumf %get3A_897, %max3A_899 : vector<16xf32>
        %swap3A_901 = arith.index_cast %scan3A_836 : i32 to index
        %swap3A_902 = arith.constant 80 : index
        %swap3A_903 = tpu.vector_load %arg15[%swap3A_901, %swap3A_902] {strides = array<i32>} : memref<80x128xf32, #tpu.memory_space<vmem>>, vector<1x16xf32>,
        %swap3A_904 = vector.shape_cast %swap3A_903 : vector<1x16xf32> to vector<16xf32>
        %swap3A_905 = vector.shape_cast %max3A_900 : vector<16xf32> to vector<1x16xf32>
        tpu.vector_store %arg15[%swap3A_901, %swap3A_902], %swap3A_905 {strides = array<i32>} : memref<80x128xf32, #tpu.memory_space<vmem>>, vector<1x16xf32>,
        %get3A_906 = arith.index_cast %scan3A_836 : i32 to index
        %get3A_907 = arith.constant 96 : index
        %get3A_908 = tpu.vector_load %arg15[%get3A_906, %get3A_907] {strides = array<i32>} : memref<80x128xf32, #tpu.memory_space<vmem>>, vector<1x16xf32>,
        %get3A_909 = vector.shape_cast %get3A_908 : vector<1x16xf32> to vector<16xf32>
        %max3A_910 = arith.constant 0.000000e+00 : f32
        %max3A_911 = vector.broadcast %max3A_910 : f32 to vector<16xf32>
        %max3A_912 = arith.maximumf %get3A_909, %max3A_911 : vector<16xf32>
        %swap3A_913 = arith.index_cast %scan3A_836 : i32 to index
        %swap3A_914 = arith.constant 96 : index
        %swap3A_915 = tpu.vector_load %arg15[%swap3A_913, %swap3A_914] {strides = array<i32>} : memref<80x128xf32, #tpu.memory_space<vmem>>, vector<1x16xf32>,
        %swap3A_916 = vector.shape_cast %swap3A_915 : vector<1x16xf32> to vector<16xf32>
        %swap3A_917 = vector.shape_cast %max3A_912 : vector<16xf32> to vector<1x16xf32>
        tpu.vector_store %arg15[%swap3A_913, %swap3A_914], %swap3A_917 {strides = array<i32>} : memref<80x128xf32, #tpu.memory_space<vmem>>, vector<1x16xf32>,
        %get3A_918 = arith.index_cast %scan3A_836 : i32 to index
        %get3A_919 = arith.constant 112 : index
        %get3A_920 = tpu.vector_load %arg15[%get3A_918, %get3A_919] {strides = array<i32>} : memref<80x128xf32, #tpu.memory_space<vmem>>, vector<1x16xf32>,
        %get3A_921 = vector.shape_cast %get3A_920 : vector<1x16xf32> to vector<16xf32>
        %max3A_922 = arith.constant 0.000000e+00 : f32
        %max3A_923 = vector.broadcast %max3A_922 : f32 to vector<16xf32>
        %max3A_924 = arith.maximumf %get3A_921, %max3A_923 : vector<16xf32>
        %swap3A_925 = arith.index_cast %scan3A_836 : i32 to index
        %swap3A_926 = arith.constant 112 : index
        %swap3A_927 = tpu.vector_load %arg15[%swap3A_925, %swap3A_926] {strides = array<i32>} : memref<80x128xf32, #tpu.memory_space<vmem>>, vector<1x16xf32>,
        %swap3A_928 = vector.shape_cast %swap3A_927 : vector<1x16xf32> to vector<16xf32>
        %swap3A_929 = vector.shape_cast %max3A_924 : vector<16xf32> to vector<1x16xf32>
        tpu.vector_store %arg15[%swap3A_925, %swap3A_926], %swap3A_929 {strides = array<i32>} : memref<80x128xf32, #tpu.memory_space<vmem>>, vector<1x16xf32>,
      }
      %scan3A_724 = arith.constant 80 : i32
      %dma_start3A_725 = arith.constant 0 : i32
      %dma_start3A_726 = arith.constant 0 : i32
      %dma_start3A_727 = arith.constant 0 : i32
      %dma_start3A_728 = tpu.memref_slice %arg19[%dma_start3A_726, %dma_start3A_727] : memref<10000x128xf32, #tpu.memory_space<vmem_shared>> -> memref<10000x128xf32, #tpu.memory_space<vmem_shared>>
      %dma_start3A_729 = tpu.memref_slice %arg22[%dma_start3A_725] : memref<4x!tpu.dma_semaphore, #tpu.memory_space<semaphore_mem>> -> memref<1x!tpu.dma_semaphore, #tpu.memory_space<semaphore_mem>>
      %dma_start3A_730 = tpu.memref_squeeze %dma_start3A_729 : memref<1x!tpu.dma_semaphore, #tpu.memory_space<semaphore_mem>> -> memref<!tpu.dma_semaphore, #tpu.memory_space<semaphore_mem>>
      tpu.enqueue_indirect_dma source(%arg15 : memref<80x128xf32, #tpu.memory_space<vmem>>) target(%dma_start3A_728 : memref<10000x128xf32, #tpu.memory_space<vmem_shared>>) offsets(%arg11 : memref<80xi32, #tpu.memory_space<vmem>>) semaphore(%dma_start3A_730 : memref<!tpu.dma_semaphore, #tpu.memory_space<semaphore_mem>>) {add = true}
      %mul3A_731 = arith.constant 4 : i32
      %mul3A_732 = arith.muli %scan3A_695, %mul3A_731 : i32
      %add3A_733 = arith.constant 1 : i32
      %add3A_734 = arith.addi %mul3A_732, %add3A_733 : i32
      %add3A_735 = arith.constant 2 : i32
      %add3A_736 = arith.addi %add3A_734, %add3A_735 : i32
      %lt3A_737 = arith.constant 125 : i32
      %lt3A_738 = arith.cmpi slt, %add3A_736, %lt3A_737 : i32
      %convert_element_type3A_739 = arith.extui %lt3A_738 : i1 to i32
      %cond3A_740 = arith.constant 0 : i32
      %cond3A_741 = arith.cmpi ne, %convert_element_type3A_739, %cond3A_740 : i32
      scf.if %cond3A_741 {
        %add3A_836 = arith.constant 2 : i32
        %add3A_837 = arith.addi %add3A_734, %add3A_836 : i32
        %dma_wait3A_838 = arith.constant 3 : i32
        %dma_wait3A_839 = arith.constant 0 : i32
        %dma_wait3A_840 = arith.constant 0 : i32
        %dma_wait3A_841 = tpu.memref_slice %arg19[%dma_wait3A_839, %dma_wait3A_840] : memref<10000x128xf32, #tpu.memory_space<vmem_shared>> -> memref<10000x128xf32, #tpu.memory_space<vmem_shared>>
        %dma_wait3A_842 = tpu.memref_slice %arg22[%dma_wait3A_838] : memref<4x!tpu.dma_semaphore, #tpu.memory_space<semaphore_mem>> -> memref<1x!tpu.dma_semaphore, #tpu.memory_space<semaphore_mem>>
        %dma_wait3A_843 = tpu.memref_squeeze %dma_wait3A_842 : memref<1x!tpu.dma_semaphore, #tpu.memory_space<semaphore_mem>> -> memref<!tpu.dma_semaphore, #tpu.memory_space<semaphore_mem>>
        tpu.wait_indirect_dma semaphore(%dma_wait3A_843 : memref<!tpu.dma_semaphore, #tpu.memory_space<semaphore_mem>>) src(%arg18 : memref<80x128xf32, #tpu.memory_space<vmem>>) dst(%dma_wait3A_841 : memref<10000x128xf32, #tpu.memory_space<vmem_shared>>)
        %mul3A_844 = arith.constant 80 : i32
        %mul3A_845 = arith.muli %add3A_837, %mul3A_844 : i32
        %add3A_846 = arith.addi %mul3A_118, %mul3A_845 : i32
        %dma_start3A_847 = arith.constant 3 : i32
        %dma_start3A_848 = arith.constant 0 : i32
        %dma_start3A_849 = tpu.memref_slice %arg4[%add3A_846, %dma_start3A_848] : memref<320000x128xf32, #tpu.memory_space<hbm>> -> memref<80x128xf32, #tpu.memory_space<hbm>>
        %dma_start3A_850 = tpu.memref_slice %arg20[%dma_start3A_847] : memref<4x!tpu.dma_semaphore, #tpu.memory_space<semaphore_mem>> -> memref<1x!tpu.dma_semaphore, #tpu.memory_space<semaphore_mem>>
        %dma_start3A_851 = tpu.memref_squeeze %dma_start3A_850 : memref<1x!tpu.dma_semaphore, #tpu.memory_space<semaphore_mem>> -> memref<!tpu.dma_semaphore, #tpu.memory_space<semaphore_mem>>
        %dma_start3A_852 = arith.constant 0 : i32
        %dma_start3A_853 = tpu.memref_slice %arg4[%add3A_846, %dma_start3A_852] : memref<320000x128xf32, #tpu.memory_space<hbm>> -> memref<80x128xf32, #tpu.memory_space<hbm>>
        tpu.enqueue_dma source(%dma_start3A_853 : memref<80x128xf32, #tpu.memory_space<hbm>>) target(%arg18 : memref<80x128xf32, #tpu.memory_space<vmem>>) target_semaphore(%dma_start3A_851 : memref<!tpu.dma_semaphore, #tpu.memory_space<semaphore_mem>>)
        %dma_start3A_854 = arith.constant 3 : i32
        %dma_start3A_855 = arith.constant 0 : i32
        %dma_start3A_856 = tpu.memref_slice %arg2[%add3A, %add3A_837, %dma_start3A_855] : memref<32x125x80xi32, #tpu.memory_space<hbm>> -> memref<1x1x80xi32, #tpu.memory_space<hbm>>
        %dma_start3A_857 = tpu.memref_squeeze %dma_start3A_856 : memref<1x1x80xi32, #tpu.memory_space<hbm>> -> memref<80xi32, #tpu.memory_space<hbm>>
        %dma_start3A_858 = tpu.memref_slice %arg20[%dma_start3A_854] : memref<4x!tpu.dma_semaphore, #tpu.memory_space<semaphore_mem>> -> memref<1x!tpu.dma_semaphore, #tpu.memory_space<semaphore_mem>>
        %dma_start3A_859 = tpu.memref_squeeze %dma_start3A_858 : memref<1x!tpu.dma_semaphore, #tpu.memory_space<semaphore_mem>> -> memref<!tpu.dma_semaphore, #tpu.memory_space<semaphore_mem>>
        %dma_start3A_860 = arith.constant 0 : i32
        %dma_start3A_861 = tpu.memref_slice %arg2[%add3A, %add3A_837, %dma_start3A_860] : memref<32x125x80xi32, #tpu.memory_space<hbm>> -> memref<1x1x80xi32, #tpu.memory_space<hbm>>
        %dma_start3A_862 = tpu.memref_squeeze %dma_start3A_861 : memref<1x1x80xi32, #tpu.memory_space<hbm>> -> memref<80xi32, #tpu.memory_space<hbm>>
        tpu.enqueue_dma source(%dma_start3A_862 : memref<80xi32, #tpu.memory_space<hbm>>) target(%arg10 : memref<80xi32, #tpu.memory_space<vmem>>) target_semaphore(%dma_start3A_859 : memref<!tpu.dma_semaphore, #tpu.memory_space<semaphore_mem>>)
        %dma_start3A_863 = arith.constant 3 : i32
        %dma_start3A_864 = arith.constant 0 : i32
        %dma_start3A_865 = tpu.memref_slice %arg3[%add3A, %add3A_837, %dma_start3A_864] : memref<32x125x80xi32, #tpu.memory_space<hbm>> -> memref<1x1x80xi32, #tpu.memory_space<hbm>>
        %dma_start3A_866 = tpu.memref_squeeze %dma_start3A_865 : memref<1x1x80xi32, #tpu.memory_space<hbm>> -> memref<80xi32, #tpu.memory_space<hbm>>
        %dma_start3A_867 = tpu.memref_slice %arg20[%dma_start3A_863] : memref<4x!tpu.dma_semaphore, #tpu.memory_space<semaphore_mem>> -> memref<1x!tpu.dma_semaphore, #tpu.memory_space<semaphore_mem>>
        %dma_start3A_868 = tpu.memref_squeeze %dma_start3A_867 : memref<1x!tpu.dma_semaphore, #tpu.memory_space<semaphore_mem>> -> memref<!tpu.dma_semaphore, #tpu.memory_space<semaphore_mem>>
        %dma_start3A_869 = arith.constant 0 : i32
        %dma_start3A_870 = tpu.memref_slice %arg3[%add3A, %add3A_837, %dma_start3A_869] : memref<32x125x80xi32, #tpu.memory_space<hbm>> -> memref<1x1x80xi32, #tpu.memory_space<hbm>>
        %dma_start3A_871 = tpu.memref_squeeze %dma_start3A_870 : memref<1x1x80xi32, #tpu.memory_space<hbm>> -> memref<80xi32, #tpu.memory_space<hbm>>
        tpu.enqueue_dma source(%dma_start3A_871 : memref<80xi32, #tpu.memory_space<hbm>>) target(%arg14 : memref<80xi32, #tpu.memory_space<vmem>>) target_semaphore(%dma_start3A_868 : memref<!tpu.dma_semaphore, #tpu.memory_space<semaphore_mem>>)
      } else {
      }
      %add3A_742 = arith.constant 1 : i32
      %add3A_743 = arith.addi %add3A_734, %add3A_742 : i32
      %lt3A_744 = arith.constant 125 : i32
      %lt3A_745 = arith.cmpi slt, %add3A_743, %lt3A_744 : i32
      %convert_element_type3A_746 = arith.extui %lt3A_745 : i1 to i32
      %cond3A_747 = arith.constant 0 : i32
      %cond3A_748 = arith.cmpi ne, %convert_element_type3A_746, %cond3A_747 : i32
      scf.if %cond3A_748 {
        %dma_wait3A_836 = arith.constant 2 : i32
        %dma_wait3A_837 = arith.constant 0 : i32
        %dma_wait3A_838 = tpu.memref_slice %arg4[%mul3A_118, %dma_wait3A_837] : memref<320000x128xf32, #tpu.memory_space<hbm>> -> memref<80x128xf32, #tpu.memory_space<hbm>>
        %dma_wait3A_839 = tpu.memref_slice %arg20[%dma_wait3A_836] : memref<4x!tpu.dma_semaphore, #tpu.memory_space<semaphore_mem>> -> memref<1x!tpu.dma_semaphore, #tpu.memory_space<semaphore_mem>>
        %dma_wait3A_840 = tpu.memref_squeeze %dma_wait3A_839 : memref<1x!tpu.dma_semaphore, #tpu.memory_space<semaphore_mem>> -> memref<!tpu.dma_semaphore, #tpu.memory_space<semaphore_mem>>
        %dma_wait3A_841 = arith.constant 0 : i32
        %dma_wait3A_842 = tpu.memref_slice %arg4[%mul3A_118, %dma_wait3A_841] : memref<320000x128xf32, #tpu.memory_space<hbm>> -> memref<80x128xf32, #tpu.memory_space<hbm>>
        tpu.wait_dma2 semaphore(%dma_wait3A_840 : memref<!tpu.dma_semaphore, #tpu.memory_space<semaphore_mem>>) src(%dma_wait3A_842 : memref<80x128xf32, #tpu.memory_space<hbm>>) dst(%arg17 : memref<80x128xf32, #tpu.memory_space<vmem>>)
        %dma_wait3A_843 = arith.constant 0 : i32
        %dma_wait3A_844 = arith.constant 2 : i32
        %dma_wait3A_845 = arith.constant 0 : i32
        %dma_wait3A_846 = tpu.memref_slice %arg2[%add3A, %dma_wait3A_843, %dma_wait3A_845] : memref<32x125x80xi32, #tpu.memory_space<hbm>> -> memref<1x1x80xi32, #tpu.memory_space<hbm>>
        %dma_wait3A_847 = tpu.memref_squeeze %dma_wait3A_846 : memref<1x1x80xi32, #tpu.memory_space<hbm>> -> memref<80xi32, #tpu.memory_space<hbm>>
        %dma_wait3A_848 = tpu.memref_slice %arg20[%dma_wait3A_844] : memref<4x!tpu.dma_semaphore, #tpu.memory_space<semaphore_mem>> -> memref<1x!tpu.dma_semaphore, #tpu.memory_space<semaphore_mem>>
        %dma_wait3A_849 = tpu.memref_squeeze %dma_wait3A_848 : memref<1x!tpu.dma_semaphore, #tpu.memory_space<semaphore_mem>> -> memref<!tpu.dma_semaphore, #tpu.memory_space<semaphore_mem>>
        %dma_wait3A_850 = arith.constant 0 : i32
        %dma_wait3A_851 = tpu.memref_slice %arg2[%add3A, %dma_wait3A_843, %dma_wait3A_850] : memref<32x125x80xi32, #tpu.memory_space<hbm>> -> memref<1x1x80xi32, #tpu.memory_space<hbm>>
        %dma_wait3A_852 = tpu.memref_squeeze %dma_wait3A_851 : memref<1x1x80xi32, #tpu.memory_space<hbm>> -> memref<80xi32, #tpu.memory_space<hbm>>
        tpu.wait_dma2 semaphore(%dma_wait3A_849 : memref<!tpu.dma_semaphore, #tpu.memory_space<semaphore_mem>>) src(%dma_wait3A_852 : memref<80xi32, #tpu.memory_space<hbm>>) dst(%arg9 : memref<80xi32, #tpu.memory_space<vmem>>)
        %dma_wait3A_853 = arith.constant 0 : i32
        %dma_wait3A_854 = arith.constant 2 : i32
        %dma_wait3A_855 = arith.constant 0 : i32
        %dma_wait3A_856 = tpu.memref_slice %arg3[%add3A, %dma_wait3A_853, %dma_wait3A_855] : memref<32x125x80xi32, #tpu.memory_space<hbm>> -> memref<1x1x80xi32, #tpu.memory_space<hbm>>
        %dma_wait3A_857 = tpu.memref_squeeze %dma_wait3A_856 : memref<1x1x80xi32, #tpu.memory_space<hbm>> -> memref<80xi32, #tpu.memory_space<hbm>>
        %dma_wait3A_858 = tpu.memref_slice %arg20[%dma_wait3A_854] : memref<4x!tpu.dma_semaphore, #tpu.memory_space<semaphore_mem>> -> memref<1x!tpu.dma_semaphore, #tpu.memory_space<semaphore_mem>>
        %dma_wait3A_859 = tpu.memref_squeeze %dma_wait3A_858 : memref<1x!tpu.dma_semaphore, #tpu.memory_space<semaphore_mem>> -> memref<!tpu.dma_semaphore, #tpu.memory_space<semaphore_mem>>
        %dma_wait3A_860 = arith.constant 0 : i32
        %dma_wait3A_861 = tpu.memref_slice %arg3[%add3A, %dma_wait3A_853, %dma_wait3A_860] : memref<32x125x80xi32, #tpu.memory_space<hbm>> -> memref<1x1x80xi32, #tpu.memory_space<hbm>>
        %dma_wait3A_862 = tpu.memref_squeeze %dma_wait3A_861 : memref<1x1x80xi32, #tpu.memory_space<hbm>> -> memref<80xi32, #tpu.memory_space<hbm>>
        tpu.wait_dma2 semaphore(%dma_wait3A_859 : memref<!tpu.dma_semaphore, #tpu.memory_space<semaphore_mem>>) src(%dma_wait3A_862 : memref<80xi32, #tpu.memory_space<hbm>>) dst(%arg13 : memref<80xi32, #tpu.memory_space<vmem>>)
        %dma_start3A_863 = arith.constant 2 : i32
        %dma_start3A_864 = arith.constant 0 : i32
        %dma_start3A_865 = arith.constant 0 : i32
        %dma_start3A_866 = tpu.memref_slice %arg5[%dma_start3A_864, %dma_start3A_865] : memref<10000x128xf32, #tpu.memory_space<hbm>> -> memref<10000x128xf32, #tpu.memory_space<hbm>>
        %dma_start3A_867 = tpu.memref_slice %arg21[%dma_start3A_863] : memref<4x!tpu.dma_semaphore, #tpu.memory_space<semaphore_mem>> -> memref<1x!tpu.dma_semaphore, #tpu.memory_space<semaphore_mem>>
        %dma_start3A_868 = tpu.memref_squeeze %dma_start3A_867 : memref<1x!tpu.dma_semaphore, #tpu.memory_space<semaphore_mem>> -> memref<!tpu.dma_semaphore, #tpu.memory_space<semaphore_mem>>
        tpu.enqueue_indirect_dma source(%dma_start3A_866 : memref<10000x128xf32, #tpu.memory_space<hbm>>) target(%arg17 : memref<80x128xf32, #tpu.memory_space<vmem>>) offsets(%arg9 : memref<80xi32, #tpu.memory_space<vmem>>) semaphore(%dma_start3A_868 : memref<!tpu.dma_semaphore, #tpu.memory_space<semaphore_mem>>) {add = true}
      } else {
      }
      %dma_wait3A_749 = arith.constant 1 : i32
      %dma_wait3A_750 = arith.constant 0 : i32
      %dma_wait3A_751 = arith.constant 0 : i32
      %dma_wait3A_752 = tpu.memref_slice %arg5[%dma_wait3A_750, %dma_wait3A_751] : memref<10000x128xf32, #tpu.memory_space<hbm>> -> memref<10000x128xf32, #tpu.memory_space<hbm>>
      %dma_wait3A_753 = tpu.memref_slice %arg21[%dma_wait3A_749] : memref<4x!tpu.dma_semaphore, #tpu.memory_space<semaphore_mem>> -> memref<1x!tpu.dma_semaphore, #tpu.memory_space<semaphore_mem>>
      %dma_wait3A_754 = tpu.memref_squeeze %dma_wait3A_753 : memref<1x!tpu.dma_semaphore, #tpu.memory_space<semaphore_mem>> -> memref<!tpu.dma_semaphore, #tpu.memory_space<semaphore_mem>>
      tpu.wait_indirect_dma semaphore(%dma_wait3A_754 : memref<!tpu.dma_semaphore, #tpu.memory_space<semaphore_mem>>) src(%dma_wait3A_752 : memref<10000x128xf32, #tpu.memory_space<hbm>>) dst(%arg16 : memref<80x128xf32, #tpu.memory_space<vmem>>)
      %scan3A_755 = arith.constant 0 : i32
      %scan3A_756 = arith.constant 80 : i32
      %scan3A_757 = arith.addi %scan3A_755, %scan3A_756 : i32
      %scan3A_758 = arith.constant 1 : i32
      scf.for %scan3A_836 = %scan3A_755 to %scan3A_757 step %scan3A_758  : i32 {
        %get3A = arith.index_cast %scan3A_836 : i32 to index
        %get3A_837 = arith.constant 0 : index
        %get3A_838 = tpu.vector_load %arg16[%get3A, %get3A_837] {strides = array<i32>} : memref<80x128xf32, #tpu.memory_space<vmem>>, vector<1x16xf32>,
        %get3A_839 = vector.shape_cast %get3A_838 : vector<1x16xf32> to vector<16xf32>
        %max3A = arith.constant 0.000000e+00 : f32
        %max3A_840 = vector.broadcast %max3A : f32 to vector<16xf32>
        %max3A_841 = arith.maximumf %get3A_839, %max3A_840 : vector<16xf32>
        %swap3A = arith.index_cast %scan3A_836 : i32 to index
        %swap3A_842 = arith.constant 0 : index
        %swap3A_843 = tpu.vector_load %arg16[%swap3A, %swap3A_842] {strides = array<i32>} : memref<80x128xf32, #tpu.memory_space<vmem>>, vector<1x16xf32>,
        %swap3A_844 = vector.shape_cast %swap3A_843 : vector<1x16xf32> to vector<16xf32>
        %swap3A_845 = vector.shape_cast %max3A_841 : vector<16xf32> to vector<1x16xf32>
        tpu.vector_store %arg16[%swap3A, %swap3A_842], %swap3A_845 {strides = array<i32>} : memref<80x128xf32, #tpu.memory_space<vmem>>, vector<1x16xf32>,
        %get3A_846 = arith.index_cast %scan3A_836 : i32 to index
        %get3A_847 = arith.constant 16 : index
        %get3A_848 = tpu.vector_load %arg16[%get3A_846, %get3A_847] {strides = array<i32>} : memref<80x128xf32, #tpu.memory_space<vmem>>, vector<1x16xf32>,
        %get3A_849 = vector.shape_cast %get3A_848 : vector<1x16xf32> to vector<16xf32>
        %max3A_850 = arith.constant 0.000000e+00 : f32
        %max3A_851 = vector.broadcast %max3A_850 : f32 to vector<16xf32>
        %max3A_852 = arith.maximumf %get3A_849, %max3A_851 : vector<16xf32>
        %swap3A_853 = arith.index_cast %scan3A_836 : i32 to index
        %swap3A_854 = arith.constant 16 : index
        %swap3A_855 = tpu.vector_load %arg16[%swap3A_853, %swap3A_854] {strides = array<i32>} : memref<80x128xf32, #tpu.memory_space<vmem>>, vector<1x16xf32>,
        %swap3A_856 = vector.shape_cast %swap3A_855 : vector<1x16xf32> to vector<16xf32>
        %swap3A_857 = vector.shape_cast %max3A_852 : vector<16xf32> to vector<1x16xf32>
        tpu.vector_store %arg16[%swap3A_853, %swap3A_854], %swap3A_857 {strides = array<i32>} : memref<80x128xf32, #tpu.memory_space<vmem>>, vector<1x16xf32>,
        %get3A_858 = arith.index_cast %scan3A_836 : i32 to index
        %get3A_859 = arith.constant 32 : index
        %get3A_860 = tpu.vector_load %arg16[%get3A_858, %get3A_859] {strides = array<i32>} : memref<80x128xf32, #tpu.memory_space<vmem>>, vector<1x16xf32>,
        %get3A_861 = vector.shape_cast %get3A_860 : vector<1x16xf32> to vector<16xf32>
        %max3A_862 = arith.constant 0.000000e+00 : f32
        %max3A_863 = vector.broadcast %max3A_862 : f32 to vector<16xf32>
        %max3A_864 = arith.maximumf %get3A_861, %max3A_863 : vector<16xf32>
        %swap3A_865 = arith.index_cast %scan3A_836 : i32 to index
        %swap3A_866 = arith.constant 32 : index
        %swap3A_867 = tpu.vector_load %arg16[%swap3A_865, %swap3A_866] {strides = array<i32>} : memref<80x128xf32, #tpu.memory_space<vmem>>, vector<1x16xf32>,
        %swap3A_868 = vector.shape_cast %swap3A_867 : vector<1x16xf32> to vector<16xf32>
        %swap3A_869 = vector.shape_cast %max3A_864 : vector<16xf32> to vector<1x16xf32>
        tpu.vector_store %arg16[%swap3A_865, %swap3A_866], %swap3A_869 {strides = array<i32>} : memref<80x128xf32, #tpu.memory_space<vmem>>, vector<1x16xf32>,
        %get3A_870 = arith.index_cast %scan3A_836 : i32 to index
        %get3A_871 = arith.constant 48 : index
        %get3A_872 = tpu.vector_load %arg16[%get3A_870, %get3A_871] {strides = array<i32>} : memref<80x128xf32, #tpu.memory_space<vmem>>, vector<1x16xf32>,
        %get3A_873 = vector.shape_cast %get3A_872 : vector<1x16xf32> to vector<16xf32>
        %max3A_874 = arith.constant 0.000000e+00 : f32
        %max3A_875 = vector.broadcast %max3A_874 : f32 to vector<16xf32>
        %max3A_876 = arith.maximumf %get3A_873, %max3A_875 : vector<16xf32>
        %swap3A_877 = arith.index_cast %scan3A_836 : i32 to index
        %swap3A_878 = arith.constant 48 : index
        %swap3A_879 = tpu.vector_load %arg16[%swap3A_877, %swap3A_878] {strides = array<i32>} : memref<80x128xf32, #tpu.memory_space<vmem>>, vector<1x16xf32>,
        %swap3A_880 = vector.shape_cast %swap3A_879 : vector<1x16xf32> to vector<16xf32>
        %swap3A_881 = vector.shape_cast %max3A_876 : vector<16xf32> to vector<1x16xf32>
        tpu.vector_store %arg16[%swap3A_877, %swap3A_878], %swap3A_881 {strides = array<i32>} : memref<80x128xf32, #tpu.memory_space<vmem>>, vector<1x16xf32>,
        %get3A_882 = arith.index_cast %scan3A_836 : i32 to index
        %get3A_883 = arith.constant 64 : index
        %get3A_884 = tpu.vector_load %arg16[%get3A_882, %get3A_883] {strides = array<i32>} : memref<80x128xf32, #tpu.memory_space<vmem>>, vector<1x16xf32>,
        %get3A_885 = vector.shape_cast %get3A_884 : vector<1x16xf32> to vector<16xf32>
        %max3A_886 = arith.constant 0.000000e+00 : f32
        %max3A_887 = vector.broadcast %max3A_886 : f32 to vector<16xf32>
        %max3A_888 = arith.maximumf %get3A_885, %max3A_887 : vector<16xf32>
        %swap3A_889 = arith.index_cast %scan3A_836 : i32 to index
        %swap3A_890 = arith.constant 64 : index
        %swap3A_891 = tpu.vector_load %arg16[%swap3A_889, %swap3A_890] {strides = array<i32>} : memref<80x128xf32, #tpu.memory_space<vmem>>, vector<1x16xf32>,
        %swap3A_892 = vector.shape_cast %swap3A_891 : vector<1x16xf32> to vector<16xf32>
        %swap3A_893 = vector.shape_cast %max3A_888 : vector<16xf32> to vector<1x16xf32>
        tpu.vector_store %arg16[%swap3A_889, %swap3A_890], %swap3A_893 {strides = array<i32>} : memref<80x128xf32, #tpu.memory_space<vmem>>, vector<1x16xf32>,
        %get3A_894 = arith.index_cast %scan3A_836 : i32 to index
        %get3A_895 = arith.constant 80 : index
        %get3A_896 = tpu.vector_load %arg16[%get3A_894, %get3A_895] {strides = array<i32>} : memref<80x128xf32, #tpu.memory_space<vmem>>, vector<1x16xf32>,
        %get3A_897 = vector.shape_cast %get3A_896 : vector<1x16xf32> to vector<16xf32>
        %max3A_898 = arith.constant 0.000000e+00 : f32
        %max3A_899 = vector.broadcast %max3A_898 : f32 to vector<16xf32>
        %max3A_900 = arith.maximumf %get3A_897, %max3A_899 : vector<16xf32>
        %swap3A_901 = arith.index_cast %scan3A_836 : i32 to index
        %swap3A_902 = arith.constant 80 : index
        %swap3A_903 = tpu.vector_load %arg16[%swap3A_901, %swap3A_902] {strides = array<i32>} : memref<80x128xf32, #tpu.memory_space<vmem>>, vector<1x16xf32>,
        %swap3A_904 = vector.shape_cast %swap3A_903 : vector<1x16xf32> to vector<16xf32>
        %swap3A_905 = vector.shape_cast %max3A_900 : vector<16xf32> to vector<1x16xf32>
        tpu.vector_store %arg16[%swap3A_901, %swap3A_902], %swap3A_905 {strides = array<i32>} : memref<80x128xf32, #tpu.memory_space<vmem>>, vector<1x16xf32>,
        %get3A_906 = arith.index_cast %scan3A_836 : i32 to index
        %get3A_907 = arith.constant 96 : index
        %get3A_908 = tpu.vector_load %arg16[%get3A_906, %get3A_907] {strides = array<i32>} : memref<80x128xf32, #tpu.memory_space<vmem>>, vector<1x16xf32>,
        %get3A_909 = vector.shape_cast %get3A_908 : vector<1x16xf32> to vector<16xf32>
        %max3A_910 = arith.constant 0.000000e+00 : f32
        %max3A_911 = vector.broadcast %max3A_910 : f32 to vector<16xf32>
        %max3A_912 = arith.maximumf %get3A_909, %max3A_911 : vector<16xf32>
        %swap3A_913 = arith.index_cast %scan3A_836 : i32 to index
        %swap3A_914 = arith.constant 96 : index
        %swap3A_915 = tpu.vector_load %arg16[%swap3A_913, %swap3A_914] {strides = array<i32>} : memref<80x128xf32, #tpu.memory_space<vmem>>, vector<1x16xf32>,
        %swap3A_916 = vector.shape_cast %swap3A_915 : vector<1x16xf32> to vector<16xf32>
        %swap3A_917 = vector.shape_cast %max3A_912 : vector<16xf32> to vector<1x16xf32>
        tpu.vector_store %arg16[%swap3A_913, %swap3A_914], %swap3A_917 {strides = array<i32>} : memref<80x128xf32, #tpu.memory_space<vmem>>, vector<1x16xf32>,
        %get3A_918 = arith.index_cast %scan3A_836 : i32 to index
        %get3A_919 = arith.constant 112 : index
        %get3A_920 = tpu.vector_load %arg16[%get3A_918, %get3A_919] {strides = array<i32>} : memref<80x128xf32, #tpu.memory_space<vmem>>, vector<1x16xf32>,
        %get3A_921 = vector.shape_cast %get3A_920 : vector<1x16xf32> to vector<16xf32>
        %max3A_922 = arith.constant 0.000000e+00 : f32
        %max3A_923 = vector.broadcast %max3A_922 : f32 to vector<16xf32>
        %max3A_924 = arith.maximumf %get3A_921, %max3A_923 : vector<16xf32>
        %swap3A_925 = arith.index_cast %scan3A_836 : i32 to index
        %swap3A_926 = arith.constant 112 : index
        %swap3A_927 = tpu.vector_load %arg16[%swap3A_925, %swap3A_926] {strides = array<i32>} : memref<80x128xf32, #tpu.memory_space<vmem>>, vector<1x16xf32>,
        %swap3A_928 = vector.shape_cast %swap3A_927 : vector<1x16xf32> to vector<16xf32>
        %swap3A_929 = vector.shape_cast %max3A_924 : vector<16xf32> to vector<1x16xf32>
        tpu.vector_store %arg16[%swap3A_925, %swap3A_926], %swap3A_929 {strides = array<i32>} : memref<80x128xf32, #tpu.memory_space<vmem>>, vector<1x16xf32>,
      }
      %scan3A_759 = arith.constant 80 : i32
      %dma_start3A_760 = arith.constant 1 : i32
      %dma_start3A_761 = arith.constant 0 : i32
      %dma_start3A_762 = arith.constant 0 : i32
      %dma_start3A_763 = tpu.memref_slice %arg19[%dma_start3A_761, %dma_start3A_762] : memref<10000x128xf32, #tpu.memory_space<vmem_shared>> -> memref<10000x128xf32, #tpu.memory_space<vmem_shared>>
      %dma_start3A_764 = tpu.memref_slice %arg22[%dma_start3A_760] : memref<4x!tpu.dma_semaphore, #tpu.memory_space<semaphore_mem>> -> memref<1x!tpu.dma_semaphore, #tpu.memory_space<semaphore_mem>>
      %dma_start3A_765 = tpu.memref_squeeze %dma_start3A_764 : memref<1x!tpu.dma_semaphore, #tpu.memory_space<semaphore_mem>> -> memref<!tpu.dma_semaphore, #tpu.memory_space<semaphore_mem>>
      tpu.enqueue_indirect_dma source(%arg16 : memref<80x128xf32, #tpu.memory_space<vmem>>) target(%dma_start3A_763 : memref<10000x128xf32, #tpu.memory_space<vmem_shared>>) offsets(%arg12 : memref<80xi32, #tpu.memory_space<vmem>>) semaphore(%dma_start3A_765 : memref<!tpu.dma_semaphore, #tpu.memory_space<semaphore_mem>>) {add = true}
      %mul3A_766 = arith.constant 4 : i32
      %mul3A_767 = arith.muli %scan3A_695, %mul3A_766 : i32
      %add3A_768 = arith.constant 2 : i32
      %add3A_769 = arith.addi %mul3A_767, %add3A_768 : i32
      %add3A_770 = arith.constant 2 : i32
      %add3A_771 = arith.addi %add3A_769, %add3A_770 : i32
      %lt3A_772 = arith.constant 125 : i32
      %lt3A_773 = arith.cmpi slt, %add3A_771, %lt3A_772 : i32
      %convert_element_type3A_774 = arith.extui %lt3A_773 : i1 to i32
      %cond3A_775 = arith.constant 0 : i32
      %cond3A_776 = arith.cmpi ne, %convert_element_type3A_774, %cond3A_775 : i32
      scf.if %cond3A_776 {
        %add3A_836 = arith.constant 2 : i32
        %add3A_837 = arith.addi %add3A_769, %add3A_836 : i32
        %dma_wait3A_838 = arith.constant 0 : i32
        %dma_wait3A_839 = arith.constant 0 : i32
        %dma_wait3A_840 = arith.constant 0 : i32
        %dma_wait3A_841 = tpu.memref_slice %arg19[%dma_wait3A_839, %dma_wait3A_840] : memref<10000x128xf32, #tpu.memory_space<vmem_shared>> -> memref<10000x128xf32, #tpu.memory_space<vmem_shared>>
        %dma_wait3A_842 = tpu.memref_slice %arg22[%dma_wait3A_838] : memref<4x!tpu.dma_semaphore, #tpu.memory_space<semaphore_mem>> -> memref<1x!tpu.dma_semaphore, #tpu.memory_space<semaphore_mem>>
        %dma_wait3A_843 = tpu.memref_squeeze %dma_wait3A_842 : memref<1x!tpu.dma_semaphore, #tpu.memory_space<semaphore_mem>> -> memref<!tpu.dma_semaphore, #tpu.memory_space<semaphore_mem>>
        tpu.wait_indirect_dma semaphore(%dma_wait3A_843 : memref<!tpu.dma_semaphore, #tpu.memory_space<semaphore_mem>>) src(%arg15 : memref<80x128xf32, #tpu.memory_space<vmem>>) dst(%dma_wait3A_841 : memref<10000x128xf32, #tpu.memory_space<vmem_shared>>)
        %mul3A_844 = arith.constant 80 : i32
        %mul3A_845 = arith.muli %add3A_837, %mul3A_844 : i32
        %add3A_846 = arith.addi %mul3A_118, %mul3A_845 : i32
        %dma_start3A_847 = arith.constant 0 : i32
        %dma_start3A_848 = arith.constant 0 : i32
        %dma_start3A_849 = tpu.memref_slice %arg4[%add3A_846, %dma_start3A_848] : memref<320000x128xf32, #tpu.memory_space<hbm>> -> memref<80x128xf32, #tpu.memory_space<hbm>>
        %dma_start3A_850 = tpu.memref_slice %arg20[%dma_start3A_847] : memref<4x!tpu.dma_semaphore, #tpu.memory_space<semaphore_mem>> -> memref<1x!tpu.dma_semaphore, #tpu.memory_space<semaphore_mem>>
        %dma_start3A_851 = tpu.memref_squeeze %dma_start3A_850 : memref<1x!tpu.dma_semaphore, #tpu.memory_space<semaphore_mem>> -> memref<!tpu.dma_semaphore, #tpu.memory_space<semaphore_mem>>
        %dma_start3A_852 = arith.constant 0 : i32
        %dma_start3A_853 = tpu.memref_slice %arg4[%add3A_846, %dma_start3A_852] : memref<320000x128xf32, #tpu.memory_space<hbm>> -> memref<80x128xf32, #tpu.memory_space<hbm>>
        tpu.enqueue_dma source(%dma_start3A_853 : memref<80x128xf32, #tpu.memory_space<hbm>>) target(%arg15 : memref<80x128xf32, #tpu.memory_space<vmem>>) target_semaphore(%dma_start3A_851 : memref<!tpu.dma_semaphore, #tpu.memory_space<semaphore_mem>>)
        %dma_start3A_854 = arith.constant 0 : i32
        %dma_start3A_855 = arith.constant 0 : i32
        %dma_start3A_856 = tpu.memref_slice %arg2[%add3A, %add3A_837, %dma_start3A_855] : memref<32x125x80xi32, #tpu.memory_space<hbm>> -> memref<1x1x80xi32, #tpu.memory_space<hbm>>
        %dma_start3A_857 = tpu.memref_squeeze %dma_start3A_856 : memref<1x1x80xi32, #tpu.memory_space<hbm>> -> memref<80xi32, #tpu.memory_space<hbm>>
        %dma_start3A_858 = tpu.memref_slice %arg20[%dma_start3A_854] : memref<4x!tpu.dma_semaphore, #tpu.memory_space<semaphore_mem>> -> memref<1x!tpu.dma_semaphore, #tpu.memory_space<semaphore_mem>>
        %dma_start3A_859 = tpu.memref_squeeze %dma_start3A_858 : memref<1x!tpu.dma_semaphore, #tpu.memory_space<semaphore_mem>> -> memref<!tpu.dma_semaphore, #tpu.memory_space<semaphore_mem>>
        %dma_start3A_860 = arith.constant 0 : i32
        %dma_start3A_861 = tpu.memref_slice %arg2[%add3A, %add3A_837, %dma_start3A_860] : memref<32x125x80xi32, #tpu.memory_space<hbm>> -> memref<1x1x80xi32, #tpu.memory_space<hbm>>
        %dma_start3A_862 = tpu.memref_squeeze %dma_start3A_861 : memref<1x1x80xi32, #tpu.memory_space<hbm>> -> memref<80xi32, #tpu.memory_space<hbm>>
        tpu.enqueue_dma source(%dma_start3A_862 : memref<80xi32, #tpu.memory_space<hbm>>) target(%arg7 : memref<80xi32, #tpu.memory_space<vmem>>) target_semaphore(%dma_start3A_859 : memref<!tpu.dma_semaphore, #tpu.memory_space<semaphore_mem>>)
        %dma_start3A_863 = arith.constant 0 : i32
        %dma_start3A_864 = arith.constant 0 : i32
        %dma_start3A_865 = tpu.memref_slice %arg3[%add3A, %add3A_837, %dma_start3A_864] : memref<32x125x80xi32, #tpu.memory_space<hbm>> -> memref<1x1x80xi32, #tpu.memory_space<hbm>>
        %dma_start3A_866 = tpu.memref_squeeze %dma_start3A_865 : memref<1x1x80xi32, #tpu.memory_space<hbm>> -> memref<80xi32, #tpu.memory_space<hbm>>
        %dma_start3A_867 = tpu.memref_slice %arg20[%dma_start3A_863] : memref<4x!tpu.dma_semaphore, #tpu.memory_space<semaphore_mem>> -> memref<1x!tpu.dma_semaphore, #tpu.memory_space<semaphore_mem>>
        %dma_start3A_868 = tpu.memref_squeeze %dma_start3A_867 : memref<1x!tpu.dma_semaphore, #tpu.memory_space<semaphore_mem>> -> memref<!tpu.dma_semaphore, #tpu.memory_space<semaphore_mem>>
        %dma_start3A_869 = arith.constant 0 : i32
        %dma_start3A_870 = tpu.memref_slice %arg3[%add3A, %add3A_837, %dma_start3A_869] : memref<32x125x80xi32, #tpu.memory_space<hbm>> -> memref<1x1x80xi32, #tpu.memory_space<hbm>>
        %dma_start3A_871 = tpu.memref_squeeze %dma_start3A_870 : memref<1x1x80xi32, #tpu.memory_space<hbm>> -> memref<80xi32, #tpu.memory_space<hbm>>
        tpu.enqueue_dma source(%dma_start3A_871 : memref<80xi32, #tpu.memory_space<hbm>>) target(%arg11 : memref<80xi32, #tpu.memory_space<vmem>>) target_semaphore(%dma_start3A_868 : memref<!tpu.dma_semaphore, #tpu.memory_space<semaphore_mem>>)
      } else {
      }
      %add3A_777 = arith.constant 1 : i32
      %add3A_778 = arith.addi %add3A_769, %add3A_777 : i32
      %lt3A_779 = arith.constant 125 : i32
      %lt3A_780 = arith.cmpi slt, %add3A_778, %lt3A_779 : i32
      %convert_element_type3A_781 = arith.extui %lt3A_780 : i1 to i32
      %cond3A_782 = arith.constant 0 : i32
      %cond3A_783 = arith.cmpi ne, %convert_element_type3A_781, %cond3A_782 : i32
      scf.if %cond3A_783 {
        %dma_wait3A_836 = arith.constant 3 : i32
        %dma_wait3A_837 = arith.constant 0 : i32
        %dma_wait3A_838 = tpu.memref_slice %arg4[%mul3A_118, %dma_wait3A_837] : memref<320000x128xf32, #tpu.memory_space<hbm>> -> memref<80x128xf32, #tpu.memory_space<hbm>>
        %dma_wait3A_839 = tpu.memref_slice %arg20[%dma_wait3A_836] : memref<4x!tpu.dma_semaphore, #tpu.memory_space<semaphore_mem>> -> memref<1x!tpu.dma_semaphore, #tpu.memory_space<semaphore_mem>>
        %dma_wait3A_840 = tpu.memref_squeeze %dma_wait3A_839 : memref<1x!tpu.dma_semaphore, #tpu.memory_space<semaphore_mem>> -> memref<!tpu.dma_semaphore, #tpu.memory_space<semaphore_mem>>
        %dma_wait3A_841 = arith.constant 0 : i32
        %dma_wait3A_842 = tpu.memref_slice %arg4[%mul3A_118, %dma_wait3A_841] : memref<320000x128xf32, #tpu.memory_space<hbm>> -> memref<80x128xf32, #tpu.memory_space<hbm>>
        tpu.wait_dma2 semaphore(%dma_wait3A_840 : memref<!tpu.dma_semaphore, #tpu.memory_space<semaphore_mem>>) src(%dma_wait3A_842 : memref<80x128xf32, #tpu.memory_space<hbm>>) dst(%arg18 : memref<80x128xf32, #tpu.memory_space<vmem>>)
        %dma_wait3A_843 = arith.constant 0 : i32
        %dma_wait3A_844 = arith.constant 3 : i32
        %dma_wait3A_845 = arith.constant 0 : i32
        %dma_wait3A_846 = tpu.memref_slice %arg2[%add3A, %dma_wait3A_843, %dma_wait3A_845] : memref<32x125x80xi32, #tpu.memory_space<hbm>> -> memref<1x1x80xi32, #tpu.memory_space<hbm>>
        %dma_wait3A_847 = tpu.memref_squeeze %dma_wait3A_846 : memref<1x1x80xi32, #tpu.memory_space<hbm>> -> memref<80xi32, #tpu.memory_space<hbm>>
        %dma_wait3A_848 = tpu.memref_slice %arg20[%dma_wait3A_844] : memref<4x!tpu.dma_semaphore, #tpu.memory_space<semaphore_mem>> -> memref<1x!tpu.dma_semaphore, #tpu.memory_space<semaphore_mem>>
        %dma_wait3A_849 = tpu.memref_squeeze %dma_wait3A_848 : memref<1x!tpu.dma_semaphore, #tpu.memory_space<semaphore_mem>> -> memref<!tpu.dma_semaphore, #tpu.memory_space<semaphore_mem>>
        %dma_wait3A_850 = arith.constant 0 : i32
        %dma_wait3A_851 = tpu.memref_slice %arg2[%add3A, %dma_wait3A_843, %dma_wait3A_850] : memref<32x125x80xi32, #tpu.memory_space<hbm>> -> memref<1x1x80xi32, #tpu.memory_space<hbm>>
        %dma_wait3A_852 = tpu.memref_squeeze %dma_wait3A_851 : memref<1x1x80xi32, #tpu.memory_space<hbm>> -> memref<80xi32, #tpu.memory_space<hbm>>
        tpu.wait_dma2 semaphore(%dma_wait3A_849 : memref<!tpu.dma_semaphore, #tpu.memory_space<semaphore_mem>>) src(%dma_wait3A_852 : memref<80xi32, #tpu.memory_space<hbm>>) dst(%arg10 : memref<80xi32, #tpu.memory_space<vmem>>)
        %dma_wait3A_853 = arith.constant 0 : i32
        %dma_wait3A_854 = arith.constant 3 : i32
        %dma_wait3A_855 = arith.constant 0 : i32
        %dma_wait3A_856 = tpu.memref_slice %arg3[%add3A, %dma_wait3A_853, %dma_wait3A_855] : memref<32x125x80xi32, #tpu.memory_space<hbm>> -> memref<1x1x80xi32, #tpu.memory_space<hbm>>
        %dma_wait3A_857 = tpu.memref_squeeze %dma_wait3A_856 : memref<1x1x80xi32, #tpu.memory_space<hbm>> -> memref<80xi32, #tpu.memory_space<hbm>>
        %dma_wait3A_858 = tpu.memref_slice %arg20[%dma_wait3A_854] : memref<4x!tpu.dma_semaphore, #tpu.memory_space<semaphore_mem>> -> memref<1x!tpu.dma_semaphore, #tpu.memory_space<semaphore_mem>>
        %dma_wait3A_859 = tpu.memref_squeeze %dma_wait3A_858 : memref<1x!tpu.dma_semaphore, #tpu.memory_space<semaphore_mem>> -> memref<!tpu.dma_semaphore, #tpu.memory_space<semaphore_mem>>
        %dma_wait3A_860 = arith.constant 0 : i32
        %dma_wait3A_861 = tpu.memref_slice %arg3[%add3A, %dma_wait3A_853, %dma_wait3A_860] : memref<32x125x80xi32, #tpu.memory_space<hbm>> -> memref<1x1x80xi32, #tpu.memory_space<hbm>>
        %dma_wait3A_862 = tpu.memref_squeeze %dma_wait3A_861 : memref<1x1x80xi32, #tpu.memory_space<hbm>> -> memref<80xi32, #tpu.memory_space<hbm>>
        tpu.wait_dma2 semaphore(%dma_wait3A_859 : memref<!tpu.dma_semaphore, #tpu.memory_space<semaphore_mem>>) src(%dma_wait3A_862 : memref<80xi32, #tpu.memory_space<hbm>>) dst(%arg14 : memref<80xi32, #tpu.memory_space<vmem>>)
        %dma_start3A_863 = arith.constant 3 : i32
        %dma_start3A_864 = arith.constant 0 : i32
        %dma_start3A_865 = arith.constant 0 : i32
        %dma_start3A_866 = tpu.memref_slice %arg5[%dma_start3A_864, %dma_start3A_865] : memref<10000x128xf32, #tpu.memory_space<hbm>> -> memref<10000x128xf32, #tpu.memory_space<hbm>>
        %dma_start3A_867 = tpu.memref_slice %arg21[%dma_start3A_863] : memref<4x!tpu.dma_semaphore, #tpu.memory_space<semaphore_mem>> -> memref<1x!tpu.dma_semaphore, #tpu.memory_space<semaphore_mem>>
        %dma_start3A_868 = tpu.memref_squeeze %dma_start3A_867 : memref<1x!tpu.dma_semaphore, #tpu.memory_space<semaphore_mem>> -> memref<!tpu.dma_semaphore, #tpu.memory_space<semaphore_mem>>
        tpu.enqueue_indirect_dma source(%dma_start3A_866 : memref<10000x128xf32, #tpu.memory_space<hbm>>) target(%arg18 : memref<80x128xf32, #tpu.memory_space<vmem>>) offsets(%arg10 : memref<80xi32, #tpu.memory_space<vmem>>) semaphore(%dma_start3A_868 : memref<!tpu.dma_semaphore, #tpu.memory_space<semaphore_mem>>) {add = true}
      } else {
      }
      %dma_wait3A_784 = arith.constant 2 : i32
      %dma_wait3A_785 = arith.constant 0 : i32
      %dma_wait3A_786 = arith.constant 0 : i32
      %dma_wait3A_787 = tpu.memref_slice %arg5[%dma_wait3A_785, %dma_wait3A_786] : memref<10000x128xf32, #tpu.memory_space<hbm>> -> memref<10000x128xf32, #tpu.memory_space<hbm>>
      %dma_wait3A_788 = tpu.memref_slice %arg21[%dma_wait3A_784] : memref<4x!tpu.dma_semaphore, #tpu.memory_space<semaphore_mem>> -> memref<1x!tpu.dma_semaphore, #tpu.memory_space<semaphore_mem>>
      %dma_wait3A_789 = tpu.memref_squeeze %dma_wait3A_788 : memref<1x!tpu.dma_semaphore, #tpu.memory_space<semaphore_mem>> -> memref<!tpu.dma_semaphore, #tpu.memory_space<semaphore_mem>>
      tpu.wait_indirect_dma semaphore(%dma_wait3A_789 : memref<!tpu.dma_semaphore, #tpu.memory_space<semaphore_mem>>) src(%dma_wait3A_787 : memref<10000x128xf32, #tpu.memory_space<hbm>>) dst(%arg17 : memref<80x128xf32, #tpu.memory_space<vmem>>)
      %scan3A_790 = arith.constant 0 : i32
      %scan3A_791 = arith.constant 80 : i32
      %scan3A_792 = arith.addi %scan3A_790, %scan3A_791 : i32
      %scan3A_793 = arith.constant 1 : i32
      scf.for %scan3A_836 = %scan3A_790 to %scan3A_792 step %scan3A_793  : i32 {
        %get3A = arith.index_cast %scan3A_836 : i32 to index
        %get3A_837 = arith.constant 0 : index
        %get3A_838 = tpu.vector_load %arg17[%get3A, %get3A_837] {strides = array<i32>} : memref<80x128xf32, #tpu.memory_space<vmem>>, vector<1x16xf32>,
        %get3A_839 = vector.shape_cast %get3A_838 : vector<1x16xf32> to vector<16xf32>
        %max3A = arith.constant 0.000000e+00 : f32
        %max3A_840 = vector.broadcast %max3A : f32 to vector<16xf32>
        %max3A_841 = arith.maximumf %get3A_839, %max3A_840 : vector<16xf32>
        %swap3A = arith.index_cast %scan3A_836 : i32 to index
        %swap3A_842 = arith.constant 0 : index
        %swap3A_843 = tpu.vector_load %arg17[%swap3A, %swap3A_842] {strides = array<i32>} : memref<80x128xf32, #tpu.memory_space<vmem>>, vector<1x16xf32>,
        %swap3A_844 = vector.shape_cast %swap3A_843 : vector<1x16xf32> to vector<16xf32>
        %swap3A_845 = vector.shape_cast %max3A_841 : vector<16xf32> to vector<1x16xf32>
        tpu.vector_store %arg17[%swap3A, %swap3A_842], %swap3A_845 {strides = array<i32>} : memref<80x128xf32, #tpu.memory_space<vmem>>, vector<1x16xf32>,
        %get3A_846 = arith.index_cast %scan3A_836 : i32 to index
        %get3A_847 = arith.constant 16 : index
        %get3A_848 = tpu.vector_load %arg17[%get3A_846, %get3A_847] {strides = array<i32>} : memref<80x128xf32, #tpu.memory_space<vmem>>, vector<1x16xf32>,
        %get3A_849 = vector.shape_cast %get3A_848 : vector<1x16xf32> to vector<16xf32>
        %max3A_850 = arith.constant 0.000000e+00 : f32
        %max3A_851 = vector.broadcast %max3A_850 : f32 to vector<16xf32>
        %max3A_852 = arith.maximumf %get3A_849, %max3A_851 : vector<16xf32>
        %swap3A_853 = arith.index_cast %scan3A_836 : i32 to index
        %swap3A_854 = arith.constant 16 : index
        %swap3A_855 = tpu.vector_load %arg17[%swap3A_853, %swap3A_854] {strides = array<i32>} : memref<80x128xf32, #tpu.memory_space<vmem>>, vector<1x16xf32>,
        %swap3A_856 = vector.shape_cast %swap3A_855 : vector<1x16xf32> to vector<16xf32>
        %swap3A_857 = vector.shape_cast %max3A_852 : vector<16xf32> to vector<1x16xf32>
        tpu.vector_store %arg17[%swap3A_853, %swap3A_854], %swap3A_857 {strides = array<i32>} : memref<80x128xf32, #tpu.memory_space<vmem>>, vector<1x16xf32>,
        %get3A_858 = arith.index_cast %scan3A_836 : i32 to index
        %get3A_859 = arith.constant 32 : index
        %get3A_860 = tpu.vector_load %arg17[%get3A_858, %get3A_859] {strides = array<i32>} : memref<80x128xf32, #tpu.memory_space<vmem>>, vector<1x16xf32>,
        %get3A_861 = vector.shape_cast %get3A_860 : vector<1x16xf32> to vector<16xf32>
        %max3A_862 = arith.constant 0.000000e+00 : f32
        %max3A_863 = vector.broadcast %max3A_862 : f32 to vector<16xf32>
        %max3A_864 = arith.maximumf %get3A_861, %max3A_863 : vector<16xf32>
        %swap3A_865 = arith.index_cast %scan3A_836 : i32 to index
        %swap3A_866 = arith.constant 32 : index
        %swap3A_867 = tpu.vector_load %arg17[%swap3A_865, %swap3A_866] {strides = array<i32>} : memref<80x128xf32, #tpu.memory_space<vmem>>, vector<1x16xf32>,
        %swap3A_868 = vector.shape_cast %swap3A_867 : vector<1x16xf32> to vector<16xf32>
        %swap3A_869 = vector.shape_cast %max3A_864 : vector<16xf32> to vector<1x16xf32>
        tpu.vector_store %arg17[%swap3A_865, %swap3A_866], %swap3A_869 {strides = array<i32>} : memref<80x128xf32, #tpu.memory_space<vmem>>, vector<1x16xf32>,
        %get3A_870 = arith.index_cast %scan3A_836 : i32 to index
        %get3A_871 = arith.constant 48 : index
        %get3A_872 = tpu.vector_load %arg17[%get3A_870, %get3A_871] {strides = array<i32>} : memref<80x128xf32, #tpu.memory_space<vmem>>, vector<1x16xf32>,
        %get3A_873 = vector.shape_cast %get3A_872 : vector<1x16xf32> to vector<16xf32>
        %max3A_874 = arith.constant 0.000000e+00 : f32
        %max3A_875 = vector.broadcast %max3A_874 : f32 to vector<16xf32>
        %max3A_876 = arith.maximumf %get3A_873, %max3A_875 : vector<16xf32>
        %swap3A_877 = arith.index_cast %scan3A_836 : i32 to index
        %swap3A_878 = arith.constant 48 : index
        %swap3A_879 = tpu.vector_load %arg17[%swap3A_877, %swap3A_878] {strides = array<i32>} : memref<80x128xf32, #tpu.memory_space<vmem>>, vector<1x16xf32>,
        %swap3A_880 = vector.shape_cast %swap3A_879 : vector<1x16xf32> to vector<16xf32>
        %swap3A_881 = vector.shape_cast %max3A_876 : vector<16xf32> to vector<1x16xf32>
        tpu.vector_store %arg17[%swap3A_877, %swap3A_878], %swap3A_881 {strides = array<i32>} : memref<80x128xf32, #tpu.memory_space<vmem>>, vector<1x16xf32>,
        %get3A_882 = arith.index_cast %scan3A_836 : i32 to index
        %get3A_883 = arith.constant 64 : index
        %get3A_884 = tpu.vector_load %arg17[%get3A_882, %get3A_883] {strides = array<i32>} : memref<80x128xf32, #tpu.memory_space<vmem>>, vector<1x16xf32>,
        %get3A_885 = vector.shape_cast %get3A_884 : vector<1x16xf32> to vector<16xf32>
        %max3A_886 = arith.constant 0.000000e+00 : f32
        %max3A_887 = vector.broadcast %max3A_886 : f32 to vector<16xf32>
        %max3A_888 = arith.maximumf %get3A_885, %max3A_887 : vector<16xf32>
        %swap3A_889 = arith.index_cast %scan3A_836 : i32 to index
        %swap3A_890 = arith.constant 64 : index
        %swap3A_891 = tpu.vector_load %arg17[%swap3A_889, %swap3A_890] {strides = array<i32>} : memref<80x128xf32, #tpu.memory_space<vmem>>, vector<1x16xf32>,
        %swap3A_892 = vector.shape_cast %swap3A_891 : vector<1x16xf32> to vector<16xf32>
        %swap3A_893 = vector.shape_cast %max3A_888 : vector<16xf32> to vector<1x16xf32>
        tpu.vector_store %arg17[%swap3A_889, %swap3A_890], %swap3A_893 {strides = array<i32>} : memref<80x128xf32, #tpu.memory_space<vmem>>, vector<1x16xf32>,
        %get3A_894 = arith.index_cast %scan3A_836 : i32 to index
        %get3A_895 = arith.constant 80 : index
        %get3A_896 = tpu.vector_load %arg17[%get3A_894, %get3A_895] {strides = array<i32>} : memref<80x128xf32, #tpu.memory_space<vmem>>, vector<1x16xf32>,
        %get3A_897 = vector.shape_cast %get3A_896 : vector<1x16xf32> to vector<16xf32>
        %max3A_898 = arith.constant 0.000000e+00 : f32
        %max3A_899 = vector.broadcast %max3A_898 : f32 to vector<16xf32>
        %max3A_900 = arith.maximumf %get3A_897, %max3A_899 : vector<16xf32>
        %swap3A_901 = arith.index_cast %scan3A_836 : i32 to index
        %swap3A_902 = arith.constant 80 : index
        %swap3A_903 = tpu.vector_load %arg17[%swap3A_901, %swap3A_902] {strides = array<i32>} : memref<80x128xf32, #tpu.memory_space<vmem>>, vector<1x16xf32>,
        %swap3A_904 = vector.shape_cast %swap3A_903 : vector<1x16xf32> to vector<16xf32>
        %swap3A_905 = vector.shape_cast %max3A_900 : vector<16xf32> to vector<1x16xf32>
        tpu.vector_store %arg17[%swap3A_901, %swap3A_902], %swap3A_905 {strides = array<i32>} : memref<80x128xf32, #tpu.memory_space<vmem>>, vector<1x16xf32>,
        %get3A_906 = arith.index_cast %scan3A_836 : i32 to index
        %get3A_907 = arith.constant 96 : index
        %get3A_908 = tpu.vector_load %arg17[%get3A_906, %get3A_907] {strides = array<i32>} : memref<80x128xf32, #tpu.memory_space<vmem>>, vector<1x16xf32>,
        %get3A_909 = vector.shape_cast %get3A_908 : vector<1x16xf32> to vector<16xf32>
        %max3A_910 = arith.constant 0.000000e+00 : f32
        %max3A_911 = vector.broadcast %max3A_910 : f32 to vector<16xf32>
        %max3A_912 = arith.maximumf %get3A_909, %max3A_911 : vector<16xf32>
        %swap3A_913 = arith.index_cast %scan3A_836 : i32 to index
        %swap3A_914 = arith.constant 96 : index
        %swap3A_915 = tpu.vector_load %arg17[%swap3A_913, %swap3A_914] {strides = array<i32>} : memref<80x128xf32, #tpu.memory_space<vmem>>, vector<1x16xf32>,
        %swap3A_916 = vector.shape_cast %swap3A_915 : vector<1x16xf32> to vector<16xf32>
        %swap3A_917 = vector.shape_cast %max3A_912 : vector<16xf32> to vector<1x16xf32>
        tpu.vector_store %arg17[%swap3A_913, %swap3A_914], %swap3A_917 {strides = array<i32>} : memref<80x128xf32, #tpu.memory_space<vmem>>, vector<1x16xf32>,
        %get3A_918 = arith.index_cast %scan3A_836 : i32 to index
        %get3A_919 = arith.constant 112 : index
        %get3A_920 = tpu.vector_load %arg17[%get3A_918, %get3A_919] {strides = array<i32>} : memref<80x128xf32, #tpu.memory_space<vmem>>, vector<1x16xf32>,
        %get3A_921 = vector.shape_cast %get3A_920 : vector<1x16xf32> to vector<16xf32>
        %max3A_922 = arith.constant 0.000000e+00 : f32
        %max3A_923 = vector.broadcast %max3A_922 : f32 to vector<16xf32>
        %max3A_924 = arith.maximumf %get3A_921, %max3A_923 : vector<16xf32>
        %swap3A_925 = arith.index_cast %scan3A_836 : i32 to index
        %swap3A_926 = arith.constant 112 : index
        %swap3A_927 = tpu.vector_load %arg17[%swap3A_925, %swap3A_926] {strides = array<i32>} : memref<80x128xf32, #tpu.memory_space<vmem>>, vector<1x16xf32>,
        %swap3A_928 = vector.shape_cast %swap3A_927 : vector<1x16xf32> to vector<16xf32>
        %swap3A_929 = vector.shape_cast %max3A_924 : vector<16xf32> to vector<1x16xf32>
        tpu.vector_store %arg17[%swap3A_925, %swap3A_926], %swap3A_929 {strides = array<i32>} : memref<80x128xf32, #tpu.memory_space<vmem>>, vector<1x16xf32>,
      }
      %scan3A_794 = arith.constant 80 : i32
      %dma_start3A_795 = arith.constant 2 : i32
      %dma_start3A_796 = arith.constant 0 : i32
      %dma_start3A_797 = arith.constant 0 : i32
      %dma_start3A_798 = tpu.memref_slice %arg19[%dma_start3A_796, %dma_start3A_797] : memref<10000x128xf32, #tpu.memory_space<vmem_shared>> -> memref<10000x128xf32, #tpu.memory_space<vmem_shared>>
      %dma_start3A_799 = tpu.memref_slice %arg22[%dma_start3A_795] : memref<4x!tpu.dma_semaphore, #tpu.memory_space<semaphore_mem>> -> memref<1x!tpu.dma_semaphore, #tpu.memory_space<semaphore_mem>>
      %dma_start3A_800 = tpu.memref_squeeze %dma_start3A_799 : memref<1x!tpu.dma_semaphore, #tpu.memory_space<semaphore_mem>> -> memref<!tpu.dma_semaphore, #tpu.memory_space<semaphore_mem>>
      tpu.enqueue_indirect_dma source(%arg17 : memref<80x128xf32, #tpu.memory_space<vmem>>) target(%dma_start3A_798 : memref<10000x128xf32, #tpu.memory_space<vmem_shared>>) offsets(%arg13 : memref<80xi32, #tpu.memory_space<vmem>>) semaphore(%dma_start3A_800 : memref<!tpu.dma_semaphore, #tpu.memory_space<semaphore_mem>>) {add = true}
      %mul3A_801 = arith.constant 4 : i32
      %mul3A_802 = arith.muli %scan3A_695, %mul3A_801 : i32
      %add3A_803 = arith.constant 3 : i32
      %add3A_804 = arith.addi %mul3A_802, %add3A_803 : i32
      %add3A_805 = arith.constant 2 : i32
      %add3A_806 = arith.addi %add3A_804, %add3A_805 : i32
      %lt3A_807 = arith.constant 125 : i32
      %lt3A_808 = arith.cmpi slt, %add3A_806, %lt3A_807 : i32
      %convert_element_type3A_809 = arith.extui %lt3A_808 : i1 to i32
      %cond3A_810 = arith.constant 0 : i32
      %cond3A_811 = arith.cmpi ne, %convert_element_type3A_809, %cond3A_810 : i32
      scf.if %cond3A_811 {
        %add3A_836 = arith.constant 2 : i32
        %add3A_837 = arith.addi %add3A_804, %add3A_836 : i32
        %dma_wait3A_838 = arith.constant 1 : i32
        %dma_wait3A_839 = arith.constant 0 : i32
        %dma_wait3A_840 = arith.constant 0 : i32
        %dma_wait3A_841 = tpu.memref_slice %arg19[%dma_wait3A_839, %dma_wait3A_840] : memref<10000x128xf32, #tpu.memory_space<vmem_shared>> -> memref<10000x128xf32, #tpu.memory_space<vmem_shared>>
        %dma_wait3A_842 = tpu.memref_slice %arg22[%dma_wait3A_838] : memref<4x!tpu.dma_semaphore, #tpu.memory_space<semaphore_mem>> -> memref<1x!tpu.dma_semaphore, #tpu.memory_space<semaphore_mem>>
        %dma_wait3A_843 = tpu.memref_squeeze %dma_wait3A_842 : memref<1x!tpu.dma_semaphore, #tpu.memory_space<semaphore_mem>> -> memref<!tpu.dma_semaphore, #tpu.memory_space<semaphore_mem>>
        tpu.wait_indirect_dma semaphore(%dma_wait3A_843 : memref<!tpu.dma_semaphore, #tpu.memory_space<semaphore_mem>>) src(%arg16 : memref<80x128xf32, #tpu.memory_space<vmem>>) dst(%dma_wait3A_841 : memref<10000x128xf32, #tpu.memory_space<vmem_shared>>)
        %mul3A_844 = arith.constant 80 : i32
        %mul3A_845 = arith.muli %add3A_837, %mul3A_844 : i32
        %add3A_846 = arith.addi %mul3A_118, %mul3A_845 : i32
        %dma_start3A_847 = arith.constant 1 : i32
        %dma_start3A_848 = arith.constant 0 : i32
        %dma_start3A_849 = tpu.memref_slice %arg4[%add3A_846, %dma_start3A_848] : memref<320000x128xf32, #tpu.memory_space<hbm>> -> memref<80x128xf32, #tpu.memory_space<hbm>>
        %dma_start3A_850 = tpu.memref_slice %arg20[%dma_start3A_847] : memref<4x!tpu.dma_semaphore, #tpu.memory_space<semaphore_mem>> -> memref<1x!tpu.dma_semaphore, #tpu.memory_space<semaphore_mem>>
        %dma_start3A_851 = tpu.memref_squeeze %dma_start3A_850 : memref<1x!tpu.dma_semaphore, #tpu.memory_space<semaphore_mem>> -> memref<!tpu.dma_semaphore, #tpu.memory_space<semaphore_mem>>
        %dma_start3A_852 = arith.constant 0 : i32
        %dma_start3A_853 = tpu.memref_slice %arg4[%add3A_846, %dma_start3A_852] : memref<320000x128xf32, #tpu.memory_space<hbm>> -> memref<80x128xf32, #tpu.memory_space<hbm>>
        tpu.enqueue_dma source(%dma_start3A_853 : memref<80x128xf32, #tpu.memory_space<hbm>>) target(%arg16 : memref<80x128xf32, #tpu.memory_space<vmem>>) target_semaphore(%dma_start3A_851 : memref<!tpu.dma_semaphore, #tpu.memory_space<semaphore_mem>>)
        %dma_start3A_854 = arith.constant 1 : i32
        %dma_start3A_855 = arith.constant 0 : i32
        %dma_start3A_856 = tpu.memref_slice %arg2[%add3A, %add3A_837, %dma_start3A_855] : memref<32x125x80xi32, #tpu.memory_space<hbm>> -> memref<1x1x80xi32, #tpu.memory_space<hbm>>
        %dma_start3A_857 = tpu.memref_squeeze %dma_start3A_856 : memref<1x1x80xi32, #tpu.memory_space<hbm>> -> memref<80xi32, #tpu.memory_space<hbm>>
        %dma_start3A_858 = tpu.memref_slice %arg20[%dma_start3A_854] : memref<4x!tpu.dma_semaphore, #tpu.memory_space<semaphore_mem>> -> memref<1x!tpu.dma_semaphore, #tpu.memory_space<semaphore_mem>>
        %dma_start3A_859 = tpu.memref_squeeze %dma_start3A_858 : memref<1x!tpu.dma_semaphore, #tpu.memory_space<semaphore_mem>> -> memref<!tpu.dma_semaphore, #tpu.memory_space<semaphore_mem>>
        %dma_start3A_860 = arith.constant 0 : i32
        %dma_start3A_861 = tpu.memref_slice %arg2[%add3A, %add3A_837, %dma_start3A_860] : memref<32x125x80xi32, #tpu.memory_space<hbm>> -> memref<1x1x80xi32, #tpu.memory_space<hbm>>
        %dma_start3A_862 = tpu.memref_squeeze %dma_start3A_861 : memref<1x1x80xi32, #tpu.memory_space<hbm>> -> memref<80xi32, #tpu.memory_space<hbm>>
        tpu.enqueue_dma source(%dma_start3A_862 : memref<80xi32, #tpu.memory_space<hbm>>) target(%arg8 : memref<80xi32, #tpu.memory_space<vmem>>) target_semaphore(%dma_start3A_859 : memref<!tpu.dma_semaphore, #tpu.memory_space<semaphore_mem>>)
        %dma_start3A_863 = arith.constant 1 : i32
        %dma_start3A_864 = arith.constant 0 : i32
        %dma_start3A_865 = tpu.memref_slice %arg3[%add3A, %add3A_837, %dma_start3A_864] : memref<32x125x80xi32, #tpu.memory_space<hbm>> -> memref<1x1x80xi32, #tpu.memory_space<hbm>>
        %dma_start3A_866 = tpu.memref_squeeze %dma_start3A_865 : memref<1x1x80xi32, #tpu.memory_space<hbm>> -> memref<80xi32, #tpu.memory_space<hbm>>
        %dma_start3A_867 = tpu.memref_slice %arg20[%dma_start3A_863] : memref<4x!tpu.dma_semaphore, #tpu.memory_space<semaphore_mem>> -> memref<1x!tpu.dma_semaphore, #tpu.memory_space<semaphore_mem>>
        %dma_start3A_868 = tpu.memref_squeeze %dma_start3A_867 : memref<1x!tpu.dma_semaphore, #tpu.memory_space<semaphore_mem>> -> memref<!tpu.dma_semaphore, #tpu.memory_space<semaphore_mem>>
        %dma_start3A_869 = arith.constant 0 : i32
        %dma_start3A_870 = tpu.memref_slice %arg3[%add3A, %add3A_837, %dma_start3A_869] : memref<32x125x80xi32, #tpu.memory_space<hbm>> -> memref<1x1x80xi32, #tpu.memory_space<hbm>>
        %dma_start3A_871 = tpu.memref_squeeze %dma_start3A_870 : memref<1x1x80xi32, #tpu.memory_space<hbm>> -> memref<80xi32, #tpu.memory_space<hbm>>
        tpu.enqueue_dma source(%dma_start3A_871 : memref<80xi32, #tpu.memory_space<hbm>>) target(%arg12 : memref<80xi32, #tpu.memory_space<vmem>>) target_semaphore(%dma_start3A_868 : memref<!tpu.dma_semaphore, #tpu.memory_space<semaphore_mem>>)
      } else {
      }
      %add3A_812 = arith.constant 1 : i32
      %add3A_813 = arith.addi %add3A_804, %add3A_812 : i32
      %lt3A_814 = arith.constant 125 : i32
      %lt3A_815 = arith.cmpi slt, %add3A_813, %lt3A_814 : i32
      %convert_element_type3A_816 = arith.extui %lt3A_815 : i1 to i32
      %cond3A_817 = arith.constant 0 : i32
      %cond3A_818 = arith.cmpi ne, %convert_element_type3A_816, %cond3A_817 : i32
      scf.if %cond3A_818 {
        %dma_wait3A_836 = arith.constant 0 : i32
        %dma_wait3A_837 = arith.constant 0 : i32
        %dma_wait3A_838 = tpu.memref_slice %arg4[%mul3A_118, %dma_wait3A_837] : memref<320000x128xf32, #tpu.memory_space<hbm>> -> memref<80x128xf32, #tpu.memory_space<hbm>>
        %dma_wait3A_839 = tpu.memref_slice %arg20[%dma_wait3A_836] : memref<4x!tpu.dma_semaphore, #tpu.memory_space<semaphore_mem>> -> memref<1x!tpu.dma_semaphore, #tpu.memory_space<semaphore_mem>>
        %dma_wait3A_840 = tpu.memref_squeeze %dma_wait3A_839 : memref<1x!tpu.dma_semaphore, #tpu.memory_space<semaphore_mem>> -> memref<!tpu.dma_semaphore, #tpu.memory_space<semaphore_mem>>
        %dma_wait3A_841 = arith.constant 0 : i32
        %dma_wait3A_842 = tpu.memref_slice %arg4[%mul3A_118, %dma_wait3A_841] : memref<320000x128xf32, #tpu.memory_space<hbm>> -> memref<80x128xf32, #tpu.memory_space<hbm>>
        tpu.wait_dma2 semaphore(%dma_wait3A_840 : memref<!tpu.dma_semaphore, #tpu.memory_space<semaphore_mem>>) src(%dma_wait3A_842 : memref<80x128xf32, #tpu.memory_space<hbm>>) dst(%arg15 : memref<80x128xf32, #tpu.memory_space<vmem>>)
        %dma_wait3A_843 = arith.constant 0 : i32
        %dma_wait3A_844 = arith.constant 0 : i32
        %dma_wait3A_845 = arith.constant 0 : i32
        %dma_wait3A_846 = tpu.memref_slice %arg2[%add3A, %dma_wait3A_843, %dma_wait3A_845] : memref<32x125x80xi32, #tpu.memory_space<hbm>> -> memref<1x1x80xi32, #tpu.memory_space<hbm>>
        %dma_wait3A_847 = tpu.memref_squeeze %dma_wait3A_846 : memref<1x1x80xi32, #tpu.memory_space<hbm>> -> memref<80xi32, #tpu.memory_space<hbm>>
        %dma_wait3A_848 = tpu.memref_slice %arg20[%dma_wait3A_844] : memref<4x!tpu.dma_semaphore, #tpu.memory_space<semaphore_mem>> -> memref<1x!tpu.dma_semaphore, #tpu.memory_space<semaphore_mem>>
        %dma_wait3A_849 = tpu.memref_squeeze %dma_wait3A_848 : memref<1x!tpu.dma_semaphore, #tpu.memory_space<semaphore_mem>> -> memref<!tpu.dma_semaphore, #tpu.memory_space<semaphore_mem>>
        %dma_wait3A_850 = arith.constant 0 : i32
        %dma_wait3A_851 = tpu.memref_slice %arg2[%add3A, %dma_wait3A_843, %dma_wait3A_850] : memref<32x125x80xi32, #tpu.memory_space<hbm>> -> memref<1x1x80xi32, #tpu.memory_space<hbm>>
        %dma_wait3A_852 = tpu.memref_squeeze %dma_wait3A_851 : memref<1x1x80xi32, #tpu.memory_space<hbm>> -> memref<80xi32, #tpu.memory_space<hbm>>
        tpu.wait_dma2 semaphore(%dma_wait3A_849 : memref<!tpu.dma_semaphore, #tpu.memory_space<semaphore_mem>>) src(%dma_wait3A_852 : memref<80xi32, #tpu.memory_space<hbm>>) dst(%arg7 : memref<80xi32, #tpu.memory_space<vmem>>)
        %dma_wait3A_853 = arith.constant 0 : i32
        %dma_wait3A_854 = arith.constant 0 : i32
        %dma_wait3A_855 = arith.constant 0 : i32
        %dma_wait3A_856 = tpu.memref_slice %arg3[%add3A, %dma_wait3A_853, %dma_wait3A_855] : memref<32x125x80xi32, #tpu.memory_space<hbm>> -> memref<1x1x80xi32, #tpu.memory_space<hbm>>
        %dma_wait3A_857 = tpu.memref_squeeze %dma_wait3A_856 : memref<1x1x80xi32, #tpu.memory_space<hbm>> -> memref<80xi32, #tpu.memory_space<hbm>>
        %dma_wait3A_858 = tpu.memref_slice %arg20[%dma_wait3A_854] : memref<4x!tpu.dma_semaphore, #tpu.memory_space<semaphore_mem>> -> memref<1x!tpu.dma_semaphore, #tpu.memory_space<semaphore_mem>>
        %dma_wait3A_859 = tpu.memref_squeeze %dma_wait3A_858 : memref<1x!tpu.dma_semaphore, #tpu.memory_space<semaphore_mem>> -> memref<!tpu.dma_semaphore, #tpu.memory_space<semaphore_mem>>
        %dma_wait3A_860 = arith.constant 0 : i32
        %dma_wait3A_861 = tpu.memref_slice %arg3[%add3A, %dma_wait3A_853, %dma_wait3A_860] : memref<32x125x80xi32, #tpu.memory_space<hbm>> -> memref<1x1x80xi32, #tpu.memory_space<hbm>>
        %dma_wait3A_862 = tpu.memref_squeeze %dma_wait3A_861 : memref<1x1x80xi32, #tpu.memory_space<hbm>> -> memref<80xi32, #tpu.memory_space<hbm>>
        tpu.wait_dma2 semaphore(%dma_wait3A_859 : memref<!tpu.dma_semaphore, #tpu.memory_space<semaphore_mem>>) src(%dma_wait3A_862 : memref<80xi32, #tpu.memory_space<hbm>>) dst(%arg11 : memref<80xi32, #tpu.memory_space<vmem>>)
        %dma_start3A_863 = arith.constant 0 : i32
        %dma_start3A_864 = arith.constant 0 : i32
        %dma_start3A_865 = arith.constant 0 : i32
        %dma_start3A_866 = tpu.memref_slice %arg5[%dma_start3A_864, %dma_start3A_865] : memref<10000x128xf32, #tpu.memory_space<hbm>> -> memref<10000x128xf32, #tpu.memory_space<hbm>>
        %dma_start3A_867 = tpu.memref_slice %arg21[%dma_start3A_863] : memref<4x!tpu.dma_semaphore, #tpu.memory_space<semaphore_mem>> -> memref<1x!tpu.dma_semaphore, #tpu.memory_space<semaphore_mem>>
        %dma_start3A_868 = tpu.memref_squeeze %dma_start3A_867 : memref<1x!tpu.dma_semaphore, #tpu.memory_space<semaphore_mem>> -> memref<!tpu.dma_semaphore, #tpu.memory_space<semaphore_mem>>
        tpu.enqueue_indirect_dma source(%dma_start3A_866 : memref<10000x128xf32, #tpu.memory_space<hbm>>) target(%arg15 : memref<80x128xf32, #tpu.memory_space<vmem>>) offsets(%arg7 : memref<80xi32, #tpu.memory_space<vmem>>) semaphore(%dma_start3A_868 : memref<!tpu.dma_semaphore, #tpu.memory_space<semaphore_mem>>) {add = true}
      } else {
      }
      %dma_wait3A_819 = arith.constant 3 : i32
      %dma_wait3A_820 = arith.constant 0 : i32
      %dma_wait3A_821 = arith.constant 0 : i32
      %dma_wait3A_822 = tpu.memref_slice %arg5[%dma_wait3A_820, %dma_wait3A_821] : memref<10000x128xf32, #tpu.memory_space<hbm>> -> memref<10000x128xf32, #tpu.memory_space<hbm>>
      %dma_wait3A_823 = tpu.memref_slice %arg21[%dma_wait3A_819] : memref<4x!tpu.dma_semaphore, #tpu.memory_space<semaphore_mem>> -> memref<1x!tpu.dma_semaphore, #tpu.memory_space<semaphore_mem>>
      %dma_wait3A_824 = tpu.memref_squeeze %dma_wait3A_823 : memref<1x!tpu.dma_semaphore, #tpu.memory_space<semaphore_mem>> -> memref<!tpu.dma_semaphore, #tpu.memory_space<semaphore_mem>>
      tpu.wait_indirect_dma semaphore(%dma_wait3A_824 : memref<!tpu.dma_semaphore, #tpu.memory_space<semaphore_mem>>) src(%dma_wait3A_822 : memref<10000x128xf32, #tpu.memory_space<hbm>>) dst(%arg18 : memref<80x128xf32, #tpu.memory_space<vmem>>)
      %scan3A_825 = arith.constant 0 : i32
      %scan3A_826 = arith.constant 80 : i32
      %scan3A_827 = arith.addi %scan3A_825, %scan3A_826 : i32
      %scan3A_828 = arith.constant 1 : i32
      scf.for %scan3A_836 = %scan3A_825 to %scan3A_827 step %scan3A_828  : i32 {
        %get3A = arith.index_cast %scan3A_836 : i32 to index
        %get3A_837 = arith.constant 0 : index
        %get3A_838 = tpu.vector_load %arg18[%get3A, %get3A_837] {strides = array<i32>} : memref<80x128xf32, #tpu.memory_space<vmem>>, vector<1x16xf32>,
        %get3A_839 = vector.shape_cast %get3A_838 : vector<1x16xf32> to vector<16xf32>
        %max3A = arith.constant 0.000000e+00 : f32
        %max3A_840 = vector.broadcast %max3A : f32 to vector<16xf32>
        %max3A_841 = arith.maximumf %get3A_839, %max3A_840 : vector<16xf32>
        %swap3A = arith.index_cast %scan3A_836 : i32 to index
        %swap3A_842 = arith.constant 0 : index
        %swap3A_843 = tpu.vector_load %arg18[%swap3A, %swap3A_842] {strides = array<i32>} : memref<80x128xf32, #tpu.memory_space<vmem>>, vector<1x16xf32>,
        %swap3A_844 = vector.shape_cast %swap3A_843 : vector<1x16xf32> to vector<16xf32>
        %swap3A_845 = vector.shape_cast %max3A_841 : vector<16xf32> to vector<1x16xf32>
        tpu.vector_store %arg18[%swap3A, %swap3A_842], %swap3A_845 {strides = array<i32>} : memref<80x128xf32, #tpu.memory_space<vmem>>, vector<1x16xf32>,
        %get3A_846 = arith.index_cast %scan3A_836 : i32 to index
        %get3A_847 = arith.constant 16 : index
        %get3A_848 = tpu.vector_load %arg18[%get3A_846, %get3A_847] {strides = array<i32>} : memref<80x128xf32, #tpu.memory_space<vmem>>, vector<1x16xf32>,
        %get3A_849 = vector.shape_cast %get3A_848 : vector<1x16xf32> to vector<16xf32>
        %max3A_850 = arith.constant 0.000000e+00 : f32
        %max3A_851 = vector.broadcast %max3A_850 : f32 to vector<16xf32>
        %max3A_852 = arith.maximumf %get3A_849, %max3A_851 : vector<16xf32>
        %swap3A_853 = arith.index_cast %scan3A_836 : i32 to index
        %swap3A_854 = arith.constant 16 : index
        %swap3A_855 = tpu.vector_load %arg18[%swap3A_853, %swap3A_854] {strides = array<i32>} : memref<80x128xf32, #tpu.memory_space<vmem>>, vector<1x16xf32>,
        %swap3A_856 = vector.shape_cast %swap3A_855 : vector<1x16xf32> to vector<16xf32>
        %swap3A_857 = vector.shape_cast %max3A_852 : vector<16xf32> to vector<1x16xf32>
        tpu.vector_store %arg18[%swap3A_853, %swap3A_854], %swap3A_857 {strides = array<i32>} : memref<80x128xf32, #tpu.memory_space<vmem>>, vector<1x16xf32>,
        %get3A_858 = arith.index_cast %scan3A_836 : i32 to index
        %get3A_859 = arith.constant 32 : index
        %get3A_860 = tpu.vector_load %arg18[%get3A_858, %get3A_859] {strides = array<i32>} : memref<80x128xf32, #tpu.memory_space<vmem>>, vector<1x16xf32>,
        %get3A_861 = vector.shape_cast %get3A_860 : vector<1x16xf32> to vector<16xf32>
        %max3A_862 = arith.constant 0.000000e+00 : f32
        %max3A_863 = vector.broadcast %max3A_862 : f32 to vector<16xf32>
        %max3A_864 = arith.maximumf %get3A_861, %max3A_863 : vector<16xf32>
        %swap3A_865 = arith.index_cast %scan3A_836 : i32 to index
        %swap3A_866 = arith.constant 32 : index
        %swap3A_867 = tpu.vector_load %arg18[%swap3A_865, %swap3A_866] {strides = array<i32>} : memref<80x128xf32, #tpu.memory_space<vmem>>, vector<1x16xf32>,
        %swap3A_868 = vector.shape_cast %swap3A_867 : vector<1x16xf32> to vector<16xf32>
        %swap3A_869 = vector.shape_cast %max3A_864 : vector<16xf32> to vector<1x16xf32>
        tpu.vector_store %arg18[%swap3A_865, %swap3A_866], %swap3A_869 {strides = array<i32>} : memref<80x128xf32, #tpu.memory_space<vmem>>, vector<1x16xf32>,
        %get3A_870 = arith.index_cast %scan3A_836 : i32 to index
        %get3A_871 = arith.constant 48 : index
        %get3A_872 = tpu.vector_load %arg18[%get3A_870, %get3A_871] {strides = array<i32>} : memref<80x128xf32, #tpu.memory_space<vmem>>, vector<1x16xf32>,
        %get3A_873 = vector.shape_cast %get3A_872 : vector<1x16xf32> to vector<16xf32>
        %max3A_874 = arith.constant 0.000000e+00 : f32
        %max3A_875 = vector.broadcast %max3A_874 : f32 to vector<16xf32>
        %max3A_876 = arith.maximumf %get3A_873, %max3A_875 : vector<16xf32>
        %swap3A_877 = arith.index_cast %scan3A_836 : i32 to index
        %swap3A_878 = arith.constant 48 : index
        %swap3A_879 = tpu.vector_load %arg18[%swap3A_877, %swap3A_878] {strides = array<i32>} : memref<80x128xf32, #tpu.memory_space<vmem>>, vector<1x16xf32>,
        %swap3A_880 = vector.shape_cast %swap3A_879 : vector<1x16xf32> to vector<16xf32>
        %swap3A_881 = vector.shape_cast %max3A_876 : vector<16xf32> to vector<1x16xf32>
        tpu.vector_store %arg18[%swap3A_877, %swap3A_878], %swap3A_881 {strides = array<i32>} : memref<80x128xf32, #tpu.memory_space<vmem>>, vector<1x16xf32>,
        %get3A_882 = arith.index_cast %scan3A_836 : i32 to index
        %get3A_883 = arith.constant 64 : index
        %get3A_884 = tpu.vector_load %arg18[%get3A_882, %get3A_883] {strides = array<i32>} : memref<80x128xf32, #tpu.memory_space<vmem>>, vector<1x16xf32>,
        %get3A_885 = vector.shape_cast %get3A_884 : vector<1x16xf32> to vector<16xf32>
        %max3A_886 = arith.constant 0.000000e+00 : f32
        %max3A_887 = vector.broadcast %max3A_886 : f32 to vector<16xf32>
        %max3A_888 = arith.maximumf %get3A_885, %max3A_887 : vector<16xf32>
        %swap3A_889 = arith.index_cast %scan3A_836 : i32 to index
        %swap3A_890 = arith.constant 64 : index
        %swap3A_891 = tpu.vector_load %arg18[%swap3A_889, %swap3A_890] {strides = array<i32>} : memref<80x128xf32, #tpu.memory_space<vmem>>, vector<1x16xf32>,
        %swap3A_892 = vector.shape_cast %swap3A_891 : vector<1x16xf32> to vector<16xf32>
        %swap3A_893 = vector.shape_cast %max3A_888 : vector<16xf32> to vector<1x16xf32>
        tpu.vector_store %arg18[%swap3A_889, %swap3A_890], %swap3A_893 {strides = array<i32>} : memref<80x128xf32, #tpu.memory_space<vmem>>, vector<1x16xf32>,
        %get3A_894 = arith.index_cast %scan3A_836 : i32 to index
        %get3A_895 = arith.constant 80 : index
        %get3A_896 = tpu.vector_load %arg18[%get3A_894, %get3A_895] {strides = array<i32>} : memref<80x128xf32, #tpu.memory_space<vmem>>, vector<1x16xf32>,
        %get3A_897 = vector.shape_cast %get3A_896 : vector<1x16xf32> to vector<16xf32>
        %max3A_898 = arith.constant 0.000000e+00 : f32
        %max3A_899 = vector.broadcast %max3A_898 : f32 to vector<16xf32>
        %max3A_900 = arith.maximumf %get3A_897, %max3A_899 : vector<16xf32>
        %swap3A_901 = arith.index_cast %scan3A_836 : i32 to index
        %swap3A_902 = arith.constant 80 : index
        %swap3A_903 = tpu.vector_load %arg18[%swap3A_901, %swap3A_902] {strides = array<i32>} : memref<80x128xf32, #tpu.memory_space<vmem>>, vector<1x16xf32>,
        %swap3A_904 = vector.shape_cast %swap3A_903 : vector<1x16xf32> to vector<16xf32>
        %swap3A_905 = vector.shape_cast %max3A_900 : vector<16xf32> to vector<1x16xf32>
        tpu.vector_store %arg18[%swap3A_901, %swap3A_902], %swap3A_905 {strides = array<i32>} : memref<80x128xf32, #tpu.memory_space<vmem>>, vector<1x16xf32>,
        %get3A_906 = arith.index_cast %scan3A_836 : i32 to index
        %get3A_907 = arith.constant 96 : index
        %get3A_908 = tpu.vector_load %arg18[%get3A_906, %get3A_907] {strides = array<i32>} : memref<80x128xf32, #tpu.memory_space<vmem>>, vector<1x16xf32>,
        %get3A_909 = vector.shape_cast %get3A_908 : vector<1x16xf32> to vector<16xf32>
        %max3A_910 = arith.constant 0.000000e+00 : f32
        %max3A_911 = vector.broadcast %max3A_910 : f32 to vector<16xf32>
        %max3A_912 = arith.maximumf %get3A_909, %max3A_911 : vector<16xf32>
        %swap3A_913 = arith.index_cast %scan3A_836 : i32 to index
        %swap3A_914 = arith.constant 96 : index
        %swap3A_915 = tpu.vector_load %arg18[%swap3A_913, %swap3A_914] {strides = array<i32>} : memref<80x128xf32, #tpu.memory_space<vmem>>, vector<1x16xf32>,
        %swap3A_916 = vector.shape_cast %swap3A_915 : vector<1x16xf32> to vector<16xf32>
        %swap3A_917 = vector.shape_cast %max3A_912 : vector<16xf32> to vector<1x16xf32>
        tpu.vector_store %arg18[%swap3A_913, %swap3A_914], %swap3A_917 {strides = array<i32>} : memref<80x128xf32, #tpu.memory_space<vmem>>, vector<1x16xf32>,
        %get3A_918 = arith.index_cast %scan3A_836 : i32 to index
        %get3A_919 = arith.constant 112 : index
        %get3A_920 = tpu.vector_load %arg18[%get3A_918, %get3A_919] {strides = array<i32>} : memref<80x128xf32, #tpu.memory_space<vmem>>, vector<1x16xf32>,
        %get3A_921 = vector.shape_cast %get3A_920 : vector<1x16xf32> to vector<16xf32>
        %max3A_922 = arith.constant 0.000000e+00 : f32
        %max3A_923 = vector.broadcast %max3A_922 : f32 to vector<16xf32>
        %max3A_924 = arith.maximumf %get3A_921, %max3A_923 : vector<16xf32>
        %swap3A_925 = arith.index_cast %scan3A_836 : i32 to index
        %swap3A_926 = arith.constant 112 : index
        %swap3A_927 = tpu.vector_load %arg18[%swap3A_925, %swap3A_926] {strides = array<i32>} : memref<80x128xf32, #tpu.memory_space<vmem>>, vector<1x16xf32>,
        %swap3A_928 = vector.shape_cast %swap3A_927 : vector<1x16xf32> to vector<16xf32>
        %swap3A_929 = vector.shape_cast %max3A_924 : vector<16xf32> to vector<1x16xf32>
        tpu.vector_store %arg18[%swap3A_925, %swap3A_926], %swap3A_929 {strides = array<i32>} : memref<80x128xf32, #tpu.memory_space<vmem>>, vector<1x16xf32>,
      }
      %scan3A_829 = arith.constant 80 : i32
      %dma_start3A_830 = arith.constant 3 : i32
      %dma_start3A_831 = arith.constant 0 : i32
      %dma_start3A_832 = arith.constant 0 : i32
      %dma_start3A_833 = tpu.memref_slice %arg19[%dma_start3A_831, %dma_start3A_832] : memref<10000x128xf32, #tpu.memory_space<vmem_shared>> -> memref<10000x128xf32, #tpu.memory_space<vmem_shared>>
      %dma_start3A_834 = tpu.memref_slice %arg22[%dma_start3A_830] : memref<4x!tpu.dma_semaphore, #tpu.memory_space<semaphore_mem>> -> memref<1x!tpu.dma_semaphore, #tpu.memory_space<semaphore_mem>>
      %dma_start3A_835 = tpu.memref_squeeze %dma_start3A_834 : memref<1x!tpu.dma_semaphore, #tpu.memory_space<semaphore_mem>> -> memref<!tpu.dma_semaphore, #tpu.memory_space<semaphore_mem>>
      tpu.enqueue_indirect_dma source(%arg18 : memref<80x128xf32, #tpu.memory_space<vmem>>) target(%dma_start3A_833 : memref<10000x128xf32, #tpu.memory_space<vmem_shared>>) offsets(%arg14 : memref<80xi32, #tpu.memory_space<vmem>>) semaphore(%dma_start3A_835 : memref<!tpu.dma_semaphore, #tpu.memory_space<semaphore_mem>>) {add = true}
    }
    %scan3A_540 = arith.constant 30 : i32
    %dma_wait3A_541 = arith.constant 0 : i32
    %dma_wait3A_542 = arith.constant 0 : i32
    %dma_wait3A_543 = arith.constant 0 : i32
    %dma_wait3A_544 = tpu.memref_slice %arg5[%dma_wait3A_542, %dma_wait3A_543] : memref<10000x128xf32, #tpu.memory_space<hbm>> -> memref<10000x128xf32, #tpu.memory_space<hbm>>
    %dma_wait3A_545 = tpu.memref_slice %arg21[%dma_wait3A_541] : memref<4x!tpu.dma_semaphore, #tpu.memory_space<semaphore_mem>> -> memref<1x!tpu.dma_semaphore, #tpu.memory_space<semaphore_mem>>
    %dma_wait3A_546 = tpu.memref_squeeze %dma_wait3A_545 : memref<1x!tpu.dma_semaphore, #tpu.memory_space<semaphore_mem>> -> memref<!tpu.dma_semaphore, #tpu.memory_space<semaphore_mem>>
    tpu.wait_indirect_dma semaphore(%dma_wait3A_546 : memref<!tpu.dma_semaphore, #tpu.memory_space<semaphore_mem>>) src(%dma_wait3A_544 : memref<10000x128xf32, #tpu.memory_space<hbm>>) dst(%arg15 : memref<80x128xf32, #tpu.memory_space<vmem>>)
    %scan3A_547 = arith.constant 0 : i32
    %scan3A_548 = arith.constant 80 : i32
    %scan3A_549 = arith.addi %scan3A_547, %scan3A_548 : i32
    %scan3A_550 = arith.constant 1 : i32
    scf.for %scan3A_695 = %scan3A_547 to %scan3A_549 step %scan3A_550  : i32 {
      %get3A = arith.index_cast %scan3A_695 : i32 to index
      %get3A_696 = arith.constant 0 : index
      %get3A_697 = tpu.vector_load %arg15[%get3A, %get3A_696] {strides = array<i32>} : memref<80x128xf32, #tpu.memory_space<vmem>>, vector<1x16xf32>,
      %get3A_698 = vector.shape_cast %get3A_697 : vector<1x16xf32> to vector<16xf32>
      %max3A = arith.constant 0.000000e+00 : f32
      %max3A_699 = vector.broadcast %max3A : f32 to vector<16xf32>
      %max3A_700 = arith.maximumf %get3A_698, %max3A_699 : vector<16xf32>
      %swap3A = arith.index_cast %scan3A_695 : i32 to index
      %swap3A_701 = arith.constant 0 : index
      %swap3A_702 = tpu.vector_load %arg15[%swap3A, %swap3A_701] {strides = array<i32>} : memref<80x128xf32, #tpu.memory_space<vmem>>, vector<1x16xf32>,
      %swap3A_703 = vector.shape_cast %swap3A_702 : vector<1x16xf32> to vector<16xf32>
      %swap3A_704 = vector.shape_cast %max3A_700 : vector<16xf32> to vector<1x16xf32>
      tpu.vector_store %arg15[%swap3A, %swap3A_701], %swap3A_704 {strides = array<i32>} : memref<80x128xf32, #tpu.memory_space<vmem>>, vector<1x16xf32>,
      %get3A_705 = arith.index_cast %scan3A_695 : i32 to index
      %get3A_706 = arith.constant 16 : index
      %get3A_707 = tpu.vector_load %arg15[%get3A_705, %get3A_706] {strides = array<i32>} : memref<80x128xf32, #tpu.memory_space<vmem>>, vector<1x16xf32>,
      %get3A_708 = vector.shape_cast %get3A_707 : vector<1x16xf32> to vector<16xf32>
      %max3A_709 = arith.constant 0.000000e+00 : f32
      %max3A_710 = vector.broadcast %max3A_709 : f32 to vector<16xf32>
      %max3A_711 = arith.maximumf %get3A_708, %max3A_710 : vector<16xf32>
      %swap3A_712 = arith.index_cast %scan3A_695 : i32 to index
      %swap3A_713 = arith.constant 16 : index
      %swap3A_714 = tpu.vector_load %arg15[%swap3A_712, %swap3A_713] {strides = array<i32>} : memref<80x128xf32, #tpu.memory_space<vmem>>, vector<1x16xf32>,
      %swap3A_715 = vector.shape_cast %swap3A_714 : vector<1x16xf32> to vector<16xf32>
      %swap3A_716 = vector.shape_cast %max3A_711 : vector<16xf32> to vector<1x16xf32>
      tpu.vector_store %arg15[%swap3A_712, %swap3A_713], %swap3A_716 {strides = array<i32>} : memref<80x128xf32, #tpu.memory_space<vmem>>, vector<1x16xf32>,
      %get3A_717 = arith.index_cast %scan3A_695 : i32 to index
      %get3A_718 = arith.constant 32 : index
      %get3A_719 = tpu.vector_load %arg15[%get3A_717, %get3A_718] {strides = array<i32>} : memref<80x128xf32, #tpu.memory_space<vmem>>, vector<1x16xf32>,
      %get3A_720 = vector.shape_cast %get3A_719 : vector<1x16xf32> to vector<16xf32>
      %max3A_721 = arith.constant 0.000000e+00 : f32
      %max3A_722 = vector.broadcast %max3A_721 : f32 to vector<16xf32>
      %max3A_723 = arith.maximumf %get3A_720, %max3A_722 : vector<16xf32>
      %swap3A_724 = arith.index_cast %scan3A_695 : i32 to index
      %swap3A_725 = arith.constant 32 : index
      %swap3A_726 = tpu.vector_load %arg15[%swap3A_724, %swap3A_725] {strides = array<i32>} : memref<80x128xf32, #tpu.memory_space<vmem>>, vector<1x16xf32>,
      %swap3A_727 = vector.shape_cast %swap3A_726 : vector<1x16xf32> to vector<16xf32>
      %swap3A_728 = vector.shape_cast %max3A_723 : vector<16xf32> to vector<1x16xf32>
      tpu.vector_store %arg15[%swap3A_724, %swap3A_725], %swap3A_728 {strides = array<i32>} : memref<80x128xf32, #tpu.memory_space<vmem>>, vector<1x16xf32>,
      %get3A_729 = arith.index_cast %scan3A_695 : i32 to index
      %get3A_730 = arith.constant 48 : index
      %get3A_731 = tpu.vector_load %arg15[%get3A_729, %get3A_730] {strides = array<i32>} : memref<80x128xf32, #tpu.memory_space<vmem>>, vector<1x16xf32>,
      %get3A_732 = vector.shape_cast %get3A_731 : vector<1x16xf32> to vector<16xf32>
      %max3A_733 = arith.constant 0.000000e+00 : f32
      %max3A_734 = vector.broadcast %max3A_733 : f32 to vector<16xf32>
      %max3A_735 = arith.maximumf %get3A_732, %max3A_734 : vector<16xf32>
      %swap3A_736 = arith.index_cast %scan3A_695 : i32 to index
      %swap3A_737 = arith.constant 48 : index
      %swap3A_738 = tpu.vector_load %arg15[%swap3A_736, %swap3A_737] {strides = array<i32>} : memref<80x128xf32, #tpu.memory_space<vmem>>, vector<1x16xf32>,
      %swap3A_739 = vector.shape_cast %swap3A_738 : vector<1x16xf32> to vector<16xf32>
      %swap3A_740 = vector.shape_cast %max3A_735 : vector<16xf32> to vector<1x16xf32>
      tpu.vector_store %arg15[%swap3A_736, %swap3A_737], %swap3A_740 {strides = array<i32>} : memref<80x128xf32, #tpu.memory_space<vmem>>, vector<1x16xf32>,
      %get3A_741 = arith.index_cast %scan3A_695 : i32 to index
      %get3A_742 = arith.constant 64 : index
      %get3A_743 = tpu.vector_load %arg15[%get3A_741, %get3A_742] {strides = array<i32>} : memref<80x128xf32, #tpu.memory_space<vmem>>, vector<1x16xf32>,
      %get3A_744 = vector.shape_cast %get3A_743 : vector<1x16xf32> to vector<16xf32>
      %max3A_745 = arith.constant 0.000000e+00 : f32
      %max3A_746 = vector.broadcast %max3A_745 : f32 to vector<16xf32>
      %max3A_747 = arith.maximumf %get3A_744, %max3A_746 : vector<16xf32>
      %swap3A_748 = arith.index_cast %scan3A_695 : i32 to index
      %swap3A_749 = arith.constant 64 : index
      %swap3A_750 = tpu.vector_load %arg15[%swap3A_748, %swap3A_749] {strides = array<i32>} : memref<80x128xf32, #tpu.memory_space<vmem>>, vector<1x16xf32>,
      %swap3A_751 = vector.shape_cast %swap3A_750 : vector<1x16xf32> to vector<16xf32>
      %swap3A_752 = vector.shape_cast %max3A_747 : vector<16xf32> to vector<1x16xf32>
      tpu.vector_store %arg15[%swap3A_748, %swap3A_749], %swap3A_752 {strides = array<i32>} : memref<80x128xf32, #tpu.memory_space<vmem>>, vector<1x16xf32>,
      %get3A_753 = arith.index_cast %scan3A_695 : i32 to index
      %get3A_754 = arith.constant 80 : index
      %get3A_755 = tpu.vector_load %arg15[%get3A_753, %get3A_754] {strides = array<i32>} : memref<80x128xf32, #tpu.memory_space<vmem>>, vector<1x16xf32>,
      %get3A_756 = vector.shape_cast %get3A_755 : vector<1x16xf32> to vector<16xf32>
      %max3A_757 = arith.constant 0.000000e+00 : f32
      %max3A_758 = vector.broadcast %max3A_757 : f32 to vector<16xf32>
      %max3A_759 = arith.maximumf %get3A_756, %max3A_758 : vector<16xf32>
      %swap3A_760 = arith.index_cast %scan3A_695 : i32 to index
      %swap3A_761 = arith.constant 80 : index
      %swap3A_762 = tpu.vector_load %arg15[%swap3A_760, %swap3A_761] {strides = array<i32>} : memref<80x128xf32, #tpu.memory_space<vmem>>, vector<1x16xf32>,
      %swap3A_763 = vector.shape_cast %swap3A_762 : vector<1x16xf32> to vector<16xf32>
      %swap3A_764 = vector.shape_cast %max3A_759 : vector<16xf32> to vector<1x16xf32>
      tpu.vector_store %arg15[%swap3A_760, %swap3A_761], %swap3A_764 {strides = array<i32>} : memref<80x128xf32, #tpu.memory_space<vmem>>, vector<1x16xf32>,
      %get3A_765 = arith.index_cast %scan3A_695 : i32 to index
      %get3A_766 = arith.constant 96 : index
      %get3A_767 = tpu.vector_load %arg15[%get3A_765, %get3A_766] {strides = array<i32>} : memref<80x128xf32, #tpu.memory_space<vmem>>, vector<1x16xf32>,
      %get3A_768 = vector.shape_cast %get3A_767 : vector<1x16xf32> to vector<16xf32>
      %max3A_769 = arith.constant 0.000000e+00 : f32
      %max3A_770 = vector.broadcast %max3A_769 : f32 to vector<16xf32>
      %max3A_771 = arith.maximumf %get3A_768, %max3A_770 : vector<16xf32>
      %swap3A_772 = arith.index_cast %scan3A_695 : i32 to index
      %swap3A_773 = arith.constant 96 : index
      %swap3A_774 = tpu.vector_load %arg15[%swap3A_772, %swap3A_773] {strides = array<i32>} : memref<80x128xf32, #tpu.memory_space<vmem>>, vector<1x16xf32>,
      %swap3A_775 = vector.shape_cast %swap3A_774 : vector<1x16xf32> to vector<16xf32>
      %swap3A_776 = vector.shape_cast %max3A_771 : vector<16xf32> to vector<1x16xf32>
      tpu.vector_store %arg15[%swap3A_772, %swap3A_773], %swap3A_776 {strides = array<i32>} : memref<80x128xf32, #tpu.memory_space<vmem>>, vector<1x16xf32>,
      %get3A_777 = arith.index_cast %scan3A_695 : i32 to index
      %get3A_778 = arith.constant 112 : index
      %get3A_779 = tpu.vector_load %arg15[%get3A_777, %get3A_778] {strides = array<i32>} : memref<80x128xf32, #tpu.memory_space<vmem>>, vector<1x16xf32>,
      %get3A_780 = vector.shape_cast %get3A_779 : vector<1x16xf32> to vector<16xf32>
      %max3A_781 = arith.constant 0.000000e+00 : f32
      %max3A_782 = vector.broadcast %max3A_781 : f32 to vector<16xf32>
      %max3A_783 = arith.maximumf %get3A_780, %max3A_782 : vector<16xf32>
      %swap3A_784 = arith.index_cast %scan3A_695 : i32 to index
      %swap3A_785 = arith.constant 112 : index
      %swap3A_786 = tpu.vector_load %arg15[%swap3A_784, %swap3A_785] {strides = array<i32>} : memref<80x128xf32, #tpu.memory_space<vmem>>, vector<1x16xf32>,
      %swap3A_787 = vector.shape_cast %swap3A_786 : vector<1x16xf32> to vector<16xf32>
      %swap3A_788 = vector.shape_cast %max3A_783 : vector<16xf32> to vector<1x16xf32>
      tpu.vector_store %arg15[%swap3A_784, %swap3A_785], %swap3A_788 {strides = array<i32>} : memref<80x128xf32, #tpu.memory_space<vmem>>, vector<1x16xf32>,
    }
    %scan3A_551 = arith.constant 80 : i32
    %dma_start3A_552 = arith.constant 0 : i32
    %dma_start3A_553 = arith.constant 0 : i32
    %dma_start3A_554 = arith.constant 0 : i32
    %dma_start3A_555 = tpu.memref_slice %arg19[%dma_start3A_553, %dma_start3A_554] : memref<10000x128xf32, #tpu.memory_space<vmem_shared>> -> memref<10000x128xf32, #tpu.memory_space<vmem_shared>>
    %dma_start3A_556 = tpu.memref_slice %arg22[%dma_start3A_552] : memref<4x!tpu.dma_semaphore, #tpu.memory_space<semaphore_mem>> -> memref<1x!tpu.dma_semaphore, #tpu.memory_space<semaphore_mem>>
    %dma_start3A_557 = tpu.memref_squeeze %dma_start3A_556 : memref<1x!tpu.dma_semaphore, #tpu.memory_space<semaphore_mem>> -> memref<!tpu.dma_semaphore, #tpu.memory_space<semaphore_mem>>
    tpu.enqueue_indirect_dma source(%arg15 : memref<80x128xf32, #tpu.memory_space<vmem>>) target(%dma_start3A_555 : memref<10000x128xf32, #tpu.memory_space<vmem_shared>>) offsets(%arg11 : memref<80xi32, #tpu.memory_space<vmem>>) semaphore(%dma_start3A_557 : memref<!tpu.dma_semaphore, #tpu.memory_space<semaphore_mem>>) {add = true}
    %dma_wait3A_558 = arith.constant 0 : i32
    %dma_wait3A_559 = arith.constant 0 : i32
    %dma_wait3A_560 = arith.constant 0 : i32
    %dma_wait3A_561 = tpu.memref_slice %arg19[%dma_wait3A_559, %dma_wait3A_560] : memref<10000x128xf32, #tpu.memory_space<vmem_shared>> -> memref<10000x128xf32, #tpu.memory_space<vmem_shared>>
    %dma_wait3A_562 = tpu.memref_slice %arg22[%dma_wait3A_558] : memref<4x!tpu.dma_semaphore, #tpu.memory_space<semaphore_mem>> -> memref<1x!tpu.dma_semaphore, #tpu.memory_space<semaphore_mem>>
    %dma_wait3A_563 = tpu.memref_squeeze %dma_wait3A_562 : memref<1x!tpu.dma_semaphore, #tpu.memory_space<semaphore_mem>> -> memref<!tpu.dma_semaphore, #tpu.memory_space<semaphore_mem>>
    tpu.wait_indirect_dma semaphore(%dma_wait3A_563 : memref<!tpu.dma_semaphore, #tpu.memory_space<semaphore_mem>>) src(%arg15 : memref<80x128xf32, #tpu.memory_space<vmem>>) dst(%dma_wait3A_561 : memref<10000x128xf32, #tpu.memory_space<vmem_shared>>)
    %dma_wait3A_564 = arith.constant 1 : i32
    %dma_wait3A_565 = arith.constant 0 : i32
    %dma_wait3A_566 = arith.constant 0 : i32
    %dma_wait3A_567 = tpu.memref_slice %arg19[%dma_wait3A_565, %dma_wait3A_566] : memref<10000x128xf32, #tpu.memory_space<vmem_shared>> -> memref<10000x128xf32, #tpu.memory_space<vmem_shared>>
    %dma_wait3A_568 = tpu.memref_slice %arg22[%dma_wait3A_564] : memref<4x!tpu.dma_semaphore, #tpu.memory_space<semaphore_mem>> -> memref<1x!tpu.dma_semaphore, #tpu.memory_space<semaphore_mem>>
    %dma_wait3A_569 = tpu.memref_squeeze %dma_wait3A_568 : memref<1x!tpu.dma_semaphore, #tpu.memory_space<semaphore_mem>> -> memref<!tpu.dma_semaphore, #tpu.memory_space<semaphore_mem>>
    tpu.wait_indirect_dma semaphore(%dma_wait3A_569 : memref<!tpu.dma_semaphore, #tpu.memory_space<semaphore_mem>>) src(%arg16 : memref<80x128xf32, #tpu.memory_space<vmem>>) dst(%dma_wait3A_567 : memref<10000x128xf32, #tpu.memory_space<vmem_shared>>)
    %dma_wait3A_570 = arith.constant 2 : i32
    %dma_wait3A_571 = arith.constant 0 : i32
    %dma_wait3A_572 = arith.constant 0 : i32
    %dma_wait3A_573 = tpu.memref_slice %arg19[%dma_wait3A_571, %dma_wait3A_572] : memref<10000x128xf32, #tpu.memory_space<vmem_shared>> -> memref<10000x128xf32, #tpu.memory_space<vmem_shared>>
    %dma_wait3A_574 = tpu.memref_slice %arg22[%dma_wait3A_570] : memref<4x!tpu.dma_semaphore, #tpu.memory_space<semaphore_mem>> -> memref<1x!tpu.dma_semaphore, #tpu.memory_space<semaphore_mem>>
    %dma_wait3A_575 = tpu.memref_squeeze %dma_wait3A_574 : memref<1x!tpu.dma_semaphore, #tpu.memory_space<semaphore_mem>> -> memref<!tpu.dma_semaphore, #tpu.memory_space<semaphore_mem>>
    tpu.wait_indirect_dma semaphore(%dma_wait3A_575 : memref<!tpu.dma_semaphore, #tpu.memory_space<semaphore_mem>>) src(%arg17 : memref<80x128xf32, #tpu.memory_space<vmem>>) dst(%dma_wait3A_573 : memref<10000x128xf32, #tpu.memory_space<vmem_shared>>)
    %dma_wait3A_576 = arith.constant 3 : i32
    %dma_wait3A_577 = arith.constant 0 : i32
    %dma_wait3A_578 = arith.constant 0 : i32
    %dma_wait3A_579 = tpu.memref_slice %arg19[%dma_wait3A_577, %dma_wait3A_578] : memref<10000x128xf32, #tpu.memory_space<vmem_shared>> -> memref<10000x128xf32, #tpu.memory_space<vmem_shared>>
    %dma_wait3A_580 = tpu.memref_slice %arg22[%dma_wait3A_576] : memref<4x!tpu.dma_semaphore, #tpu.memory_space<semaphore_mem>> -> memref<1x!tpu.dma_semaphore, #tpu.memory_space<semaphore_mem>>
    %dma_wait3A_581 = tpu.memref_squeeze %dma_wait3A_580 : memref<1x!tpu.dma_semaphore, #tpu.memory_space<semaphore_mem>> -> memref<!tpu.dma_semaphore, #tpu.memory_space<semaphore_mem>>
    tpu.wait_indirect_dma semaphore(%dma_wait3A_581 : memref<!tpu.dma_semaphore, #tpu.memory_space<semaphore_mem>>) src(%arg18 : memref<80x128xf32, #tpu.memory_space<vmem>>) dst(%dma_wait3A_579 : memref<10000x128xf32, #tpu.memory_space<vmem_shared>>)
    %barrier3A_582 = arith.constant 0 : index
    tpu.barrier barrier_id(%barrier3A_582)
    %add3A_583 = arith.constant 0 : i32
    %add3A_584 = arith.addi %arg1, %add3A_583 : i32
    %lt3A_585 = arith.constant 125 : i32
    %lt3A_586 = arith.cmpi slt, %add3A_584, %lt3A_585 : i32
    %convert_element_type3A_587 = arith.extui %lt3A_586 : i1 to i32
    %cond3A_588 = arith.constant 0 : i32
    %cond3A_589 = arith.cmpi ne, %convert_element_type3A_587, %cond3A_588 : i32
    scf.if %cond3A_589 {
      %mul3A_695 = arith.constant 80 : i32
      %mul3A_696 = arith.muli %add3A_584, %mul3A_695 : i32
      %mul3A_697 = arith.constant 80 : i32
      %mul3A_698 = arith.muli %add3A_584, %mul3A_697 : i32
      %dma_start3A_699 = arith.constant 1 : i32
      %dma_start3A_700 = tpu.memref_slice %arg20[%dma_start3A_699] : memref<4x!tpu.dma_semaphore, #tpu.memory_space<semaphore_mem>> -> memref<1x!tpu.dma_semaphore, #tpu.memory_space<semaphore_mem>>
      %dma_start3A_701 = tpu.memref_squeeze %dma_start3A_700 : memref<1x!tpu.dma_semaphore, #tpu.memory_space<semaphore_mem>> -> memref<!tpu.dma_semaphore, #tpu.memory_space<semaphore_mem>>
      %dma_start3A_702 = arith.constant 0 : i32
      %dma_start3A_703 = tpu.memref_slice %arg6[%arg0, %mul3A_698, %dma_start3A_702] : memref<2x10000x128xf32, #tpu.memory_space<hbm>> -> memref<1x80x128xf32, #tpu.memory_space<hbm>>
      %dma_start3A_704 = tpu.memref_squeeze %dma_start3A_703 : memref<1x80x128xf32, #tpu.memory_space<hbm>> -> memref<80x128xf32, #tpu.memory_space<hbm>>
      %dma_start3A_705 = arith.constant 0 : i32
      %dma_start3A_706 = tpu.memref_slice %arg19[%mul3A_696, %dma_start3A_705] : memref<10000x128xf32, #tpu.memory_space<vmem_shared>> -> memref<80x128xf32, #tpu.memory_space<vmem_shared>>
      tpu.enqueue_dma source(%dma_start3A_706 : memref<80x128xf32, #tpu.memory_space<vmem_shared>>) target(%dma_start3A_704 : memref<80x128xf32, #tpu.memory_space<hbm>>) target_semaphore(%dma_start3A_701 : memref<!tpu.dma_semaphore, #tpu.memory_space<semaphore_mem>>)
    } else {
    }
    %add3A_590 = arith.constant 16 : i32
    %add3A_591 = arith.addi %arg1, %add3A_590 : i32
    %lt3A_592 = arith.constant 125 : i32
    %lt3A_593 = arith.cmpi slt, %add3A_591, %lt3A_592 : i32
    %convert_element_type3A_594 = arith.extui %lt3A_593 : i1 to i32
    %cond3A_595 = arith.constant 0 : i32
    %cond3A_596 = arith.cmpi ne, %convert_element_type3A_594, %cond3A_595 : i32
    scf.if %cond3A_596 {
      %mul3A_695 = arith.constant 80 : i32
      %mul3A_696 = arith.muli %add3A_591, %mul3A_695 : i32
      %mul3A_697 = arith.constant 80 : i32
      %mul3A_698 = arith.muli %add3A_591, %mul3A_697 : i32
      %dma_start3A_699 = arith.constant 1 : i32
      %dma_start3A_700 = tpu.memref_slice %arg20[%dma_start3A_699] : memref<4x!tpu.dma_semaphore, #tpu.memory_space<semaphore_mem>> -> memref<1x!tpu.dma_semaphore, #tpu.memory_space<semaphore_mem>>
      %dma_start3A_701 = tpu.memref_squeeze %dma_start3A_700 : memref<1x!tpu.dma_semaphore, #tpu.memory_space<semaphore_mem>> -> memref<!tpu.dma_semaphore, #tpu.memory_space<semaphore_mem>>
      %dma_start3A_702 = arith.constant 0 : i32
      %dma_start3A_703 = tpu.memref_slice %arg6[%arg0, %mul3A_698, %dma_start3A_702] : memref<2x10000x128xf32, #tpu.memory_space<hbm>> -> memref<1x80x128xf32, #tpu.memory_space<hbm>>
      %dma_start3A_704 = tpu.memref_squeeze %dma_start3A_703 : memref<1x80x128xf32, #tpu.memory_space<hbm>> -> memref<80x128xf32, #tpu.memory_space<hbm>>
      %dma_start3A_705 = arith.constant 0 : i32
      %dma_start3A_706 = tpu.memref_slice %arg19[%mul3A_696, %dma_start3A_705] : memref<10000x128xf32, #tpu.memory_space<vmem_shared>> -> memref<80x128xf32, #tpu.memory_space<vmem_shared>>
      tpu.enqueue_dma source(%dma_start3A_706 : memref<80x128xf32, #tpu.memory_space<vmem_shared>>) target(%dma_start3A_704 : memref<80x128xf32, #tpu.memory_space<hbm>>) target_semaphore(%dma_start3A_701 : memref<!tpu.dma_semaphore, #tpu.memory_space<semaphore_mem>>)
    } else {
    }
    %add3A_597 = arith.constant 32 : i32
    %add3A_598 = arith.addi %arg1, %add3A_597 : i32
    %lt3A_599 = arith.constant 125 : i32
    %lt3A_600 = arith.cmpi slt, %add3A_598, %lt3A_599 : i32
    %convert_element_type3A_601 = arith.extui %lt3A_600 : i1 to i32
    %cond3A_602 = arith.constant 0 : i32
    %cond3A_603 = arith.cmpi ne, %convert_element_type3A_601, %cond3A_602 : i32
    scf.if %cond3A_603 {
      %mul3A_695 = arith.constant 80 : i32
      %mul3A_696 = arith.muli %add3A_598, %mul3A_695 : i32
      %mul3A_697 = arith.constant 80 : i32
      %mul3A_698 = arith.muli %add3A_598, %mul3A_697 : i32
      %dma_start3A_699 = arith.constant 1 : i32
      %dma_start3A_700 = tpu.memref_slice %arg20[%dma_start3A_699] : memref<4x!tpu.dma_semaphore, #tpu.memory_space<semaphore_mem>> -> memref<1x!tpu.dma_semaphore, #tpu.memory_space<semaphore_mem>>
      %dma_start3A_701 = tpu.memref_squeeze %dma_start3A_700 : memref<1x!tpu.dma_semaphore, #tpu.memory_space<semaphore_mem>> -> memref<!tpu.dma_semaphore, #tpu.memory_space<semaphore_mem>>
      %dma_start3A_702 = arith.constant 0 : i32
      %dma_start3A_703 = tpu.memref_slice %arg6[%arg0, %mul3A_698, %dma_start3A_702] : memref<2x10000x128xf32, #tpu.memory_space<hbm>> -> memref<1x80x128xf32, #tpu.memory_space<hbm>>
      %dma_start3A_704 = tpu.memref_squeeze %dma_start3A_703 : memref<1x80x128xf32, #tpu.memory_space<hbm>> -> memref<80x128xf32, #tpu.memory_space<hbm>>
      %dma_start3A_705 = arith.constant 0 : i32
      %dma_start3A_706 = tpu.memref_slice %arg19[%mul3A_696, %dma_start3A_705] : memref<10000x128xf32, #tpu.memory_space<vmem_shared>> -> memref<80x128xf32, #tpu.memory_space<vmem_shared>>
      tpu.enqueue_dma source(%dma_start3A_706 : memref<80x128xf32, #tpu.memory_space<vmem_shared>>) target(%dma_start3A_704 : memref<80x128xf32, #tpu.memory_space<hbm>>) target_semaphore(%dma_start3A_701 : memref<!tpu.dma_semaphore, #tpu.memory_space<semaphore_mem>>)
    } else {
    }
    %add3A_604 = arith.constant 48 : i32
    %add3A_605 = arith.addi %arg1, %add3A_604 : i32
    %lt3A_606 = arith.constant 125 : i32
    %lt3A_607 = arith.cmpi slt, %add3A_605, %lt3A_606 : i32
    %convert_element_type3A_608 = arith.extui %lt3A_607 : i1 to i32
    %cond3A_609 = arith.constant 0 : i32
    %cond3A_610 = arith.cmpi ne, %convert_element_type3A_608, %cond3A_609 : i32
    scf.if %cond3A_610 {
      %mul3A_695 = arith.constant 80 : i32
      %mul3A_696 = arith.muli %add3A_605, %mul3A_695 : i32
      %mul3A_697 = arith.constant 80 : i32
      %mul3A_698 = arith.muli %add3A_605, %mul3A_697 : i32
      %dma_start3A_699 = arith.constant 1 : i32
      %dma_start3A_700 = tpu.memref_slice %arg20[%dma_start3A_699] : memref<4x!tpu.dma_semaphore, #tpu.memory_space<semaphore_mem>> -> memref<1x!tpu.dma_semaphore, #tpu.memory_space<semaphore_mem>>
      %dma_start3A_701 = tpu.memref_squeeze %dma_start3A_700 : memref<1x!tpu.dma_semaphore, #tpu.memory_space<semaphore_mem>> -> memref<!tpu.dma_semaphore, #tpu.memory_space<semaphore_mem>>
      %dma_start3A_702 = arith.constant 0 : i32
      %dma_start3A_703 = tpu.memref_slice %arg6[%arg0, %mul3A_698, %dma_start3A_702] : memref<2x10000x128xf32, #tpu.memory_space<hbm>> -> memref<1x80x128xf32, #tpu.memory_space<hbm>>
      %dma_start3A_704 = tpu.memref_squeeze %dma_start3A_703 : memref<1x80x128xf32, #tpu.memory_space<hbm>> -> memref<80x128xf32, #tpu.memory_space<hbm>>
      %dma_start3A_705 = arith.constant 0 : i32
      %dma_start3A_706 = tpu.memref_slice %arg19[%mul3A_696, %dma_start3A_705] : memref<10000x128xf32, #tpu.memory_space<vmem_shared>> -> memref<80x128xf32, #tpu.memory_space<vmem_shared>>
      tpu.enqueue_dma source(%dma_start3A_706 : memref<80x128xf32, #tpu.memory_space<vmem_shared>>) target(%dma_start3A_704 : memref<80x128xf32, #tpu.memory_space<hbm>>) target_semaphore(%dma_start3A_701 : memref<!tpu.dma_semaphore, #tpu.memory_space<semaphore_mem>>)
    } else {
    }
    %add3A_611 = arith.constant 64 : i32
    %add3A_612 = arith.addi %arg1, %add3A_611 : i32
    %lt3A_613 = arith.constant 125 : i32
    %lt3A_614 = arith.cmpi slt, %add3A_612, %lt3A_613 : i32
    %convert_element_type3A_615 = arith.extui %lt3A_614 : i1 to i32
    %cond3A_616 = arith.constant 0 : i32
    %cond3A_617 = arith.cmpi ne, %convert_element_type3A_615, %cond3A_616 : i32
    scf.if %cond3A_617 {
      %mul3A_695 = arith.constant 80 : i32
      %mul3A_696 = arith.muli %add3A_612, %mul3A_695 : i32
      %mul3A_697 = arith.constant 80 : i32
      %mul3A_698 = arith.muli %add3A_612, %mul3A_697 : i32
      %dma_start3A_699 = arith.constant 1 : i32
      %dma_start3A_700 = tpu.memref_slice %arg20[%dma_start3A_699] : memref<4x!tpu.dma_semaphore, #tpu.memory_space<semaphore_mem>> -> memref<1x!tpu.dma_semaphore, #tpu.memory_space<semaphore_mem>>
      %dma_start3A_701 = tpu.memref_squeeze %dma_start3A_700 : memref<1x!tpu.dma_semaphore, #tpu.memory_space<semaphore_mem>> -> memref<!tpu.dma_semaphore, #tpu.memory_space<semaphore_mem>>
      %dma_start3A_702 = arith.constant 0 : i32
      %dma_start3A_703 = tpu.memref_slice %arg6[%arg0, %mul3A_698, %dma_start3A_702] : memref<2x10000x128xf32, #tpu.memory_space<hbm>> -> memref<1x80x128xf32, #tpu.memory_space<hbm>>
      %dma_start3A_704 = tpu.memref_squeeze %dma_start3A_703 : memref<1x80x128xf32, #tpu.memory_space<hbm>> -> memref<80x128xf32, #tpu.memory_space<hbm>>
      %dma_start3A_705 = arith.constant 0 : i32
      %dma_start3A_706 = tpu.memref_slice %arg19[%mul3A_696, %dma_start3A_705] : memref<10000x128xf32, #tpu.memory_space<vmem_shared>> -> memref<80x128xf32, #tpu.memory_space<vmem_shared>>
      tpu.enqueue_dma source(%dma_start3A_706 : memref<80x128xf32, #tpu.memory_space<vmem_shared>>) target(%dma_start3A_704 : memref<80x128xf32, #tpu.memory_space<hbm>>) target_semaphore(%dma_start3A_701 : memref<!tpu.dma_semaphore, #tpu.memory_space<semaphore_mem>>)
    } else {
    }
    %add3A_618 = arith.constant 80 : i32
    %add3A_619 = arith.addi %arg1, %add3A_618 : i32
    %lt3A_620 = arith.constant 125 : i32
    %lt3A_621 = arith.cmpi slt, %add3A_619, %lt3A_620 : i32
    %convert_element_type3A_622 = arith.extui %lt3A_621 : i1 to i32
    %cond3A_623 = arith.constant 0 : i32
    %cond3A_624 = arith.cmpi ne, %convert_element_type3A_622, %cond3A_623 : i32
    scf.if %cond3A_624 {
      %mul3A_695 = arith.constant 80 : i32
      %mul3A_696 = arith.muli %add3A_619, %mul3A_695 : i32
      %mul3A_697 = arith.constant 80 : i32
      %mul3A_698 = arith.muli %add3A_619, %mul3A_697 : i32
      %dma_start3A_699 = arith.constant 1 : i32
      %dma_start3A_700 = tpu.memref_slice %arg20[%dma_start3A_699] : memref<4x!tpu.dma_semaphore, #tpu.memory_space<semaphore_mem>> -> memref<1x!tpu.dma_semaphore, #tpu.memory_space<semaphore_mem>>
      %dma_start3A_701 = tpu.memref_squeeze %dma_start3A_700 : memref<1x!tpu.dma_semaphore, #tpu.memory_space<semaphore_mem>> -> memref<!tpu.dma_semaphore, #tpu.memory_space<semaphore_mem>>
      %dma_start3A_702 = arith.constant 0 : i32
      %dma_start3A_703 = tpu.memref_slice %arg6[%arg0, %mul3A_698, %dma_start3A_702] : memref<2x10000x128xf32, #tpu.memory_space<hbm>> -> memref<1x80x128xf32, #tpu.memory_space<hbm>>
      %dma_start3A_704 = tpu.memref_squeeze %dma_start3A_703 : memref<1x80x128xf32, #tpu.memory_space<hbm>> -> memref<80x128xf32, #tpu.memory_space<hbm>>
      %dma_start3A_705 = arith.constant 0 : i32
      %dma_start3A_706 = tpu.memref_slice %arg19[%mul3A_696, %dma_start3A_705] : memref<10000x128xf32, #tpu.memory_space<vmem_shared>> -> memref<80x128xf32, #tpu.memory_space<vmem_shared>>
      tpu.enqueue_dma source(%dma_start3A_706 : memref<80x128xf32, #tpu.memory_space<vmem_shared>>) target(%dma_start3A_704 : memref<80x128xf32, #tpu.memory_space<hbm>>) target_semaphore(%dma_start3A_701 : memref<!tpu.dma_semaphore, #tpu.memory_space<semaphore_mem>>)
    } else {
    }
    %add3A_625 = arith.constant 96 : i32
    %add3A_626 = arith.addi %arg1, %add3A_625 : i32
    %lt3A_627 = arith.constant 125 : i32
    %lt3A_628 = arith.cmpi slt, %add3A_626, %lt3A_627 : i32
    %convert_element_type3A_629 = arith.extui %lt3A_628 : i1 to i32
    %cond3A_630 = arith.constant 0 : i32
    %cond3A_631 = arith.cmpi ne, %convert_element_type3A_629, %cond3A_630 : i32
    scf.if %cond3A_631 {
      %mul3A_695 = arith.constant 80 : i32
      %mul3A_696 = arith.muli %add3A_626, %mul3A_695 : i32
      %mul3A_697 = arith.constant 80 : i32
      %mul3A_698 = arith.muli %add3A_626, %mul3A_697 : i32
      %dma_start3A_699 = arith.constant 1 : i32
      %dma_start3A_700 = tpu.memref_slice %arg20[%dma_start3A_699] : memref<4x!tpu.dma_semaphore, #tpu.memory_space<semaphore_mem>> -> memref<1x!tpu.dma_semaphore, #tpu.memory_space<semaphore_mem>>
      %dma_start3A_701 = tpu.memref_squeeze %dma_start3A_700 : memref<1x!tpu.dma_semaphore, #tpu.memory_space<semaphore_mem>> -> memref<!tpu.dma_semaphore, #tpu.memory_space<semaphore_mem>>
      %dma_start3A_702 = arith.constant 0 : i32
      %dma_start3A_703 = tpu.memref_slice %arg6[%arg0, %mul3A_698, %dma_start3A_702] : memref<2x10000x128xf32, #tpu.memory_space<hbm>> -> memref<1x80x128xf32, #tpu.memory_space<hbm>>
      %dma_start3A_704 = tpu.memref_squeeze %dma_start3A_703 : memref<1x80x128xf32, #tpu.memory_space<hbm>> -> memref<80x128xf32, #tpu.memory_space<hbm>>
      %dma_start3A_705 = arith.constant 0 : i32
      %dma_start3A_706 = tpu.memref_slice %arg19[%mul3A_696, %dma_start3A_705] : memref<10000x128xf32, #tpu.memory_space<vmem_shared>> -> memref<80x128xf32, #tpu.memory_space<vmem_shared>>
      tpu.enqueue_dma source(%dma_start3A_706 : memref<80x128xf32, #tpu.memory_space<vmem_shared>>) target(%dma_start3A_704 : memref<80x128xf32, #tpu.memory_space<hbm>>) target_semaphore(%dma_start3A_701 : memref<!tpu.dma_semaphore, #tpu.memory_space<semaphore_mem>>)
    } else {
    }
    %add3A_632 = arith.constant 112 : i32
    %add3A_633 = arith.addi %arg1, %add3A_632 : i32
    %lt3A_634 = arith.constant 125 : i32
    %lt3A_635 = arith.cmpi slt, %add3A_633, %lt3A_634 : i32
    %convert_element_type3A_636 = arith.extui %lt3A_635 : i1 to i32
    %cond3A_637 = arith.constant 0 : i32
    %cond3A_638 = arith.cmpi ne, %convert_element_type3A_636, %cond3A_637 : i32
    scf.if %cond3A_638 {
      %mul3A_695 = arith.constant 80 : i32
      %mul3A_696 = arith.muli %add3A_633, %mul3A_695 : i32
      %mul3A_697 = arith.constant 80 : i32
      %mul3A_698 = arith.muli %add3A_633, %mul3A_697 : i32
      %dma_start3A_699 = arith.constant 1 : i32
      %dma_start3A_700 = tpu.memref_slice %arg20[%dma_start3A_699] : memref<4x!tpu.dma_semaphore, #tpu.memory_space<semaphore_mem>> -> memref<1x!tpu.dma_semaphore, #tpu.memory_space<semaphore_mem>>
      %dma_start3A_701 = tpu.memref_squeeze %dma_start3A_700 : memref<1x!tpu.dma_semaphore, #tpu.memory_space<semaphore_mem>> -> memref<!tpu.dma_semaphore, #tpu.memory_space<semaphore_mem>>
      %dma_start3A_702 = arith.constant 0 : i32
      %dma_start3A_703 = tpu.memref_slice %arg6[%arg0, %mul3A_698, %dma_start3A_702] : memref<2x10000x128xf32, #tpu.memory_space<hbm>> -> memref<1x80x128xf32, #tpu.memory_space<hbm>>
      %dma_start3A_704 = tpu.memref_squeeze %dma_start3A_703 : memref<1x80x128xf32, #tpu.memory_space<hbm>> -> memref<80x128xf32, #tpu.memory_space<hbm>>
      %dma_start3A_705 = arith.constant 0 : i32
      %dma_start3A_706 = tpu.memref_slice %arg19[%mul3A_696, %dma_start3A_705] : memref<10000x128xf32, #tpu.memory_space<vmem_shared>> -> memref<80x128xf32, #tpu.memory_space<vmem_shared>>
      tpu.enqueue_dma source(%dma_start3A_706 : memref<80x128xf32, #tpu.memory_space<vmem_shared>>) target(%dma_start3A_704 : memref<80x128xf32, #tpu.memory_space<hbm>>) target_semaphore(%dma_start3A_701 : memref<!tpu.dma_semaphore, #tpu.memory_space<semaphore_mem>>)
    } else {
    }
    %add3A_639 = arith.constant 0 : i32
    %add3A_640 = arith.addi %arg1, %add3A_639 : i32
    %lt3A_641 = arith.constant 125 : i32
    %lt3A_642 = arith.cmpi slt, %add3A_640, %lt3A_641 : i32
    %convert_element_type3A_643 = arith.extui %lt3A_642 : i1 to i32
    %cond3A_644 = arith.constant 0 : i32
    %cond3A_645 = arith.cmpi ne, %convert_element_type3A_643, %cond3A_644 : i32
    scf.if %cond3A_645 {
      %dma_wait3A_695 = arith.constant 1 : i32
      %dma_wait3A_696 = tpu.memref_slice %arg20[%dma_wait3A_695] : memref<4x!tpu.dma_semaphore, #tpu.memory_space<semaphore_mem>> -> memref<1x!tpu.dma_semaphore, #tpu.memory_space<semaphore_mem>>
      %dma_wait3A_697 = tpu.memref_squeeze %dma_wait3A_696 : memref<1x!tpu.dma_semaphore, #tpu.memory_space<semaphore_mem>> -> memref<!tpu.dma_semaphore, #tpu.memory_space<semaphore_mem>>
      %dma_wait3A_698 = arith.constant 0 : i32
      %dma_wait3A_699 = arith.constant 0 : i32
      %dma_wait3A_700 = tpu.memref_slice %arg6[%arg0, %dma_wait3A_698, %dma_wait3A_699] : memref<2x10000x128xf32, #tpu.memory_space<hbm>> -> memref<1x80x128xf32, #tpu.memory_space<hbm>>
      %dma_wait3A_701 = tpu.memref_squeeze %dma_wait3A_700 : memref<1x80x128xf32, #tpu.memory_space<hbm>> -> memref<80x128xf32, #tpu.memory_space<hbm>>
      %dma_wait3A_702 = arith.constant 0 : i32
      %dma_wait3A_703 = arith.constant 0 : i32
      %dma_wait3A_704 = tpu.memref_slice %arg19[%dma_wait3A_702, %dma_wait3A_703] : memref<10000x128xf32, #tpu.memory_space<vmem_shared>> -> memref<80x128xf32, #tpu.memory_space<vmem_shared>>
      tpu.wait_dma2 semaphore(%dma_wait3A_697 : memref<!tpu.dma_semaphore, #tpu.memory_space<semaphore_mem>>) src(%dma_wait3A_704 : memref<80x128xf32, #tpu.memory_space<vmem_shared>>) dst(%dma_wait3A_701 : memref<80x128xf32, #tpu.memory_space<hbm>>)
    } else {
    }
    %add3A_646 = arith.constant 16 : i32
    %add3A_647 = arith.addi %arg1, %add3A_646 : i32
    %lt3A_648 = arith.constant 125 : i32
    %lt3A_649 = arith.cmpi slt, %add3A_647, %lt3A_648 : i32
    %convert_element_type3A_650 = arith.extui %lt3A_649 : i1 to i32
    %cond3A_651 = arith.constant 0 : i32
    %cond3A_652 = arith.cmpi ne, %convert_element_type3A_650, %cond3A_651 : i32
    scf.if %cond3A_652 {
      %dma_wait3A_695 = arith.constant 1 : i32
      %dma_wait3A_696 = tpu.memref_slice %arg20[%dma_wait3A_695] : memref<4x!tpu.dma_semaphore, #tpu.memory_space<semaphore_mem>> -> memref<1x!tpu.dma_semaphore, #tpu.memory_space<semaphore_mem>>
      %dma_wait3A_697 = tpu.memref_squeeze %dma_wait3A_696 : memref<1x!tpu.dma_semaphore, #tpu.memory_space<semaphore_mem>> -> memref<!tpu.dma_semaphore, #tpu.memory_space<semaphore_mem>>
      %dma_wait3A_698 = arith.constant 0 : i32
      %dma_wait3A_699 = arith.constant 0 : i32
      %dma_wait3A_700 = tpu.memref_slice %arg6[%arg0, %dma_wait3A_698, %dma_wait3A_699] : memref<2x10000x128xf32, #tpu.memory_space<hbm>> -> memref<1x80x128xf32, #tpu.memory_space<hbm>>
      %dma_wait3A_701 = tpu.memref_squeeze %dma_wait3A_700 : memref<1x80x128xf32, #tpu.memory_space<hbm>> -> memref<80x128xf32, #tpu.memory_space<hbm>>
      %dma_wait3A_702 = arith.constant 0 : i32
      %dma_wait3A_703 = arith.constant 0 : i32
      %dma_wait3A_704 = tpu.memref_slice %arg19[%dma_wait3A_702, %dma_wait3A_703] : memref<10000x128xf32, #tpu.memory_space<vmem_shared>> -> memref<80x128xf32, #tpu.memory_space<vmem_shared>>
      tpu.wait_dma2 semaphore(%dma_wait3A_697 : memref<!tpu.dma_semaphore, #tpu.memory_space<semaphore_mem>>) src(%dma_wait3A_704 : memref<80x128xf32, #tpu.memory_space<vmem_shared>>) dst(%dma_wait3A_701 : memref<80x128xf32, #tpu.memory_space<hbm>>)
    } else {
    }
    %add3A_653 = arith.constant 32 : i32
    %add3A_654 = arith.addi %arg1, %add3A_653 : i32
    %lt3A_655 = arith.constant 125 : i32
    %lt3A_656 = arith.cmpi slt, %add3A_654, %lt3A_655 : i32
    %convert_element_type3A_657 = arith.extui %lt3A_656 : i1 to i32
    %cond3A_658 = arith.constant 0 : i32
    %cond3A_659 = arith.cmpi ne, %convert_element_type3A_657, %cond3A_658 : i32
    scf.if %cond3A_659 {
      %dma_wait3A_695 = arith.constant 1 : i32
      %dma_wait3A_696 = tpu.memref_slice %arg20[%dma_wait3A_695] : memref<4x!tpu.dma_semaphore, #tpu.memory_space<semaphore_mem>> -> memref<1x!tpu.dma_semaphore, #tpu.memory_space<semaphore_mem>>
      %dma_wait3A_697 = tpu.memref_squeeze %dma_wait3A_696 : memref<1x!tpu.dma_semaphore, #tpu.memory_space<semaphore_mem>> -> memref<!tpu.dma_semaphore, #tpu.memory_space<semaphore_mem>>
      %dma_wait3A_698 = arith.constant 0 : i32
      %dma_wait3A_699 = arith.constant 0 : i32
      %dma_wait3A_700 = tpu.memref_slice %arg6[%arg0, %dma_wait3A_698, %dma_wait3A_699] : memref<2x10000x128xf32, #tpu.memory_space<hbm>> -> memref<1x80x128xf32, #tpu.memory_space<hbm>>
      %dma_wait3A_701 = tpu.memref_squeeze %dma_wait3A_700 : memref<1x80x128xf32, #tpu.memory_space<hbm>> -> memref<80x128xf32, #tpu.memory_space<hbm>>
      %dma_wait3A_702 = arith.constant 0 : i32
      %dma_wait3A_703 = arith.constant 0 : i32
      %dma_wait3A_704 = tpu.memref_slice %arg19[%dma_wait3A_702, %dma_wait3A_703] : memref<10000x128xf32, #tpu.memory_space<vmem_shared>> -> memref<80x128xf32, #tpu.memory_space<vmem_shared>>
      tpu.wait_dma2 semaphore(%dma_wait3A_697 : memref<!tpu.dma_semaphore, #tpu.memory_space<semaphore_mem>>) src(%dma_wait3A_704 : memref<80x128xf32, #tpu.memory_space<vmem_shared>>) dst(%dma_wait3A_701 : memref<80x128xf32, #tpu.memory_space<hbm>>)
    } else {
    }
    %add3A_660 = arith.constant 48 : i32
    %add3A_661 = arith.addi %arg1, %add3A_660 : i32
    %lt3A_662 = arith.constant 125 : i32
    %lt3A_663 = arith.cmpi slt, %add3A_661, %lt3A_662 : i32
    %convert_element_type3A_664 = arith.extui %lt3A_663 : i1 to i32
    %cond3A_665 = arith.constant 0 : i32
    %cond3A_666 = arith.cmpi ne, %convert_element_type3A_664, %cond3A_665 : i32
    scf.if %cond3A_666 {
      %dma_wait3A_695 = arith.constant 1 : i32
      %dma_wait3A_696 = tpu.memref_slice %arg20[%dma_wait3A_695] : memref<4x!tpu.dma_semaphore, #tpu.memory_space<semaphore_mem>> -> memref<1x!tpu.dma_semaphore, #tpu.memory_space<semaphore_mem>>
      %dma_wait3A_697 = tpu.memref_squeeze %dma_wait3A_696 : memref<1x!tpu.dma_semaphore, #tpu.memory_space<semaphore_mem>> -> memref<!tpu.dma_semaphore, #tpu.memory_space<semaphore_mem>>
      %dma_wait3A_698 = arith.constant 0 : i32
      %dma_wait3A_699 = arith.constant 0 : i32
      %dma_wait3A_700 = tpu.memref_slice %arg6[%arg0, %dma_wait3A_698, %dma_wait3A_699] : memref<2x10000x128xf32, #tpu.memory_space<hbm>> -> memref<1x80x128xf32, #tpu.memory_space<hbm>>
      %dma_wait3A_701 = tpu.memref_squeeze %dma_wait3A_700 : memref<1x80x128xf32, #tpu.memory_space<hbm>> -> memref<80x128xf32, #tpu.memory_space<hbm>>
      %dma_wait3A_702 = arith.constant 0 : i32
      %dma_wait3A_703 = arith.constant 0 : i32
      %dma_wait3A_704 = tpu.memref_slice %arg19[%dma_wait3A_702, %dma_wait3A_703] : memref<10000x128xf32, #tpu.memory_space<vmem_shared>> -> memref<80x128xf32, #tpu.memory_space<vmem_shared>>
      tpu.wait_dma2 semaphore(%dma_wait3A_697 : memref<!tpu.dma_semaphore, #tpu.memory_space<semaphore_mem>>) src(%dma_wait3A_704 : memref<80x128xf32, #tpu.memory_space<vmem_shared>>) dst(%dma_wait3A_701 : memref<80x128xf32, #tpu.memory_space<hbm>>)
    } else {
    }
    %add3A_667 = arith.constant 64 : i32
    %add3A_668 = arith.addi %arg1, %add3A_667 : i32
    %lt3A_669 = arith.constant 125 : i32
    %lt3A_670 = arith.cmpi slt, %add3A_668, %lt3A_669 : i32
    %convert_element_type3A_671 = arith.extui %lt3A_670 : i1 to i32
    %cond3A_672 = arith.constant 0 : i32
    %cond3A_673 = arith.cmpi ne, %convert_element_type3A_671, %cond3A_672 : i32
    scf.if %cond3A_673 {
      %dma_wait3A_695 = arith.constant 1 : i32
      %dma_wait3A_696 = tpu.memref_slice %arg20[%dma_wait3A_695] : memref<4x!tpu.dma_semaphore, #tpu.memory_space<semaphore_mem>> -> memref<1x!tpu.dma_semaphore, #tpu.memory_space<semaphore_mem>>
      %dma_wait3A_697 = tpu.memref_squeeze %dma_wait3A_696 : memref<1x!tpu.dma_semaphore, #tpu.memory_space<semaphore_mem>> -> memref<!tpu.dma_semaphore, #tpu.memory_space<semaphore_mem>>
      %dma_wait3A_698 = arith.constant 0 : i32
      %dma_wait3A_699 = arith.constant 0 : i32
      %dma_wait3A_700 = tpu.memref_slice %arg6[%arg0, %dma_wait3A_698, %dma_wait3A_699] : memref<2x10000x128xf32, #tpu.memory_space<hbm>> -> memref<1x80x128xf32, #tpu.memory_space<hbm>>
      %dma_wait3A_701 = tpu.memref_squeeze %dma_wait3A_700 : memref<1x80x128xf32, #tpu.memory_space<hbm>> -> memref<80x128xf32, #tpu.memory_space<hbm>>
      %dma_wait3A_702 = arith.constant 0 : i32
      %dma_wait3A_703 = arith.constant 0 : i32
      %dma_wait3A_704 = tpu.memref_slice %arg19[%dma_wait3A_702, %dma_wait3A_703] : memref<10000x128xf32, #tpu.memory_space<vmem_shared>> -> memref<80x128xf32, #tpu.memory_space<vmem_shared>>
      tpu.wait_dma2 semaphore(%dma_wait3A_697 : memref<!tpu.dma_semaphore, #tpu.memory_space<semaphore_mem>>) src(%dma_wait3A_704 : memref<80x128xf32, #tpu.memory_space<vmem_shared>>) dst(%dma_wait3A_701 : memref<80x128xf32, #tpu.memory_space<hbm>>)
    } else {
    }
    %add3A_674 = arith.constant 80 : i32
    %add3A_675 = arith.addi %arg1, %add3A_674 : i32
    %lt3A_676 = arith.constant 125 : i32
    %lt3A_677 = arith.cmpi slt, %add3A_675, %lt3A_676 : i32
    %convert_element_type3A_678 = arith.extui %lt3A_677 : i1 to i32
    %cond3A_679 = arith.constant 0 : i32
    %cond3A_680 = arith.cmpi ne, %convert_element_type3A_678, %cond3A_679 : i32
    scf.if %cond3A_680 {
      %dma_wait3A_695 = arith.constant 1 : i32
      %dma_wait3A_696 = tpu.memref_slice %arg20[%dma_wait3A_695] : memref<4x!tpu.dma_semaphore, #tpu.memory_space<semaphore_mem>> -> memref<1x!tpu.dma_semaphore, #tpu.memory_space<semaphore_mem>>
      %dma_wait3A_697 = tpu.memref_squeeze %dma_wait3A_696 : memref<1x!tpu.dma_semaphore, #tpu.memory_space<semaphore_mem>> -> memref<!tpu.dma_semaphore, #tpu.memory_space<semaphore_mem>>
      %dma_wait3A_698 = arith.constant 0 : i32
      %dma_wait3A_699 = arith.constant 0 : i32
      %dma_wait3A_700 = tpu.memref_slice %arg6[%arg0, %dma_wait3A_698, %dma_wait3A_699] : memref<2x10000x128xf32, #tpu.memory_space<hbm>> -> memref<1x80x128xf32, #tpu.memory_space<hbm>>
      %dma_wait3A_701 = tpu.memref_squeeze %dma_wait3A_700 : memref<1x80x128xf32, #tpu.memory_space<hbm>> -> memref<80x128xf32, #tpu.memory_space<hbm>>
      %dma_wait3A_702 = arith.constant 0 : i32
      %dma_wait3A_703 = arith.constant 0 : i32
      %dma_wait3A_704 = tpu.memref_slice %arg19[%dma_wait3A_702, %dma_wait3A_703] : memref<10000x128xf32, #tpu.memory_space<vmem_shared>> -> memref<80x128xf32, #tpu.memory_space<vmem_shared>>
      tpu.wait_dma2 semaphore(%dma_wait3A_697 : memref<!tpu.dma_semaphore, #tpu.memory_space<semaphore_mem>>) src(%dma_wait3A_704 : memref<80x128xf32, #tpu.memory_space<vmem_shared>>) dst(%dma_wait3A_701 : memref<80x128xf32, #tpu.memory_space<hbm>>)
    } else {
    }
    %add3A_681 = arith.constant 96 : i32
    %add3A_682 = arith.addi %arg1, %add3A_681 : i32
    %lt3A_683 = arith.constant 125 : i32
    %lt3A_684 = arith.cmpi slt, %add3A_682, %lt3A_683 : i32
    %convert_element_type3A_685 = arith.extui %lt3A_684 : i1 to i32
    %cond3A_686 = arith.constant 0 : i32
    %cond3A_687 = arith.cmpi ne, %convert_element_type3A_685, %cond3A_686 : i32
    scf.if %cond3A_687 {
      %dma_wait3A_695 = arith.constant 1 : i32
      %dma_wait3A_696 = tpu.memref_slice %arg20[%dma_wait3A_695] : memref<4x!tpu.dma_semaphore, #tpu.memory_space<semaphore_mem>> -> memref<1x!tpu.dma_semaphore, #tpu.memory_space<semaphore_mem>>
      %dma_wait3A_697 = tpu.memref_squeeze %dma_wait3A_696 : memref<1x!tpu.dma_semaphore, #tpu.memory_space<semaphore_mem>> -> memref<!tpu.dma_semaphore, #tpu.memory_space<semaphore_mem>>
      %dma_wait3A_698 = arith.constant 0 : i32
      %dma_wait3A_699 = arith.constant 0 : i32
      %dma_wait3A_700 = tpu.memref_slice %arg6[%arg0, %dma_wait3A_698, %dma_wait3A_699] : memref<2x10000x128xf32, #tpu.memory_space<hbm>> -> memref<1x80x128xf32, #tpu.memory_space<hbm>>
      %dma_wait3A_701 = tpu.memref_squeeze %dma_wait3A_700 : memref<1x80x128xf32, #tpu.memory_space<hbm>> -> memref<80x128xf32, #tpu.memory_space<hbm>>
      %dma_wait3A_702 = arith.constant 0 : i32
      %dma_wait3A_703 = arith.constant 0 : i32
      %dma_wait3A_704 = tpu.memref_slice %arg19[%dma_wait3A_702, %dma_wait3A_703] : memref<10000x128xf32, #tpu.memory_space<vmem_shared>> -> memref<80x128xf32, #tpu.memory_space<vmem_shared>>
      tpu.wait_dma2 semaphore(%dma_wait3A_697 : memref<!tpu.dma_semaphore, #tpu.memory_space<semaphore_mem>>) src(%dma_wait3A_704 : memref<80x128xf32, #tpu.memory_space<vmem_shared>>) dst(%dma_wait3A_701 : memref<80x128xf32, #tpu.memory_space<hbm>>)
    } else {
    }
    %add3A_688 = arith.constant 112 : i32
    %add3A_689 = arith.addi %arg1, %add3A_688 : i32
    %lt3A_690 = arith.constant 125 : i32
    %lt3A_691 = arith.cmpi slt, %add3A_689, %lt3A_690 : i32
    %convert_element_type3A_692 = arith.extui %lt3A_691 : i1 to i32
    %cond3A_693 = arith.constant 0 : i32
    %cond3A_694 = arith.cmpi ne, %convert_element_type3A_692, %cond3A_693 : i32
    scf.if %cond3A_694 {
      %dma_wait3A_695 = arith.constant 1 : i32
      %dma_wait3A_696 = tpu.memref_slice %arg20[%dma_wait3A_695] : memref<4x!tpu.dma_semaphore, #tpu.memory_space<semaphore_mem>> -> memref<1x!tpu.dma_semaphore, #tpu.memory_space<semaphore_mem>>
      %dma_wait3A_697 = tpu.memref_squeeze %dma_wait3A_696 : memref<1x!tpu.dma_semaphore, #tpu.memory_space<semaphore_mem>> -> memref<!tpu.dma_semaphore, #tpu.memory_space<semaphore_mem>>
      %dma_wait3A_698 = arith.constant 0 : i32
      %dma_wait3A_699 = arith.constant 0 : i32
      %dma_wait3A_700 = tpu.memref_slice %arg6[%arg0, %dma_wait3A_698, %dma_wait3A_699] : memref<2x10000x128xf32, #tpu.memory_space<hbm>> -> memref<1x80x128xf32, #tpu.memory_space<hbm>>
      %dma_wait3A_701 = tpu.memref_squeeze %dma_wait3A_700 : memref<1x80x128xf32, #tpu.memory_space<hbm>> -> memref<80x128xf32, #tpu.memory_space<hbm>>
      %dma_wait3A_702 = arith.constant 0 : i32
      %dma_wait3A_703 = arith.constant 0 : i32
      %dma_wait3A_704 = tpu.memref_slice %arg19[%dma_wait3A_702, %dma_wait3A_703] : memref<10000x128xf32, #tpu.memory_space<vmem_shared>> -> memref<80x128xf32, #tpu.memory_space<vmem_shared>>
      tpu.wait_dma2 semaphore(%dma_wait3A_697 : memref<!tpu.dma_semaphore, #tpu.memory_space<semaphore_mem>>) src(%dma_wait3A_704 : memref<80x128xf32, #tpu.memory_space<vmem_shared>>) dst(%dma_wait3A_701 : memref<80x128xf32, #tpu.memory_space<hbm>>)
    } else {
    }
    return
  }
}

module attributes {stable_mosaic.version = 14 : i64} {
  func.func @_mlp_body(%arg0: memref<2x10000x128xf32, #tpu.memory_space<vmem>>, %arg1: memref<10000x128xf32, #tpu.memory_space<vmem>>, %arg2: memref<128x256xf32, #tpu.memory_space<vmem>>, %arg3: memref<1x256xf32, #tpu.memory_space<vmem>>, %arg4: memref<1x256xf32, #tpu.memory_space<vmem>>, %arg5: memref<256x128xf32, #tpu.memory_space<vmem>>, %arg6: memref<1x128xf32, #tpu.memory_space<vmem>>, %arg7: memref<1x128xf32, #tpu.memory_space<vmem>>, %arg8: memref<1xf32, #tpu.memory_space<smem>>, %arg9: memref<10000x128xf32, #tpu.memory_space<vmem>>) attributes {dimension_semantics = [], scalar_prefetch = 0 : i64, scratch_operands = 0 : i64, tpu.core_type = #tpu.core_type<tc>} {
    %get3A = arith.constant 0 : index
    %get3A_0 = arith.constant 0 : index
    %get3A_1 = arith.constant 0 : index
    %get3A_2 = vector.load %arg0[%get3A, %get3A_0, %get3A_1] : memref<2x10000x128xf32, #tpu.memory_space<vmem>>, vector<1x10000x128xf32>
    %get3A_3 = vector.shape_cast %get3A_2 : vector<1x10000x128xf32> to vector<10000x128xf32>
    %get3A_4 = arith.constant 1 : index
    %get3A_5 = arith.constant 0 : index
    %get3A_6 = arith.constant 0 : index
    %get3A_7 = vector.load %arg0[%get3A_4, %get3A_5, %get3A_6] : memref<2x10000x128xf32, #tpu.memory_space<vmem>>, vector<1x10000x128xf32>
    %get3A_8 = vector.shape_cast %get3A_7 : vector<1x10000x128xf32> to vector<10000x128xf32>
    %add3A = arith.addf %get3A_3, %get3A_8 : vector<10000x128xf32>
    %get3A_9 = arith.constant 0 : index
    %get3A_10 = memref.load %arg8[%get3A_9] : memref<1xf32, #tpu.memory_space<smem>>
    %add3A_11 = arith.constant 1.000000e+00 : f32
    %add3A_12 = arith.addf %add3A_11, %get3A_10 : f32
    %get3A_13 = arith.constant 0 : index
    %get3A_14 = arith.constant 0 : index
    %get3A_15 = vector.load %arg1[%get3A_13, %get3A_14] : memref<10000x128xf32, #tpu.memory_space<vmem>>, vector<10000x128xf32>
    %mul3A = vector.broadcast %add3A_12 : f32 to vector<10000x128xf32>
    %mul3A_16 = arith.mulf %mul3A, %get3A_15 : vector<10000x128xf32>
    %add3A_17 = arith.addf %add3A, %mul3A_16 : vector<10000x128xf32>
    %get3A_18 = arith.constant 0 : index
    %get3A_19 = arith.constant 0 : index
    %get3A_20 = vector.load %arg2[%get3A_18, %get3A_19] : memref<128x256xf32, #tpu.memory_space<vmem>>, vector<128x256xf32>
    %dot_general3A = arith.constant dense<0.000000e+00> : vector<10000x256xf32>
    %dot_general3A_21 = tpu.matmul %add3A_17, %get3A_20, %dot_general3A {dimension_numbers = #tpu.dot_dimension_numbers<[1], [0], [0], [1], [0, 0, 1, 1], [], []>, transpose_lhs_hint = false} : vector<10000x128xf32>, vector<128x256xf32>, vector<10000x256xf32> -> vector<10000x256xf32>
    %reduce_sum3A = arith.constant dense<0.000000e+00> : vector<256xf32>
    %reduce_sum3A_22 = vector.multi_reduction <add>, %dot_general3A_21, %reduce_sum3A [0] : vector<10000x256xf32> to vector<256xf32>
    %broadcast_in_dim3A = vector.shape_cast %reduce_sum3A_22 : vector<256xf32> to vector<1x256xf32>
    %div3A = arith.constant 1.000000e+04 : f32
    %div3A_23 = vector.broadcast %div3A : f32 to vector<1x256xf32>
    %div3A_24 = arith.divf %broadcast_in_dim3A, %div3A_23 : vector<1x256xf32>
    %sub3A = vector.broadcast %div3A_24 : vector<1x256xf32> to vector<10000x256xf32>
    %sub3A_25 = arith.subf %dot_general3A_21, %sub3A : vector<10000x256xf32>
    %integer_pow3A = arith.mulf %sub3A_25, %sub3A_25 : vector<10000x256xf32>
    %reduce_sum3A_26 = arith.constant dense<0.000000e+00> : vector<256xf32>
    %reduce_sum3A_27 = vector.multi_reduction <add>, %integer_pow3A, %reduce_sum3A_26 [0] : vector<10000x256xf32> to vector<256xf32>
    %broadcast_in_dim3A_28 = vector.shape_cast %reduce_sum3A_27 : vector<256xf32> to vector<1x256xf32>
    %div3A_29 = arith.constant 1.000000e+04 : f32
    %div3A_30 = vector.broadcast %div3A_29 : f32 to vector<1x256xf32>
    %div3A_31 = arith.divf %broadcast_in_dim3A_28, %div3A_30 : vector<1x256xf32>
    %sub3A_32 = vector.broadcast %div3A_24 : vector<1x256xf32> to vector<10000x256xf32>
    %sub3A_33 = arith.subf %dot_general3A_21, %sub3A_32 : vector<10000x256xf32>
    %add3A_34 = arith.constant 9.99999974E-6 : f32
    %add3A_35 = vector.broadcast %add3A_34 : f32 to vector<1x256xf32>
    %add3A_36 = arith.addf %div3A_31, %add3A_35 : vector<1x256xf32>
    %rsqrt3A = math.rsqrt %add3A_36 : vector<1x256xf32>
    %mul3A_37 = vector.broadcast %rsqrt3A : vector<1x256xf32> to vector<10000x256xf32>
    %mul3A_38 = arith.mulf %sub3A_33, %mul3A_37 : vector<10000x256xf32>
    %get3A_39 = arith.constant 0 : index
    %get3A_40 = arith.constant 0 : index
    %get3A_41 = vector.load %arg3[%get3A_39, %get3A_40] : memref<1x256xf32, #tpu.memory_space<vmem>>, vector<1x256xf32>
    %mul3A_42 = vector.broadcast %get3A_41 : vector<1x256xf32> to vector<10000x256xf32>
    %mul3A_43 = arith.mulf %mul3A_38, %mul3A_42 : vector<10000x256xf32>
    %get3A_44 = arith.constant 0 : index
    %get3A_45 = arith.constant 0 : index
    %get3A_46 = vector.load %arg4[%get3A_44, %get3A_45] : memref<1x256xf32, #tpu.memory_space<vmem>>, vector<1x256xf32>
    %add3A_47 = vector.broadcast %get3A_46 : vector<1x256xf32> to vector<10000x256xf32>
    %add3A_48 = arith.addf %mul3A_43, %add3A_47 : vector<10000x256xf32>
    %max3A = arith.constant 0.000000e+00 : f32
    %max3A_49 = vector.broadcast %max3A : f32 to vector<10000x256xf32>
    %max3A_50 = arith.maximumf %add3A_48, %max3A_49 : vector<10000x256xf32>
    %get3A_51 = arith.constant 0 : index
    %get3A_52 = arith.constant 0 : index
    %get3A_53 = vector.load %arg5[%get3A_51, %get3A_52] : memref<256x128xf32, #tpu.memory_space<vmem>>, vector<256x128xf32>
    %dot_general3A_54 = arith.constant dense<0.000000e+00> : vector<10000x128xf32>
    %dot_general3A_55 = tpu.matmul %max3A_50, %get3A_53, %dot_general3A_54 {dimension_numbers = #tpu.dot_dimension_numbers<[1], [0], [0], [1], [0, 0, 1, 1], [], []>, transpose_lhs_hint = false} : vector<10000x256xf32>, vector<256x128xf32>, vector<10000x128xf32> -> vector<10000x128xf32>
    %reduce_sum3A_56 = arith.constant dense<0.000000e+00> : vector<128xf32>
    %reduce_sum3A_57 = vector.multi_reduction <add>, %dot_general3A_55, %reduce_sum3A_56 [0] : vector<10000x128xf32> to vector<128xf32>
    %broadcast_in_dim3A_58 = vector.shape_cast %reduce_sum3A_57 : vector<128xf32> to vector<1x128xf32>
    %div3A_59 = arith.constant 1.000000e+04 : f32
    %div3A_60 = vector.broadcast %div3A_59 : f32 to vector<1x128xf32>
    %div3A_61 = arith.divf %broadcast_in_dim3A_58, %div3A_60 : vector<1x128xf32>
    %sub3A_62 = vector.broadcast %div3A_61 : vector<1x128xf32> to vector<10000x128xf32>
    %sub3A_63 = arith.subf %dot_general3A_55, %sub3A_62 : vector<10000x128xf32>
    %integer_pow3A_64 = arith.mulf %sub3A_63, %sub3A_63 : vector<10000x128xf32>
    %reduce_sum3A_65 = arith.constant dense<0.000000e+00> : vector<128xf32>
    %reduce_sum3A_66 = vector.multi_reduction <add>, %integer_pow3A_64, %reduce_sum3A_65 [0] : vector<10000x128xf32> to vector<128xf32>
    %broadcast_in_dim3A_67 = vector.shape_cast %reduce_sum3A_66 : vector<128xf32> to vector<1x128xf32>
    %div3A_68 = arith.constant 1.000000e+04 : f32
    %div3A_69 = vector.broadcast %div3A_68 : f32 to vector<1x128xf32>
    %div3A_70 = arith.divf %broadcast_in_dim3A_67, %div3A_69 : vector<1x128xf32>
    %sub3A_71 = vector.broadcast %div3A_61 : vector<1x128xf32> to vector<10000x128xf32>
    %sub3A_72 = arith.subf %dot_general3A_55, %sub3A_71 : vector<10000x128xf32>
    %add3A_73 = arith.constant 9.99999974E-6 : f32
    %add3A_74 = vector.broadcast %add3A_73 : f32 to vector<1x128xf32>
    %add3A_75 = arith.addf %div3A_70, %add3A_74 : vector<1x128xf32>
    %rsqrt3A_76 = math.rsqrt %add3A_75 : vector<1x128xf32>
    %mul3A_77 = vector.broadcast %rsqrt3A_76 : vector<1x128xf32> to vector<10000x128xf32>
    %mul3A_78 = arith.mulf %sub3A_72, %mul3A_77 : vector<10000x128xf32>
    %get3A_79 = arith.constant 0 : index
    %get3A_80 = arith.constant 0 : index
    %get3A_81 = vector.load %arg6[%get3A_79, %get3A_80] : memref<1x128xf32, #tpu.memory_space<vmem>>, vector<1x128xf32>
    %mul3A_82 = vector.broadcast %get3A_81 : vector<1x128xf32> to vector<10000x128xf32>
    %mul3A_83 = arith.mulf %mul3A_78, %mul3A_82 : vector<10000x128xf32>
    %get3A_84 = arith.constant 0 : index
    %get3A_85 = arith.constant 0 : index
    %get3A_86 = vector.load %arg7[%get3A_84, %get3A_85] : memref<1x128xf32, #tpu.memory_space<vmem>>, vector<1x128xf32>
    %add3A_87 = vector.broadcast %get3A_86 : vector<1x128xf32> to vector<10000x128xf32>
    %add3A_88 = arith.addf %mul3A_83, %add3A_87 : vector<10000x128xf32>
    %max3A_89 = arith.constant 0.000000e+00 : f32
    %max3A_90 = vector.broadcast %max3A_89 : f32 to vector<10000x128xf32>
    %max3A_91 = arith.maximumf %add3A_88, %max3A_90 : vector<10000x128xf32>
    %swap3A = arith.constant 0 : index
    %swap3A_92 = arith.constant 0 : index
    %swap3A_93 = vector.load %arg9[%swap3A, %swap3A_92] : memref<10000x128xf32, #tpu.memory_space<vmem>>, vector<10000x128xf32>
    tpu.vector_store %arg9[%swap3A, %swap3A_92], %max3A_91 {strides = array<i32>} : memref<10000x128xf32, #tpu.memory_space<vmem>>, vector<10000x128xf32>,
    return
  }
}

</mosaic_0001>

<sc_bundles>
// kernel: kernel.4.cloned.1.call-start
scs
__scs_entry_jumppad:
0x0: {  	(pc) =	sbr.rel $0x88, $3  }
0x1: {  	(tag) =	ssettag $0x0;
	lr =	simm.s32 $0x1  }
0x2: {  	[smem:$0x3F97] =	sst lr;
	_ =	strace $0xD0000000  }
0x3: {  	_ = 	snop  }
0x4: {  	_ = 	snop  }
0x5: {  	_ = 	snop  }
0x6: {  	_ = 	snop  }
0x7: {  	_ = 	snop  }
__scs_overlays_trampoline_lowered:
0x8: {  	[smem:$0x3FA6] =	sst s0  }
0x9: {  	[smem:$0x3FA7] =	sst s1  }
0xa: {  	[smem:$0x3FA8] =	sst s2  }
0xb: {  	[smem:$0x3FA9] =	sst s3  }
0xc: {  	[smem:$0x3FAA] =	sst s4  }
0xd: {  	[smem:$0x3FAB] =	sst s5  }
0xe: {  	[smem:$0x3FAC] =	sst s6  }
0xf: {  	[smem:$0x3FAD] =	sst s7  }
0x10: {  	[smem:$0x3FAE] =	sst s8  }
0x11: {  	[smem:$0x3FAF] =	sst s9;
	s0 =	simm.s32 @!p0 $0x0  }
0x12: {  	s1 =	sld [smem:$0x3F95];
	s0 =	simm.s32 @p0 $0x1  }
0x13: {  	[smem:$0x3FB0] =	sst s0;
	s0 =	simm.s32 @!p1 $0x0  }
0x14: {  	s2 =	sld [smem:$0x3F94];
	s0 =	simm.s32 @p1 $0x1  }
0x15: {  	[smem:$0x3FB1] =	sst s0;
	s0 =	simm.s32 @!p2 $0x0  }
0x16: {  	s3 =	sld [smem:$0x3FDB];
	s0 =	simm.s32 @p2 $0x1  }
0x17: {  	s4 =	simm.s32 $0x1BF5;
	[smem:$0x3FB3] =	sst s0  }
0x18: {  	s0 =	sld [smem:$0x3F96];
	_ =	swait.ge [sflag:s4], $0x0  }
0x19: {  	s7 =	sld [smem:$0x3F97]  }
0x1a: {  	s8 =	sadd.s32 $0xFFFFE003, lr  }
0x1b: {  	s9 =	sadd.s32 $0xFFFFFEF7, lr;
	s5 =	simm.s32 $0xFFFFFFFF;
	p2 =	slt.u32 s8, $0xFFFFF086  }
0x1c: {  	p1 =	slt.u32 s9, $0xF7A;
	s5 =	simm.s32 @!p2 $0x0  }
0x1d: {  	s5 =	simm.s32 @p1 $0x1;
	p0 =	seq.s32 s7, s2  }
0x1e: {  	s7 =	smul.u32 @!p0 $0xF7A, s2;
	p2 =	seq.s32 @!p0 s5, $0x0  }
0x1f: {  	s9 =	smul.u32 $0xF7A, s1;
	s8 =	simm.s32 @!p0 $0x1BF5;
	p2 =	por !p2, p0  }
0x20: {  	[sflag:s8] =	ssyncset.s32 @!p0 $0xFFFFF086;
	s6 =	sadd.s32 @!p0 s3, s7;
	s7 =	simm.s32 @!p0 $0x108  }
0x21: {  	s3 =	sadd.s32 s3, s9;
	s6 =	sadd.s32 @!p0 $0x88, s6;
	s7 =	simm.s32 @p2 $0x1082  }
0x22: {  	[simem:s7], [sflag:s8] =	dma.local @!p0 [hbm:s6], $0xF7A  }
0x23: {  	s9 =	sor.u32 $0xD0000000, s2;
	s6 =	simm.s32 $0x108;
	_ =	swait.ge @!p0 [sflag:s8], $0x0  }
0x24: {  	s3 =	sadd.s32 $0x88, s3;
	s6 =	simm.s32 @!p1 $0x1082;
	[sflag:s4] =	ssyncset.s32 $0xFFFFF086  }
0x25: {  	[simem:s6], [sflag:s4] =	dma.local [hbm:s3], $0xF7A  }
0x26: {  	[smem:$0x3F97] =	sst s1;
	(tag) =	ssettag s2;
	_ =	strace s9  }
0x27: {  	s1 =	sld [smem:$0x3FA7]  }
0x28: {  	s2 =	sld [smem:$0x3FA8]  }
0x29: {  	s4 =	sld [smem:$0x3FAA]  }
0x2a: {  	p0 =	seq.s32 s5, $0x0;
	s5 =	sld [smem:$0x3FAB]  }
0x2b: {  	s6 =	sld [smem:$0x3FAC]  }
0x2c: {  	s7 =	sld [smem:$0x3FAD]  }
0x2d: {  	s3 =	simm.s32 $0x108;
	s8 =	sld [smem:$0x3FAE]  }
0x2e: {  	s3 =	simm.s32 @!p0 $0x1082;
	s9 =	sld [smem:$0x3FAF]  }
0x2f: {  	lr =	sadd.s32 s0, s3;
	s0 =	sld [smem:$0x3FA6]  }
0x30: {  	s3 =	sld [smem:$0x3FA9]  }
0x31: {  	[smem:$0x3FB2] =	sst s10  }
0x32: {  	s10 =	sld [smem:$0x3FB0];
	_ =	sdelay $0x3  }
0x33: {  	p0 =	seq.s32 s10, $0x1;
	s10 =	sld [smem:$0x3FB2];
	_ =	sdelay $0x3  }
0x34: {  	[smem:$0x3FB2] =	sst s10  }
0x35: {  	s10 =	sld [smem:$0x3FB1];
	_ =	sdelay $0x3  }
0x36: {  	p1 =	seq.s32 s10, $0x1;
	s10 =	sld [smem:$0x3FB2];
	_ =	sdelay $0x3  }
0x37: {  	[smem:$0x3FB2] =	sst s10  }
0x38: {  	s10 =	sld [smem:$0x3FB3]  }
0x39: {  	_ = 	snop;
	(pc) =	sbr.ind lr, $3  }
0x3a: {  	_ = 	snop  }
0x3b: {  	_ = 	snop  }
0x3c: {  	p2 =	seq.s32 s10, $0x1;
	s10 =	sld [smem:$0x3FB2]  }
0x3d: {  	_ =	shalt  }
0x3e: {  	_ =	shalt  }
0x3f: {  	_ =	shalt  }
0x40: {  	_ =	shalt  }
0x41: {  	_ =	shalt  }
0x42: {  	_ =	shalt  }
0x43: {  	_ =	shalt  }
0x44: {  	_ =	shalt  }
0x45: {  	_ =	shalt  }
0x46: {  	_ =	shalt  }
0x47: {  	_ =	shalt  }
0x48: {  	_ =	shalt  }
0x49: {  	_ =	shalt  }
0x4a: {  	_ =	shalt  }
0x4b: {  	_ =	shalt  }
0x4c: {  	_ =	shalt  }
0x4d: {  	_ =	shalt  }
0x4e: {  	_ =	shalt  }
0x4f: {  	_ =	shalt  }
0x50: {  	_ =	shalt  }
0x51: {  	_ =	shalt  }
0x52: {  	_ =	shalt  }
0x53: {  	_ =	shalt  }
0x54: {  	_ =	shalt  }
0x55: {  	_ =	shalt  }
0x56: {  	_ =	shalt  }
0x57: {  	_ =	shalt  }
0x58: {  	_ =	shalt  }
0x59: {  	_ =	shalt  }
0x5a: {  	_ =	shalt  }
0x5b: {  	_ =	shalt  }
0x5c: {  	_ =	shalt  }
0x5d: {  	_ =	shalt  }
0x5e: {  	_ =	shalt  }
0x5f: {  	_ =	shalt  }
0x60: {  	_ =	shalt  }
0x61: {  	_ =	shalt  }
0x62: {  	_ =	shalt  }
0x63: {  	_ =	shalt  }
0x64: {  	_ =	shalt  }
0x65: {  	_ =	shalt  }
0x66: {  	_ =	shalt  }
0x67: {  	_ =	shalt  }
0x68: {  	_ =	shalt  }
0x69: {  	_ =	shalt  }
0x6a: {  	_ =	shalt  }
0x6b: {  	_ =	shalt  }
0x6c: {  	_ =	shalt  }
0x6d: {  	_ =	shalt  }
0x6e: {  	_ =	shalt  }
0x6f: {  	_ =	shalt  }
0x70: {  	_ =	shalt  }
0x71: {  	_ =	shalt  }
0x72: {  	_ =	shalt  }
0x73: {  	_ =	shalt  }
0x74: {  	_ =	shalt  }
0x75: {  	_ =	shalt  }
0x76: {  	_ =	shalt  }
0x77: {  	_ =	shalt  }
0x78: {  	_ =	shalt  }
0x79: {  	_ =	shalt  }
0x7a: {  	_ =	shalt  }
0x7b: {  	_ =	shalt  }
0x7c: {  	_ =	shalt  }
0x7d: {  	_ =	shalt  }
0x7e: {  	_ =	shalt  }
0x7f: {  	_ =	shalt  }
0x80: {  	_ =	shalt  }
0x81: {  	_ =	shalt  }
0x82: {  	_ =	shalt  }
0x83: {  	_ =	shalt  }
0x84: {  	_ =	shalt  }
0x85: {  	_ =	shalt  }
0x86: {  	_ =	shalt  }
0x87: {  	_ =	shalt  }
.Lfunc_end0:
.L_simem_size_0:
called_computation_lowered:
.L_overlay_start_0:
0x88: {  	s2 =	sld [smem:$0x3FD9]  }
0x89: {  	s3 =	sld [smem:$0x3FFE];
	_ =	sdelay $0x1  }
0x8a: {  	s1 =	srdreg.scid  }
0x8b: {  	s0 =	sand.u32 $0x1, s1  }
0x8c: {  	s17 =	sshll.u32 s0, $0xA;
	s2 =	sadd.s32 s3, s2  }
0x8d: {  	s2 =	sadd.s32 s2, s17  }
0x8e: {  	[smem:$0x3FBE] =	sst s2  }
0x8f: {  	_ = 	snop  }
0x90: {  	s2 =	sld [smem:$0x3FC9]  }
0x91: {  	s18 =	sld [smem:$0x3FC7]  }
0x92: {  	s4 =	sld [smem:$0x3FD0];
	(tm) =	ssettm $0x1  }
0x93: {  	s5 =	sld [smem:$0x3FFB];
	_ =	sdelay $0x3  }
0x94: {  	_ =	strace s5  }
0x95: {  	s5 =	sld [smem:$0x3FFC];
	_ =	sdelay $0x3  }
0x96: {  	_ =	strace s5  }
0x97: {  	s5 =	sld [smem:$0x3FFD];
	_ =	sdelay $0x3  }
0x98: {  	_ =	strace s5  }
0x99: {  	_ =	strace $0x8FFFFFFF  }
0x9a: {  	s19 =	sld [smem:$0x3FDB];
	_ =	sdelay $0x1  }
0x9b: {  	s6 =	simm.s32 $_scs_section_size  }
0x9c: {  	s7 =	simm.s32 $_size__tile_overlayer_lowered;
	s8 =	simm.s32 $_tile_overlayer_lowered  }
0x9d: {  	s22 =	simm.s32 $0x1BFF;
	s21 =	sshll.u32 s8, $0x1;
	s5 =	sadd.s32 s6, s19  }
0x9e: {  	s9 =	simm.s32 $0x0;
	s20 =	sshll.u32 s7, $0x1;
	s7 =	sadd.s32 s21, s5  }
0x9f: {  	[timem:s9], [sflag:s22] =	dma.local [hbm:s7], s20  }
0xa0: {  	_ =	swait.ge [sflag:s22], s20  }
0xa1: {  	s6 =	ssub.s32 $0x0, s20;
	[sflag:s22] =	ssyncset.done $0x0  }
0xa2: {  	[sflag:s22] =	ssyncadd.s32 s6;
	_ =	sdelay $0x1  }
0xa3: {  	s23 =	simm.s32 $0x1B8B  }
0xa4: {  	_ =	swait.ge [sflag:s23], $0x1  }
0xa5: {  	[sflag:s23] =	ssyncset.done $0x0  }
0xa6: {  	s25 =	simm.s32 $0x1B8E;
	s24 =	sld [smem:$0x3FFE];
	[sflag:s23] =	ssyncadd.s32 $0xFFFFFFFF  }
0xa7: {  	s26 =	simm.s32 $execute0_lowered;
	[smem:$0x3FD2] =	sst s25  }
0xa8: {  	s7 =	sshll.u32 s26, $0x1;
	_ =	strace $0x80000046;
	[dreg:$0x1] =	wrdreg $0xFFFFFFFF  }
0xa9: {  	s28 =	simm.s32 $_size_execute0_lowered;
	s5 =	sadd.s32 s5, s7;
	[dreg:$0x0] =	wrdreg $0x0  }
0xaa: {  	s7 =	sshll.u32 s28, $0x1;
	[dreg:$0x2] =	wrdreg s5  }
0xab: {  	[dreg:$0x3] =	wrdreg s7  }
0xac: {  	[dreg:$0x4] =	wrdreg $0xC0  }
0xad: {  	_ =	task [dreg:s9], $0x5FFFF  }
0xae: {  	[dreg:$0x1] =	wrdreg $0xFFFFFFFF  }
0xaf: {  	[dreg:$0x0] =	wrdreg $0x60  }
0xb0: {  	[dreg:$0x2] =	wrdreg s4  }
0xb1: {  	[dreg:$0x3] =	wrdreg s24  }
0xb2: {  	[dreg:$0x4] =	wrdreg s18  }
0xb3: {  	[dreg:$0x5] =	wrdreg s2  }
0xb4: {  	[dreg:$0x6] =	wrdreg $0xA4000  }
0xb5: {  	[dreg:$0x7] =	wrdreg $0x9  }
0xb6: {  	_ =	task.clear_ibuf [dreg:s9], $0x8FFFF;
	_ =	strace $0x90000046  }
0xb7: {  	s29 =	simm.s32 $0x9;
	_ =	strace $0x80000048  }
0xb8: {  	_ =	swait.ge [sflag:s29], $0x1  }
0xb9: {  	[sflag:s29] =	ssyncadd.s32 $0xFFFFFFFF  }
0xba: {  	_ =	strace $0x90000048  }
0xbb: {  	_ =	sfence  }
0xbc: {  	s30 =	sld [smem:$0x0];
	_ =	sdelay $0x2  }
0xbd: {  	s31 =	sshll.u32 s1, $0xD;
	s1 =	sshrl.u32 s1, $0x2  }
0xbe: {  	s3 =	sand.u32 $0x4000, s31;
	s1 =	sadd.s32 s1, s30  }
0xbf: {  	s0 =	sor.u32 s3, s0;
	s1 =	sshll.u32 s1, $0x11  }
0xc0: {  	s0 =	sor.u32 s1, s0  }
0xc1: {  	s0 =	sadd.s32 $0x8F2B, s0  }
0xc2: {  	[sflag:s0] =	ssyncadd.remote.s32 $0x1  }
0xc3: {  	_ =	sfence.sel $0xFFFF  }
0xc4: {  	[dreg:$0x0] =	wrdreg $0xFFFFFFFF;
	(pc) =	sbr.abs _section_cstart, $3  }
0xc5: {  	[dreg:$0x1] =	wrdreg $0xFFFFFFFF  }
0xc6: {  	_ =	task.clear_ibuf [dreg:s9], $0x2FFFF;
	_ =	strace $0x9FFFFFFF  }
0xc7: {  	(tm) =	ssettm $0x7FFFFFFF  }
tec
execute0_lowered:
.L_overlay_start_1:
0x0: {  	(tag) =	ssettag $0x1  }
0x1: {  	s1 =	rddreg [dreg:$0x0]  }
0x2: {  	s4 =	rddreg [dreg:$0x1]  }
0x3: {  	s2 =	rddreg [dreg:$0x2]  }
0x4: {  	s3 =	rddreg [dreg:$0x3]  }
0x5: {  	s5 =	rddreg [dreg:$0x4]  }
0x6: {  	s0 =	srdreg.scid;
	s23 =	stileid.u32  }
0x7: {  	s10 =	simm.s32 $0x0;
	s6 =	sand.u32 $0x1, s0;
	s9 =	smul.u32 $0x2800, s23  }
0x8: {  	s24 =	simm.s32 $0x0;
	s8 =	sor.u32 $0x10, s23;
	s7 =	smul.u32 $0x138800, s6  }
0x9: {  	[smem:$0x7FF] =	sst s10;
	s10 =	sor.u32 $0x20, s23;
	s11 =	smul.u32 $0x2800, s8  }
0xa: {  	s31 =	simm.s32 $0x400;
	s12 =	sor.u32 $0x30, s23;
	s13 =	smul.u32 $0x2800, s10  }
0xb: {  	s30 =	simm.s32 $0x300;
	s16 =	sor.u32 $0x40, s23;
	s15 =	smul.u32 $0x2800, s12  }
0xc: {  	s28 =	simm.s32 $0x7C00;
	s19 =	sor.u32 $0x60, s23;
	s17 =	smul.u32 $0x2800, s16  }
0xd: {  	s18 =	sshll.u32 s23, $0x1;
	s25 =	ssub.s32 $0x2, s6;
	s21 =	smul.u32 $0x2800, s19  }
0xe: {  	s6 =	sor.u32 s6, s18;
	s18 =	sor.u32 $0x70, s23;
	s8 =	smul.u32 $0xA000, s8  }
0xf: {  	[dreg:$0x6] =	wrdreg s24;
	s14 =	sshrl.u32 s25, $0x1;
	s22 =	smul.u32 $0x2800, s18  }
0x10: {  	s0 =	ssub.s32 s25, s14;
	s14 =	sor.u32 $0x50, s23;
	s9 =	sadd.s32 s9, s7  }
0x11: {  	s11 =	sadd.s32 s7, s11;
	s13 =	sadd.s32 s7, s13;
	s15 =	sadd.s32 s7, s15  }
0x12: {  	s17 =	sadd.s32 s7, s17;
	s21 =	sadd.s32 s7, s21;
	s20 =	smul.u32 $0x2800, s14  }
0x13: {  	s9 =	sshrl.u32 s9, $0x3;
	s26 =	sshrl.u32 s11, $0x3;
	s29 =	sshrl.u32 s13, $0x3  }
0x14: {  	s15 =	sshrl.u32 s15, $0x3;
	s17 =	sshrl.u32 s17, $0x3;
	s25 =	sshrl.u32 s21, $0x3  }
0x15: {  	s20 =	sadd.s32 s7, s20;
	s7 =	sadd.s32 s7, s22;
	s22 =	sadd.s32 $0x10C00, s4  }
0x16: {  	s11 =	smul.u32 $0xA000, s12;
	s0 =	smax.u32 s0, $0x1;
	s9 =	sadd.s32 s22, s9  }
0x17: {  	s13 =	sadd.s32 s22, s29;
	s20 =	sshrl.u32 s20, $0x3;
	[dreg:$0x7] =	wrdreg s9  }
0x18: {  	s7 =	sshrl.u32 s7, $0x3;
	s9 =	sadd.s32 s22, s26;
	[dreg:$0x9] =	wrdreg s13  }
0x19: {  	s29 =	smul.u32 $0xA000, s10;
	s24 =	sadd.s32 s22, s20;
	[dreg:$0x8] =	wrdreg s9  }
0x1a: {  	s26 =	smul.u32 $0xA000, s23;
	s7 =	sadd.s32 s22, s7;
	[dreg:$0xc] =	wrdreg s24  }
0x1b: {  	s20 =	smul.u32 $0xA000, s16;
	s9 =	sadd.s32 s22, s15;
	[dreg:$0xe] =	wrdreg s7  }
0x1c: {  	s15 =	sadd.s32 $0xC00, s4;
	s21 =	sshrl.u32 s29, $0x2;
	s24 =	sshrl.u32 s11, $0x2  }
0x1d: {  	[dreg:$0xa] =	wrdreg s9;
	s9 =	sadd.s32 s22, s17;
	s10 =	sshrl.u32 s26, $0x2  }
0x1e: {  	s17 =	sshrl.u32 s8, $0x2;
	s4 =	sadd.s32 s21, s5;
	s26 =	smul.u32 $0xA000, s18  }
0x1f: {  	[dreg:$0xb] =	wrdreg s9;
	s9 =	sadd.s32 s22, s25;
	s22 =	smul.u32 $0xA000, s14  }
0x20: {  	s8 =	sshrl.u32 s20, $0x2;
	s25 =	smul.u32 $0xA000, s19;
	[dreg:$0xd] =	wrdreg s9  }
0x21: {  	s29 =	sadd.s32 s8, s5;
	_ =	strace $0x80000047;
	[dreg:$0x11] =	wrdreg s4  }
0x22: {  	s12 =	sadd.s32 s10, s5;
	s14 =	smul.u32 $0x27100, s6;
	[dreg:$0x13] =	wrdreg s29  }
0x23: {  	s13 =	sadd.s32 s17, s5;
	s17 =	smul.u32 $0x138800, s6;
	[smem:$0x7FD] =	sst s0  }
0x24: {  	s19 =	sshll.u32 s6, $0xB;
	s11 =	sshrl.u32 s26, $0x2;
	[dreg:$0xf] =	wrdreg s12  }
0x25: {  	s26 =	sshll.u32 s6, $0xE;
	s4 =	sadd.s32 s24, s5;
	[dreg:$0x10] =	wrdreg s13  }
0x26: {  	s20 =	sor.u32 $0x10, s19;
	s16 =	sadd.s32 s11, s5;
	[dreg:$0x12] =	wrdreg s4  }
0x27: {  	s10 =	sor.u32 $0x40, s19;
	s18 =	sadd.s32 s2, s14;
	[dreg:$0x16] =	wrdreg s16  }
0x28: {  	s9 =	sshrl.u32 s25, $0x2;
	s21 =	sadd.s32 s1, s20;
	[dreg:$0x17] =	wrdreg s18  }
0x29: {  	s25 =	smul.u32 $0x2710, s6;
	s6 =	sadd.s32 s15, s20;
	[dreg:$0x18] =	wrdreg s21  }
0x2a: {  	p0 =	sgt.u32 s23, $0xC;
	s11 =	sadd.s32 s1, s10;
	[dreg:$0x19] =	wrdreg s6  }
0x2b: {  	s7 =	sshrl.u32 s22, $0x2;
	s14 =	sadd.s32 s15, s10;
	[dreg:$0x1e] =	wrdreg s11  }
0x2c: {  	s23 =	simm.s32 $0xB;
	s8 =	sadd.s32 s7, s5;
	[dreg:$0x1f] =	wrdreg s14  }
0x2d: {  	s22 =	sor.u32 $0x20, s19;
	s4 =	sadd.s32 s9, s5;
	[dreg:$0x14] =	wrdreg s8  }
0x2e: {  	s29 =	sor.u32 $0x30, s19;
	s24 =	sadd.s32 s1, s22;
	[dreg:$0x15] =	wrdreg s4  }
0x2f: {  	s0 =	simm.s32 $0x1;
	s9 =	sadd.s32 s1, s29;
	[dreg:$0x1a] =	wrdreg s24  }
0x30: {  	s10 =	simm.s32 $0x50;
	s6 =	sadd.s32 s15, s29;
	[dreg:$0x1c] =	wrdreg s9  }
0x31: {  	s16 =	sadd.s32 s1, s19;
	s18 =	sor.u32 $0x50, s19;
	[dreg:$0x1d] =	wrdreg s6  }
0x32: {  	s7 =	simm.s32 $0x2C00;
	s8 =	sadd.s32 s15, s22;
	[smem:$0x7F4] =	sst s16  }
0x33: {  	s4 =	sshrl.u32 s17, $0x3;
	s17 =	sadd.s32 s15, s19;
	[dreg:$0x1b] =	wrdreg s8  }
0x34: {  	s11 =	simm.s32 $0x5400;
	s24 =	sadd.s32 s1, s18;
	[smem:$0x7F5] =	sst s17  }
0x35: {  	s29 =	sadd.s32 s15, s18;
	s4 =	sadd.s32 s2, s4;
	[smem:$0x7FB] =	sst s24  }
0x36: {  	s14 =	simm.s32 $0x2;
	[smem:$0x7FC] =	sst s29;
	s19 =	sadd.s32 $0x500, s4  }
0x37: {  	s16 =	simm.s32 $0x3;
	s20 =	sadd.s32 $0xA00, s4;
	[smem:$0x7F6] =	sst s19  }
0x38: {  	s18 =	simm.s32 $0x9;
	s21 =	sadd.s32 $0xF00, s4;
	[smem:$0x7F7] =	sst s20  }
0x39: {  	s24 =	simm.s32 $0x5;
	s22 =	sadd.s32 $0x1400, s4;
	[smem:$0x7F8] =	sst s21  }
0x3a: {  	s17 =	simm.s32 $0x6;
	s4 =	sadd.s32 $0x1900, s4;
	[smem:$0x7F9] =	sst s22  }
0x3b: {  	[smem:$0x7FA] =	sst s4;
	s4 =	simm.s32 $0x200;
	s19 =	simm.s32 $0x4  }
0x3c: {  	v0 =	vimm.f32 $0.0e+00;
	s20 =	simm.s32 $0x7;
	s22 =	simm.s32 $0x8;
	s21 =	simm.s32 $0xC  }
.LBB2_1:
0x3d: {  	s6 =	simm.s32 $0x0;
	s8 =	simm.s32 $0x200  }
.LBB2_2:
0x3e: {  	p1 =	sne.s32 s8, $0x9E00;
	[tilespmem:s6+$0x470] =	vst v0  }
0x3f: {  	[tilespmem:s6+$0x400] =	vst v0  }
0x40: {  	[tilespmem:s6+$0x410] =	vst v0  }
.Ltmp0:
0x41: {  	[tilespmem:s6+$0x420] =	vst v0;
	(pc) =	sbr.rel @p1 .LBB2_2-.Ltmp0, $4  }
0x42: {  	[tilespmem:s6+$0x430] =	vst v0  }
0x43: {  	[tilespmem:s6+$0x440] =	vst v0  }
0x44: {  	[tilespmem:s6+$0x450] =	vst v0  }
0x45: {  	[tilespmem:s6+$0x460] =	vst v0;
	s6 =	sshra.s32 s8, $0x2;
	s8 =	sadd.s32 $0x200, s8  }
0x46: {  	[tilespmem:s6+$0x470] =	vst v0  }
0x47: {  	[tilespmem:s6+$0x400] =	vst v0  }
0x48: {  	[tilespmem:s6+$0x410] =	vst v0  }
0x49: {  	[tilespmem:s6+$0x420] =	vst v0  }
0x4a: {  	[tilespmem:s6+$0x430] =	vst v0  }
0x4b: {  	[tilespmem:s6+$0x440] =	vst v0  }
0x4c: {  	[tilespmem:s6+$0x450] =	vst v0  }
0x4d: {  	[tilespmem:s6+$0x460] =	vst v0  }
0x4e: {  	[spmem:s12] =	stream.linear.scatter [tilespmem:s31], [sflag:$0x1], $0x2800, $0x38;
	[tilespmem:$0x1DC80] =	vst v63  }
0x4f: {  	_ = 	snop  }
0x50: {  	[spmem:s13] =	stream.linear.scatter [tilespmem:s31], [sflag:$0x1], $0x2800, $0x38;
	[tilespmem:$0x1DC80] =	vst v63  }
0x51: {  	s12 =	rddreg [dreg:$0x11]  }
0x52: {  	[spmem:s12] =	stream.linear.scatter [tilespmem:s31], [sflag:$0x1], $0x2800, $0x38;
	[tilespmem:$0x1DC80] =	vst v63  }
0x53: {  	s13 =	rddreg [dreg:$0x12]  }
0x54: {  	[spmem:s13] =	stream.linear.scatter [tilespmem:s31], [sflag:$0x1], $0x2800, $0x38;
	[tilespmem:$0x1DC80] =	vst v63  }
0x55: {  	s29 =	rddreg [dreg:$0x13]  }
0x56: {  	[spmem:s29] =	stream.linear.scatter [tilespmem:s31], [sflag:$0x1], $0x2800, $0x38;
	[tilespmem:$0x1DC80] =	vst v63  }
0x57: {  	s8 =	rddreg [dreg:$0x14]  }
0x58: {  	[spmem:s8] =	stream.linear.scatter [tilespmem:s31], [sflag:$0x1], $0x2800, $0x38;
	[tilespmem:$0x1DC80] =	vst v63  }
0x59: {  	s9 =	rddreg [dreg:$0x15]  }
0x5a: {  	[spmem:s9] =	stream.linear.scatter [tilespmem:s31], [sflag:$0x1], $0x2800, $0x38;
	[tilespmem:$0x1DC80] =	vst v63  }
0x5b: {  	s6 =	simm.s32 @!p0 $0x400;
	s8 =	rddreg [dreg:$0x16]  }
0x5c: {  	[spmem:s8] =	stream.linear.scatter @!p0 [tilespmem:s6], [sflag:$0x1], $0x2800, $0x38;
	[tilespmem:$0x1DC80] =	vst v63  }
0x5d: {  	_ =	swait.ge [sflag:s0], $0x2800  }
0x5e: {  	[sflag:s0] =	ssyncset.done $0x0  }
0x5f: {  	[sflag:s0] =	ssyncadd.s32 $0xFFFFD800  }
0x60: {  	_ =	swait.ge [sflag:s0], $0x2800  }
0x61: {  	[sflag:s0] =	ssyncset.done $0x0  }
0x62: {  	[sflag:s0] =	ssyncadd.s32 $0xFFFFD800  }
0x63: {  	_ =	swait.ge [sflag:s0], $0x2800  }
0x64: {  	[sflag:s0] =	ssyncset.done $0x0  }
0x65: {  	[sflag:s0] =	ssyncadd.s32 $0xFFFFD800  }
0x66: {  	_ =	swait.ge [sflag:s0], $0x2800  }
0x67: {  	[sflag:s0] =	ssyncset.done $0x0  }
0x68: {  	[sflag:s0] =	ssyncadd.s32 $0xFFFFD800  }
0x69: {  	_ =	swait.ge [sflag:s0], $0x2800  }
0x6a: {  	[sflag:s0] =	ssyncset.done $0x0  }
0x6b: {  	[sflag:s0] =	ssyncadd.s32 $0xFFFFD800  }
0x6c: {  	_ =	swait.ge [sflag:s0], $0x2800  }
0x6d: {  	[sflag:s0] =	ssyncset.done $0x0  }
0x6e: {  	[sflag:s0] =	ssyncadd.s32 $0xFFFFD800  }
0x6f: {  	_ =	swait.ge [sflag:s0], $0x2800  }
0x70: {  	[sflag:s0] =	ssyncset.done $0x0  }
0x71: {  	s6 =	simm.s32 @!p0 $0x1;
	[sflag:s0] =	ssyncadd.s32 $0xFFFFD800  }
0x72: {  	_ =	swait.ge @!p0 [sflag:s6], $0x2800  }
0x73: {  	[sflag:s6] =	ssyncset.done @!p0 $0x0  }
0x74: {  	[sflag:s6] =	ssyncadd.s32 @!p0 $0xFFFFD800  }
0x75: {  	[bflag:$0x0] =	sbarrier.arrive $0xFFFF  }
0x76: {  	s12 =	rddreg [dreg:$0x17]  }
0x77: {  	s6 =	simm.s32 $0x0;
	s13 =	sld [smem:$0x7F4]  }
0x78: {  	[tilespmem:s31], [sflag:$0x1] =	stream.linear.gather [hbm4b:s12+s6], $0x2800, $0x38;
	[tilespmem:$0x1DC80] =	vst v63  }
0x79: {  	s29 =	sld [smem:$0x7F5]  }
0x7a: {  	[tilespmem:s6], [sflag:$0x1] =	stream.linear.gather [hbm4b:s13+s6], $0x80, $0x38;
	[tilespmem:$0x1DC80] =	vst v63  }
0x7b: {  	s9 =	sld [smem:$0x7F6]  }
0x7c: {  	[tilespmem:s4], [sflag:$0x1] =	stream.linear.gather [hbm4b:s29+s6], $0x80, $0x38;
	[tilespmem:$0x1DC80] =	vst v63  }
0x7d: {  	_ = 	snop  }
0x7e: {  	[tilespmem:s7], [sflag:$0x2] =	stream.linear.gather [hbm4b:s9+s6], $0x2800, $0x38;
	[tilespmem:$0x1DC80] =	vst v63  }
0x7f: {  	s12 =	rddreg [dreg:$0x18];
	s9 =	simm.s32 $0x80  }
0x80: {  	[tilespmem:s9], [sflag:$0x2] =	stream.linear.gather [hbm4b:s12+s6], $0x80, $0x38;
	[tilespmem:$0x1DC80] =	vst v63  }
0x81: {  	s13 =	rddreg [dreg:$0x19];
	s29 =	simm.s32 $0x280  }
0x82: {  	[tilespmem:s29], [sflag:$0x2] =	stream.linear.gather [hbm4b:s13+s6], $0x80, $0x38;
	[tilespmem:$0x1DC80] =	vst v63  }
0x83: {  	_ =	swait.ge [sflag:s0], $0x2800  }
0x84: {  	[sflag:s0] =	ssyncset.done $0x0  }
0x85: {  	[sflag:s0] =	ssyncadd.s32 $0xFFFFD800  }
0x86: {  	_ =	swait.ge [sflag:s0], $0x80  }
0x87: {  	[sflag:s0] =	ssyncset.done $0x0  }
0x88: {  	[sflag:s0] =	ssyncadd.s32 $0xFFFFFF80  }
0x89: {  	_ =	swait.ge [sflag:s0], $0x80  }
0x8a: {  	[sflag:s0] =	ssyncset.done $0x0  }
0x8b: {  	s29 =	sld [smem:$0x7F7];
	[sflag:s0] =	ssyncadd.s32 $0xFFFFFF80  }
0x8c: {  	[tilespmem:s31], [sflag:$0x5] =	stream.indirect.gather.add.f32 [hbm:s3], $0x80, s6, s10, $0xb8;
	[tilespmem:$0x1DC80] =	vst v63  }
0x8d: {  	_ = 	snop  }
0x8e: {  	[tilespmem:s11], [sflag:$0x3] =	stream.linear.gather [hbm4b:s29+s6], $0x2800, $0x38;
	[tilespmem:$0x1DC80] =	vst v63  }
0x8f: {  	s13 =	simm.s32 $0x100;
	s12 =	rddreg [dreg:$0x1a]  }
0x90: {  	[tilespmem:s13], [sflag:$0x3] =	stream.linear.gather [hbm4b:s12+s6], $0x80, $0x38;
	[tilespmem:$0x1DC80] =	vst v63  }
0x91: {  	s29 =	rddreg [dreg:$0x1b]  }
0x92: {  	[tilespmem:s30], [sflag:$0x3] =	stream.linear.gather [hbm4b:s29+s6], $0x80, $0x38;
	[tilespmem:$0x1DC80] =	vst v63  }
0x93: {  	_ =	swait.ge [sflag:s14], $0x2800  }
0x94: {  	[sflag:s14] =	ssyncset.done $0x0  }
0x95: {  	[sflag:s14] =	ssyncadd.s32 $0xFFFFD800  }
0x96: {  	_ =	swait.ge [sflag:s14], $0x80  }
0x97: {  	[sflag:s14] =	ssyncset.done $0x0  }
0x98: {  	[sflag:s14] =	ssyncadd.s32 $0xFFFFFF80  }
0x99: {  	_ =	swait.ge [sflag:s14], $0x80  }
0x9a: {  	[sflag:s14] =	ssyncset.done $0x0  }
0x9b: {  	[sflag:s14] =	ssyncadd.s32 $0xFFFFFF80  }
0x9c: {  	[tilespmem:s7], [sflag:$0x6] =	stream.indirect.gather.add.f32 [hbm:s3], $0x80, s9, s10, $0xb8;
	[tilespmem:$0x1DC80] =	vst v63  }
0x9d: {  	_ =	swait.ge [sflag:s24], $0x2800  }
0x9e: {  	[sflag:s24] =	ssyncset.done $0x0  }
0x9f: {  	s6 =	simm.s32 $0x0;
	[sflag:s24] =	ssyncadd.s32 $0xFFFFD800  }
0xa0: {  	v3 =	vld [tilespmem:s6+$0x400]  }
0xa1: {  	v5 =	vld [tilespmem:s6+$0x410]  }
0xa2: {  	v4 =	vld [tilespmem:s6+$0x420]  }
0xa3: {  	v2 =	vld [tilespmem:s6+$0x430]  }
0xa4: {  	v1 =	vld [tilespmem:s6+$0x440]  }
0xa5: {  	v6 =	vmax.f32 v3, $0.0e+00;
	v3 =	vld [tilespmem:s6+$0x450]  }
0xa6: {  	s8 =	simm.s32 $0x200;
	[tilespmem:s6+$0x400] =	vst v6;
	v6 =	vmax.f32 v5, $0.0e+00;
	v5 =	vld [tilespmem:s6+$0x460]  }
.LBB2_4:
0xa7: {  	s9 =	sshra.s32 s8, $0x2;
	p1 =	sne.s32 s8, $0x9E00;
	[tilespmem:s6+$0x410] =	vst v6;
	v4 =	vmax.f32 v4, $0.0e+00;
	v6 =	vld [tilespmem:s6+$0x470]  }
0xa8: {  	v7 =	vld [tilespmem:s9+$0x400];
	[tilespmem:s6+$0x420] =	vst v4;
	v2 =	vmax.f32 v2, $0.0e+00  }
0xa9: {  	v8 =	vld [tilespmem:s9+$0x410];
	[tilespmem:s6+$0x430] =	vst v2;
	v1 =	vmax.f32 v1, $0.0e+00  }
.Ltmp1:
0xaa: {  	v4 =	vld [tilespmem:s9+$0x420];
	[tilespmem:s6+$0x440] =	vst v1;
	v1 =	vmax.f32 v3, $0.0e+00;
	(pc) =	sbr.rel @p1 .LBB2_4-.Ltmp1, $4  }
0xab: {  	v2 =	vld [tilespmem:s9+$0x430];
	[tilespmem:s6+$0x450] =	vst v1;
	v3 =	vmax.f32 v5, $0.0e+00  }
0xac: {  	v1 =	vld [tilespmem:s9+$0x440];
	[tilespmem:s6+$0x460] =	vst v3;
	v5 =	vmax.f32 v6, $0.0e+00  }
0xad: {  	v6 =	vmax.f32 v7, $0.0e+00;
	v3 =	vld [tilespmem:s9+$0x450];
	[tilespmem:s6+$0x470] =	vst v5;
	s6 =	smov.u32 s9  }
0xae: {  	s8 =	sadd.s32 $0x200, s8;
	[tilespmem:s6+$0x400] =	vst v6;
	v6 =	vmax.f32 v8, $0.0e+00;
	v5 =	vld [tilespmem:s6+$0x460]  }
0xaf: {  	[tilespmem:s6+$0x410] =	vst v6;
	v4 =	vmax.f32 v4, $0.0e+00;
	v6 =	vld [tilespmem:s6+$0x470]  }
0xb0: {  	[tilespmem:s6+$0x420] =	vst v4;
	v2 =	vmax.f32 v2, $0.0e+00  }
0xb1: {  	[tilespmem:s6+$0x430] =	vst v2;
	v1 =	vmax.f32 v1, $0.0e+00  }
0xb2: {  	[tilespmem:s6+$0x440] =	vst v1;
	v1 =	vmax.f32 v3, $0.0e+00  }
0xb3: {  	[tilespmem:s6+$0x450] =	vst v1;
	v1 =	vmax.f32 v5, $0.0e+00  }
0xb4: {  	[tilespmem:s6+$0x460] =	vst v1;
	v1 =	vmax.f32 v6, $0.0e+00  }
0xb5: {  	s8 =	sld [smem:$0x7F8];
	[tilespmem:s6+$0x470] =	vst v1  }
0xb6: {  	[spmem:s5] =	stream.indirect.scatter.add.f32 [tilespmem:s31], [sflag:$0x9], $0x80, s4, s10, $0xb8;
	[tilespmem:$0x1DC80] =	vst v63  }
0xb7: {  	s6 =	simm.s32 $0x0  }
0xb8: {  	[tilespmem:s28], [sflag:$0x4] =	stream.linear.gather [hbm4b:s8+s6], $0x2800, $0x38;
	[tilespmem:$0x1DC80] =	vst v63  }
0xb9: {  	s13 =	rddreg [dreg:$0x1c];
	s9 =	simm.s32 $0x180  }
0xba: {  	[tilespmem:s9], [sflag:$0x4] =	stream.linear.gather [hbm4b:s13+s6], $0x80, $0x38;
	[tilespmem:$0x1DC80] =	vst v63  }
0xbb: {  	s12 =	rddreg [dreg:$0x1d];
	s29 =	simm.s32 $0x380  }
0xbc: {  	[tilespmem:s29], [sflag:$0x4] =	stream.linear.gather [hbm4b:s12+s6], $0x80, $0x38;
	[tilespmem:$0x1DC80] =	vst v63  }
0xbd: {  	_ =	swait.ge [sflag:s16], $0x2800  }
0xbe: {  	[sflag:s16] =	ssyncset.done $0x0  }
0xbf: {  	[sflag:s16] =	ssyncadd.s32 $0xFFFFD800  }
0xc0: {  	_ =	swait.ge [sflag:s16], $0x80  }
0xc1: {  	[sflag:s16] =	ssyncset.done $0x0  }
0xc2: {  	[sflag:s16] =	ssyncadd.s32 $0xFFFFFF80  }
0xc3: {  	_ =	swait.ge [sflag:s16], $0x80  }
0xc4: {  	[sflag:s16] =	ssyncset.done $0x0  }
0xc5: {  	s13 =	simm.s32 $0x100;
	[sflag:s16] =	ssyncadd.s32 $0xFFFFFF80  }
0xc6: {  	[tilespmem:s11], [sflag:$0x7] =	stream.indirect.gather.add.f32 [hbm:s3], $0x80, s13, s10, $0xb8;
	[tilespmem:$0x1DC80] =	vst v63  }
0xc7: {  	_ =	swait.ge [sflag:s17], $0x2800  }
0xc8: {  	[sflag:s17] =	ssyncset.done $0x0  }
0xc9: {  	s6 =	simm.s32 $0x0;
	[sflag:s17] =	ssyncadd.s32 $0xFFFFD800  }
0xca: {  	v3 =	vld [tilespmem:s6+$0x2C00]  }
0xcb: {  	v5 =	vld [tilespmem:s6+$0x2C10]  }
0xcc: {  	v4 =	vld [tilespmem:s6+$0x2C20]  }
0xcd: {  	v2 =	vld [tilespmem:s6+$0x2C30]  }
0xce: {  	v1 =	vld [tilespmem:s6+$0x2C40]  }
0xcf: {  	v6 =	vmax.f32 v3, $0.0e+00;
	v3 =	vld [tilespmem:s6+$0x2C50]  }
0xd0: {  	s8 =	simm.s32 $0x200;
	[tilespmem:s6+$0x2C00] =	vst v6;
	v6 =	vmax.f32 v5, $0.0e+00;
	v5 =	vld [tilespmem:s6+$0x2C60]  }
.LBB2_6:
0xd1: {  	s9 =	sshra.s32 s8, $0x2;
	p1 =	sne.s32 s8, $0x9E00;
	[tilespmem:s6+$0x2C10] =	vst v6;
	v4 =	vmax.f32 v4, $0.0e+00;
	v6 =	vld [tilespmem:s6+$0x2C70]  }
0xd2: {  	v7 =	vld [tilespmem:s9+$0x2C00];
	[tilespmem:s6+$0x2C20] =	vst v4;
	v2 =	vmax.f32 v2, $0.0e+00  }
0xd3: {  	v8 =	vld [tilespmem:s9+$0x2C10];
	[tilespmem:s6+$0x2C30] =	vst v2;
	v1 =	vmax.f32 v1, $0.0e+00  }
.Ltmp2:
0xd4: {  	v4 =	vld [tilespmem:s9+$0x2C20];
	[tilespmem:s6+$0x2C40] =	vst v1;
	v1 =	vmax.f32 v3, $0.0e+00;
	(pc) =	sbr.rel @p1 .LBB2_6-.Ltmp2, $4  }
0xd5: {  	v2 =	vld [tilespmem:s9+$0x2C30];
	[tilespmem:s6+$0x2C50] =	vst v1;
	v3 =	vmax.f32 v5, $0.0e+00  }
0xd6: {  	v1 =	vld [tilespmem:s9+$0x2C40];
	[tilespmem:s6+$0x2C60] =	vst v3;
	v5 =	vmax.f32 v6, $0.0e+00  }
0xd7: {  	v6 =	vmax.f32 v7, $0.0e+00;
	v3 =	vld [tilespmem:s9+$0x2C50];
	[tilespmem:s6+$0x2C70] =	vst v5;
	s6 =	smov.u32 s9  }
0xd8: {  	s8 =	sadd.s32 $0x200, s8;
	[tilespmem:s6+$0x2C00] =	vst v6;
	v6 =	vmax.f32 v8, $0.0e+00;
	v5 =	vld [tilespmem:s6+$0x2C60]  }
0xd9: {  	[tilespmem:s6+$0x2C10] =	vst v6;
	v4 =	vmax.f32 v4, $0.0e+00;
	v6 =	vld [tilespmem:s6+$0x2C70]  }
0xda: {  	[tilespmem:s6+$0x2C20] =	vst v4;
	v2 =	vmax.f32 v2, $0.0e+00  }
0xdb: {  	[tilespmem:s6+$0x2C30] =	vst v2;
	v1 =	vmax.f32 v1, $0.0e+00  }
0xdc: {  	[tilespmem:s6+$0x2C40] =	vst v1;
	v1 =	vmax.f32 v3, $0.0e+00  }
0xdd: {  	[tilespmem:s6+$0x2C50] =	vst v1;
	v1 =	vmax.f32 v5, $0.0e+00  }
0xde: {  	[tilespmem:s6+$0x2C60] =	vst v1;
	v1 =	vmax.f32 v6, $0.0e+00  }
0xdf: {  	s12 =	simm.s32 $0x280;
	[tilespmem:s6+$0x2C70] =	vst v1  }
0xe0: {  	[spmem:s5] =	stream.indirect.scatter.add.f32 [tilespmem:s7], [sflag:$0xA], $0x80, s12, s10, $0xb8;
	[tilespmem:$0x1DC80] =	vst v63  }
0xe1: {  	_ =	swait.ge [sflag:s18], $0x2800  }
0xe2: {  	s8 =	sld [smem:$0x7F9]  }
0xe3: {  	[sflag:s18] =	ssyncset.done $0x0  }
0xe4: {  	s13 =	simm.s32 $0x0;
	[sflag:s18] =	ssyncadd.s32 $0xFFFFD800  }
0xe5: {  	[tilespmem:s31], [sflag:$0x1] =	stream.linear.gather [hbm4b:s8+s13], $0x2800, $0x38;
	[tilespmem:$0x1DC80] =	vst v63  }
0xe6: {  	s9 =	rddreg [dreg:$0x1e]  }
0xe7: {  	[tilespmem:s13], [sflag:$0x1] =	stream.linear.gather [hbm4b:s9+s13], $0x80, $0x38;
	[tilespmem:$0x1DC80] =	vst v63  }
0xe8: {  	s12 =	rddreg [dreg:$0x1f]  }
0xe9: {  	[tilespmem:s4], [sflag:$0x1] =	stream.linear.gather [hbm4b:s12+s13], $0x80, $0x38;
	[tilespmem:$0x1DC80] =	vst v63  }
0xea: {  	_ =	swait.ge [sflag:s19], $0x2800  }
0xeb: {  	[sflag:s19] =	ssyncset.done $0x0  }
0xec: {  	[sflag:s19] =	ssyncadd.s32 $0xFFFFD800  }
0xed: {  	_ =	swait.ge [sflag:s19], $0x80  }
0xee: {  	[sflag:s19] =	ssyncset.done $0x0  }
0xef: {  	[sflag:s19] =	ssyncadd.s32 $0xFFFFFF80  }
0xf0: {  	_ =	swait.ge [sflag:s19], $0x80  }
0xf1: {  	[sflag:s19] =	ssyncset.done $0x0  }
0xf2: {  	s13 =	simm.s32 $0x180;
	[sflag:s19] =	ssyncadd.s32 $0xFFFFFF80  }
0xf3: {  	[tilespmem:s28], [sflag:$0x8] =	stream.indirect.gather.add.f32 [hbm:s3], $0x80, s13, s10, $0xb8;
	[tilespmem:$0x1DC80] =	vst v63  }
0xf4: {  	_ =	swait.ge [sflag:s20], $0x2800  }
0xf5: {  	[sflag:s20] =	ssyncset.done $0x0  }
0xf6: {  	s6 =	simm.s32 $0x0;
	[sflag:s20] =	ssyncadd.s32 $0xFFFFD800  }
0xf7: {  	v3 =	vld [tilespmem:s6+$0x5400]  }
0xf8: {  	v5 =	vld [tilespmem:s6+$0x5410]  }
0xf9: {  	v4 =	vld [tilespmem:s6+$0x5420]  }
0xfa: {  	v2 =	vld [tilespmem:s6+$0x5430]  }
0xfb: {  	v1 =	vld [tilespmem:s6+$0x5440]  }
0xfc: {  	v6 =	vmax.f32 v3, $0.0e+00;
	v3 =	vld [tilespmem:s6+$0x5450]  }
0xfd: {  	s8 =	simm.s32 $0x200;
	[tilespmem:s6+$0x5400] =	vst v6;
	v6 =	vmax.f32 v5, $0.0e+00;
	v5 =	vld [tilespmem:s6+$0x5460]  }
.LBB2_8:
0xfe: {  	s9 =	sshra.s32 s8, $0x2;
	p1 =	sne.s32 s8, $0x9E00;
	[tilespmem:s6+$0x5410] =	vst v6;
	v4 =	vmax.f32 v4, $0.0e+00;
	v6 =	vld [tilespmem:s6+$0x5470]  }
0xff: {  	v7 =	vld [tilespmem:s9+$0x5400];
	[tilespmem:s6+$0x5420] =	vst v4;
	v2 =	vmax.f32 v2, $0.0e+00  }
0x100: {  	v8 =	vld [tilespmem:s9+$0x5410];
	[tilespmem:s6+$0x5430] =	vst v2;
	v1 =	vmax.f32 v1, $0.0e+00  }
.Ltmp3:
0x101: {  	v4 =	vld [tilespmem:s9+$0x5420];
	[tilespmem:s6+$0x5440] =	vst v1;
	v1 =	vmax.f32 v3, $0.0e+00;
	(pc) =	sbr.rel @p1 .LBB2_8-.Ltmp3, $4  }
0x102: {  	v2 =	vld [tilespmem:s9+$0x5430];
	[tilespmem:s6+$0x5450] =	vst v1;
	v3 =	vmax.f32 v5, $0.0e+00  }
0x103: {  	v1 =	vld [tilespmem:s9+$0x5440];
	[tilespmem:s6+$0x5460] =	vst v3;
	v5 =	vmax.f32 v6, $0.0e+00  }
0x104: {  	v6 =	vmax.f32 v7, $0.0e+00;
	v3 =	vld [tilespmem:s9+$0x5450];
	[tilespmem:s6+$0x5470] =	vst v5;
	s6 =	smov.u32 s9  }
0x105: {  	s8 =	sadd.s32 $0x200, s8;
	[tilespmem:s6+$0x5400] =	vst v6;
	v6 =	vmax.f32 v8, $0.0e+00;
	v5 =	vld [tilespmem:s6+$0x5460]  }
0x106: {  	[tilespmem:s6+$0x5410] =	vst v6;
	v4 =	vmax.f32 v4, $0.0e+00;
	v6 =	vld [tilespmem:s6+$0x5470]  }
0x107: {  	[tilespmem:s6+$0x5420] =	vst v4;
	v2 =	vmax.f32 v2, $0.0e+00  }
0x108: {  	[tilespmem:s6+$0x5430] =	vst v2;
	v1 =	vmax.f32 v1, $0.0e+00  }
0x109: {  	[tilespmem:s6+$0x5440] =	vst v1;
	v1 =	vmax.f32 v3, $0.0e+00  }
0x10a: {  	[tilespmem:s6+$0x5450] =	vst v1;
	v1 =	vmax.f32 v5, $0.0e+00  }
0x10b: {  	[tilespmem:s6+$0x5460] =	vst v1;
	v1 =	vmax.f32 v6, $0.0e+00  }
0x10c: {  	s9 =	simm.s32 $0xA;
	[tilespmem:s6+$0x5470] =	vst v1  }
0x10d: {  	[spmem:s5] =	stream.indirect.scatter.add.f32 [tilespmem:s11], [sflag:$0xB], $0x80, s30, s10, $0xb8;
	[tilespmem:$0x1DC80] =	vst v63  }
0x10e: {  	_ =	swait.ge [sflag:s9], $0x2800  }
0x10f: {  	s8 =	sld [smem:$0x7FA]  }
0x110: {  	[sflag:s9] =	ssyncset.done $0x0  }
0x111: {  	s6 =	simm.s32 $0x0;
	s12 =	sld [smem:$0x7FB];
	[sflag:s9] =	ssyncadd.s32 $0xFFFFD800  }
0x112: {  	[tilespmem:s7], [sflag:$0x2] =	stream.linear.gather [hbm4b:s8+s6], $0x2800, $0x38;
	[tilespmem:$0x1DC80] =	vst v63  }
0x113: {  	s13 =	sld [smem:$0x7FC];
	s9 =	simm.s32 $0x80  }
0x114: {  	[tilespmem:s9], [sflag:$0x2] =	stream.linear.gather [hbm4b:s12+s6], $0x80, $0x38;
	[tilespmem:$0x1DC80] =	vst v63  }
0x115: {  	s30 =	simm.s32 $0x280  }
0x116: {  	[tilespmem:s30], [sflag:$0x2] =	stream.linear.gather [hbm4b:s13+s6], $0x80, $0x38;
	[tilespmem:$0x1DC80] =	vst v63  }
0x117: {  	_ =	swait.ge [sflag:s0], $0x2800  }
0x118: {  	[sflag:s0] =	ssyncset.done $0x0  }
0x119: {  	[sflag:s0] =	ssyncadd.s32 $0xFFFFD800  }
0x11a: {  	_ =	swait.ge [sflag:s0], $0x80  }
0x11b: {  	[sflag:s0] =	ssyncset.done $0x0  }
0x11c: {  	[sflag:s0] =	ssyncadd.s32 $0xFFFFFF80  }
0x11d: {  	_ =	swait.ge [sflag:s0], $0x80  }
0x11e: {  	[sflag:s0] =	ssyncset.done $0x0  }
0x11f: {  	[sflag:s0] =	ssyncadd.s32 $0xFFFFFF80  }
0x120: {  	[tilespmem:s31], [sflag:$0x5] =	stream.indirect.gather.add.f32 [hbm:s3], $0x80, s6, s10, $0xb8;
	[tilespmem:$0x1DC80] =	vst v63  }
0x121: {  	_ =	swait.ge [sflag:s22], $0x2800  }
0x122: {  	[sflag:s22] =	ssyncset.done $0x0  }
0x123: {  	s6 =	simm.s32 $0x0;
	[sflag:s22] =	ssyncadd.s32 $0xFFFFD800  }
0x124: {  	v3 =	vld [tilespmem:s6+$0x7C00]  }
0x125: {  	v5 =	vld [tilespmem:s6+$0x7C10]  }
0x126: {  	v4 =	vld [tilespmem:s6+$0x7C20]  }
0x127: {  	v2 =	vld [tilespmem:s6+$0x7C30]  }
0x128: {  	v1 =	vld [tilespmem:s6+$0x7C40]  }
0x129: {  	v6 =	vmax.f32 v3, $0.0e+00;
	v3 =	vld [tilespmem:s6+$0x7C50]  }
0x12a: {  	s8 =	simm.s32 $0x200;
	[tilespmem:s6+$0x7C00] =	vst v6;
	v6 =	vmax.f32 v5, $0.0e+00;
	v5 =	vld [tilespmem:s6+$0x7C60]  }
.LBB2_10:
0x12b: {  	s9 =	sshra.s32 s8, $0x2;
	p1 =	sne.s32 s8, $0x9E00;
	[tilespmem:s6+$0x7C10] =	vst v6;
	v4 =	vmax.f32 v4, $0.0e+00;
	v6 =	vld [tilespmem:s6+$0x7C70]  }
0x12c: {  	v7 =	vld [tilespmem:s9+$0x7C00];
	[tilespmem:s6+$0x7C20] =	vst v4;
	v2 =	vmax.f32 v2, $0.0e+00  }
0x12d: {  	v8 =	vld [tilespmem:s9+$0x7C10];
	[tilespmem:s6+$0x7C30] =	vst v2;
	v1 =	vmax.f32 v1, $0.0e+00  }
.Ltmp4:
0x12e: {  	v4 =	vld [tilespmem:s9+$0x7C20];
	[tilespmem:s6+$0x7C40] =	vst v1;
	v1 =	vmax.f32 v3, $0.0e+00;
	(pc) =	sbr.rel @p1 .LBB2_10-.Ltmp4, $4  }
0x12f: {  	v2 =	vld [tilespmem:s9+$0x7C30];
	[tilespmem:s6+$0x7C50] =	vst v1;
	v3 =	vmax.f32 v5, $0.0e+00  }
0x130: {  	v1 =	vld [tilespmem:s9+$0x7C40];
	[tilespmem:s6+$0x7C60] =	vst v3;
	v5 =	vmax.f32 v6, $0.0e+00  }
0x131: {  	v6 =	vmax.f32 v7, $0.0e+00;
	v3 =	vld [tilespmem:s9+$0x7C50];
	[tilespmem:s6+$0x7C70] =	vst v5;
	s6 =	smov.u32 s9  }
0x132: {  	s8 =	sadd.s32 $0x200, s8;
	[tilespmem:s6+$0x7C00] =	vst v6;
	v6 =	vmax.f32 v8, $0.0e+00;
	v5 =	vld [tilespmem:s6+$0x7C60]  }
0x133: {  	[tilespmem:s6+$0x7C10] =	vst v6;
	v4 =	vmax.f32 v4, $0.0e+00;
	v63 =	vld [tilespmem:s6+$0x7C70]  }
0x134: {  	[tilespmem:s6+$0x7C20] =	vst v4;
	v2 =	vmax.f32 v2, $0.0e+00  }
0x135: {  	[tilespmem:s6+$0x7C30] =	vst v2;
	v1 =	vmax.f32 v1, $0.0e+00  }
0x136: {  	[tilespmem:s6+$0x7C40] =	vst v1;
	v1 =	vmax.f32 v3, $0.0e+00  }
0x137: {  	[tilespmem:s6+$0x7C50] =	vst v1;
	v1 =	vmax.f32 v5, $0.0e+00  }
0x138: {  	[tilespmem:s6+$0x7C60] =	vst v1;
	v1 =	vmax.f32 v63, $0.0e+00  }
0x139: {  	[tilespmem:s6+$0x7C70] =	vst v1;
	s6 =	simm.s32 $0x1  }
0x13a: {  	[spmem:s5] =	stream.indirect.scatter.add.f32 [tilespmem:s28], [sflag:$0xC], $0x80, s29, s10, $0xb8;
	[tilespmem:$0x1DC80] =	vst v63  }
.LBB2_12:
0x13b: {  	s8 =	sshll.u32 s6, $0x2  }
0x13c: {  	s9 =	sor.u32 $0x2, s8  }
0x13d: {  	s12 =	smul.u32 $0x50, s9;
	_ =	sdelay $0x1  }
0x13e: {  	_ =	swait.ge [sflag:s23], $0x2800;
	s12 =	sadd.s32 s25, s12  }
0x13f: {  	[sflag:s23] =	ssyncset.done $0x0;
	s12 =	sshll.u32 s12, $0x4  }
0x140: {  	s13 =	simm.s32 $0x0;
	[sflag:s23] =	ssyncadd.s32 $0xFFFFD800;
	s12 =	sadd.s32 s2, s12  }
0x141: {  	[tilespmem:s11], [sflag:$0x3] =	stream.linear.gather [hbm4b:s12+s13], $0x2800, $0x38;
	[tilespmem:$0x1DC80] =	vst v63  }
0x142: {  	s9 =	sshll.u32 s9, $0x7;
	s12 =	sshll.u32 s6, $0x9  }
0x143: {  	s29 =	sand.u32 $0x300, s9;
	s9 =	sand.u32 $0x3C00, s12  }
0x144: {  	s12 =	sor.u32 s29, s9  }
0x145: {  	s12 =	sor.u32 s26, s12  }
0x146: {  	s12 =	sshrl.u32 s12, $0x3  }
0x147: {  	s30 =	simm.s32 $0x100;
	s29 =	sadd.s32 s1, s12  }
0x148: {  	[tilespmem:s30], [sflag:$0x3] =	stream.linear.gather [hbm4b:s29+s13], $0x80, $0x38;
	[tilespmem:$0x1DC80] =	vst v63  }
0x149: {  	s12 =	sadd.s32 s15, s12;
	s30 =	simm.s32 $0x300  }
0x14a: {  	[tilespmem:s30], [sflag:$0x3] =	stream.linear.gather [hbm4b:s12+s13], $0x80, $0x38;
	[tilespmem:$0x1DC80] =	vst v63  }
0x14b: {  	_ =	swait.ge [sflag:s14], $0x2800  }
0x14c: {  	[sflag:s14] =	ssyncset.done $0x0  }
0x14d: {  	[sflag:s14] =	ssyncadd.s32 $0xFFFFD800  }
0x14e: {  	_ =	swait.ge [sflag:s14], $0x80  }
0x14f: {  	[sflag:s14] =	ssyncset.done $0x0  }
0x150: {  	[sflag:s14] =	ssyncadd.s32 $0xFFFFFF80  }
0x151: {  	_ =	swait.ge [sflag:s14], $0x80  }
0x152: {  	[sflag:s14] =	ssyncset.done $0x0  }
0x153: {  	s29 =	simm.s32 $0x80;
	[sflag:s14] =	ssyncadd.s32 $0xFFFFFF80  }
0x154: {  	[tilespmem:s7], [sflag:$0x6] =	stream.indirect.gather.add.f32 [hbm:s3], $0x80, s29, s10, $0xb8;
	[tilespmem:$0x1DC80] =	vst v63  }
0x155: {  	_ =	swait.ge [sflag:s24], $0x2800  }
0x156: {  	[sflag:s24] =	ssyncset.done $0x0  }
0x157: {  	s12 =	simm.s32 $0x0;
	[sflag:s24] =	ssyncadd.s32 $0xFFFFD800  }
0x158: {  	v3 =	vld [tilespmem:s12+$0x400]  }
0x159: {  	v5 =	vld [tilespmem:s12+$0x410]  }
0x15a: {  	v4 =	vld [tilespmem:s12+$0x420]  }
0x15b: {  	v2 =	vld [tilespmem:s12+$0x430]  }
0x15c: {  	v1 =	vld [tilespmem:s12+$0x440]  }
0x15d: {  	v6 =	vmax.f32 v3, $0.0e+00;
	v3 =	vld [tilespmem:s12+$0x450]  }
0x15e: {  	s13 =	simm.s32 $0x200;
	[tilespmem:s12+$0x400] =	vst v6;
	v6 =	vmax.f32 v5, $0.0e+00;
	v5 =	vld [tilespmem:s12+$0x460]  }
.LBB2_13:
0x15f: {  	s29 =	sshra.s32 s13, $0x2;
	p1 =	sne.s32 s13, $0x9E00;
	[tilespmem:s12+$0x410] =	vst v6;
	v4 =	vmax.f32 v4, $0.0e+00;
	v6 =	vld [tilespmem:s12+$0x470]  }
0x160: {  	v7 =	vld [tilespmem:s29+$0x400];
	[tilespmem:s12+$0x420] =	vst v4;
	v2 =	vmax.f32 v2, $0.0e+00  }
0x161: {  	v8 =	vld [tilespmem:s29+$0x410];
	[tilespmem:s12+$0x430] =	vst v2;
	v1 =	vmax.f32 v1, $0.0e+00  }
.Ltmp5:
0x162: {  	v4 =	vld [tilespmem:s29+$0x420];
	[tilespmem:s12+$0x440] =	vst v1;
	v1 =	vmax.f32 v3, $0.0e+00;
	(pc) =	sbr.rel @p1 .LBB2_13-.Ltmp5, $4  }
0x163: {  	v2 =	vld [tilespmem:s29+$0x430];
	[tilespmem:s12+$0x450] =	vst v1;
	v3 =	vmax.f32 v5, $0.0e+00  }
0x164: {  	v1 =	vld [tilespmem:s29+$0x440];
	[tilespmem:s12+$0x460] =	vst v3;
	v5 =	vmax.f32 v6, $0.0e+00  }
0x165: {  	v6 =	vmax.f32 v7, $0.0e+00;
	v3 =	vld [tilespmem:s29+$0x450];
	[tilespmem:s12+$0x470] =	vst v5;
	s12 =	smov.u32 s29  }
0x166: {  	s13 =	sadd.s32 $0x200, s13;
	[tilespmem:s12+$0x400] =	vst v6;
	v6 =	vmax.f32 v8, $0.0e+00;
	v5 =	vld [tilespmem:s12+$0x460]  }
0x167: {  	[tilespmem:s12+$0x410] =	vst v6;
	v4 =	vmax.f32 v4, $0.0e+00;
	v6 =	vld [tilespmem:s12+$0x470]  }
0x168: {  	[tilespmem:s12+$0x420] =	vst v4;
	v2 =	vmax.f32 v2, $0.0e+00  }
0x169: {  	[tilespmem:s12+$0x430] =	vst v2;
	v1 =	vmax.f32 v1, $0.0e+00  }
0x16a: {  	[tilespmem:s12+$0x440] =	vst v1;
	v1 =	vmax.f32 v3, $0.0e+00  }
0x16b: {  	[tilespmem:s12+$0x450] =	vst v1;
	v1 =	vmax.f32 v5, $0.0e+00  }
0x16c: {  	s13 =	sor.u32 $0x3, s8;
	[tilespmem:s12+$0x460] =	vst v1;
	v1 =	vmax.f32 v6, $0.0e+00  }
0x16d: {  	[tilespmem:s12+$0x470] =	vst v1;
	s12 =	smul.u32 $0x50, s13  }
0x16e: {  	[spmem:s5] =	stream.indirect.scatter.add.f32 [tilespmem:s31], [sflag:$0x9], $0x80, s4, s10, $0xb8;
	[tilespmem:$0x1DC80] =	vst v63  }
0x16f: {  	_ =	swait.ge [sflag:s21], $0x2800;
	s12 =	sadd.s32 s25, s12  }
0x170: {  	s29 =	simm.s32 $0x0;
	[sflag:s21] =	ssyncset.done $0x0;
	s12 =	sshll.u32 s12, $0x4  }
0x171: {  	s13 =	sshll.u32 s13, $0x7;
	[sflag:s21] =	ssyncadd.s32 $0xFFFFD800;
	s12 =	sadd.s32 s2, s12  }
0x172: {  	[tilespmem:s28], [sflag:$0x4] =	stream.linear.gather [hbm4b:s12+s29], $0x2800, $0x38;
	[tilespmem:$0x1DC80] =	vst v63  }
0x173: {  	s12 =	sand.u32 $0x380, s13  }
0x174: {  	s9 =	sor.u32 s12, s9  }
0x175: {  	s9 =	sor.u32 s26, s9  }
0x176: {  	s9 =	sshrl.u32 s9, $0x3  }
0x177: {  	s13 =	simm.s32 $0x180;
	s12 =	sadd.s32 s1, s9  }
0x178: {  	[tilespmem:s13], [sflag:$0x4] =	stream.linear.gather [hbm4b:s12+s29], $0x80, $0x38;
	[tilespmem:$0x1DC80] =	vst v63  }
0x179: {  	s9 =	sadd.s32 s15, s9;
	s13 =	simm.s32 $0x380  }
0x17a: {  	[tilespmem:s13], [sflag:$0x4] =	stream.linear.gather [hbm4b:s9+s29], $0x80, $0x38;
	[tilespmem:$0x1DC80] =	vst v63  }
0x17b: {  	_ =	swait.ge [sflag:s16], $0x2800  }
0x17c: {  	[sflag:s16] =	ssyncset.done $0x0  }
0x17d: {  	[sflag:s16] =	ssyncadd.s32 $0xFFFFD800  }
0x17e: {  	_ =	swait.ge [sflag:s16], $0x80  }
0x17f: {  	[sflag:s16] =	ssyncset.done $0x0  }
0x180: {  	[sflag:s16] =	ssyncadd.s32 $0xFFFFFF80  }
0x181: {  	_ =	swait.ge [sflag:s16], $0x80  }
0x182: {  	[sflag:s16] =	ssyncset.done $0x0  }
0x183: {  	s13 =	simm.s32 $0x100;
	[sflag:s16] =	ssyncadd.s32 $0xFFFFFF80  }
0x184: {  	[tilespmem:s11], [sflag:$0x7] =	stream.indirect.gather.add.f32 [hbm:s3], $0x80, s13, s10, $0xb8;
	[tilespmem:$0x1DC80] =	vst v63  }
0x185: {  	_ =	swait.ge [sflag:s17], $0x2800  }
0x186: {  	[sflag:s17] =	ssyncset.done $0x0  }
0x187: {  	s9 =	simm.s32 $0x0;
	[sflag:s17] =	ssyncadd.s32 $0xFFFFD800  }
0x188: {  	v3 =	vld [tilespmem:s9+$0x2C00]  }
0x189: {  	v5 =	vld [tilespmem:s9+$0x2C10]  }
0x18a: {  	v4 =	vld [tilespmem:s9+$0x2C20]  }
0x18b: {  	v2 =	vld [tilespmem:s9+$0x2C30]  }
0x18c: {  	v1 =	vld [tilespmem:s9+$0x2C40]  }
0x18d: {  	v6 =	vmax.f32 v3, $0.0e+00;
	v3 =	vld [tilespmem:s9+$0x2C50]  }
0x18e: {  	s12 =	simm.s32 $0x200;
	s29 =	simm.s32 $0x380;
	[tilespmem:s9+$0x2C00] =	vst v6;
	v6 =	vmax.f32 v5, $0.0e+00;
	v5 =	vld [tilespmem:s9+$0x2C60]  }
.LBB2_15:
0x18f: {  	s13 =	sshra.s32 s12, $0x2;
	p1 =	sne.s32 s12, $0x9E00;
	[tilespmem:s9+$0x2C10] =	vst v6;
	v4 =	vmax.f32 v4, $0.0e+00;
	v6 =	vld [tilespmem:s9+$0x2C70]  }
0x190: {  	v7 =	vld [tilespmem:s13+$0x2C00];
	[tilespmem:s9+$0x2C20] =	vst v4;
	v2 =	vmax.f32 v2, $0.0e+00  }
0x191: {  	v8 =	vld [tilespmem:s13+$0x2C10];
	[tilespmem:s9+$0x2C30] =	vst v2;
	v1 =	vmax.f32 v1, $0.0e+00  }
.Ltmp6:
0x192: {  	v4 =	vld [tilespmem:s13+$0x2C20];
	[tilespmem:s9+$0x2C40] =	vst v1;
	v1 =	vmax.f32 v3, $0.0e+00;
	(pc) =	sbr.rel @p1 .LBB2_15-.Ltmp6, $4  }
0x193: {  	v2 =	vld [tilespmem:s13+$0x2C30];
	[tilespmem:s9+$0x2C50] =	vst v1;
	v3 =	vmax.f32 v5, $0.0e+00  }
0x194: {  	v1 =	vld [tilespmem:s13+$0x2C40];
	[tilespmem:s9+$0x2C60] =	vst v3;
	v5 =	vmax.f32 v6, $0.0e+00  }
0x195: {  	v6 =	vmax.f32 v7, $0.0e+00;
	v3 =	vld [tilespmem:s13+$0x2C50];
	[tilespmem:s9+$0x2C70] =	vst v5;
	s9 =	smov.u32 s13  }
0x196: {  	s12 =	sadd.s32 $0x200, s12;
	[tilespmem:s9+$0x2C00] =	vst v6;
	v6 =	vmax.f32 v8, $0.0e+00;
	v5 =	vld [tilespmem:s9+$0x2C60]  }
0x197: {  	[tilespmem:s9+$0x2C10] =	vst v6;
	v4 =	vmax.f32 v4, $0.0e+00;
	v6 =	vld [tilespmem:s9+$0x2C70]  }
0x198: {  	[tilespmem:s9+$0x2C20] =	vst v4;
	v2 =	vmax.f32 v2, $0.0e+00  }
0x199: {  	[tilespmem:s9+$0x2C30] =	vst v2;
	v1 =	vmax.f32 v1, $0.0e+00  }
0x19a: {  	[tilespmem:s9+$0x2C40] =	vst v1;
	v1 =	vmax.f32 v3, $0.0e+00  }
0x19b: {  	[tilespmem:s9+$0x2C50] =	vst v1;
	v1 =	vmax.f32 v5, $0.0e+00  }
0x19c: {  	s12 =	sadd.s32 $0x4, s8;
	[tilespmem:s9+$0x2C60] =	vst v1;
	v1 =	vmax.f32 v6, $0.0e+00  }
0x19d: {  	s13 =	simm.s32 $0x280;
	[tilespmem:s9+$0x2C70] =	vst v1;
	s9 =	smul.u32 $0x50, s12  }
0x19e: {  	[spmem:s5] =	stream.indirect.scatter.add.f32 [tilespmem:s7], [sflag:$0xA], $0x80, s13, s10, $0xb8;
	[tilespmem:$0x1DC80] =	vst v63  }
0x19f: {  	_ =	swait.ge [sflag:s18], $0x2800;
	s9 =	sadd.s32 s25, s9  }
0x1a0: {  	[sflag:s18] =	ssyncset.done $0x0;
	s9 =	sshll.u32 s9, $0x4  }
0x1a1: {  	s13 =	simm.s32 $0x0;
	[sflag:s18] =	ssyncadd.s32 $0xFFFFD800;
	s9 =	sadd.s32 s2, s9  }
0x1a2: {  	[tilespmem:s31], [sflag:$0x1] =	stream.linear.gather [hbm4b:s9+s13], $0x2800, $0x38;
	[tilespmem:$0x1DC80] =	vst v63  }
0x1a3: {  	s9 =	sshll.u32 s12, $0x7  }
0x1a4: {  	s12 =	sand.u32 $0x7C00, s9  }
0x1a5: {  	s9 =	sand.u32 $0x200, s9;
	s12 =	sadd.s32 s26, s12  }
0x1a6: {  	s9 =	sor.u32 s9, s12  }
0x1a7: {  	s9 =	sshrl.u32 s9, $0x3  }
0x1a8: {  	s12 =	sadd.s32 s1, s9  }
0x1a9: {  	[tilespmem:s13], [sflag:$0x1] =	stream.linear.gather [hbm4b:s12+s13], $0x80, $0x38;
	[tilespmem:$0x1DC80] =	vst v63  }
0x1aa: {  	s9 =	sadd.s32 s15, s9  }
0x1ab: {  	[tilespmem:s4], [sflag:$0x1] =	stream.linear.gather [hbm4b:s9+s13], $0x80, $0x38;
	[tilespmem:$0x1DC80] =	vst v63  }
0x1ac: {  	_ =	swait.ge [sflag:s19], $0x2800  }
0x1ad: {  	[sflag:s19] =	ssyncset.done $0x0  }
0x1ae: {  	[sflag:s19] =	ssyncadd.s32 $0xFFFFD800  }
0x1af: {  	_ =	swait.ge [sflag:s19], $0x80  }
0x1b0: {  	[sflag:s19] =	ssyncset.done $0x0  }
0x1b1: {  	[sflag:s19] =	ssyncadd.s32 $0xFFFFFF80  }
0x1b2: {  	_ =	swait.ge [sflag:s19], $0x80  }
0x1b3: {  	[sflag:s19] =	ssyncset.done $0x0  }
0x1b4: {  	s13 =	simm.s32 $0x180;
	[sflag:s19] =	ssyncadd.s32 $0xFFFFFF80  }
0x1b5: {  	[tilespmem:s28], [sflag:$0x8] =	stream.indirect.gather.add.f32 [hbm:s3], $0x80, s13, s10, $0xb8;
	[tilespmem:$0x1DC80] =	vst v63  }
0x1b6: {  	_ =	swait.ge [sflag:s20], $0x2800  }
0x1b7: {  	[sflag:s20] =	ssyncset.done $0x0  }
0x1b8: {  	s9 =	simm.s32 $0x0;
	[sflag:s20] =	ssyncadd.s32 $0xFFFFD800  }
0x1b9: {  	v3 =	vld [tilespmem:s9+$0x5400]  }
0x1ba: {  	v5 =	vld [tilespmem:s9+$0x5410]  }
0x1bb: {  	v4 =	vld [tilespmem:s9+$0x5420]  }
0x1bc: {  	v2 =	vld [tilespmem:s9+$0x5430]  }
0x1bd: {  	v1 =	vld [tilespmem:s9+$0x5440]  }
0x1be: {  	v6 =	vmax.f32 v3, $0.0e+00;
	v3 =	vld [tilespmem:s9+$0x5450]  }
0x1bf: {  	s12 =	simm.s32 $0x200;
	[tilespmem:s9+$0x5400] =	vst v6;
	v6 =	vmax.f32 v5, $0.0e+00;
	v5 =	vld [tilespmem:s9+$0x5460]  }
.LBB2_17:
0x1c0: {  	s13 =	sshra.s32 s12, $0x2;
	p1 =	sne.s32 s12, $0x9E00;
	[tilespmem:s9+$0x5410] =	vst v6;
	v4 =	vmax.f32 v4, $0.0e+00;
	v6 =	vld [tilespmem:s9+$0x5470]  }
0x1c1: {  	v7 =	vld [tilespmem:s13+$0x5400];
	[tilespmem:s9+$0x5420] =	vst v4;
	v2 =	vmax.f32 v2, $0.0e+00  }
0x1c2: {  	v8 =	vld [tilespmem:s13+$0x5410];
	[tilespmem:s9+$0x5430] =	vst v2;
	v1 =	vmax.f32 v1, $0.0e+00  }
.Ltmp7:
0x1c3: {  	v4 =	vld [tilespmem:s13+$0x5420];
	[tilespmem:s9+$0x5440] =	vst v1;
	v1 =	vmax.f32 v3, $0.0e+00;
	(pc) =	sbr.rel @p1 .LBB2_17-.Ltmp7, $4  }
0x1c4: {  	v2 =	vld [tilespmem:s13+$0x5430];
	[tilespmem:s9+$0x5450] =	vst v1;
	v3 =	vmax.f32 v5, $0.0e+00  }
0x1c5: {  	v1 =	vld [tilespmem:s13+$0x5440];
	[tilespmem:s9+$0x5460] =	vst v3;
	v5 =	vmax.f32 v6, $0.0e+00  }
0x1c6: {  	v6 =	vmax.f32 v7, $0.0e+00;
	v3 =	vld [tilespmem:s13+$0x5450];
	[tilespmem:s9+$0x5470] =	vst v5;
	s9 =	smov.u32 s13  }
0x1c7: {  	s12 =	sadd.s32 $0x200, s12;
	[tilespmem:s9+$0x5400] =	vst v6;
	v6 =	vmax.f32 v8, $0.0e+00;
	v5 =	vld [tilespmem:s9+$0x5460]  }
0x1c8: {  	[tilespmem:s9+$0x5410] =	vst v6;
	v4 =	vmax.f32 v4, $0.0e+00;
	v6 =	vld [tilespmem:s9+$0x5470]  }
0x1c9: {  	[tilespmem:s9+$0x5420] =	vst v4;
	v2 =	vmax.f32 v2, $0.0e+00  }
0x1ca: {  	[tilespmem:s9+$0x5430] =	vst v2;
	v1 =	vmax.f32 v1, $0.0e+00  }
0x1cb: {  	[tilespmem:s9+$0x5440] =	vst v1;
	v1 =	vmax.f32 v3, $0.0e+00  }
0x1cc: {  	p1 =	seq.s32 s6, $0x1E;
	[tilespmem:s9+$0x5450] =	vst v1;
	v1 =	vmax.f32 v5, $0.0e+00  }
0x1cd: {  	s8 =	sadd.s32 @!p1 $0x5, s8;
	[tilespmem:s9+$0x5460] =	vst v1;
	v1 =	vmax.f32 v6, $0.0e+00  }
0x1ce: {  	s12 =	smul.u32 @!p1 $0x50, s8;
	[tilespmem:s9+$0x5470] =	vst v1;
	s9 =	simm.s32 @!p1 $0xA  }
0x1cf: {  	[spmem:s5] =	stream.indirect.scatter.add.f32 [tilespmem:s11], [sflag:$0xB], $0x80, s30, s10, $0xb8;
	[tilespmem:$0x1DC80] =	vst v63  }
0x1d0: {  	_ =	swait.ge @!p1 [sflag:s9], $0x2800  }
0x1d1: {  	s12 =	sadd.s32 @!p1 s25, s12;
	[sflag:s9] =	ssyncset.done @!p1 $0x0  }
0x1d2: {  	s13 =	simm.s32 @!p1 $0x2C00;
	[sflag:s9] =	ssyncadd.s32 @!p1 $0xFFFFD800;
	s9 =	sshll.u32 @!p1 s12, $0x4  }
0x1d3: {  	s8 =	sshll.u32 @!p1 s8, $0x7;
	s12 =	simm.s32 @!p1 $0x0;
	s9 =	sadd.s32 @!p1 s2, s9  }
0x1d4: {  	[tilespmem:s13], [sflag:$0x2] =	stream.linear.gather @!p1 [hbm4b:s9+s12], $0x2800, $0x38;
	[tilespmem:$0x1DC80] =	vst v63  }
0x1d5: {  	s9 =	sand.u32 @!p1 $0x7C00, s8  }
0x1d6: {  	s8 =	sand.u32 @!p1 $0x280, s8;
	s9 =	sadd.s32 @!p1 s26, s9  }
0x1d7: {  	s8 =	sor.u32 @!p1 s8, s9  }
0x1d8: {  	s8 =	sshrl.u32 @!p1 s8, $0x3  }
0x1d9: {  	s13 =	simm.s32 @!p1 $0x80;
	s9 =	sadd.s32 @!p1 s1, s8  }
0x1da: {  	[tilespmem:s13], [sflag:$0x2] =	stream.linear.gather @!p1 [hbm4b:s9+s12], $0x80, $0x38;
	[tilespmem:$0x1DC80] =	vst v63  }
0x1db: {  	s8 =	sadd.s32 @!p1 s15, s8;
	s9 =	simm.s32 @!p1 $0x280  }
0x1dc: {  	[tilespmem:s9], [sflag:$0x2] =	stream.linear.gather @!p1 [hbm4b:s8+s12], $0x80, $0x38;
	[tilespmem:$0x1DC80] =	vst v63  }
0x1dd: {  	_ =	swait.ge [sflag:s0], $0x2800  }
0x1de: {  	[sflag:s0] =	ssyncset.done $0x0  }
0x1df: {  	[sflag:s0] =	ssyncadd.s32 $0xFFFFD800  }
0x1e0: {  	_ =	swait.ge [sflag:s0], $0x80  }
0x1e1: {  	[sflag:s0] =	ssyncset.done $0x0  }
0x1e2: {  	[sflag:s0] =	ssyncadd.s32 $0xFFFFFF80  }
0x1e3: {  	_ =	swait.ge [sflag:s0], $0x80  }
0x1e4: {  	[sflag:s0] =	ssyncset.done $0x0  }
0x1e5: {  	s30 =	simm.s32 $0x0;
	[sflag:s0] =	ssyncadd.s32 $0xFFFFFF80  }
0x1e6: {  	[tilespmem:s31], [sflag:$0x5] =	stream.indirect.gather.add.f32 [hbm:s3], $0x80, s30, s10, $0xb8;
	[tilespmem:$0x1DC80] =	vst v63  }
0x1e7: {  	_ =	swait.ge [sflag:s22], $0x2800  }
0x1e8: {  	[sflag:s22] =	ssyncset.done $0x0  }
0x1e9: {  	s8 =	simm.s32 $0x0;
	[sflag:s22] =	ssyncadd.s32 $0xFFFFD800  }
0x1ea: {  	v3 =	vld [tilespmem:s8+$0x7C00]  }
0x1eb: {  	v5 =	vld [tilespmem:s8+$0x7C10]  }
0x1ec: {  	v4 =	vld [tilespmem:s8+$0x7C20]  }
0x1ed: {  	v2 =	vld [tilespmem:s8+$0x7C30]  }
0x1ee: {  	v1 =	vld [tilespmem:s8+$0x7C40]  }
0x1ef: {  	v6 =	vmax.f32 v3, $0.0e+00;
	v3 =	vld [tilespmem:s8+$0x7C50]  }
0x1f0: {  	s9 =	simm.s32 $0x200;
	[tilespmem:s8+$0x7C00] =	vst v6;
	v6 =	vmax.f32 v5, $0.0e+00;
	v5 =	vld [tilespmem:s8+$0x7C60]  }
.LBB2_19:
0x1f1: {  	s12 =	sshra.s32 s9, $0x2;
	p1 =	sne.s32 s9, $0x9E00;
	[tilespmem:s8+$0x7C10] =	vst v6;
	v4 =	vmax.f32 v4, $0.0e+00;
	v6 =	vld [tilespmem:s8+$0x7C70]  }
0x1f2: {  	v7 =	vld [tilespmem:s12+$0x7C00];
	[tilespmem:s8+$0x7C20] =	vst v4;
	v2 =	vmax.f32 v2, $0.0e+00  }
0x1f3: {  	v8 =	vld [tilespmem:s12+$0x7C10];
	[tilespmem:s8+$0x7C30] =	vst v2;
	v1 =	vmax.f32 v1, $0.0e+00  }
.Ltmp8:
0x1f4: {  	v4 =	vld [tilespmem:s12+$0x7C20];
	[tilespmem:s8+$0x7C40] =	vst v1;
	v1 =	vmax.f32 v3, $0.0e+00;
	(pc) =	sbr.rel @p1 .LBB2_19-.Ltmp8, $4  }
0x1f5: {  	v2 =	vld [tilespmem:s12+$0x7C30];
	[tilespmem:s8+$0x7C50] =	vst v1;
	v3 =	vmax.f32 v5, $0.0e+00  }
0x1f6: {  	v1 =	vld [tilespmem:s12+$0x7C40];
	[tilespmem:s8+$0x7C60] =	vst v3;
	v5 =	vmax.f32 v6, $0.0e+00  }
0x1f7: {  	v6 =	vmax.f32 v7, $0.0e+00;
	v3 =	vld [tilespmem:s12+$0x7C50];
	[tilespmem:s8+$0x7C70] =	vst v5;
	s8 =	smov.u32 s12  }
0x1f8: {  	s9 =	sadd.s32 $0x200, s9;
	[tilespmem:s8+$0x7C00] =	vst v6;
	v6 =	vmax.f32 v8, $0.0e+00;
	v5 =	vld [tilespmem:s8+$0x7C60]  }
0x1f9: {  	[tilespmem:s8+$0x7C10] =	vst v6;
	v4 =	vmax.f32 v4, $0.0e+00;
	v63 =	vld [tilespmem:s8+$0x7C70]  }
0x1fa: {  	s6 =	sadd.s32 $0x1, s6;
	[tilespmem:s8+$0x7C20] =	vst v4;
	v2 =	vmax.f32 v2, $0.0e+00  }
0x1fb: {  	p1 =	sne.s32 s6, $0x1F;
	[tilespmem:s8+$0x7C30] =	vst v2;
	v1 =	vmax.f32 v1, $0.0e+00  }
.Ltmp9:
0x1fc: {  	[tilespmem:s8+$0x7C40] =	vst v1;
	v1 =	vmax.f32 v3, $0.0e+00;
	(pc) =	sbr.rel @p1 .LBB2_12-.Ltmp9, $4  }
0x1fd: {  	[tilespmem:s8+$0x7C50] =	vst v1;
	v1 =	vmax.f32 v5, $0.0e+00  }
0x1fe: {  	[tilespmem:s8+$0x7C60] =	vst v1;
	v1 =	vmax.f32 v63, $0.0e+00  }
0x1ff: {  	[tilespmem:s8+$0x7C70] =	vst v1  }
0x200: {  	[spmem:s5] =	stream.indirect.scatter.add.f32 [tilespmem:s28], [sflag:$0xC], $0x80, s29, s10, $0xb8;
	[tilespmem:$0x1DC80] =	vst v63  }
0x201: {  	_ =	swait.ge [sflag:s24], $0x2800  }
0x202: {  	[sflag:s24] =	ssyncset.done $0x0  }
0x203: {  	s6 =	simm.s32 $0x0;
	[sflag:s24] =	ssyncadd.s32 $0xFFFFD800  }
0x204: {  	v3 =	vld [tilespmem:s6+$0x400]  }
0x205: {  	v5 =	vld [tilespmem:s6+$0x410]  }
0x206: {  	v4 =	vld [tilespmem:s6+$0x420]  }
0x207: {  	v2 =	vld [tilespmem:s6+$0x430]  }
0x208: {  	v1 =	vld [tilespmem:s6+$0x440]  }
0x209: {  	v6 =	vmax.f32 v3, $0.0e+00;
	v3 =	vld [tilespmem:s6+$0x450]  }
0x20a: {  	s8 =	simm.s32 $0x200;
	[tilespmem:s6+$0x400] =	vst v6;
	v6 =	vmax.f32 v5, $0.0e+00;
	v5 =	vld [tilespmem:s6+$0x460]  }
.LBB2_22:
0x20b: {  	s9 =	sshra.s32 s8, $0x2;
	p1 =	sne.s32 s8, $0x9E00;
	[tilespmem:s6+$0x410] =	vst v6;
	v4 =	vmax.f32 v4, $0.0e+00;
	v6 =	vld [tilespmem:s6+$0x470]  }
0x20c: {  	v7 =	vld [tilespmem:s9+$0x400];
	[tilespmem:s6+$0x420] =	vst v4;
	v2 =	vmax.f32 v2, $0.0e+00  }
0x20d: {  	v8 =	vld [tilespmem:s9+$0x410];
	[tilespmem:s6+$0x430] =	vst v2;
	v1 =	vmax.f32 v1, $0.0e+00  }
.Ltmp10:
0x20e: {  	v4 =	vld [tilespmem:s9+$0x420];
	[tilespmem:s6+$0x440] =	vst v1;
	v1 =	vmax.f32 v3, $0.0e+00;
	(pc) =	sbr.rel @p1 .LBB2_22-.Ltmp10, $4  }
0x20f: {  	v2 =	vld [tilespmem:s9+$0x430];
	[tilespmem:s6+$0x450] =	vst v1;
	v3 =	vmax.f32 v5, $0.0e+00  }
0x210: {  	v1 =	vld [tilespmem:s9+$0x440];
	[tilespmem:s6+$0x460] =	vst v3;
	v5 =	vmax.f32 v6, $0.0e+00  }
0x211: {  	v6 =	vmax.f32 v7, $0.0e+00;
	v3 =	vld [tilespmem:s9+$0x450];
	[tilespmem:s6+$0x470] =	vst v5;
	s6 =	smov.u32 s9  }
0x212: {  	s8 =	sadd.s32 $0x200, s8;
	[tilespmem:s6+$0x400] =	vst v6;
	v6 =	vmax.f32 v8, $0.0e+00;
	v5 =	vld [tilespmem:s6+$0x460]  }
0x213: {  	[tilespmem:s6+$0x410] =	vst v6;
	v4 =	vmax.f32 v4, $0.0e+00;
	v63 =	vld [tilespmem:s6+$0x470]  }
0x214: {  	[tilespmem:s6+$0x420] =	vst v4;
	v2 =	vmax.f32 v2, $0.0e+00  }
0x215: {  	[tilespmem:s6+$0x430] =	vst v2;
	v1 =	vmax.f32 v1, $0.0e+00  }
0x216: {  	[tilespmem:s6+$0x440] =	vst v1;
	v1 =	vmax.f32 v3, $0.0e+00  }
0x217: {  	[tilespmem:s6+$0x450] =	vst v1;
	v1 =	vmax.f32 v5, $0.0e+00  }
0x218: {  	[tilespmem:s6+$0x460] =	vst v1;
	v1 =	vmax.f32 v63, $0.0e+00  }
0x219: {  	[tilespmem:s6+$0x470] =	vst v1  }
0x21a: {  	[spmem:s5] =	stream.indirect.scatter.add.f32 [tilespmem:s31], [sflag:$0x9], $0x80, s4, s10, $0xb8;
	[tilespmem:$0x1DC80] =	vst v63  }
0x21b: {  	_ =	swait.ge [sflag:s18], $0x2800  }
0x21c: {  	[sflag:s18] =	ssyncset.done $0x0  }
0x21d: {  	s12 =	simm.s32 $0xA;
	[sflag:s18] =	ssyncadd.s32 $0xFFFFD800  }
0x21e: {  	_ =	swait.ge [sflag:s12], $0x2800  }
0x21f: {  	[sflag:s12] =	ssyncset.done $0x0  }
0x220: {  	[sflag:s12] =	ssyncadd.s32 $0xFFFFD800  }
0x221: {  	_ =	swait.ge [sflag:s23], $0x2800  }
0x222: {  	[sflag:s23] =	ssyncset.done $0x0  }
0x223: {  	[sflag:s23] =	ssyncadd.s32 $0xFFFFD800  }
0x224: {  	_ =	swait.ge [sflag:s21], $0x2800  }
0x225: {  	[sflag:s21] =	ssyncset.done $0x0  }
0x226: {  	[sflag:s21] =	ssyncadd.s32 $0xFFFFD800  }
0x227: {  	s13 =	stileid.u32;
	[bflag:$0x0] =	sbarrier.arrive $0xFFFF  }
0x228: {  	s6 =	sshll.u32 s13, $0x6;
	s12 =	rddreg [dreg:$0xf]  }
0x229: {  	s6 =	sor.u32 $0x1C02, s6;
	s9 =	rddreg [dreg:$0x7];
	s8 =	sshrl.u32 s12, $0x3  }
0x22a: {  	[hbm:s9], [sflag:s6] =	dma.local [spmem:s8], $0x500  }
0x22b: {  	s13 =	rddreg [dreg:$0x10]  }
0x22c: {  	s9 =	rddreg [dreg:$0x8];
	s29 =	sshrl.u32 s13, $0x3  }
0x22d: {  	[hbm:s9], [sflag:s6] =	dma.local [spmem:s29], $0x500  }
0x22e: {  	s8 =	rddreg [dreg:$0x11]  }
0x22f: {  	s9 =	rddreg [dreg:$0x9];
	s8 =	sshrl.u32 s8, $0x3  }
0x230: {  	[hbm:s9], [sflag:s6] =	dma.local [spmem:s8], $0x500  }
0x231: {  	s8 =	rddreg [dreg:$0x12]  }
0x232: {  	s9 =	rddreg [dreg:$0xa];
	s8 =	sshrl.u32 s8, $0x3  }
0x233: {  	[hbm:s9], [sflag:s6] =	dma.local [spmem:s8], $0x500  }
0x234: {  	s8 =	rddreg [dreg:$0x13]  }
0x235: {  	s9 =	rddreg [dreg:$0xb];
	s8 =	sshrl.u32 s8, $0x3  }
0x236: {  	[hbm:s9], [sflag:s6] =	dma.local [spmem:s8], $0x500  }
0x237: {  	s8 =	rddreg [dreg:$0x14]  }
0x238: {  	s9 =	rddreg [dreg:$0xc];
	s8 =	sshrl.u32 s8, $0x3  }
0x239: {  	[hbm:s9], [sflag:s6] =	dma.local [spmem:s8], $0x500  }
0x23a: {  	s8 =	rddreg [dreg:$0x15]  }
0x23b: {  	s9 =	rddreg [dreg:$0xd];
	s8 =	sshrl.u32 s8, $0x3  }
0x23c: {  	[hbm:s9], [sflag:s6] =	dma.local [spmem:s8], $0x500  }
0x23d: {  	s8 =	rddreg [dreg:$0x16]  }
0x23e: {  	s9 =	rddreg [dreg:$0xe];
	s8 =	sshrl.u32 @!p0 s8, $0x3  }
0x23f: {  	[hbm:s9], [sflag:s6] =	dma.local @!p0 [spmem:s8], $0x500  }
0x240: {  	_ =	swait.ge [sflag:s14], $0x500  }
0x241: {  	[sflag:s14] =	ssyncset.done $0x0  }
0x242: {  	[sflag:s14] =	ssyncadd.s32 $0xFFFFFB00  }
0x243: {  	_ =	swait.ge [sflag:s14], $0x500  }
0x244: {  	[sflag:s14] =	ssyncset.done $0x0  }
0x245: {  	[sflag:s14] =	ssyncadd.s32 $0xFFFFFB00  }
0x246: {  	_ =	swait.ge [sflag:s14], $0x500  }
0x247: {  	[sflag:s14] =	ssyncset.done $0x0  }
0x248: {  	[sflag:s14] =	ssyncadd.s32 $0xFFFFFB00  }
0x249: {  	_ =	swait.ge [sflag:s14], $0x500  }
0x24a: {  	[sflag:s14] =	ssyncset.done $0x0  }
0x24b: {  	[sflag:s14] =	ssyncadd.s32 $0xFFFFFB00  }
0x24c: {  	_ =	swait.ge [sflag:s14], $0x500  }
0x24d: {  	[sflag:s14] =	ssyncset.done $0x0  }
0x24e: {  	[sflag:s14] =	ssyncadd.s32 $0xFFFFFB00  }
0x24f: {  	_ =	swait.ge [sflag:s14], $0x500  }
0x250: {  	[sflag:s14] =	ssyncset.done $0x0  }
0x251: {  	[sflag:s14] =	ssyncadd.s32 $0xFFFFFB00  }
0x252: {  	_ =	swait.ge [sflag:s14], $0x500  }
0x253: {  	[sflag:s14] =	ssyncset.done $0x0  }
0x254: {  	s6 =	simm.s32 @!p0 $0x2;
	[sflag:s14] =	ssyncadd.s32 $0xFFFFFB00  }
0x255: {  	_ =	swait.ge @!p0 [sflag:s6], $0x500  }
0x256: {  	s29 =	sld [smem:$0x7FD]  }
0x257: {  	s9 =	rddreg [dreg:$0x6]  }
0x258: {  	s8 =	sadd.s32 $0x1, s9  }
0x259: {  	p1 =	sne.s32 s8, s29  }
.Ltmp11:
0x25a: {  	_ = 	snop;
	(pc) =	sbr.rel @p1 .LBB2_1-.Ltmp11, $3  }
0x25b: {  	_ =	sdelay $0x1  }
0x25c: {  	[sflag:s6] =	ssyncset.done @!p0 $0x0  }
0x25d: {  	s30 =	simm.s32 $0x300;
	[sflag:s6] =	ssyncadd.s32 @!p0 $0xFFFFFB00;
	[dreg:$0x6] =	wrdreg s8  }
0x25e: {  	_ =	sfence.sel $0x180000  }
0x25f: {  	[bflag:$0x0] =	sbarrier.arrive $0xFFFF  }
0x260: {  	_ =	strace $0x90000047  }
0x261: {  	s0 =	stileid.u32;
	[bflag:$0x2] =	sbarrier.arrive $0xFFFF  }
0x262: {  	p0 =	sne.s32 s0, $0x0;
	s0 =	rddreg [dreg:$0x5]  }
0x263: {  	s0 =	sadd.s32 @!p0 $0x100000, s0  }
0x264: {  	[sflag:s0] =	ssyncadd.tile.s32 @!p0 $0x1;
	_ =	shalt  }
.Lfunc_end2:
_tile_overlayer_lowered:
.L_overlay_start_2:
0x265: {  	(tag) =	ssettag $0x2  }
0x266: {  	s0 =	rddreg [dreg:$0x0];
	s2 =	stileid.u32  }
0x267: {  	s1 =	rddreg [dreg:$0x1];
	p0 =	sne.s32 s2, $0x0  }
0x268: {  	s3 =	rddreg [dreg:$0x2];
	[bflag:$0x3] =	sbarrier.arrive $0xFFFF;
	s2 =	simm.s32 @!p0 $0x1C0D  }
0x269: {  	[timem:s3], [sflag:s2] =	dma.local @!p0 [hbm:s0], s1  }
0x26a: {  	s0 =	simm.s32 @!p0 $0xD  }
0x26b: {  	_ =	swait.ge @!p0 [sflag:s0], s1  }
0x26c: {  	s1 =	ssub.s32 @!p0 $0x0, s1;
	[sflag:s0] =	ssyncset.done @!p0 $0x0  }
0x26d: {  	[sflag:s0] =	ssyncadd.s32 @!p0 s1  }
0x26e: {  	[bflag:$0x3] =	sbarrier.arrive $0xFFFF  }
0x26f: {  	_ =	shalt  }

</sc_bundles>
